<compile_context>
chip_gen: v7x
topology: tpu7x:2x2x1
jax: 0.10.2.dev20260603
libtpu: 0.0.44.dev20260713+nightly
codegen_flags: <defaults>
</compile_context>

<pallas_src>
import functools

import jax
import jax.numpy as jnp
from jax import lax
from jax.experimental import pallas as pl
from jax.experimental.pallas import tpu as pltpu
from jax.experimental.pallas import tpu_sc as plsc

_A = 256
_S = 32768
_M = 501 * 501 * 2 * 2
_SROW = 256
_BLK = 256

_HALF0 = 502016
_MPAD = 2 * _HALF0
_DUMP = 502016
_SBUF = 502032
_TSLICE = 31376
_ZCH = 7840
_NCH = 16


def _field_body(idx_ref, st_ref, out_ref):
    idx = idx_ref[...]
    i0 = idx // 2004
    rem = idx - i0 * 2004
    i1 = rem // 4
    r4 = rem - i1 * 4
    i2 = r4 // 2
    i3 = r4 - i2 * 2
    xs = i0.astype(jnp.float32) - 250.0
    ys = i1.astype(jnp.float32) - 250.0
    msp = i2 > 0
    mts = i3 > 0
    tq = i3.astype(jnp.float32)

    def one_state(i, acc_q, acc_p):
        xi = st_ref[i, 0]
        yi = st_ref[i, 1]
        ci = st_ref[i, 2]
        dx = xs - xi
        dy = ys - yi
        d2 = dx * dx + dy * dy
        acc_q = acc_q + ci / (jnp.sqrt(d2) + 1.0)
        thr2 = jnp.where(
            msp,
            jnp.where(mts, st_ref[i, 6], st_ref[i, 5]),
            jnp.where(mts, st_ref[i, 4], st_ref[i, 3]),
        )
        acc_p = acc_p + jnp.where(d2 < thr2, 1e6, 0.0)
        return acc_q, acc_p

    def body(i, carry):
        acc_q, acc_p = carry
        acc_q, acc_p = one_state(2 * i, acc_q, acc_p)
        acc_q, acc_p = one_state(2 * i + 1, acc_q, acc_p)
        return acc_q, acc_p

    z = jnp.zeros_like(xs)
    acc_q, acc_p = lax.fori_loop(0, _A // 2, body, (z, z))
    out_ref[...] = acc_p + tq * acc_q


def _compute_field(idx2d, states):
    xi = states[:, 0]
    yi = states[:, 1]
    si = states[:, 2]
    ti = states[:, 3]
    ci = ti + 0.5
    cols = [xi, yi, ci]
    for a in (-0.5, 0.5):
        for b in (-0.5, 0.5):
            thr = 1e-3 - jnp.abs(si - a) - jnp.abs(ti - b)
            cols.append(jnp.where(thr > 0, thr * thr - 1e-12, -1.0))
    t2max = jnp.maximum(jnp.maximum(cols[3], cols[4]),
                        jnp.maximum(cols[5], cols[6]))
    staug = jnp.stack(cols + [t2max], axis=1)
    return pl.pallas_call(
        _field_body,
        grid=(_SROW // _BLK,),
        in_specs=[
            pl.BlockSpec((_BLK, 128), lambda i: (i, 0)),
            pl.BlockSpec(memory_space=pltpu.SMEM),
        ],
        out_specs=pl.BlockSpec((_BLK, 128), lambda i: (i, 0)),
        out_shape=jax.ShapeDtypeStruct((_SROW, 128), jnp.float32),
    )(idx2d, staug)


def _sc_scatter(field2d, idx2d):
    mesh = plsc.VectorSubcoreMesh(core_axis_name="c", subcore_axis_name="s")

    @functools.partial(
        pl.kernel,
        mesh=mesh,
        out_type=jax.ShapeDtypeStruct((_MPAD,), jnp.float32),
        scratch_types=(
            [pltpu.VMEM((128,), jnp.int32) for _ in range(_NCH)]
            + [pltpu.VMEM((128,), jnp.float32) for _ in range(_NCH)]
            + [pltpu.VMEM((128,), jnp.int32) for _ in range(_NCH)]
            + [pltpu.VMEM((_ZCH,), jnp.float32)]
            + [pltpu.VMEM_SHARED((_SBUF,), jnp.float32)]
            + [pltpu.SemaphoreType.DMA]
        ),
        compiler_params=pltpu.CompilerParams(needs_layout_passes=False),
    )
    def k(field_hbm, idx_hbm, out_hbm, *scratch):
        idx_refs = scratch[:_NCH]
        val_refs = scratch[_NCH:2 * _NCH]
        rout_refs = scratch[2 * _NCH:3 * _NCH]
        zbuf = scratch[3 * _NCH]
        shared = scratch[3 * _NCH + 1]
        sem = scratch[3 * _NCH + 2]
        c = lax.axis_index("c")
        s = lax.axis_index("s")
        scbase = c * _HALF0

        row0 = s * _NCH
        copies = [
            pltpu.async_copy(idx_hbm.at[row0 + j], idx_refs[j], sem)
            for j in range(_NCH)
        ]
        copies += [
            pltpu.async_copy(field_hbm.at[row0 + j], val_refs[j], sem)
            for j in range(_NCH)
        ]

        def zfill(i, carry):
            zbuf[pl.ds(i * 16, 16)] = jnp.zeros((16,), jnp.float32)
            return carry

        lax.fori_loop(0, _ZCH // 16, zfill, 0)
        sl0 = s * _TSLICE
        for t in range(4):
            pltpu.sync_copy(zbuf, shared.at[pl.ds(sl0 + t * _ZCH, _ZCH)])
        pltpu.sync_copy(
            zbuf.at[pl.ds(0, _TSLICE - 4 * _ZCH)],
            shared.at[pl.ds(sl0 + 4 * _ZCH, _TSLICE - 4 * _ZCH)],
        )

        for cp in copies:
            cp.wait()

        for j in range(_NCH):
            for g in range(8):
                iv = idx_refs[j][pl.ds(g * 16, 16)]
                rel = iv - scbase
                ok = (rel >= 0) & (rel < _HALF0)
                rout_refs[j][pl.ds(g * 16, 16)] = jnp.where(ok, rel, _DUMP)

        plsc.subcore_barrier()

        scats = [
            pltpu.async_copy(val_refs[j], shared.at[rout_refs[j]], sem)
            for j in range(_NCH)
        ]
        for cp in scats:
            cp.wait()

        plsc.subcore_barrier()
        lax.fori_loop(0, _ZCH // 16, zfill, 0)

        obase = scbase + sl0
        for t in range(4):
            pltpu.sync_copy(shared.at[pl.ds(sl0 + t * _ZCH, _ZCH)], zbuf)
            pltpu.sync_copy(zbuf, out_hbm.at[pl.ds(obase + t * _ZCH, _ZCH)])
        tail = _TSLICE - 4 * _ZCH
        pltpu.sync_copy(
            shared.at[pl.ds(sl0 + 4 * _ZCH, tail)], zbuf.at[pl.ds(0, tail)]
        )
        pltpu.sync_copy(
            zbuf.at[pl.ds(0, tail)], out_hbm.at[pl.ds(obase + 4 * _ZCH, tail)]
        )

    return k(field2d, idx2d)


def kernel(states, site_flat_idx):
    idx2d = site_flat_idx.reshape(_SROW, 128)
    field2d = _compute_field(idx2d, states)
    return _sc_scatter(field2d, idx2d)[:_M]

# --- scband reference (transcript-rebuilt; emitter-appended) ---
"""Pipeline reference for scband-nuclear-lattice-47665547051181 (READ-ONLY COPY).

The authoritative reference and input builder live on the scoring server;
editing this copy changes nothing except your own understanding.
"""

import jax, jax.numpy as jnp
import numpy as np

STATE_SPACE_DIM = 2
LATTICE_WIDTH = 500
GRID_SHAPE = (501, 501, 2, 2)
M = 501 * 501 * 2 * 2
A = 256
S = 32768
LOWER = jnp.array([-250.0, -250.0, -0.5, -0.5], dtype=jnp.float32)


def _interaction(r_i, spin_i, iso_i, r_s, spin_s, iso_s):
    # Pairwise interaction f(state_i, site_s) incl. Pauli blocking, per torch module.
    # r_i: [A, 2], r_s: [S, 2]
    diff = r_i[None, :, :] - r_s[:, None, :]
    dist = jnp.sqrt(jnp.sum(diff * diff, axis=-1) + 1e-12)  # [S, A]
    state_dist = dist + jnp.abs(spin_i[None, :] - spin_s[:, None]) + jnp.abs(iso_i[None, :] - iso_s[:, None])
    pauli = jnp.where(state_dist < 1e-3, 1e6, 0.0)
    q = (iso_i[None, :] + 0.5) * (iso_s[:, None] + 0.5)
    return pauli + q / (dist + 1.0)


def setup_inputs(seed: int = 0):
    key = jax.random.key(seed)
    k1, k2 = jax.random.split(key)
    states = jax.random.normal(k1, (A, STATE_SPACE_DIM + 2), dtype=jnp.float32)
    site_flat_idx = jax.random.randint(k2, (S,), 0, M, dtype=jnp.int32)
    return {"states": states, "site_flat_idx": site_flat_idx}


def reference(states, site_flat_idx):
    # Batched version of get_mean_field_at / _calc_field_at + set_mean_field_at:
    # gather site coordinates from flat grid indices, compute field as sum over
    # nucleon states of f_interaction, scatter-write results into the mean_field grid.
    multi = jnp.stack(jnp.unravel_index(site_flat_idx, GRID_SHAPE), axis=-1).astype(jnp.float32)  # [S, 4]
    sites = multi + LOWER[None, :]
    r_i = states[:, :STATE_SPACE_DIM]
    spin_i = states[:, -2]
    iso_i = states[:, -1]
    r_s = sites[:, :STATE_SPACE_DIM]
    spin_s = sites[:, -2]
    iso_s = sites[:, -1]
    f = _interaction(r_i, spin_i, iso_i, r_s, spin_s, iso_s)  # [S, A]
    field = jnp.sum(f, axis=1)  # [S]
    mean_field = jnp.zeros((M,), dtype=jnp.float32).at[site_flat_idx].set(field)
    return mean_field

if __name__ == "__main__":
    import jax
    _d = setup_inputs()
    print(jax.jit(kernel)(*tuple(_d.values())))

</pallas_src>

<mosaic_0001>
#map = affine_map<(d0, d1) -> (0, 0)>
#map1 = affine_map<(d0, d1) -> (0)>
module attributes {stable_mosaic.version = 14 : i64} {
  func.func @k(%arg0: i32, %arg1: i32, %arg2: memref<256x128xf32, #tpu.memory_space<hbm>>, %arg3: memref<256x128xi32, #tpu.memory_space<hbm>>, %arg4: memref<1004032xf32, #tpu.memory_space<hbm>>, %arg5: memref<128xi32, #tpu.memory_space<vmem>>, %arg6: memref<128xi32, #tpu.memory_space<vmem>>, %arg7: memref<128xi32, #tpu.memory_space<vmem>>, %arg8: memref<128xi32, #tpu.memory_space<vmem>>, %arg9: memref<128xi32, #tpu.memory_space<vmem>>, %arg10: memref<128xi32, #tpu.memory_space<vmem>>, %arg11: memref<128xi32, #tpu.memory_space<vmem>>, %arg12: memref<128xi32, #tpu.memory_space<vmem>>, %arg13: memref<128xi32, #tpu.memory_space<vmem>>, %arg14: memref<128xi32, #tpu.memory_space<vmem>>, %arg15: memref<128xi32, #tpu.memory_space<vmem>>, %arg16: memref<128xi32, #tpu.memory_space<vmem>>, %arg17: memref<128xi32, #tpu.memory_space<vmem>>, %arg18: memref<128xi32, #tpu.memory_space<vmem>>, %arg19: memref<128xi32, #tpu.memory_space<vmem>>, %arg20: memref<128xi32, #tpu.memory_space<vmem>>, %arg21: memref<128xf32, #tpu.memory_space<vmem>>, %arg22: memref<128xf32, #tpu.memory_space<vmem>>, %arg23: memref<128xf32, #tpu.memory_space<vmem>>, %arg24: memref<128xf32, #tpu.memory_space<vmem>>, %arg25: memref<128xf32, #tpu.memory_space<vmem>>, %arg26: memref<128xf32, #tpu.memory_space<vmem>>, %arg27: memref<128xf32, #tpu.memory_space<vmem>>, %arg28: memref<128xf32, #tpu.memory_space<vmem>>, %arg29: memref<128xf32, #tpu.memory_space<vmem>>, %arg30: memref<128xf32, #tpu.memory_space<vmem>>, %arg31: memref<128xf32, #tpu.memory_space<vmem>>, %arg32: memref<128xf32, #tpu.memory_space<vmem>>, %arg33: memref<128xf32, #tpu.memory_space<vmem>>, %arg34: memref<128xf32, #tpu.memory_space<vmem>>, %arg35: memref<128xf32, #tpu.memory_space<vmem>>, %arg36: memref<128xf32, #tpu.memory_space<vmem>>, %arg37: memref<128xi32, #tpu.memory_space<vmem>>, %arg38: memref<128xi32, #tpu.memory_space<vmem>>, %arg39: memref<128xi32, #tpu.memory_space<vmem>>, %arg40: memref<128xi32, #tpu.memory_space<vmem>>, %arg41: memref<128xi32, #tpu.memory_space<vmem>>, %arg42: memref<128xi32, #tpu.memory_space<vmem>>, %arg43: memref<128xi32, #tpu.memory_space<vmem>>, %arg44: memref<128xi32, #tpu.memory_space<vmem>>, %arg45: memref<128xi32, #tpu.memory_space<vmem>>, %arg46: memref<128xi32, #tpu.memory_space<vmem>>, %arg47: memref<128xi32, #tpu.memory_space<vmem>>, %arg48: memref<128xi32, #tpu.memory_space<vmem>>, %arg49: memref<128xi32, #tpu.memory_space<vmem>>, %arg50: memref<128xi32, #tpu.memory_space<vmem>>, %arg51: memref<128xi32, #tpu.memory_space<vmem>>, %arg52: memref<128xi32, #tpu.memory_space<vmem>>, %arg53: memref<7840xf32, #tpu.memory_space<vmem>>, %arg54: memref<502032xf32, #tpu.memory_space<vmem_shared>>, %arg55: memref<!tpu.dma_semaphore, #tpu.memory_space<semaphore_mem>>) attributes {dimension_semantics = [#tpu.dimension_semantics<core_parallel>, #tpu.dimension_semantics<subcore_parallel>], iteration_bounds = array<i64: 2, 16>, scalar_prefetch = 0 : i64, scratch_operands = 51 : i64, tpu.core_type = #tpu.core_type<sc_vector_subcore>, window_params = [{transform_indices = #map}, {transform_indices = #map}, {transform_indices = #map1}]} {
    %mul3A = arith.constant 502016 : i32
    %mul3A_0 = arith.muli %arg0, %mul3A : i32
    %mul3A_1 = arith.constant 16 : i32
    %mul3A_2 = arith.muli %arg1, %mul3A_1 : i32
    %add3A = arith.constant 0 : i32
    %add3A_3 = arith.addi %mul3A_2, %add3A : i32
    %dma_start3A = arith.constant 0 : i32
    %dma_start3A_4 = tpu.memref_slice %arg3[%add3A_3, %dma_start3A] : memref<256x128xi32, #tpu.memory_space<hbm>> -> memref<1x128xi32, #tpu.memory_space<hbm>>
    %dma_start3A_5 = tpu.memref_squeeze %dma_start3A_4 : memref<1x128xi32, #tpu.memory_space<hbm>> -> memref<128xi32, #tpu.memory_space<hbm>>
    %dma_start3A_6 = arith.constant 0 : i32
    %dma_start3A_7 = tpu.memref_slice %arg3[%add3A_3, %dma_start3A_6] : memref<256x128xi32, #tpu.memory_space<hbm>> -> memref<1x128xi32, #tpu.memory_space<hbm>>
    %dma_start3A_8 = tpu.memref_squeeze %dma_start3A_7 : memref<1x128xi32, #tpu.memory_space<hbm>> -> memref<128xi32, #tpu.memory_space<hbm>>
    tpu.enqueue_dma source(%dma_start3A_8 : memref<128xi32, #tpu.memory_space<hbm>>) target(%arg5 : memref<128xi32, #tpu.memory_space<vmem>>) target_semaphore(%arg55 : memref<!tpu.dma_semaphore, #tpu.memory_space<semaphore_mem>>)
    %add3A_9 = arith.constant 1 : i32
    %add3A_10 = arith.addi %mul3A_2, %add3A_9 : i32
    %dma_start3A_11 = arith.constant 0 : i32
    %dma_start3A_12 = tpu.memref_slice %arg3[%add3A_10, %dma_start3A_11] : memref<256x128xi32, #tpu.memory_space<hbm>> -> memref<1x128xi32, #tpu.memory_space<hbm>>
    %dma_start3A_13 = tpu.memref_squeeze %dma_start3A_12 : memref<1x128xi32, #tpu.memory_space<hbm>> -> memref<128xi32, #tpu.memory_space<hbm>>
    %dma_start3A_14 = arith.constant 0 : i32
    %dma_start3A_15 = tpu.memref_slice %arg3[%add3A_10, %dma_start3A_14] : memref<256x128xi32, #tpu.memory_space<hbm>> -> memref<1x128xi32, #tpu.memory_space<hbm>>
    %dma_start3A_16 = tpu.memref_squeeze %dma_start3A_15 : memref<1x128xi32, #tpu.memory_space<hbm>> -> memref<128xi32, #tpu.memory_space<hbm>>
    tpu.enqueue_dma source(%dma_start3A_16 : memref<128xi32, #tpu.memory_space<hbm>>) target(%arg6 : memref<128xi32, #tpu.memory_space<vmem>>) target_semaphore(%arg55 : memref<!tpu.dma_semaphore, #tpu.memory_space<semaphore_mem>>)
    %add3A_17 = arith.constant 2 : i32
    %add3A_18 = arith.addi %mul3A_2, %add3A_17 : i32
    %dma_start3A_19 = arith.constant 0 : i32
    %dma_start3A_20 = tpu.memref_slice %arg3[%add3A_18, %dma_start3A_19] : memref<256x128xi32, #tpu.memory_space<hbm>> -> memref<1x128xi32, #tpu.memory_space<hbm>>
    %dma_start3A_21 = tpu.memref_squeeze %dma_start3A_20 : memref<1x128xi32, #tpu.memory_space<hbm>> -> memref<128xi32, #tpu.memory_space<hbm>>
    %dma_start3A_22 = arith.constant 0 : i32
    %dma_start3A_23 = tpu.memref_slice %arg3[%add3A_18, %dma_start3A_22] : memref<256x128xi32, #tpu.memory_space<hbm>> -> memref<1x128xi32, #tpu.memory_space<hbm>>
    %dma_start3A_24 = tpu.memref_squeeze %dma_start3A_23 : memref<1x128xi32, #tpu.memory_space<hbm>> -> memref<128xi32, #tpu.memory_space<hbm>>
    tpu.enqueue_dma source(%dma_start3A_24 : memref<128xi32, #tpu.memory_space<hbm>>) target(%arg7 : memref<128xi32, #tpu.memory_space<vmem>>) target_semaphore(%arg55 : memref<!tpu.dma_semaphore, #tpu.memory_space<semaphore_mem>>)
    %add3A_25 = arith.constant 3 : i32
    %add3A_26 = arith.addi %mul3A_2, %add3A_25 : i32
    %dma_start3A_27 = arith.constant 0 : i32
    %dma_start3A_28 = tpu.memref_slice %arg3[%add3A_26, %dma_start3A_27] : memref<256x128xi32, #tpu.memory_space<hbm>> -> memref<1x128xi32, #tpu.memory_space<hbm>>
    %dma_start3A_29 = tpu.memref_squeeze %dma_start3A_28 : memref<1x128xi32, #tpu.memory_space<hbm>> -> memref<128xi32, #tpu.memory_space<hbm>>
    %dma_start3A_30 = arith.constant 0 : i32
    %dma_start3A_31 = tpu.memref_slice %arg3[%add3A_26, %dma_start3A_30] : memref<256x128xi32, #tpu.memory_space<hbm>> -> memref<1x128xi32, #tpu.memory_space<hbm>>
    %dma_start3A_32 = tpu.memref_squeeze %dma_start3A_31 : memref<1x128xi32, #tpu.memory_space<hbm>> -> memref<128xi32, #tpu.memory_space<hbm>>
    tpu.enqueue_dma source(%dma_start3A_32 : memref<128xi32, #tpu.memory_space<hbm>>) target(%arg8 : memref<128xi32, #tpu.memory_space<vmem>>) target_semaphore(%arg55 : memref<!tpu.dma_semaphore, #tpu.memory_space<semaphore_mem>>)
    %add3A_33 = arith.constant 4 : i32
    %add3A_34 = arith.addi %mul3A_2, %add3A_33 : i32
    %dma_start3A_35 = arith.constant 0 : i32
    %dma_start3A_36 = tpu.memref_slice %arg3[%add3A_34, %dma_start3A_35] : memref<256x128xi32, #tpu.memory_space<hbm>> -> memref<1x128xi32, #tpu.memory_space<hbm>>
    %dma_start3A_37 = tpu.memref_squeeze %dma_start3A_36 : memref<1x128xi32, #tpu.memory_space<hbm>> -> memref<128xi32, #tpu.memory_space<hbm>>
    %dma_start3A_38 = arith.constant 0 : i32
    %dma_start3A_39 = tpu.memref_slice %arg3[%add3A_34, %dma_start3A_38] : memref<256x128xi32, #tpu.memory_space<hbm>> -> memref<1x128xi32, #tpu.memory_space<hbm>>
    %dma_start3A_40 = tpu.memref_squeeze %dma_start3A_39 : memref<1x128xi32, #tpu.memory_space<hbm>> -> memref<128xi32, #tpu.memory_space<hbm>>
    tpu.enqueue_dma source(%dma_start3A_40 : memref<128xi32, #tpu.memory_space<hbm>>) target(%arg9 : memref<128xi32, #tpu.memory_space<vmem>>) target_semaphore(%arg55 : memref<!tpu.dma_semaphore, #tpu.memory_space<semaphore_mem>>)
    %add3A_41 = arith.constant 5 : i32
    %add3A_42 = arith.addi %mul3A_2, %add3A_41 : i32
    %dma_start3A_43 = arith.constant 0 : i32
    %dma_start3A_44 = tpu.memref_slice %arg3[%add3A_42, %dma_start3A_43] : memref<256x128xi32, #tpu.memory_space<hbm>> -> memref<1x128xi32, #tpu.memory_space<hbm>>
    %dma_start3A_45 = tpu.memref_squeeze %dma_start3A_44 : memref<1x128xi32, #tpu.memory_space<hbm>> -> memref<128xi32, #tpu.memory_space<hbm>>
    %dma_start3A_46 = arith.constant 0 : i32
    %dma_start3A_47 = tpu.memref_slice %arg3[%add3A_42, %dma_start3A_46] : memref<256x128xi32, #tpu.memory_space<hbm>> -> memref<1x128xi32, #tpu.memory_space<hbm>>
    %dma_start3A_48 = tpu.memref_squeeze %dma_start3A_47 : memref<1x128xi32, #tpu.memory_space<hbm>> -> memref<128xi32, #tpu.memory_space<hbm>>
    tpu.enqueue_dma source(%dma_start3A_48 : memref<128xi32, #tpu.memory_space<hbm>>) target(%arg10 : memref<128xi32, #tpu.memory_space<vmem>>) target_semaphore(%arg55 : memref<!tpu.dma_semaphore, #tpu.memory_space<semaphore_mem>>)
    %add3A_49 = arith.constant 6 : i32
    %add3A_50 = arith.addi %mul3A_2, %add3A_49 : i32
    %dma_start3A_51 = arith.constant 0 : i32
    %dma_start3A_52 = tpu.memref_slice %arg3[%add3A_50, %dma_start3A_51] : memref<256x128xi32, #tpu.memory_space<hbm>> -> memref<1x128xi32, #tpu.memory_space<hbm>>
    %dma_start3A_53 = tpu.memref_squeeze %dma_start3A_52 : memref<1x128xi32, #tpu.memory_space<hbm>> -> memref<128xi32, #tpu.memory_space<hbm>>
    %dma_start3A_54 = arith.constant 0 : i32
    %dma_start3A_55 = tpu.memref_slice %arg3[%add3A_50, %dma_start3A_54] : memref<256x128xi32, #tpu.memory_space<hbm>> -> memref<1x128xi32, #tpu.memory_space<hbm>>
    %dma_start3A_56 = tpu.memref_squeeze %dma_start3A_55 : memref<1x128xi32, #tpu.memory_space<hbm>> -> memref<128xi32, #tpu.memory_space<hbm>>
    tpu.enqueue_dma source(%dma_start3A_56 : memref<128xi32, #tpu.memory_space<hbm>>) target(%arg11 : memref<128xi32, #tpu.memory_space<vmem>>) target_semaphore(%arg55 : memref<!tpu.dma_semaphore, #tpu.memory_space<semaphore_mem>>)
    %add3A_57 = arith.constant 7 : i32
    %add3A_58 = arith.addi %mul3A_2, %add3A_57 : i32
    %dma_start3A_59 = arith.constant 0 : i32
    %dma_start3A_60 = tpu.memref_slice %arg3[%add3A_58, %dma_start3A_59] : memref<256x128xi32, #tpu.memory_space<hbm>> -> memref<1x128xi32, #tpu.memory_space<hbm>>
    %dma_start3A_61 = tpu.memref_squeeze %dma_start3A_60 : memref<1x128xi32, #tpu.memory_space<hbm>> -> memref<128xi32, #tpu.memory_space<hbm>>
    %dma_start3A_62 = arith.constant 0 : i32
    %dma_start3A_63 = tpu.memref_slice %arg3[%add3A_58, %dma_start3A_62] : memref<256x128xi32, #tpu.memory_space<hbm>> -> memref<1x128xi32, #tpu.memory_space<hbm>>
    %dma_start3A_64 = tpu.memref_squeeze %dma_start3A_63 : memref<1x128xi32, #tpu.memory_space<hbm>> -> memref<128xi32, #tpu.memory_space<hbm>>
    tpu.enqueue_dma source(%dma_start3A_64 : memref<128xi32, #tpu.memory_space<hbm>>) target(%arg12 : memref<128xi32, #tpu.memory_space<vmem>>) target_semaphore(%arg55 : memref<!tpu.dma_semaphore, #tpu.memory_space<semaphore_mem>>)
    %add3A_65 = arith.constant 8 : i32
    %add3A_66 = arith.addi %mul3A_2, %add3A_65 : i32
    %dma_start3A_67 = arith.constant 0 : i32
    %dma_start3A_68 = tpu.memref_slice %arg3[%add3A_66, %dma_start3A_67] : memref<256x128xi32, #tpu.memory_space<hbm>> -> memref<1x128xi32, #tpu.memory_space<hbm>>
    %dma_start3A_69 = tpu.memref_squeeze %dma_start3A_68 : memref<1x128xi32, #tpu.memory_space<hbm>> -> memref<128xi32, #tpu.memory_space<hbm>>
    %dma_start3A_70 = arith.constant 0 : i32
    %dma_start3A_71 = tpu.memref_slice %arg3[%add3A_66, %dma_start3A_70] : memref<256x128xi32, #tpu.memory_space<hbm>> -> memref<1x128xi32, #tpu.memory_space<hbm>>
    %dma_start3A_72 = tpu.memref_squeeze %dma_start3A_71 : memref<1x128xi32, #tpu.memory_space<hbm>> -> memref<128xi32, #tpu.memory_space<hbm>>
    tpu.enqueue_dma source(%dma_start3A_72 : memref<128xi32, #tpu.memory_space<hbm>>) target(%arg13 : memref<128xi32, #tpu.memory_space<vmem>>) target_semaphore(%arg55 : memref<!tpu.dma_semaphore, #tpu.memory_space<semaphore_mem>>)
    %add3A_73 = arith.constant 9 : i32
    %add3A_74 = arith.addi %mul3A_2, %add3A_73 : i32
    %dma_start3A_75 = arith.constant 0 : i32
    %dma_start3A_76 = tpu.memref_slice %arg3[%add3A_74, %dma_start3A_75] : memref<256x128xi32, #tpu.memory_space<hbm>> -> memref<1x128xi32, #tpu.memory_space<hbm>>
    %dma_start3A_77 = tpu.memref_squeeze %dma_start3A_76 : memref<1x128xi32, #tpu.memory_space<hbm>> -> memref<128xi32, #tpu.memory_space<hbm>>
    %dma_start3A_78 = arith.constant 0 : i32
    %dma_start3A_79 = tpu.memref_slice %arg3[%add3A_74, %dma_start3A_78] : memref<256x128xi32, #tpu.memory_space<hbm>> -> memref<1x128xi32, #tpu.memory_space<hbm>>
    %dma_start3A_80 = tpu.memref_squeeze %dma_start3A_79 : memref<1x128xi32, #tpu.memory_space<hbm>> -> memref<128xi32, #tpu.memory_space<hbm>>
    tpu.enqueue_dma source(%dma_start3A_80 : memref<128xi32, #tpu.memory_space<hbm>>) target(%arg14 : memref<128xi32, #tpu.memory_space<vmem>>) target_semaphore(%arg55 : memref<!tpu.dma_semaphore, #tpu.memory_space<semaphore_mem>>)
    %add3A_81 = arith.constant 10 : i32
    %add3A_82 = arith.addi %mul3A_2, %add3A_81 : i32
    %dma_start3A_83 = arith.constant 0 : i32
    %dma_start3A_84 = tpu.memref_slice %arg3[%add3A_82, %dma_start3A_83] : memref<256x128xi32, #tpu.memory_space<hbm>> -> memref<1x128xi32, #tpu.memory_space<hbm>>
    %dma_start3A_85 = tpu.memref_squeeze %dma_start3A_84 : memref<1x128xi32, #tpu.memory_space<hbm>> -> memref<128xi32, #tpu.memory_space<hbm>>
    %dma_start3A_86 = arith.constant 0 : i32
    %dma_start3A_87 = tpu.memref_slice %arg3[%add3A_82, %dma_start3A_86] : memref<256x128xi32, #tpu.memory_space<hbm>> -> memref<1x128xi32, #tpu.memory_space<hbm>>
    %dma_start3A_88 = tpu.memref_squeeze %dma_start3A_87 : memref<1x128xi32, #tpu.memory_space<hbm>> -> memref<128xi32, #tpu.memory_space<hbm>>
    tpu.enqueue_dma source(%dma_start3A_88 : memref<128xi32, #tpu.memory_space<hbm>>) target(%arg15 : memref<128xi32, #tpu.memory_space<vmem>>) target_semaphore(%arg55 : memref<!tpu.dma_semaphore, #tpu.memory_space<semaphore_mem>>)
    %add3A_89 = arith.constant 11 : i32
    %add3A_90 = arith.addi %mul3A_2, %add3A_89 : i32
    %dma_start3A_91 = arith.constant 0 : i32
    %dma_start3A_92 = tpu.memref_slice %arg3[%add3A_90, %dma_start3A_91] : memref<256x128xi32, #tpu.memory_space<hbm>> -> memref<1x128xi32, #tpu.memory_space<hbm>>
    %dma_start3A_93 = tpu.memref_squeeze %dma_start3A_92 : memref<1x128xi32, #tpu.memory_space<hbm>> -> memref<128xi32, #tpu.memory_space<hbm>>
    %dma_start3A_94 = arith.constant 0 : i32
    %dma_start3A_95 = tpu.memref_slice %arg3[%add3A_90, %dma_start3A_94] : memref<256x128xi32, #tpu.memory_space<hbm>> -> memref<1x128xi32, #tpu.memory_space<hbm>>
    %dma_start3A_96 = tpu.memref_squeeze %dma_start3A_95 : memref<1x128xi32, #tpu.memory_space<hbm>> -> memref<128xi32, #tpu.memory_space<hbm>>
    tpu.enqueue_dma source(%dma_start3A_96 : memref<128xi32, #tpu.memory_space<hbm>>) target(%arg16 : memref<128xi32, #tpu.memory_space<vmem>>) target_semaphore(%arg55 : memref<!tpu.dma_semaphore, #tpu.memory_space<semaphore_mem>>)
    %add3A_97 = arith.constant 12 : i32
    %add3A_98 = arith.addi %mul3A_2, %add3A_97 : i32
    %dma_start3A_99 = arith.constant 0 : i32
    %dma_start3A_100 = tpu.memref_slice %arg3[%add3A_98, %dma_start3A_99] : memref<256x128xi32, #tpu.memory_space<hbm>> -> memref<1x128xi32, #tpu.memory_space<hbm>>
    %dma_start3A_101 = tpu.memref_squeeze %dma_start3A_100 : memref<1x128xi32, #tpu.memory_space<hbm>> -> memref<128xi32, #tpu.memory_space<hbm>>
    %dma_start3A_102 = arith.constant 0 : i32
    %dma_start3A_103 = tpu.memref_slice %arg3[%add3A_98, %dma_start3A_102] : memref<256x128xi32, #tpu.memory_space<hbm>> -> memref<1x128xi32, #tpu.memory_space<hbm>>
    %dma_start3A_104 = tpu.memref_squeeze %dma_start3A_103 : memref<1x128xi32, #tpu.memory_space<hbm>> -> memref<128xi32, #tpu.memory_space<hbm>>
    tpu.enqueue_dma source(%dma_start3A_104 : memref<128xi32, #tpu.memory_space<hbm>>) target(%arg17 : memref<128xi32, #tpu.memory_space<vmem>>) target_semaphore(%arg55 : memref<!tpu.dma_semaphore, #tpu.memory_space<semaphore_mem>>)
    %add3A_105 = arith.constant 13 : i32
    %add3A_106 = arith.addi %mul3A_2, %add3A_105 : i32
    %dma_start3A_107 = arith.constant 0 : i32
    %dma_start3A_108 = tpu.memref_slice %arg3[%add3A_106, %dma_start3A_107] : memref<256x128xi32, #tpu.memory_space<hbm>> -> memref<1x128xi32, #tpu.memory_space<hbm>>
    %dma_start3A_109 = tpu.memref_squeeze %dma_start3A_108 : memref<1x128xi32, #tpu.memory_space<hbm>> -> memref<128xi32, #tpu.memory_space<hbm>>
    %dma_start3A_110 = arith.constant 0 : i32
    %dma_start3A_111 = tpu.memref_slice %arg3[%add3A_106, %dma_start3A_110] : memref<256x128xi32, #tpu.memory_space<hbm>> -> memref<1x128xi32, #tpu.memory_space<hbm>>
    %dma_start3A_112 = tpu.memref_squeeze %dma_start3A_111 : memref<1x128xi32, #tpu.memory_space<hbm>> -> memref<128xi32, #tpu.memory_space<hbm>>
    tpu.enqueue_dma source(%dma_start3A_112 : memref<128xi32, #tpu.memory_space<hbm>>) target(%arg18 : memref<128xi32, #tpu.memory_space<vmem>>) target_semaphore(%arg55 : memref<!tpu.dma_semaphore, #tpu.memory_space<semaphore_mem>>)
    %add3A_113 = arith.constant 14 : i32
    %add3A_114 = arith.addi %mul3A_2, %add3A_113 : i32
    %dma_start3A_115 = arith.constant 0 : i32
    %dma_start3A_116 = tpu.memref_slice %arg3[%add3A_114, %dma_start3A_115] : memref<256x128xi32, #tpu.memory_space<hbm>> -> memref<1x128xi32, #tpu.memory_space<hbm>>
    %dma_start3A_117 = tpu.memref_squeeze %dma_start3A_116 : memref<1x128xi32, #tpu.memory_space<hbm>> -> memref<128xi32, #tpu.memory_space<hbm>>
    %dma_start3A_118 = arith.constant 0 : i32
    %dma_start3A_119 = tpu.memref_slice %arg3[%add3A_114, %dma_start3A_118] : memref<256x128xi32, #tpu.memory_space<hbm>> -> memref<1x128xi32, #tpu.memory_space<hbm>>
    %dma_start3A_120 = tpu.memref_squeeze %dma_start3A_119 : memref<1x128xi32, #tpu.memory_space<hbm>> -> memref<128xi32, #tpu.memory_space<hbm>>
    tpu.enqueue_dma source(%dma_start3A_120 : memref<128xi32, #tpu.memory_space<hbm>>) target(%arg19 : memref<128xi32, #tpu.memory_space<vmem>>) target_semaphore(%arg55 : memref<!tpu.dma_semaphore, #tpu.memory_space<semaphore_mem>>)
    %add3A_121 = arith.constant 15 : i32
    %add3A_122 = arith.addi %mul3A_2, %add3A_121 : i32
    %dma_start3A_123 = arith.constant 0 : i32
    %dma_start3A_124 = tpu.memref_slice %arg3[%add3A_122, %dma_start3A_123] : memref<256x128xi32, #tpu.memory_space<hbm>> -> memref<1x128xi32, #tpu.memory_space<hbm>>
    %dma_start3A_125 = tpu.memref_squeeze %dma_start3A_124 : memref<1x128xi32, #tpu.memory_space<hbm>> -> memref<128xi32, #tpu.memory_space<hbm>>
    %dma_start3A_126 = arith.constant 0 : i32
    %dma_start3A_127 = tpu.memref_slice %arg3[%add3A_122, %dma_start3A_126] : memref<256x128xi32, #tpu.memory_space<hbm>> -> memref<1x128xi32, #tpu.memory_space<hbm>>
    %dma_start3A_128 = tpu.memref_squeeze %dma_start3A_127 : memref<1x128xi32, #tpu.memory_space<hbm>> -> memref<128xi32, #tpu.memory_space<hbm>>
    tpu.enqueue_dma source(%dma_start3A_128 : memref<128xi32, #tpu.memory_space<hbm>>) target(%arg20 : memref<128xi32, #tpu.memory_space<vmem>>) target_semaphore(%arg55 : memref<!tpu.dma_semaphore, #tpu.memory_space<semaphore_mem>>)
    %add3A_129 = arith.constant 0 : i32
    %add3A_130 = arith.addi %mul3A_2, %add3A_129 : i32
    %dma_start3A_131 = arith.constant 0 : i32
    %dma_start3A_132 = tpu.memref_slice %arg2[%add3A_130, %dma_start3A_131] : memref<256x128xf32, #tpu.memory_space<hbm>> -> memref<1x128xf32, #tpu.memory_space<hbm>>
    %dma_start3A_133 = tpu.memref_squeeze %dma_start3A_132 : memref<1x128xf32, #tpu.memory_space<hbm>> -> memref<128xf32, #tpu.memory_space<hbm>>
    %dma_start3A_134 = arith.constant 0 : i32
    %dma_start3A_135 = tpu.memref_slice %arg2[%add3A_130, %dma_start3A_134] : memref<256x128xf32, #tpu.memory_space<hbm>> -> memref<1x128xf32, #tpu.memory_space<hbm>>
    %dma_start3A_136 = tpu.memref_squeeze %dma_start3A_135 : memref<1x128xf32, #tpu.memory_space<hbm>> -> memref<128xf32, #tpu.memory_space<hbm>>
    tpu.enqueue_dma source(%dma_start3A_136 : memref<128xf32, #tpu.memory_space<hbm>>) target(%arg21 : memref<128xf32, #tpu.memory_space<vmem>>) target_semaphore(%arg55 : memref<!tpu.dma_semaphore, #tpu.memory_space<semaphore_mem>>)
    %add3A_137 = arith.constant 1 : i32
    %add3A_138 = arith.addi %mul3A_2, %add3A_137 : i32
    %dma_start3A_139 = arith.constant 0 : i32
    %dma_start3A_140 = tpu.memref_slice %arg2[%add3A_138, %dma_start3A_139] : memref<256x128xf32, #tpu.memory_space<hbm>> -> memref<1x128xf32, #tpu.memory_space<hbm>>
    %dma_start3A_141 = tpu.memref_squeeze %dma_start3A_140 : memref<1x128xf32, #tpu.memory_space<hbm>> -> memref<128xf32, #tpu.memory_space<hbm>>
    %dma_start3A_142 = arith.constant 0 : i32
    %dma_start3A_143 = tpu.memref_slice %arg2[%add3A_138, %dma_start3A_142] : memref<256x128xf32, #tpu.memory_space<hbm>> -> memref<1x128xf32, #tpu.memory_space<hbm>>
    %dma_start3A_144 = tpu.memref_squeeze %dma_start3A_143 : memref<1x128xf32, #tpu.memory_space<hbm>> -> memref<128xf32, #tpu.memory_space<hbm>>
    tpu.enqueue_dma source(%dma_start3A_144 : memref<128xf32, #tpu.memory_space<hbm>>) target(%arg22 : memref<128xf32, #tpu.memory_space<vmem>>) target_semaphore(%arg55 : memref<!tpu.dma_semaphore, #tpu.memory_space<semaphore_mem>>)
    %add3A_145 = arith.constant 2 : i32
    %add3A_146 = arith.addi %mul3A_2, %add3A_145 : i32
    %dma_start3A_147 = arith.constant 0 : i32
    %dma_start3A_148 = tpu.memref_slice %arg2[%add3A_146, %dma_start3A_147] : memref<256x128xf32, #tpu.memory_space<hbm>> -> memref<1x128xf32, #tpu.memory_space<hbm>>
    %dma_start3A_149 = tpu.memref_squeeze %dma_start3A_148 : memref<1x128xf32, #tpu.memory_space<hbm>> -> memref<128xf32, #tpu.memory_space<hbm>>
    %dma_start3A_150 = arith.constant 0 : i32
    %dma_start3A_151 = tpu.memref_slice %arg2[%add3A_146, %dma_start3A_150] : memref<256x128xf32, #tpu.memory_space<hbm>> -> memref<1x128xf32, #tpu.memory_space<hbm>>
    %dma_start3A_152 = tpu.memref_squeeze %dma_start3A_151 : memref<1x128xf32, #tpu.memory_space<hbm>> -> memref<128xf32, #tpu.memory_space<hbm>>
    tpu.enqueue_dma source(%dma_start3A_152 : memref<128xf32, #tpu.memory_space<hbm>>) target(%arg23 : memref<128xf32, #tpu.memory_space<vmem>>) target_semaphore(%arg55 : memref<!tpu.dma_semaphore, #tpu.memory_space<semaphore_mem>>)
    %add3A_153 = arith.constant 3 : i32
    %add3A_154 = arith.addi %mul3A_2, %add3A_153 : i32
    %dma_start3A_155 = arith.constant 0 : i32
    %dma_start3A_156 = tpu.memref_slice %arg2[%add3A_154, %dma_start3A_155] : memref<256x128xf32, #tpu.memory_space<hbm>> -> memref<1x128xf32, #tpu.memory_space<hbm>>
    %dma_start3A_157 = tpu.memref_squeeze %dma_start3A_156 : memref<1x128xf32, #tpu.memory_space<hbm>> -> memref<128xf32, #tpu.memory_space<hbm>>
    %dma_start3A_158 = arith.constant 0 : i32
    %dma_start3A_159 = tpu.memref_slice %arg2[%add3A_154, %dma_start3A_158] : memref<256x128xf32, #tpu.memory_space<hbm>> -> memref<1x128xf32, #tpu.memory_space<hbm>>
    %dma_start3A_160 = tpu.memref_squeeze %dma_start3A_159 : memref<1x128xf32, #tpu.memory_space<hbm>> -> memref<128xf32, #tpu.memory_space<hbm>>
    tpu.enqueue_dma source(%dma_start3A_160 : memref<128xf32, #tpu.memory_space<hbm>>) target(%arg24 : memref<128xf32, #tpu.memory_space<vmem>>) target_semaphore(%arg55 : memref<!tpu.dma_semaphore, #tpu.memory_space<semaphore_mem>>)
    %add3A_161 = arith.constant 4 : i32
    %add3A_162 = arith.addi %mul3A_2, %add3A_161 : i32
    %dma_start3A_163 = arith.constant 0 : i32
    %dma_start3A_164 = tpu.memref_slice %arg2[%add3A_162, %dma_start3A_163] : memref<256x128xf32, #tpu.memory_space<hbm>> -> memref<1x128xf32, #tpu.memory_space<hbm>>
    %dma_start3A_165 = tpu.memref_squeeze %dma_start3A_164 : memref<1x128xf32, #tpu.memory_space<hbm>> -> memref<128xf32, #tpu.memory_space<hbm>>
    %dma_start3A_166 = arith.constant 0 : i32
    %dma_start3A_167 = tpu.memref_slice %arg2[%add3A_162, %dma_start3A_166] : memref<256x128xf32, #tpu.memory_space<hbm>> -> memref<1x128xf32, #tpu.memory_space<hbm>>
    %dma_start3A_168 = tpu.memref_squeeze %dma_start3A_167 : memref<1x128xf32, #tpu.memory_space<hbm>> -> memref<128xf32, #tpu.memory_space<hbm>>
    tpu.enqueue_dma source(%dma_start3A_168 : memref<128xf32, #tpu.memory_space<hbm>>) target(%arg25 : memref<128xf32, #tpu.memory_space<vmem>>) target_semaphore(%arg55 : memref<!tpu.dma_semaphore, #tpu.memory_space<semaphore_mem>>)
    %add3A_169 = arith.constant 5 : i32
    %add3A_170 = arith.addi %mul3A_2, %add3A_169 : i32
    %dma_start3A_171 = arith.constant 0 : i32
    %dma_start3A_172 = tpu.memref_slice %arg2[%add3A_170, %dma_start3A_171] : memref<256x128xf32, #tpu.memory_space<hbm>> -> memref<1x128xf32, #tpu.memory_space<hbm>>
    %dma_start3A_173 = tpu.memref_squeeze %dma_start3A_172 : memref<1x128xf32, #tpu.memory_space<hbm>> -> memref<128xf32, #tpu.memory_space<hbm>>
    %dma_start3A_174 = arith.constant 0 : i32
    %dma_start3A_175 = tpu.memref_slice %arg2[%add3A_170, %dma_start3A_174] : memref<256x128xf32, #tpu.memory_space<hbm>> -> memref<1x128xf32, #tpu.memory_space<hbm>>
    %dma_start3A_176 = tpu.memref_squeeze %dma_start3A_175 : memref<1x128xf32, #tpu.memory_space<hbm>> -> memref<128xf32, #tpu.memory_space<hbm>>
    tpu.enqueue_dma source(%dma_start3A_176 : memref<128xf32, #tpu.memory_space<hbm>>) target(%arg26 : memref<128xf32, #tpu.memory_space<vmem>>) target_semaphore(%arg55 : memref<!tpu.dma_semaphore, #tpu.memory_space<semaphore_mem>>)
    %add3A_177 = arith.constant 6 : i32
    %add3A_178 = arith.addi %mul3A_2, %add3A_177 : i32
    %dma_start3A_179 = arith.constant 0 : i32
    %dma_start3A_180 = tpu.memref_slice %arg2[%add3A_178, %dma_start3A_179] : memref<256x128xf32, #tpu.memory_space<hbm>> -> memref<1x128xf32, #tpu.memory_space<hbm>>
    %dma_start3A_181 = tpu.memref_squeeze %dma_start3A_180 : memref<1x128xf32, #tpu.memory_space<hbm>> -> memref<128xf32, #tpu.memory_space<hbm>>
    %dma_start3A_182 = arith.constant 0 : i32
    %dma_start3A_183 = tpu.memref_slice %arg2[%add3A_178, %dma_start3A_182] : memref<256x128xf32, #tpu.memory_space<hbm>> -> memref<1x128xf32, #tpu.memory_space<hbm>>
    %dma_start3A_184 = tpu.memref_squeeze %dma_start3A_183 : memref<1x128xf32, #tpu.memory_space<hbm>> -> memref<128xf32, #tpu.memory_space<hbm>>
    tpu.enqueue_dma source(%dma_start3A_184 : memref<128xf32, #tpu.memory_space<hbm>>) target(%arg27 : memref<128xf32, #tpu.memory_space<vmem>>) target_semaphore(%arg55 : memref<!tpu.dma_semaphore, #tpu.memory_space<semaphore_mem>>)
    %add3A_185 = arith.constant 7 : i32
    %add3A_186 = arith.addi %mul3A_2, %add3A_185 : i32
    %dma_start3A_187 = arith.constant 0 : i32
    %dma_start3A_188 = tpu.memref_slice %arg2[%add3A_186, %dma_start3A_187] : memref<256x128xf32, #tpu.memory_space<hbm>> -> memref<1x128xf32, #tpu.memory_space<hbm>>
    %dma_start3A_189 = tpu.memref_squeeze %dma_start3A_188 : memref<1x128xf32, #tpu.memory_space<hbm>> -> memref<128xf32, #tpu.memory_space<hbm>>
    %dma_start3A_190 = arith.constant 0 : i32
    %dma_start3A_191 = tpu.memref_slice %arg2[%add3A_186, %dma_start3A_190] : memref<256x128xf32, #tpu.memory_space<hbm>> -> memref<1x128xf32, #tpu.memory_space<hbm>>
    %dma_start3A_192 = tpu.memref_squeeze %dma_start3A_191 : memref<1x128xf32, #tpu.memory_space<hbm>> -> memref<128xf32, #tpu.memory_space<hbm>>
    tpu.enqueue_dma source(%dma_start3A_192 : memref<128xf32, #tpu.memory_space<hbm>>) target(%arg28 : memref<128xf32, #tpu.memory_space<vmem>>) target_semaphore(%arg55 : memref<!tpu.dma_semaphore, #tpu.memory_space<semaphore_mem>>)
    %add3A_193 = arith.constant 8 : i32
    %add3A_194 = arith.addi %mul3A_2, %add3A_193 : i32
    %dma_start3A_195 = arith.constant 0 : i32
    %dma_start3A_196 = tpu.memref_slice %arg2[%add3A_194, %dma_start3A_195] : memref<256x128xf32, #tpu.memory_space<hbm>> -> memref<1x128xf32, #tpu.memory_space<hbm>>
    %dma_start3A_197 = tpu.memref_squeeze %dma_start3A_196 : memref<1x128xf32, #tpu.memory_space<hbm>> -> memref<128xf32, #tpu.memory_space<hbm>>
    %dma_start3A_198 = arith.constant 0 : i32
    %dma_start3A_199 = tpu.memref_slice %arg2[%add3A_194, %dma_start3A_198] : memref<256x128xf32, #tpu.memory_space<hbm>> -> memref<1x128xf32, #tpu.memory_space<hbm>>
    %dma_start3A_200 = tpu.memref_squeeze %dma_start3A_199 : memref<1x128xf32, #tpu.memory_space<hbm>> -> memref<128xf32, #tpu.memory_space<hbm>>
    tpu.enqueue_dma source(%dma_start3A_200 : memref<128xf32, #tpu.memory_space<hbm>>) target(%arg29 : memref<128xf32, #tpu.memory_space<vmem>>) target_semaphore(%arg55 : memref<!tpu.dma_semaphore, #tpu.memory_space<semaphore_mem>>)
    %add3A_201 = arith.constant 9 : i32
    %add3A_202 = arith.addi %mul3A_2, %add3A_201 : i32
    %dma_start3A_203 = arith.constant 0 : i32
    %dma_start3A_204 = tpu.memref_slice %arg2[%add3A_202, %dma_start3A_203] : memref<256x128xf32, #tpu.memory_space<hbm>> -> memref<1x128xf32, #tpu.memory_space<hbm>>
    %dma_start3A_205 = tpu.memref_squeeze %dma_start3A_204 : memref<1x128xf32, #tpu.memory_space<hbm>> -> memref<128xf32, #tpu.memory_space<hbm>>
    %dma_start3A_206 = arith.constant 0 : i32
    %dma_start3A_207 = tpu.memref_slice %arg2[%add3A_202, %dma_start3A_206] : memref<256x128xf32, #tpu.memory_space<hbm>> -> memref<1x128xf32, #tpu.memory_space<hbm>>
    %dma_start3A_208 = tpu.memref_squeeze %dma_start3A_207 : memref<1x128xf32, #tpu.memory_space<hbm>> -> memref<128xf32, #tpu.memory_space<hbm>>
    tpu.enqueue_dma source(%dma_start3A_208 : memref<128xf32, #tpu.memory_space<hbm>>) target(%arg30 : memref<128xf32, #tpu.memory_space<vmem>>) target_semaphore(%arg55 : memref<!tpu.dma_semaphore, #tpu.memory_space<semaphore_mem>>)
    %add3A_209 = arith.constant 10 : i32
    %add3A_210 = arith.addi %mul3A_2, %add3A_209 : i32
    %dma_start3A_211 = arith.constant 0 : i32
    %dma_start3A_212 = tpu.memref_slice %arg2[%add3A_210, %dma_start3A_211] : memref<256x128xf32, #tpu.memory_space<hbm>> -> memref<1x128xf32, #tpu.memory_space<hbm>>
    %dma_start3A_213 = tpu.memref_squeeze %dma_start3A_212 : memref<1x128xf32, #tpu.memory_space<hbm>> -> memref<128xf32, #tpu.memory_space<hbm>>
    %dma_start3A_214 = arith.constant 0 : i32
    %dma_start3A_215 = tpu.memref_slice %arg2[%add3A_210, %dma_start3A_214] : memref<256x128xf32, #tpu.memory_space<hbm>> -> memref<1x128xf32, #tpu.memory_space<hbm>>
    %dma_start3A_216 = tpu.memref_squeeze %dma_start3A_215 : memref<1x128xf32, #tpu.memory_space<hbm>> -> memref<128xf32, #tpu.memory_space<hbm>>
    tpu.enqueue_dma source(%dma_start3A_216 : memref<128xf32, #tpu.memory_space<hbm>>) target(%arg31 : memref<128xf32, #tpu.memory_space<vmem>>) target_semaphore(%arg55 : memref<!tpu.dma_semaphore, #tpu.memory_space<semaphore_mem>>)
    %add3A_217 = arith.constant 11 : i32
    %add3A_218 = arith.addi %mul3A_2, %add3A_217 : i32
    %dma_start3A_219 = arith.constant 0 : i32
    %dma_start3A_220 = tpu.memref_slice %arg2[%add3A_218, %dma_start3A_219] : memref<256x128xf32, #tpu.memory_space<hbm>> -> memref<1x128xf32, #tpu.memory_space<hbm>>
    %dma_start3A_221 = tpu.memref_squeeze %dma_start3A_220 : memref<1x128xf32, #tpu.memory_space<hbm>> -> memref<128xf32, #tpu.memory_space<hbm>>
    %dma_start3A_222 = arith.constant 0 : i32
    %dma_start3A_223 = tpu.memref_slice %arg2[%add3A_218, %dma_start3A_222] : memref<256x128xf32, #tpu.memory_space<hbm>> -> memref<1x128xf32, #tpu.memory_space<hbm>>
    %dma_start3A_224 = tpu.memref_squeeze %dma_start3A_223 : memref<1x128xf32, #tpu.memory_space<hbm>> -> memref<128xf32, #tpu.memory_space<hbm>>
    tpu.enqueue_dma source(%dma_start3A_224 : memref<128xf32, #tpu.memory_space<hbm>>) target(%arg32 : memref<128xf32, #tpu.memory_space<vmem>>) target_semaphore(%arg55 : memref<!tpu.dma_semaphore, #tpu.memory_space<semaphore_mem>>)
    %add3A_225 = arith.constant 12 : i32
    %add3A_226 = arith.addi %mul3A_2, %add3A_225 : i32
    %dma_start3A_227 = arith.constant 0 : i32
    %dma_start3A_228 = tpu.memref_slice %arg2[%add3A_226, %dma_start3A_227] : memref<256x128xf32, #tpu.memory_space<hbm>> -> memref<1x128xf32, #tpu.memory_space<hbm>>
    %dma_start3A_229 = tpu.memref_squeeze %dma_start3A_228 : memref<1x128xf32, #tpu.memory_space<hbm>> -> memref<128xf32, #tpu.memory_space<hbm>>
    %dma_start3A_230 = arith.constant 0 : i32
    %dma_start3A_231 = tpu.memref_slice %arg2[%add3A_226, %dma_start3A_230] : memref<256x128xf32, #tpu.memory_space<hbm>> -> memref<1x128xf32, #tpu.memory_space<hbm>>
    %dma_start3A_232 = tpu.memref_squeeze %dma_start3A_231 : memref<1x128xf32, #tpu.memory_space<hbm>> -> memref<128xf32, #tpu.memory_space<hbm>>
    tpu.enqueue_dma source(%dma_start3A_232 : memref<128xf32, #tpu.memory_space<hbm>>) target(%arg33 : memref<128xf32, #tpu.memory_space<vmem>>) target_semaphore(%arg55 : memref<!tpu.dma_semaphore, #tpu.memory_space<semaphore_mem>>)
    %add3A_233 = arith.constant 13 : i32
    %add3A_234 = arith.addi %mul3A_2, %add3A_233 : i32
    %dma_start3A_235 = arith.constant 0 : i32
    %dma_start3A_236 = tpu.memref_slice %arg2[%add3A_234, %dma_start3A_235] : memref<256x128xf32, #tpu.memory_space<hbm>> -> memref<1x128xf32, #tpu.memory_space<hbm>>
    %dma_start3A_237 = tpu.memref_squeeze %dma_start3A_236 : memref<1x128xf32, #tpu.memory_space<hbm>> -> memref<128xf32, #tpu.memory_space<hbm>>
    %dma_start3A_238 = arith.constant 0 : i32
    %dma_start3A_239 = tpu.memref_slice %arg2[%add3A_234, %dma_start3A_238] : memref<256x128xf32, #tpu.memory_space<hbm>> -> memref<1x128xf32, #tpu.memory_space<hbm>>
    %dma_start3A_240 = tpu.memref_squeeze %dma_start3A_239 : memref<1x128xf32, #tpu.memory_space<hbm>> -> memref<128xf32, #tpu.memory_space<hbm>>
    tpu.enqueue_dma source(%dma_start3A_240 : memref<128xf32, #tpu.memory_space<hbm>>) target(%arg34 : memref<128xf32, #tpu.memory_space<vmem>>) target_semaphore(%arg55 : memref<!tpu.dma_semaphore, #tpu.memory_space<semaphore_mem>>)
    %add3A_241 = arith.constant 14 : i32
    %add3A_242 = arith.addi %mul3A_2, %add3A_241 : i32
    %dma_start3A_243 = arith.constant 0 : i32
    %dma_start3A_244 = tpu.memref_slice %arg2[%add3A_242, %dma_start3A_243] : memref<256x128xf32, #tpu.memory_space<hbm>> -> memref<1x128xf32, #tpu.memory_space<hbm>>
    %dma_start3A_245 = tpu.memref_squeeze %dma_start3A_244 : memref<1x128xf32, #tpu.memory_space<hbm>> -> memref<128xf32, #tpu.memory_space<hbm>>
    %dma_start3A_246 = arith.constant 0 : i32
    %dma_start3A_247 = tpu.memref_slice %arg2[%add3A_242, %dma_start3A_246] : memref<256x128xf32, #tpu.memory_space<hbm>> -> memref<1x128xf32, #tpu.memory_space<hbm>>
    %dma_start3A_248 = tpu.memref_squeeze %dma_start3A_247 : memref<1x128xf32, #tpu.memory_space<hbm>> -> memref<128xf32, #tpu.memory_space<hbm>>
    tpu.enqueue_dma source(%dma_start3A_248 : memref<128xf32, #tpu.memory_space<hbm>>) target(%arg35 : memref<128xf32, #tpu.memory_space<vmem>>) target_semaphore(%arg55 : memref<!tpu.dma_semaphore, #tpu.memory_space<semaphore_mem>>)
    %add3A_249 = arith.constant 15 : i32
    %add3A_250 = arith.addi %mul3A_2, %add3A_249 : i32
    %dma_start3A_251 = arith.constant 0 : i32
    %dma_start3A_252 = tpu.memref_slice %arg2[%add3A_250, %dma_start3A_251] : memref<256x128xf32, #tpu.memory_space<hbm>> -> memref<1x128xf32, #tpu.memory_space<hbm>>
    %dma_start3A_253 = tpu.memref_squeeze %dma_start3A_252 : memref<1x128xf32, #tpu.memory_space<hbm>> -> memref<128xf32, #tpu.memory_space<hbm>>
    %dma_start3A_254 = arith.constant 0 : i32
    %dma_start3A_255 = tpu.memref_slice %arg2[%add3A_250, %dma_start3A_254] : memref<256x128xf32, #tpu.memory_space<hbm>> -> memref<1x128xf32, #tpu.memory_space<hbm>>
    %dma_start3A_256 = tpu.memref_squeeze %dma_start3A_255 : memref<1x128xf32, #tpu.memory_space<hbm>> -> memref<128xf32, #tpu.memory_space<hbm>>
    tpu.enqueue_dma source(%dma_start3A_256 : memref<128xf32, #tpu.memory_space<hbm>>) target(%arg36 : memref<128xf32, #tpu.memory_space<vmem>>) target_semaphore(%arg55 : memref<!tpu.dma_semaphore, #tpu.memory_space<semaphore_mem>>)
    %scan3A = arith.constant 0 : i32
    %scan3A_257 = arith.constant 0 : i32
    %scan3A_258 = arith.constant 490 : i32
    %scan3A_259 = arith.addi %scan3A_257, %scan3A_258 : i32
    %scan3A_260 = arith.constant 1 : i32
    scf.for %scan3A_2596 = %scan3A_257 to %scan3A_259 step %scan3A_260  : i32 {
      %broadcast_in_dim3A_2597 = arith.constant 0.000000e+00 : f32
      %broadcast_in_dim3A_2598 = vector.broadcast %broadcast_in_dim3A_2597 : f32 to vector<16xf32>
      %mul3A_2599 = arith.constant 16 : i32
      %mul3A_2600 = arith.muli %scan3A_2596, %mul3A_2599 : i32
      %swap3A_2601 = arith.index_cast %mul3A_2600 : i32 to index
      %swap3A_2602 = tpu.vector_load %arg53[%swap3A_2601] {strides = array<i32>} : memref<7840xf32, #tpu.memory_space<vmem>>, vector<16xf32>,
      tpu.vector_store %arg53[%swap3A_2601], %broadcast_in_dim3A_2598 {strides = array<i32>} : memref<7840xf32, #tpu.memory_space<vmem>>, vector<16xf32>,
    }
    %scan3A_261 = arith.constant 490 : i32
    %mul3A_262 = arith.constant 31376 : i32
    %mul3A_263 = arith.muli %arg1, %mul3A_262 : i32
    %add3A_264 = arith.constant 0 : i32
    %add3A_265 = arith.addi %mul3A_263, %add3A_264 : i32
    "tpu.region"() ({
      %run_scoped3A = tpu.sem_alloc : memref<!tpu.dma_semaphore, #tpu.memory_space<semaphore_mem>>
      %dma_start3A_2596 = tpu.memref_slice %arg54[%add3A_265] : memref<502032xf32, #tpu.memory_space<vmem_shared>> -> memref<7840xf32, #tpu.memory_space<vmem_shared>>
      %dma_start3A_2597 = tpu.memref_slice %arg54[%add3A_265] : memref<502032xf32, #tpu.memory_space<vmem_shared>> -> memref<7840xf32, #tpu.memory_space<vmem_shared>>
      tpu.enqueue_dma source(%arg53 : memref<7840xf32, #tpu.memory_space<vmem>>) target(%dma_start3A_2597 : memref<7840xf32, #tpu.memory_space<vmem_shared>>) target_semaphore(%run_scoped3A : memref<!tpu.dma_semaphore, #tpu.memory_space<semaphore_mem>>)
      %dma_wait3A_2598 = tpu.memref_slice %arg54[%add3A_265] : memref<502032xf32, #tpu.memory_space<vmem_shared>> -> memref<7840xf32, #tpu.memory_space<vmem_shared>>
      %dma_wait3A_2599 = tpu.memref_slice %arg54[%add3A_265] : memref<502032xf32, #tpu.memory_space<vmem_shared>> -> memref<7840xf32, #tpu.memory_space<vmem_shared>>
      tpu.wait_dma2 semaphore(%run_scoped3A : memref<!tpu.dma_semaphore, #tpu.memory_space<semaphore_mem>>) src(%arg53 : memref<7840xf32, #tpu.memory_space<vmem>>) dst(%dma_wait3A_2599 : memref<7840xf32, #tpu.memory_space<vmem_shared>>)
      tpu.yield
    }) : () -> ()
    %add3A_266 = arith.constant 7840 : i32
    %add3A_267 = arith.addi %mul3A_263, %add3A_266 : i32
    "tpu.region"() ({
      %run_scoped3A = tpu.sem_alloc : memref<!tpu.dma_semaphore, #tpu.memory_space<semaphore_mem>>
      %dma_start3A_2596 = tpu.memref_slice %arg54[%add3A_267] : memref<502032xf32, #tpu.memory_space<vmem_shared>> -> memref<7840xf32, #tpu.memory_space<vmem_shared>>
      %dma_start3A_2597 = tpu.memref_slice %arg54[%add3A_267] : memref<502032xf32, #tpu.memory_space<vmem_shared>> -> memref<7840xf32, #tpu.memory_space<vmem_shared>>
      tpu.enqueue_dma source(%arg53 : memref<7840xf32, #tpu.memory_space<vmem>>) target(%dma_start3A_2597 : memref<7840xf32, #tpu.memory_space<vmem_shared>>) target_semaphore(%run_scoped3A : memref<!tpu.dma_semaphore, #tpu.memory_space<semaphore_mem>>)
      %dma_wait3A_2598 = tpu.memref_slice %arg54[%add3A_267] : memref<502032xf32, #tpu.memory_space<vmem_shared>> -> memref<7840xf32, #tpu.memory_space<vmem_shared>>
      %dma_wait3A_2599 = tpu.memref_slice %arg54[%add3A_267] : memref<502032xf32, #tpu.memory_space<vmem_shared>> -> memref<7840xf32, #tpu.memory_space<vmem_shared>>
      tpu.wait_dma2 semaphore(%run_scoped3A : memref<!tpu.dma_semaphore, #tpu.memory_space<semaphore_mem>>) src(%arg53 : memref<7840xf32, #tpu.memory_space<vmem>>) dst(%dma_wait3A_2599 : memref<7840xf32, #tpu.memory_space<vmem_shared>>)
      tpu.yield
    }) : () -> ()
    %add3A_268 = arith.constant 15680 : i32
    %add3A_269 = arith.addi %mul3A_263, %add3A_268 : i32
    "tpu.region"() ({
      %run_scoped3A = tpu.sem_alloc : memref<!tpu.dma_semaphore, #tpu.memory_space<semaphore_mem>>
      %dma_start3A_2596 = tpu.memref_slice %arg54[%add3A_269] : memref<502032xf32, #tpu.memory_space<vmem_shared>> -> memref<7840xf32, #tpu.memory_space<vmem_shared>>
      %dma_start3A_2597 = tpu.memref_slice %arg54[%add3A_269] : memref<502032xf32, #tpu.memory_space<vmem_shared>> -> memref<7840xf32, #tpu.memory_space<vmem_shared>>
      tpu.enqueue_dma source(%arg53 : memref<7840xf32, #tpu.memory_space<vmem>>) target(%dma_start3A_2597 : memref<7840xf32, #tpu.memory_space<vmem_shared>>) target_semaphore(%run_scoped3A : memref<!tpu.dma_semaphore, #tpu.memory_space<semaphore_mem>>)
      %dma_wait3A_2598 = tpu.memref_slice %arg54[%add3A_269] : memref<502032xf32, #tpu.memory_space<vmem_shared>> -> memref<7840xf32, #tpu.memory_space<vmem_shared>>
      %dma_wait3A_2599 = tpu.memref_slice %arg54[%add3A_269] : memref<502032xf32, #tpu.memory_space<vmem_shared>> -> memref<7840xf32, #tpu.memory_space<vmem_shared>>
      tpu.wait_dma2 semaphore(%run_scoped3A : memref<!tpu.dma_semaphore, #tpu.memory_space<semaphore_mem>>) src(%arg53 : memref<7840xf32, #tpu.memory_space<vmem>>) dst(%dma_wait3A_2599 : memref<7840xf32, #tpu.memory_space<vmem_shared>>)
      tpu.yield
    }) : () -> ()
    %add3A_270 = arith.constant 23520 : i32
    %add3A_271 = arith.addi %mul3A_263, %add3A_270 : i32
    "tpu.region"() ({
      %run_scoped3A = tpu.sem_alloc : memref<!tpu.dma_semaphore, #tpu.memory_space<semaphore_mem>>
      %dma_start3A_2596 = tpu.memref_slice %arg54[%add3A_271] : memref<502032xf32, #tpu.memory_space<vmem_shared>> -> memref<7840xf32, #tpu.memory_space<vmem_shared>>
      %dma_start3A_2597 = tpu.memref_slice %arg54[%add3A_271] : memref<502032xf32, #tpu.memory_space<vmem_shared>> -> memref<7840xf32, #tpu.memory_space<vmem_shared>>
      tpu.enqueue_dma source(%arg53 : memref<7840xf32, #tpu.memory_space<vmem>>) target(%dma_start3A_2597 : memref<7840xf32, #tpu.memory_space<vmem_shared>>) target_semaphore(%run_scoped3A : memref<!tpu.dma_semaphore, #tpu.memory_space<semaphore_mem>>)
      %dma_wait3A_2598 = tpu.memref_slice %arg54[%add3A_271] : memref<502032xf32, #tpu.memory_space<vmem_shared>> -> memref<7840xf32, #tpu.memory_space<vmem_shared>>
      %dma_wait3A_2599 = tpu.memref_slice %arg54[%add3A_271] : memref<502032xf32, #tpu.memory_space<vmem_shared>> -> memref<7840xf32, #tpu.memory_space<vmem_shared>>
      tpu.wait_dma2 semaphore(%run_scoped3A : memref<!tpu.dma_semaphore, #tpu.memory_space<semaphore_mem>>) src(%arg53 : memref<7840xf32, #tpu.memory_space<vmem>>) dst(%dma_wait3A_2599 : memref<7840xf32, #tpu.memory_space<vmem_shared>>)
      tpu.yield
    }) : () -> ()
    %add3A_272 = arith.constant 31360 : i32
    %add3A_273 = arith.addi %mul3A_263, %add3A_272 : i32
    "tpu.region"() ({
      %run_scoped3A = tpu.sem_alloc : memref<!tpu.dma_semaphore, #tpu.memory_space<semaphore_mem>>
      %dma_start3A_2596 = arith.constant 0 : i32
      %dma_start3A_2597 = tpu.memref_slice %arg53[%dma_start3A_2596] : memref<7840xf32, #tpu.memory_space<vmem>> -> memref<16xf32, #tpu.memory_space<vmem>>
      %dma_start3A_2598 = tpu.memref_slice %arg54[%add3A_273] : memref<502032xf32, #tpu.memory_space<vmem_shared>> -> memref<16xf32, #tpu.memory_space<vmem_shared>>
      %dma_start3A_2599 = tpu.memref_slice %arg54[%add3A_273] : memref<502032xf32, #tpu.memory_space<vmem_shared>> -> memref<16xf32, #tpu.memory_space<vmem_shared>>
      %dma_start3A_2600 = arith.constant 0 : i32
      %dma_start3A_2601 = tpu.memref_slice %arg53[%dma_start3A_2600] : memref<7840xf32, #tpu.memory_space<vmem>> -> memref<16xf32, #tpu.memory_space<vmem>>
      tpu.enqueue_dma source(%dma_start3A_2601 : memref<16xf32, #tpu.memory_space<vmem>>) target(%dma_start3A_2599 : memref<16xf32, #tpu.memory_space<vmem_shared>>) target_semaphore(%run_scoped3A : memref<!tpu.dma_semaphore, #tpu.memory_space<semaphore_mem>>)
      %dma_wait3A_2602 = arith.constant 0 : i32
      %dma_wait3A_2603 = tpu.memref_slice %arg53[%dma_wait3A_2602] : memref<7840xf32, #tpu.memory_space<vmem>> -> memref<16xf32, #tpu.memory_space<vmem>>
      %dma_wait3A_2604 = tpu.memref_slice %arg54[%add3A_273] : memref<502032xf32, #tpu.memory_space<vmem_shared>> -> memref<16xf32, #tpu.memory_space<vmem_shared>>
      %dma_wait3A_2605 = tpu.memref_slice %arg54[%add3A_273] : memref<502032xf32, #tpu.memory_space<vmem_shared>> -> memref<16xf32, #tpu.memory_space<vmem_shared>>
      %dma_wait3A_2606 = arith.constant 0 : i32
      %dma_wait3A_2607 = tpu.memref_slice %arg53[%dma_wait3A_2606] : memref<7840xf32, #tpu.memory_space<vmem>> -> memref<16xf32, #tpu.memory_space<vmem>>
      tpu.wait_dma2 semaphore(%run_scoped3A : memref<!tpu.dma_semaphore, #tpu.memory_space<semaphore_mem>>) src(%dma_wait3A_2607 : memref<16xf32, #tpu.memory_space<vmem>>) dst(%dma_wait3A_2605 : memref<16xf32, #tpu.memory_space<vmem_shared>>)
      tpu.yield
    }) : () -> ()
    %dma_wait3A = arith.constant 0 : i32
    %dma_wait3A_274 = tpu.memref_slice %arg3[%add3A_3, %dma_wait3A] : memref<256x128xi32, #tpu.memory_space<hbm>> -> memref<1x128xi32, #tpu.memory_space<hbm>>
    %dma_wait3A_275 = tpu.memref_squeeze %dma_wait3A_274 : memref<1x128xi32, #tpu.memory_space<hbm>> -> memref<128xi32, #tpu.memory_space<hbm>>
    %dma_wait3A_276 = arith.constant 0 : i32
    %dma_wait3A_277 = tpu.memref_slice %arg3[%add3A_3, %dma_wait3A_276] : memref<256x128xi32, #tpu.memory_space<hbm>> -> memref<1x128xi32, #tpu.memory_space<hbm>>
    %dma_wait3A_278 = tpu.memref_squeeze %dma_wait3A_277 : memref<1x128xi32, #tpu.memory_space<hbm>> -> memref<128xi32, #tpu.memory_space<hbm>>
    tpu.wait_dma2 semaphore(%arg55 : memref<!tpu.dma_semaphore, #tpu.memory_space<semaphore_mem>>) src(%dma_wait3A_278 : memref<128xi32, #tpu.memory_space<hbm>>) dst(%arg5 : memref<128xi32, #tpu.memory_space<vmem>>)
    %dma_wait3A_279 = arith.constant 0 : i32
    %dma_wait3A_280 = tpu.memref_slice %arg3[%add3A_10, %dma_wait3A_279] : memref<256x128xi32, #tpu.memory_space<hbm>> -> memref<1x128xi32, #tpu.memory_space<hbm>>
    %dma_wait3A_281 = tpu.memref_squeeze %dma_wait3A_280 : memref<1x128xi32, #tpu.memory_space<hbm>> -> memref<128xi32, #tpu.memory_space<hbm>>
    %dma_wait3A_282 = arith.constant 0 : i32
    %dma_wait3A_283 = tpu.memref_slice %arg3[%add3A_10, %dma_wait3A_282] : memref<256x128xi32, #tpu.memory_space<hbm>> -> memref<1x128xi32, #tpu.memory_space<hbm>>
    %dma_wait3A_284 = tpu.memref_squeeze %dma_wait3A_283 : memref<1x128xi32, #tpu.memory_space<hbm>> -> memref<128xi32, #tpu.memory_space<hbm>>
    tpu.wait_dma2 semaphore(%arg55 : memref<!tpu.dma_semaphore, #tpu.memory_space<semaphore_mem>>) src(%dma_wait3A_284 : memref<128xi32, #tpu.memory_space<hbm>>) dst(%arg6 : memref<128xi32, #tpu.memory_space<vmem>>)
    %dma_wait3A_285 = arith.constant 0 : i32
    %dma_wait3A_286 = tpu.memref_slice %arg3[%add3A_18, %dma_wait3A_285] : memref<256x128xi32, #tpu.memory_space<hbm>> -> memref<1x128xi32, #tpu.memory_space<hbm>>
    %dma_wait3A_287 = tpu.memref_squeeze %dma_wait3A_286 : memref<1x128xi32, #tpu.memory_space<hbm>> -> memref<128xi32, #tpu.memory_space<hbm>>
    %dma_wait3A_288 = arith.constant 0 : i32
    %dma_wait3A_289 = tpu.memref_slice %arg3[%add3A_18, %dma_wait3A_288] : memref<256x128xi32, #tpu.memory_space<hbm>> -> memref<1x128xi32, #tpu.memory_space<hbm>>
    %dma_wait3A_290 = tpu.memref_squeeze %dma_wait3A_289 : memref<1x128xi32, #tpu.memory_space<hbm>> -> memref<128xi32, #tpu.memory_space<hbm>>
    tpu.wait_dma2 semaphore(%arg55 : memref<!tpu.dma_semaphore, #tpu.memory_space<semaphore_mem>>) src(%dma_wait3A_290 : memref<128xi32, #tpu.memory_space<hbm>>) dst(%arg7 : memref<128xi32, #tpu.memory_space<vmem>>)
    %dma_wait3A_291 = arith.constant 0 : i32
    %dma_wait3A_292 = tpu.memref_slice %arg3[%add3A_26, %dma_wait3A_291] : memref<256x128xi32, #tpu.memory_space<hbm>> -> memref<1x128xi32, #tpu.memory_space<hbm>>
    %dma_wait3A_293 = tpu.memref_squeeze %dma_wait3A_292 : memref<1x128xi32, #tpu.memory_space<hbm>> -> memref<128xi32, #tpu.memory_space<hbm>>
    %dma_wait3A_294 = arith.constant 0 : i32
    %dma_wait3A_295 = tpu.memref_slice %arg3[%add3A_26, %dma_wait3A_294] : memref<256x128xi32, #tpu.memory_space<hbm>> -> memref<1x128xi32, #tpu.memory_space<hbm>>
    %dma_wait3A_296 = tpu.memref_squeeze %dma_wait3A_295 : memref<1x128xi32, #tpu.memory_space<hbm>> -> memref<128xi32, #tpu.memory_space<hbm>>
    tpu.wait_dma2 semaphore(%arg55 : memref<!tpu.dma_semaphore, #tpu.memory_space<semaphore_mem>>) src(%dma_wait3A_296 : memref<128xi32, #tpu.memory_space<hbm>>) dst(%arg8 : memref<128xi32, #tpu.memory_space<vmem>>)
    %dma_wait3A_297 = arith.constant 0 : i32
    %dma_wait3A_298 = tpu.memref_slice %arg3[%add3A_34, %dma_wait3A_297] : memref<256x128xi32, #tpu.memory_space<hbm>> -> memref<1x128xi32, #tpu.memory_space<hbm>>
    %dma_wait3A_299 = tpu.memref_squeeze %dma_wait3A_298 : memref<1x128xi32, #tpu.memory_space<hbm>> -> memref<128xi32, #tpu.memory_space<hbm>>
    %dma_wait3A_300 = arith.constant 0 : i32
    %dma_wait3A_301 = tpu.memref_slice %arg3[%add3A_34, %dma_wait3A_300] : memref<256x128xi32, #tpu.memory_space<hbm>> -> memref<1x128xi32, #tpu.memory_space<hbm>>
    %dma_wait3A_302 = tpu.memref_squeeze %dma_wait3A_301 : memref<1x128xi32, #tpu.memory_space<hbm>> -> memref<128xi32, #tpu.memory_space<hbm>>
    tpu.wait_dma2 semaphore(%arg55 : memref<!tpu.dma_semaphore, #tpu.memory_space<semaphore_mem>>) src(%dma_wait3A_302 : memref<128xi32, #tpu.memory_space<hbm>>) dst(%arg9 : memref<128xi32, #tpu.memory_space<vmem>>)
    %dma_wait3A_303 = arith.constant 0 : i32
    %dma_wait3A_304 = tpu.memref_slice %arg3[%add3A_42, %dma_wait3A_303] : memref<256x128xi32, #tpu.memory_space<hbm>> -> memref<1x128xi32, #tpu.memory_space<hbm>>
    %dma_wait3A_305 = tpu.memref_squeeze %dma_wait3A_304 : memref<1x128xi32, #tpu.memory_space<hbm>> -> memref<128xi32, #tpu.memory_space<hbm>>
    %dma_wait3A_306 = arith.constant 0 : i32
    %dma_wait3A_307 = tpu.memref_slice %arg3[%add3A_42, %dma_wait3A_306] : memref<256x128xi32, #tpu.memory_space<hbm>> -> memref<1x128xi32, #tpu.memory_space<hbm>>
    %dma_wait3A_308 = tpu.memref_squeeze %dma_wait3A_307 : memref<1x128xi32, #tpu.memory_space<hbm>> -> memref<128xi32, #tpu.memory_space<hbm>>
    tpu.wait_dma2 semaphore(%arg55 : memref<!tpu.dma_semaphore, #tpu.memory_space<semaphore_mem>>) src(%dma_wait3A_308 : memref<128xi32, #tpu.memory_space<hbm>>) dst(%arg10 : memref<128xi32, #tpu.memory_space<vmem>>)
    %dma_wait3A_309 = arith.constant 0 : i32
    %dma_wait3A_310 = tpu.memref_slice %arg3[%add3A_50, %dma_wait3A_309] : memref<256x128xi32, #tpu.memory_space<hbm>> -> memref<1x128xi32, #tpu.memory_space<hbm>>
    %dma_wait3A_311 = tpu.memref_squeeze %dma_wait3A_310 : memref<1x128xi32, #tpu.memory_space<hbm>> -> memref<128xi32, #tpu.memory_space<hbm>>
    %dma_wait3A_312 = arith.constant 0 : i32
    %dma_wait3A_313 = tpu.memref_slice %arg3[%add3A_50, %dma_wait3A_312] : memref<256x128xi32, #tpu.memory_space<hbm>> -> memref<1x128xi32, #tpu.memory_space<hbm>>
    %dma_wait3A_314 = tpu.memref_squeeze %dma_wait3A_313 : memref<1x128xi32, #tpu.memory_space<hbm>> -> memref<128xi32, #tpu.memory_space<hbm>>
    tpu.wait_dma2 semaphore(%arg55 : memref<!tpu.dma_semaphore, #tpu.memory_space<semaphore_mem>>) src(%dma_wait3A_314 : memref<128xi32, #tpu.memory_space<hbm>>) dst(%arg11 : memref<128xi32, #tpu.memory_space<vmem>>)
    %dma_wait3A_315 = arith.constant 0 : i32
    %dma_wait3A_316 = tpu.memref_slice %arg3[%add3A_58, %dma_wait3A_315] : memref<256x128xi32, #tpu.memory_space<hbm>> -> memref<1x128xi32, #tpu.memory_space<hbm>>
    %dma_wait3A_317 = tpu.memref_squeeze %dma_wait3A_316 : memref<1x128xi32, #tpu.memory_space<hbm>> -> memref<128xi32, #tpu.memory_space<hbm>>
    %dma_wait3A_318 = arith.constant 0 : i32
    %dma_wait3A_319 = tpu.memref_slice %arg3[%add3A_58, %dma_wait3A_318] : memref<256x128xi32, #tpu.memory_space<hbm>> -> memref<1x128xi32, #tpu.memory_space<hbm>>
    %dma_wait3A_320 = tpu.memref_squeeze %dma_wait3A_319 : memref<1x128xi32, #tpu.memory_space<hbm>> -> memref<128xi32, #tpu.memory_space<hbm>>
    tpu.wait_dma2 semaphore(%arg55 : memref<!tpu.dma_semaphore, #tpu.memory_space<semaphore_mem>>) src(%dma_wait3A_320 : memref<128xi32, #tpu.memory_space<hbm>>) dst(%arg12 : memref<128xi32, #tpu.memory_space<vmem>>)
    %dma_wait3A_321 = arith.constant 0 : i32
    %dma_wait3A_322 = tpu.memref_slice %arg3[%add3A_66, %dma_wait3A_321] : memref<256x128xi32, #tpu.memory_space<hbm>> -> memref<1x128xi32, #tpu.memory_space<hbm>>
    %dma_wait3A_323 = tpu.memref_squeeze %dma_wait3A_322 : memref<1x128xi32, #tpu.memory_space<hbm>> -> memref<128xi32, #tpu.memory_space<hbm>>
    %dma_wait3A_324 = arith.constant 0 : i32
    %dma_wait3A_325 = tpu.memref_slice %arg3[%add3A_66, %dma_wait3A_324] : memref<256x128xi32, #tpu.memory_space<hbm>> -> memref<1x128xi32, #tpu.memory_space<hbm>>
    %dma_wait3A_326 = tpu.memref_squeeze %dma_wait3A_325 : memref<1x128xi32, #tpu.memory_space<hbm>> -> memref<128xi32, #tpu.memory_space<hbm>>
    tpu.wait_dma2 semaphore(%arg55 : memref<!tpu.dma_semaphore, #tpu.memory_space<semaphore_mem>>) src(%dma_wait3A_326 : memref<128xi32, #tpu.memory_space<hbm>>) dst(%arg13 : memref<128xi32, #tpu.memory_space<vmem>>)
    %dma_wait3A_327 = arith.constant 0 : i32
    %dma_wait3A_328 = tpu.memref_slice %arg3[%add3A_74, %dma_wait3A_327] : memref<256x128xi32, #tpu.memory_space<hbm>> -> memref<1x128xi32, #tpu.memory_space<hbm>>
    %dma_wait3A_329 = tpu.memref_squeeze %dma_wait3A_328 : memref<1x128xi32, #tpu.memory_space<hbm>> -> memref<128xi32, #tpu.memory_space<hbm>>
    %dma_wait3A_330 = arith.constant 0 : i32
    %dma_wait3A_331 = tpu.memref_slice %arg3[%add3A_74, %dma_wait3A_330] : memref<256x128xi32, #tpu.memory_space<hbm>> -> memref<1x128xi32, #tpu.memory_space<hbm>>
    %dma_wait3A_332 = tpu.memref_squeeze %dma_wait3A_331 : memref<1x128xi32, #tpu.memory_space<hbm>> -> memref<128xi32, #tpu.memory_space<hbm>>
    tpu.wait_dma2 semaphore(%arg55 : memref<!tpu.dma_semaphore, #tpu.memory_space<semaphore_mem>>) src(%dma_wait3A_332 : memref<128xi32, #tpu.memory_space<hbm>>) dst(%arg14 : memref<128xi32, #tpu.memory_space<vmem>>)
    %dma_wait3A_333 = arith.constant 0 : i32
    %dma_wait3A_334 = tpu.memref_slice %arg3[%add3A_82, %dma_wait3A_333] : memref<256x128xi32, #tpu.memory_space<hbm>> -> memref<1x128xi32, #tpu.memory_space<hbm>>
    %dma_wait3A_335 = tpu.memref_squeeze %dma_wait3A_334 : memref<1x128xi32, #tpu.memory_space<hbm>> -> memref<128xi32, #tpu.memory_space<hbm>>
    %dma_wait3A_336 = arith.constant 0 : i32
    %dma_wait3A_337 = tpu.memref_slice %arg3[%add3A_82, %dma_wait3A_336] : memref<256x128xi32, #tpu.memory_space<hbm>> -> memref<1x128xi32, #tpu.memory_space<hbm>>
    %dma_wait3A_338 = tpu.memref_squeeze %dma_wait3A_337 : memref<1x128xi32, #tpu.memory_space<hbm>> -> memref<128xi32, #tpu.memory_space<hbm>>
    tpu.wait_dma2 semaphore(%arg55 : memref<!tpu.dma_semaphore, #tpu.memory_space<semaphore_mem>>) src(%dma_wait3A_338 : memref<128xi32, #tpu.memory_space<hbm>>) dst(%arg15 : memref<128xi32, #tpu.memory_space<vmem>>)
    %dma_wait3A_339 = arith.constant 0 : i32
    %dma_wait3A_340 = tpu.memref_slice %arg3[%add3A_90, %dma_wait3A_339] : memref<256x128xi32, #tpu.memory_space<hbm>> -> memref<1x128xi32, #tpu.memory_space<hbm>>
    %dma_wait3A_341 = tpu.memref_squeeze %dma_wait3A_340 : memref<1x128xi32, #tpu.memory_space<hbm>> -> memref<128xi32, #tpu.memory_space<hbm>>
    %dma_wait3A_342 = arith.constant 0 : i32
    %dma_wait3A_343 = tpu.memref_slice %arg3[%add3A_90, %dma_wait3A_342] : memref<256x128xi32, #tpu.memory_space<hbm>> -> memref<1x128xi32, #tpu.memory_space<hbm>>
    %dma_wait3A_344 = tpu.memref_squeeze %dma_wait3A_343 : memref<1x128xi32, #tpu.memory_space<hbm>> -> memref<128xi32, #tpu.memory_space<hbm>>
    tpu.wait_dma2 semaphore(%arg55 : memref<!tpu.dma_semaphore, #tpu.memory_space<semaphore_mem>>) src(%dma_wait3A_344 : memref<128xi32, #tpu.memory_space<hbm>>) dst(%arg16 : memref<128xi32, #tpu.memory_space<vmem>>)
    %dma_wait3A_345 = arith.constant 0 : i32
    %dma_wait3A_346 = tpu.memref_slice %arg3[%add3A_98, %dma_wait3A_345] : memref<256x128xi32, #tpu.memory_space<hbm>> -> memref<1x128xi32, #tpu.memory_space<hbm>>
    %dma_wait3A_347 = tpu.memref_squeeze %dma_wait3A_346 : memref<1x128xi32, #tpu.memory_space<hbm>> -> memref<128xi32, #tpu.memory_space<hbm>>
    %dma_wait3A_348 = arith.constant 0 : i32
    %dma_wait3A_349 = tpu.memref_slice %arg3[%add3A_98, %dma_wait3A_348] : memref<256x128xi32, #tpu.memory_space<hbm>> -> memref<1x128xi32, #tpu.memory_space<hbm>>
    %dma_wait3A_350 = tpu.memref_squeeze %dma_wait3A_349 : memref<1x128xi32, #tpu.memory_space<hbm>> -> memref<128xi32, #tpu.memory_space<hbm>>
    tpu.wait_dma2 semaphore(%arg55 : memref<!tpu.dma_semaphore, #tpu.memory_space<semaphore_mem>>) src(%dma_wait3A_350 : memref<128xi32, #tpu.memory_space<hbm>>) dst(%arg17 : memref<128xi32, #tpu.memory_space<vmem>>)
    %dma_wait3A_351 = arith.constant 0 : i32
    %dma_wait3A_352 = tpu.memref_slice %arg3[%add3A_106, %dma_wait3A_351] : memref<256x128xi32, #tpu.memory_space<hbm>> -> memref<1x128xi32, #tpu.memory_space<hbm>>
    %dma_wait3A_353 = tpu.memref_squeeze %dma_wait3A_352 : memref<1x128xi32, #tpu.memory_space<hbm>> -> memref<128xi32, #tpu.memory_space<hbm>>
    %dma_wait3A_354 = arith.constant 0 : i32
    %dma_wait3A_355 = tpu.memref_slice %arg3[%add3A_106, %dma_wait3A_354] : memref<256x128xi32, #tpu.memory_space<hbm>> -> memref<1x128xi32, #tpu.memory_space<hbm>>
    %dma_wait3A_356 = tpu.memref_squeeze %dma_wait3A_355 : memref<1x128xi32, #tpu.memory_space<hbm>> -> memref<128xi32, #tpu.memory_space<hbm>>
    tpu.wait_dma2 semaphore(%arg55 : memref<!tpu.dma_semaphore, #tpu.memory_space<semaphore_mem>>) src(%dma_wait3A_356 : memref<128xi32, #tpu.memory_space<hbm>>) dst(%arg18 : memref<128xi32, #tpu.memory_space<vmem>>)
    %dma_wait3A_357 = arith.constant 0 : i32
    %dma_wait3A_358 = tpu.memref_slice %arg3[%add3A_114, %dma_wait3A_357] : memref<256x128xi32, #tpu.memory_space<hbm>> -> memref<1x128xi32, #tpu.memory_space<hbm>>
    %dma_wait3A_359 = tpu.memref_squeeze %dma_wait3A_358 : memref<1x128xi32, #tpu.memory_space<hbm>> -> memref<128xi32, #tpu.memory_space<hbm>>
    %dma_wait3A_360 = arith.constant 0 : i32
    %dma_wait3A_361 = tpu.memref_slice %arg3[%add3A_114, %dma_wait3A_360] : memref<256x128xi32, #tpu.memory_space<hbm>> -> memref<1x128xi32, #tpu.memory_space<hbm>>
    %dma_wait3A_362 = tpu.memref_squeeze %dma_wait3A_361 : memref<1x128xi32, #tpu.memory_space<hbm>> -> memref<128xi32, #tpu.memory_space<hbm>>
    tpu.wait_dma2 semaphore(%arg55 : memref<!tpu.dma_semaphore, #tpu.memory_space<semaphore_mem>>) src(%dma_wait3A_362 : memref<128xi32, #tpu.memory_space<hbm>>) dst(%arg19 : memref<128xi32, #tpu.memory_space<vmem>>)
    %dma_wait3A_363 = arith.constant 0 : i32
    %dma_wait3A_364 = tpu.memref_slice %arg3[%add3A_122, %dma_wait3A_363] : memref<256x128xi32, #tpu.memory_space<hbm>> -> memref<1x128xi32, #tpu.memory_space<hbm>>
    %dma_wait3A_365 = tpu.memref_squeeze %dma_wait3A_364 : memref<1x128xi32, #tpu.memory_space<hbm>> -> memref<128xi32, #tpu.memory_space<hbm>>
    %dma_wait3A_366 = arith.constant 0 : i32
    %dma_wait3A_367 = tpu.memref_slice %arg3[%add3A_122, %dma_wait3A_366] : memref<256x128xi32, #tpu.memory_space<hbm>> -> memref<1x128xi32, #tpu.memory_space<hbm>>
    %dma_wait3A_368 = tpu.memref_squeeze %dma_wait3A_367 : memref<1x128xi32, #tpu.memory_space<hbm>> -> memref<128xi32, #tpu.memory_space<hbm>>
    tpu.wait_dma2 semaphore(%arg55 : memref<!tpu.dma_semaphore, #tpu.memory_space<semaphore_mem>>) src(%dma_wait3A_368 : memref<128xi32, #tpu.memory_space<hbm>>) dst(%arg20 : memref<128xi32, #tpu.memory_space<vmem>>)
    %dma_wait3A_369 = arith.constant 0 : i32
    %dma_wait3A_370 = tpu.memref_slice %arg2[%add3A_130, %dma_wait3A_369] : memref<256x128xf32, #tpu.memory_space<hbm>> -> memref<1x128xf32, #tpu.memory_space<hbm>>
    %dma_wait3A_371 = tpu.memref_squeeze %dma_wait3A_370 : memref<1x128xf32, #tpu.memory_space<hbm>> -> memref<128xf32, #tpu.memory_space<hbm>>
    %dma_wait3A_372 = arith.constant 0 : i32
    %dma_wait3A_373 = tpu.memref_slice %arg2[%add3A_130, %dma_wait3A_372] : memref<256x128xf32, #tpu.memory_space<hbm>> -> memref<1x128xf32, #tpu.memory_space<hbm>>
    %dma_wait3A_374 = tpu.memref_squeeze %dma_wait3A_373 : memref<1x128xf32, #tpu.memory_space<hbm>> -> memref<128xf32, #tpu.memory_space<hbm>>
    tpu.wait_dma2 semaphore(%arg55 : memref<!tpu.dma_semaphore, #tpu.memory_space<semaphore_mem>>) src(%dma_wait3A_374 : memref<128xf32, #tpu.memory_space<hbm>>) dst(%arg21 : memref<128xf32, #tpu.memory_space<vmem>>)
    %dma_wait3A_375 = arith.constant 0 : i32
    %dma_wait3A_376 = tpu.memref_slice %arg2[%add3A_138, %dma_wait3A_375] : memref<256x128xf32, #tpu.memory_space<hbm>> -> memref<1x128xf32, #tpu.memory_space<hbm>>
    %dma_wait3A_377 = tpu.memref_squeeze %dma_wait3A_376 : memref<1x128xf32, #tpu.memory_space<hbm>> -> memref<128xf32, #tpu.memory_space<hbm>>
    %dma_wait3A_378 = arith.constant 0 : i32
    %dma_wait3A_379 = tpu.memref_slice %arg2[%add3A_138, %dma_wait3A_378] : memref<256x128xf32, #tpu.memory_space<hbm>> -> memref<1x128xf32, #tpu.memory_space<hbm>>
    %dma_wait3A_380 = tpu.memref_squeeze %dma_wait3A_379 : memref<1x128xf32, #tpu.memory_space<hbm>> -> memref<128xf32, #tpu.memory_space<hbm>>
    tpu.wait_dma2 semaphore(%arg55 : memref<!tpu.dma_semaphore, #tpu.memory_space<semaphore_mem>>) src(%dma_wait3A_380 : memref<128xf32, #tpu.memory_space<hbm>>) dst(%arg22 : memref<128xf32, #tpu.memory_space<vmem>>)
    %dma_wait3A_381 = arith.constant 0 : i32
    %dma_wait3A_382 = tpu.memref_slice %arg2[%add3A_146, %dma_wait3A_381] : memref<256x128xf32, #tpu.memory_space<hbm>> -> memref<1x128xf32, #tpu.memory_space<hbm>>
    %dma_wait3A_383 = tpu.memref_squeeze %dma_wait3A_382 : memref<1x128xf32, #tpu.memory_space<hbm>> -> memref<128xf32, #tpu.memory_space<hbm>>
    %dma_wait3A_384 = arith.constant 0 : i32
    %dma_wait3A_385 = tpu.memref_slice %arg2[%add3A_146, %dma_wait3A_384] : memref<256x128xf32, #tpu.memory_space<hbm>> -> memref<1x128xf32, #tpu.memory_space<hbm>>
    %dma_wait3A_386 = tpu.memref_squeeze %dma_wait3A_385 : memref<1x128xf32, #tpu.memory_space<hbm>> -> memref<128xf32, #tpu.memory_space<hbm>>
    tpu.wait_dma2 semaphore(%arg55 : memref<!tpu.dma_semaphore, #tpu.memory_space<semaphore_mem>>) src(%dma_wait3A_386 : memref<128xf32, #tpu.memory_space<hbm>>) dst(%arg23 : memref<128xf32, #tpu.memory_space<vmem>>)
    %dma_wait3A_387 = arith.constant 0 : i32
    %dma_wait3A_388 = tpu.memref_slice %arg2[%add3A_154, %dma_wait3A_387] : memref<256x128xf32, #tpu.memory_space<hbm>> -> memref<1x128xf32, #tpu.memory_space<hbm>>
    %dma_wait3A_389 = tpu.memref_squeeze %dma_wait3A_388 : memref<1x128xf32, #tpu.memory_space<hbm>> -> memref<128xf32, #tpu.memory_space<hbm>>
    %dma_wait3A_390 = arith.constant 0 : i32
    %dma_wait3A_391 = tpu.memref_slice %arg2[%add3A_154, %dma_wait3A_390] : memref<256x128xf32, #tpu.memory_space<hbm>> -> memref<1x128xf32, #tpu.memory_space<hbm>>
    %dma_wait3A_392 = tpu.memref_squeeze %dma_wait3A_391 : memref<1x128xf32, #tpu.memory_space<hbm>> -> memref<128xf32, #tpu.memory_space<hbm>>
    tpu.wait_dma2 semaphore(%arg55 : memref<!tpu.dma_semaphore, #tpu.memory_space<semaphore_mem>>) src(%dma_wait3A_392 : memref<128xf32, #tpu.memory_space<hbm>>) dst(%arg24 : memref<128xf32, #tpu.memory_space<vmem>>)
    %dma_wait3A_393 = arith.constant 0 : i32
    %dma_wait3A_394 = tpu.memref_slice %arg2[%add3A_162, %dma_wait3A_393] : memref<256x128xf32, #tpu.memory_space<hbm>> -> memref<1x128xf32, #tpu.memory_space<hbm>>
    %dma_wait3A_395 = tpu.memref_squeeze %dma_wait3A_394 : memref<1x128xf32, #tpu.memory_space<hbm>> -> memref<128xf32, #tpu.memory_space<hbm>>
    %dma_wait3A_396 = arith.constant 0 : i32
    %dma_wait3A_397 = tpu.memref_slice %arg2[%add3A_162, %dma_wait3A_396] : memref<256x128xf32, #tpu.memory_space<hbm>> -> memref<1x128xf32, #tpu.memory_space<hbm>>
    %dma_wait3A_398 = tpu.memref_squeeze %dma_wait3A_397 : memref<1x128xf32, #tpu.memory_space<hbm>> -> memref<128xf32, #tpu.memory_space<hbm>>
    tpu.wait_dma2 semaphore(%arg55 : memref<!tpu.dma_semaphore, #tpu.memory_space<semaphore_mem>>) src(%dma_wait3A_398 : memref<128xf32, #tpu.memory_space<hbm>>) dst(%arg25 : memref<128xf32, #tpu.memory_space<vmem>>)
    %dma_wait3A_399 = arith.constant 0 : i32
    %dma_wait3A_400 = tpu.memref_slice %arg2[%add3A_170, %dma_wait3A_399] : memref<256x128xf32, #tpu.memory_space<hbm>> -> memref<1x128xf32, #tpu.memory_space<hbm>>
    %dma_wait3A_401 = tpu.memref_squeeze %dma_wait3A_400 : memref<1x128xf32, #tpu.memory_space<hbm>> -> memref<128xf32, #tpu.memory_space<hbm>>
    %dma_wait3A_402 = arith.constant 0 : i32
    %dma_wait3A_403 = tpu.memref_slice %arg2[%add3A_170, %dma_wait3A_402] : memref<256x128xf32, #tpu.memory_space<hbm>> -> memref<1x128xf32, #tpu.memory_space<hbm>>
    %dma_wait3A_404 = tpu.memref_squeeze %dma_wait3A_403 : memref<1x128xf32, #tpu.memory_space<hbm>> -> memref<128xf32, #tpu.memory_space<hbm>>
    tpu.wait_dma2 semaphore(%arg55 : memref<!tpu.dma_semaphore, #tpu.memory_space<semaphore_mem>>) src(%dma_wait3A_404 : memref<128xf32, #tpu.memory_space<hbm>>) dst(%arg26 : memref<128xf32, #tpu.memory_space<vmem>>)
    %dma_wait3A_405 = arith.constant 0 : i32
    %dma_wait3A_406 = tpu.memref_slice %arg2[%add3A_178, %dma_wait3A_405] : memref<256x128xf32, #tpu.memory_space<hbm>> -> memref<1x128xf32, #tpu.memory_space<hbm>>
    %dma_wait3A_407 = tpu.memref_squeeze %dma_wait3A_406 : memref<1x128xf32, #tpu.memory_space<hbm>> -> memref<128xf32, #tpu.memory_space<hbm>>
    %dma_wait3A_408 = arith.constant 0 : i32
    %dma_wait3A_409 = tpu.memref_slice %arg2[%add3A_178, %dma_wait3A_408] : memref<256x128xf32, #tpu.memory_space<hbm>> -> memref<1x128xf32, #tpu.memory_space<hbm>>
    %dma_wait3A_410 = tpu.memref_squeeze %dma_wait3A_409 : memref<1x128xf32, #tpu.memory_space<hbm>> -> memref<128xf32, #tpu.memory_space<hbm>>
    tpu.wait_dma2 semaphore(%arg55 : memref<!tpu.dma_semaphore, #tpu.memory_space<semaphore_mem>>) src(%dma_wait3A_410 : memref<128xf32, #tpu.memory_space<hbm>>) dst(%arg27 : memref<128xf32, #tpu.memory_space<vmem>>)
    %dma_wait3A_411 = arith.constant 0 : i32
    %dma_wait3A_412 = tpu.memref_slice %arg2[%add3A_186, %dma_wait3A_411] : memref<256x128xf32, #tpu.memory_space<hbm>> -> memref<1x128xf32, #tpu.memory_space<hbm>>
    %dma_wait3A_413 = tpu.memref_squeeze %dma_wait3A_412 : memref<1x128xf32, #tpu.memory_space<hbm>> -> memref<128xf32, #tpu.memory_space<hbm>>
    %dma_wait3A_414 = arith.constant 0 : i32
    %dma_wait3A_415 = tpu.memref_slice %arg2[%add3A_186, %dma_wait3A_414] : memref<256x128xf32, #tpu.memory_space<hbm>> -> memref<1x128xf32, #tpu.memory_space<hbm>>
    %dma_wait3A_416 = tpu.memref_squeeze %dma_wait3A_415 : memref<1x128xf32, #tpu.memory_space<hbm>> -> memref<128xf32, #tpu.memory_space<hbm>>
    tpu.wait_dma2 semaphore(%arg55 : memref<!tpu.dma_semaphore, #tpu.memory_space<semaphore_mem>>) src(%dma_wait3A_416 : memref<128xf32, #tpu.memory_space<hbm>>) dst(%arg28 : memref<128xf32, #tpu.memory_space<vmem>>)
    %dma_wait3A_417 = arith.constant 0 : i32
    %dma_wait3A_418 = tpu.memref_slice %arg2[%add3A_194, %dma_wait3A_417] : memref<256x128xf32, #tpu.memory_space<hbm>> -> memref<1x128xf32, #tpu.memory_space<hbm>>
    %dma_wait3A_419 = tpu.memref_squeeze %dma_wait3A_418 : memref<1x128xf32, #tpu.memory_space<hbm>> -> memref<128xf32, #tpu.memory_space<hbm>>
    %dma_wait3A_420 = arith.constant 0 : i32
    %dma_wait3A_421 = tpu.memref_slice %arg2[%add3A_194, %dma_wait3A_420] : memref<256x128xf32, #tpu.memory_space<hbm>> -> memref<1x128xf32, #tpu.memory_space<hbm>>
    %dma_wait3A_422 = tpu.memref_squeeze %dma_wait3A_421 : memref<1x128xf32, #tpu.memory_space<hbm>> -> memref<128xf32, #tpu.memory_space<hbm>>
    tpu.wait_dma2 semaphore(%arg55 : memref<!tpu.dma_semaphore, #tpu.memory_space<semaphore_mem>>) src(%dma_wait3A_422 : memref<128xf32, #tpu.memory_space<hbm>>) dst(%arg29 : memref<128xf32, #tpu.memory_space<vmem>>)
    %dma_wait3A_423 = arith.constant 0 : i32
    %dma_wait3A_424 = tpu.memref_slice %arg2[%add3A_202, %dma_wait3A_423] : memref<256x128xf32, #tpu.memory_space<hbm>> -> memref<1x128xf32, #tpu.memory_space<hbm>>
    %dma_wait3A_425 = tpu.memref_squeeze %dma_wait3A_424 : memref<1x128xf32, #tpu.memory_space<hbm>> -> memref<128xf32, #tpu.memory_space<hbm>>
    %dma_wait3A_426 = arith.constant 0 : i32
    %dma_wait3A_427 = tpu.memref_slice %arg2[%add3A_202, %dma_wait3A_426] : memref<256x128xf32, #tpu.memory_space<hbm>> -> memref<1x128xf32, #tpu.memory_space<hbm>>
    %dma_wait3A_428 = tpu.memref_squeeze %dma_wait3A_427 : memref<1x128xf32, #tpu.memory_space<hbm>> -> memref<128xf32, #tpu.memory_space<hbm>>
    tpu.wait_dma2 semaphore(%arg55 : memref<!tpu.dma_semaphore, #tpu.memory_space<semaphore_mem>>) src(%dma_wait3A_428 : memref<128xf32, #tpu.memory_space<hbm>>) dst(%arg30 : memref<128xf32, #tpu.memory_space<vmem>>)
    %dma_wait3A_429 = arith.constant 0 : i32
    %dma_wait3A_430 = tpu.memref_slice %arg2[%add3A_210, %dma_wait3A_429] : memref<256x128xf32, #tpu.memory_space<hbm>> -> memref<1x128xf32, #tpu.memory_space<hbm>>
    %dma_wait3A_431 = tpu.memref_squeeze %dma_wait3A_430 : memref<1x128xf32, #tpu.memory_space<hbm>> -> memref<128xf32, #tpu.memory_space<hbm>>
    %dma_wait3A_432 = arith.constant 0 : i32
    %dma_wait3A_433 = tpu.memref_slice %arg2[%add3A_210, %dma_wait3A_432] : memref<256x128xf32, #tpu.memory_space<hbm>> -> memref<1x128xf32, #tpu.memory_space<hbm>>
    %dma_wait3A_434 = tpu.memref_squeeze %dma_wait3A_433 : memref<1x128xf32, #tpu.memory_space<hbm>> -> memref<128xf32, #tpu.memory_space<hbm>>
    tpu.wait_dma2 semaphore(%arg55 : memref<!tpu.dma_semaphore, #tpu.memory_space<semaphore_mem>>) src(%dma_wait3A_434 : memref<128xf32, #tpu.memory_space<hbm>>) dst(%arg31 : memref<128xf32, #tpu.memory_space<vmem>>)
    %dma_wait3A_435 = arith.constant 0 : i32
    %dma_wait3A_436 = tpu.memref_slice %arg2[%add3A_218, %dma_wait3A_435] : memref<256x128xf32, #tpu.memory_space<hbm>> -> memref<1x128xf32, #tpu.memory_space<hbm>>
    %dma_wait3A_437 = tpu.memref_squeeze %dma_wait3A_436 : memref<1x128xf32, #tpu.memory_space<hbm>> -> memref<128xf32, #tpu.memory_space<hbm>>
    %dma_wait3A_438 = arith.constant 0 : i32
    %dma_wait3A_439 = tpu.memref_slice %arg2[%add3A_218, %dma_wait3A_438] : memref<256x128xf32, #tpu.memory_space<hbm>> -> memref<1x128xf32, #tpu.memory_space<hbm>>
    %dma_wait3A_440 = tpu.memref_squeeze %dma_wait3A_439 : memref<1x128xf32, #tpu.memory_space<hbm>> -> memref<128xf32, #tpu.memory_space<hbm>>
    tpu.wait_dma2 semaphore(%arg55 : memref<!tpu.dma_semaphore, #tpu.memory_space<semaphore_mem>>) src(%dma_wait3A_440 : memref<128xf32, #tpu.memory_space<hbm>>) dst(%arg32 : memref<128xf32, #tpu.memory_space<vmem>>)
    %dma_wait3A_441 = arith.constant 0 : i32
    %dma_wait3A_442 = tpu.memref_slice %arg2[%add3A_226, %dma_wait3A_441] : memref<256x128xf32, #tpu.memory_space<hbm>> -> memref<1x128xf32, #tpu.memory_space<hbm>>
    %dma_wait3A_443 = tpu.memref_squeeze %dma_wait3A_442 : memref<1x128xf32, #tpu.memory_space<hbm>> -> memref<128xf32, #tpu.memory_space<hbm>>
    %dma_wait3A_444 = arith.constant 0 : i32
    %dma_wait3A_445 = tpu.memref_slice %arg2[%add3A_226, %dma_wait3A_444] : memref<256x128xf32, #tpu.memory_space<hbm>> -> memref<1x128xf32, #tpu.memory_space<hbm>>
    %dma_wait3A_446 = tpu.memref_squeeze %dma_wait3A_445 : memref<1x128xf32, #tpu.memory_space<hbm>> -> memref<128xf32, #tpu.memory_space<hbm>>
    tpu.wait_dma2 semaphore(%arg55 : memref<!tpu.dma_semaphore, #tpu.memory_space<semaphore_mem>>) src(%dma_wait3A_446 : memref<128xf32, #tpu.memory_space<hbm>>) dst(%arg33 : memref<128xf32, #tpu.memory_space<vmem>>)
    %dma_wait3A_447 = arith.constant 0 : i32
    %dma_wait3A_448 = tpu.memref_slice %arg2[%add3A_234, %dma_wait3A_447] : memref<256x128xf32, #tpu.memory_space<hbm>> -> memref<1x128xf32, #tpu.memory_space<hbm>>
    %dma_wait3A_449 = tpu.memref_squeeze %dma_wait3A_448 : memref<1x128xf32, #tpu.memory_space<hbm>> -> memref<128xf32, #tpu.memory_space<hbm>>
    %dma_wait3A_450 = arith.constant 0 : i32
    %dma_wait3A_451 = tpu.memref_slice %arg2[%add3A_234, %dma_wait3A_450] : memref<256x128xf32, #tpu.memory_space<hbm>> -> memref<1x128xf32, #tpu.memory_space<hbm>>
    %dma_wait3A_452 = tpu.memref_squeeze %dma_wait3A_451 : memref<1x128xf32, #tpu.memory_space<hbm>> -> memref<128xf32, #tpu.memory_space<hbm>>
    tpu.wait_dma2 semaphore(%arg55 : memref<!tpu.dma_semaphore, #tpu.memory_space<semaphore_mem>>) src(%dma_wait3A_452 : memref<128xf32, #tpu.memory_space<hbm>>) dst(%arg34 : memref<128xf32, #tpu.memory_space<vmem>>)
    %dma_wait3A_453 = arith.constant 0 : i32
    %dma_wait3A_454 = tpu.memref_slice %arg2[%add3A_242, %dma_wait3A_453] : memref<256x128xf32, #tpu.memory_space<hbm>> -> memref<1x128xf32, #tpu.memory_space<hbm>>
    %dma_wait3A_455 = tpu.memref_squeeze %dma_wait3A_454 : memref<1x128xf32, #tpu.memory_space<hbm>> -> memref<128xf32, #tpu.memory_space<hbm>>
    %dma_wait3A_456 = arith.constant 0 : i32
    %dma_wait3A_457 = tpu.memref_slice %arg2[%add3A_242, %dma_wait3A_456] : memref<256x128xf32, #tpu.memory_space<hbm>> -> memref<1x128xf32, #tpu.memory_space<hbm>>
    %dma_wait3A_458 = tpu.memref_squeeze %dma_wait3A_457 : memref<1x128xf32, #tpu.memory_space<hbm>> -> memref<128xf32, #tpu.memory_space<hbm>>
    tpu.wait_dma2 semaphore(%arg55 : memref<!tpu.dma_semaphore, #tpu.memory_space<semaphore_mem>>) src(%dma_wait3A_458 : memref<128xf32, #tpu.memory_space<hbm>>) dst(%arg35 : memref<128xf32, #tpu.memory_space<vmem>>)
    %dma_wait3A_459 = arith.constant 0 : i32
    %dma_wait3A_460 = tpu.memref_slice %arg2[%add3A_250, %dma_wait3A_459] : memref<256x128xf32, #tpu.memory_space<hbm>> -> memref<1x128xf32, #tpu.memory_space<hbm>>
    %dma_wait3A_461 = tpu.memref_squeeze %dma_wait3A_460 : memref<1x128xf32, #tpu.memory_space<hbm>> -> memref<128xf32, #tpu.memory_space<hbm>>
    %dma_wait3A_462 = arith.constant 0 : i32
    %dma_wait3A_463 = tpu.memref_slice %arg2[%add3A_250, %dma_wait3A_462] : memref<256x128xf32, #tpu.memory_space<hbm>> -> memref<1x128xf32, #tpu.memory_space<hbm>>
    %dma_wait3A_464 = tpu.memref_squeeze %dma_wait3A_463 : memref<1x128xf32, #tpu.memory_space<hbm>> -> memref<128xf32, #tpu.memory_space<hbm>>
    tpu.wait_dma2 semaphore(%arg55 : memref<!tpu.dma_semaphore, #tpu.memory_space<semaphore_mem>>) src(%dma_wait3A_464 : memref<128xf32, #tpu.memory_space<hbm>>) dst(%arg36 : memref<128xf32, #tpu.memory_space<vmem>>)
    %get3A = arith.constant 0 : index
    %get3A_465 = tpu.vector_load %arg5[%get3A] {strides = array<i32>} : memref<128xi32, #tpu.memory_space<vmem>>, vector<16xi32>,
    %sub3A = vector.broadcast %mul3A_0 : i32 to vector<16xi32>
    %sub3A_466 = arith.subi %get3A_465, %sub3A : vector<16xi32>
    %ge3A = arith.constant 0 : i32
    %ge3A_467 = vector.broadcast %ge3A : i32 to vector<16xi32>
    %ge3A_468 = arith.cmpi sge, %sub3A_466, %ge3A_467 : vector<16xi32>
    %lt3A = arith.constant 502016 : i32
    %lt3A_469 = vector.broadcast %lt3A : i32 to vector<16xi32>
    %lt3A_470 = arith.cmpi slt, %sub3A_466, %lt3A_469 : vector<16xi32>
    %and3A = arith.andi %ge3A_468, %lt3A_470 : vector<16xi1>
    %jit3A = arith.constant 502016 : i32
    %broadcast_in_dim3A = vector.broadcast %jit3A : i32 to vector<16xi32>
    %select_n3A = arith.select %and3A, %sub3A_466, %broadcast_in_dim3A : vector<16xi1>, vector<16xi32>
    %swap3A = arith.constant 0 : index
    %swap3A_471 = tpu.vector_load %arg37[%swap3A] {strides = array<i32>} : memref<128xi32, #tpu.memory_space<vmem>>, vector<16xi32>,
    tpu.vector_store %arg37[%swap3A], %select_n3A {strides = array<i32>} : memref<128xi32, #tpu.memory_space<vmem>>, vector<16xi32>,
    %get3A_472 = arith.constant 16 : index
    %get3A_473 = tpu.vector_load %arg5[%get3A_472] {strides = array<i32>} : memref<128xi32, #tpu.memory_space<vmem>>, vector<16xi32>,
    %sub3A_474 = vector.broadcast %mul3A_0 : i32 to vector<16xi32>
    %sub3A_475 = arith.subi %get3A_473, %sub3A_474 : vector<16xi32>
    %ge3A_476 = arith.constant 0 : i32
    %ge3A_477 = vector.broadcast %ge3A_476 : i32 to vector<16xi32>
    %ge3A_478 = arith.cmpi sge, %sub3A_475, %ge3A_477 : vector<16xi32>
    %lt3A_479 = arith.constant 502016 : i32
    %lt3A_480 = vector.broadcast %lt3A_479 : i32 to vector<16xi32>
    %lt3A_481 = arith.cmpi slt, %sub3A_475, %lt3A_480 : vector<16xi32>
    %and3A_482 = arith.andi %ge3A_478, %lt3A_481 : vector<16xi1>
    %jit3A_483 = arith.constant 502016 : i32
    %broadcast_in_dim3A_484 = vector.broadcast %jit3A_483 : i32 to vector<16xi32>
    %select_n3A_485 = arith.select %and3A_482, %sub3A_475, %broadcast_in_dim3A_484 : vector<16xi1>, vector<16xi32>
    %swap3A_486 = arith.constant 16 : index
    %swap3A_487 = tpu.vector_load %arg37[%swap3A_486] {strides = array<i32>} : memref<128xi32, #tpu.memory_space<vmem>>, vector<16xi32>,
    tpu.vector_store %arg37[%swap3A_486], %select_n3A_485 {strides = array<i32>} : memref<128xi32, #tpu.memory_space<vmem>>, vector<16xi32>,
    %get3A_488 = arith.constant 32 : index
    %get3A_489 = tpu.vector_load %arg5[%get3A_488] {strides = array<i32>} : memref<128xi32, #tpu.memory_space<vmem>>, vector<16xi32>,
    %sub3A_490 = vector.broadcast %mul3A_0 : i32 to vector<16xi32>
    %sub3A_491 = arith.subi %get3A_489, %sub3A_490 : vector<16xi32>
    %ge3A_492 = arith.constant 0 : i32
    %ge3A_493 = vector.broadcast %ge3A_492 : i32 to vector<16xi32>
    %ge3A_494 = arith.cmpi sge, %sub3A_491, %ge3A_493 : vector<16xi32>
    %lt3A_495 = arith.constant 502016 : i32
    %lt3A_496 = vector.broadcast %lt3A_495 : i32 to vector<16xi32>
    %lt3A_497 = arith.cmpi slt, %sub3A_491, %lt3A_496 : vector<16xi32>
    %and3A_498 = arith.andi %ge3A_494, %lt3A_497 : vector<16xi1>
    %jit3A_499 = arith.constant 502016 : i32
    %broadcast_in_dim3A_500 = vector.broadcast %jit3A_499 : i32 to vector<16xi32>
    %select_n3A_501 = arith.select %and3A_498, %sub3A_491, %broadcast_in_dim3A_500 : vector<16xi1>, vector<16xi32>
    %swap3A_502 = arith.constant 32 : index
    %swap3A_503 = tpu.vector_load %arg37[%swap3A_502] {strides = array<i32>} : memref<128xi32, #tpu.memory_space<vmem>>, vector<16xi32>,
    tpu.vector_store %arg37[%swap3A_502], %select_n3A_501 {strides = array<i32>} : memref<128xi32, #tpu.memory_space<vmem>>, vector<16xi32>,
    %get3A_504 = arith.constant 48 : index
    %get3A_505 = tpu.vector_load %arg5[%get3A_504] {strides = array<i32>} : memref<128xi32, #tpu.memory_space<vmem>>, vector<16xi32>,
    %sub3A_506 = vector.broadcast %mul3A_0 : i32 to vector<16xi32>
    %sub3A_507 = arith.subi %get3A_505, %sub3A_506 : vector<16xi32>
    %ge3A_508 = arith.constant 0 : i32
    %ge3A_509 = vector.broadcast %ge3A_508 : i32 to vector<16xi32>
    %ge3A_510 = arith.cmpi sge, %sub3A_507, %ge3A_509 : vector<16xi32>
    %lt3A_511 = arith.constant 502016 : i32
    %lt3A_512 = vector.broadcast %lt3A_511 : i32 to vector<16xi32>
    %lt3A_513 = arith.cmpi slt, %sub3A_507, %lt3A_512 : vector<16xi32>
    %and3A_514 = arith.andi %ge3A_510, %lt3A_513 : vector<16xi1>
    %jit3A_515 = arith.constant 502016 : i32
    %broadcast_in_dim3A_516 = vector.broadcast %jit3A_515 : i32 to vector<16xi32>
    %select_n3A_517 = arith.select %and3A_514, %sub3A_507, %broadcast_in_dim3A_516 : vector<16xi1>, vector<16xi32>
    %swap3A_518 = arith.constant 48 : index
    %swap3A_519 = tpu.vector_load %arg37[%swap3A_518] {strides = array<i32>} : memref<128xi32, #tpu.memory_space<vmem>>, vector<16xi32>,
    tpu.vector_store %arg37[%swap3A_518], %select_n3A_517 {strides = array<i32>} : memref<128xi32, #tpu.memory_space<vmem>>, vector<16xi32>,
    %get3A_520 = arith.constant 64 : index
    %get3A_521 = tpu.vector_load %arg5[%get3A_520] {strides = array<i32>} : memref<128xi32, #tpu.memory_space<vmem>>, vector<16xi32>,
    %sub3A_522 = vector.broadcast %mul3A_0 : i32 to vector<16xi32>
    %sub3A_523 = arith.subi %get3A_521, %sub3A_522 : vector<16xi32>
    %ge3A_524 = arith.constant 0 : i32
    %ge3A_525 = vector.broadcast %ge3A_524 : i32 to vector<16xi32>
    %ge3A_526 = arith.cmpi sge, %sub3A_523, %ge3A_525 : vector<16xi32>
    %lt3A_527 = arith.constant 502016 : i32
    %lt3A_528 = vector.broadcast %lt3A_527 : i32 to vector<16xi32>
    %lt3A_529 = arith.cmpi slt, %sub3A_523, %lt3A_528 : vector<16xi32>
    %and3A_530 = arith.andi %ge3A_526, %lt3A_529 : vector<16xi1>
    %jit3A_531 = arith.constant 502016 : i32
    %broadcast_in_dim3A_532 = vector.broadcast %jit3A_531 : i32 to vector<16xi32>
    %select_n3A_533 = arith.select %and3A_530, %sub3A_523, %broadcast_in_dim3A_532 : vector<16xi1>, vector<16xi32>
    %swap3A_534 = arith.constant 64 : index
    %swap3A_535 = tpu.vector_load %arg37[%swap3A_534] {strides = array<i32>} : memref<128xi32, #tpu.memory_space<vmem>>, vector<16xi32>,
    tpu.vector_store %arg37[%swap3A_534], %select_n3A_533 {strides = array<i32>} : memref<128xi32, #tpu.memory_space<vmem>>, vector<16xi32>,
    %get3A_536 = arith.constant 80 : index
    %get3A_537 = tpu.vector_load %arg5[%get3A_536] {strides = array<i32>} : memref<128xi32, #tpu.memory_space<vmem>>, vector<16xi32>,
    %sub3A_538 = vector.broadcast %mul3A_0 : i32 to vector<16xi32>
    %sub3A_539 = arith.subi %get3A_537, %sub3A_538 : vector<16xi32>
    %ge3A_540 = arith.constant 0 : i32
    %ge3A_541 = vector.broadcast %ge3A_540 : i32 to vector<16xi32>
    %ge3A_542 = arith.cmpi sge, %sub3A_539, %ge3A_541 : vector<16xi32>
    %lt3A_543 = arith.constant 502016 : i32
    %lt3A_544 = vector.broadcast %lt3A_543 : i32 to vector<16xi32>
    %lt3A_545 = arith.cmpi slt, %sub3A_539, %lt3A_544 : vector<16xi32>
    %and3A_546 = arith.andi %ge3A_542, %lt3A_545 : vector<16xi1>
    %jit3A_547 = arith.constant 502016 : i32
    %broadcast_in_dim3A_548 = vector.broadcast %jit3A_547 : i32 to vector<16xi32>
    %select_n3A_549 = arith.select %and3A_546, %sub3A_539, %broadcast_in_dim3A_548 : vector<16xi1>, vector<16xi32>
    %swap3A_550 = arith.constant 80 : index
    %swap3A_551 = tpu.vector_load %arg37[%swap3A_550] {strides = array<i32>} : memref<128xi32, #tpu.memory_space<vmem>>, vector<16xi32>,
    tpu.vector_store %arg37[%swap3A_550], %select_n3A_549 {strides = array<i32>} : memref<128xi32, #tpu.memory_space<vmem>>, vector<16xi32>,
    %get3A_552 = arith.constant 96 : index
    %get3A_553 = tpu.vector_load %arg5[%get3A_552] {strides = array<i32>} : memref<128xi32, #tpu.memory_space<vmem>>, vector<16xi32>,
    %sub3A_554 = vector.broadcast %mul3A_0 : i32 to vector<16xi32>
    %sub3A_555 = arith.subi %get3A_553, %sub3A_554 : vector<16xi32>
    %ge3A_556 = arith.constant 0 : i32
    %ge3A_557 = vector.broadcast %ge3A_556 : i32 to vector<16xi32>
    %ge3A_558 = arith.cmpi sge, %sub3A_555, %ge3A_557 : vector<16xi32>
    %lt3A_559 = arith.constant 502016 : i32
    %lt3A_560 = vector.broadcast %lt3A_559 : i32 to vector<16xi32>
    %lt3A_561 = arith.cmpi slt, %sub3A_555, %lt3A_560 : vector<16xi32>
    %and3A_562 = arith.andi %ge3A_558, %lt3A_561 : vector<16xi1>
    %jit3A_563 = arith.constant 502016 : i32
    %broadcast_in_dim3A_564 = vector.broadcast %jit3A_563 : i32 to vector<16xi32>
    %select_n3A_565 = arith.select %and3A_562, %sub3A_555, %broadcast_in_dim3A_564 : vector<16xi1>, vector<16xi32>
    %swap3A_566 = arith.constant 96 : index
    %swap3A_567 = tpu.vector_load %arg37[%swap3A_566] {strides = array<i32>} : memref<128xi32, #tpu.memory_space<vmem>>, vector<16xi32>,
    tpu.vector_store %arg37[%swap3A_566], %select_n3A_565 {strides = array<i32>} : memref<128xi32, #tpu.memory_space<vmem>>, vector<16xi32>,
    %get3A_568 = arith.constant 112 : index
    %get3A_569 = tpu.vector_load %arg5[%get3A_568] {strides = array<i32>} : memref<128xi32, #tpu.memory_space<vmem>>, vector<16xi32>,
    %sub3A_570 = vector.broadcast %mul3A_0 : i32 to vector<16xi32>
    %sub3A_571 = arith.subi %get3A_569, %sub3A_570 : vector<16xi32>
    %ge3A_572 = arith.constant 0 : i32
    %ge3A_573 = vector.broadcast %ge3A_572 : i32 to vector<16xi32>
    %ge3A_574 = arith.cmpi sge, %sub3A_571, %ge3A_573 : vector<16xi32>
    %lt3A_575 = arith.constant 502016 : i32
    %lt3A_576 = vector.broadcast %lt3A_575 : i32 to vector<16xi32>
    %lt3A_577 = arith.cmpi slt, %sub3A_571, %lt3A_576 : vector<16xi32>
    %and3A_578 = arith.andi %ge3A_574, %lt3A_577 : vector<16xi1>
    %jit3A_579 = arith.constant 502016 : i32
    %broadcast_in_dim3A_580 = vector.broadcast %jit3A_579 : i32 to vector<16xi32>
    %select_n3A_581 = arith.select %and3A_578, %sub3A_571, %broadcast_in_dim3A_580 : vector<16xi1>, vector<16xi32>
    %swap3A_582 = arith.constant 112 : index
    %swap3A_583 = tpu.vector_load %arg37[%swap3A_582] {strides = array<i32>} : memref<128xi32, #tpu.memory_space<vmem>>, vector<16xi32>,
    tpu.vector_store %arg37[%swap3A_582], %select_n3A_581 {strides = array<i32>} : memref<128xi32, #tpu.memory_space<vmem>>, vector<16xi32>,
    %get3A_584 = arith.constant 0 : index
    %get3A_585 = tpu.vector_load %arg6[%get3A_584] {strides = array<i32>} : memref<128xi32, #tpu.memory_space<vmem>>, vector<16xi32>,
    %sub3A_586 = vector.broadcast %mul3A_0 : i32 to vector<16xi32>
    %sub3A_587 = arith.subi %get3A_585, %sub3A_586 : vector<16xi32>
    %ge3A_588 = arith.constant 0 : i32
    %ge3A_589 = vector.broadcast %ge3A_588 : i32 to vector<16xi32>
    %ge3A_590 = arith.cmpi sge, %sub3A_587, %ge3A_589 : vector<16xi32>
    %lt3A_591 = arith.constant 502016 : i32
    %lt3A_592 = vector.broadcast %lt3A_591 : i32 to vector<16xi32>
    %lt3A_593 = arith.cmpi slt, %sub3A_587, %lt3A_592 : vector<16xi32>
    %and3A_594 = arith.andi %ge3A_590, %lt3A_593 : vector<16xi1>
    %jit3A_595 = arith.constant 502016 : i32
    %broadcast_in_dim3A_596 = vector.broadcast %jit3A_595 : i32 to vector<16xi32>
    %select_n3A_597 = arith.select %and3A_594, %sub3A_587, %broadcast_in_dim3A_596 : vector<16xi1>, vector<16xi32>
    %swap3A_598 = arith.constant 0 : index
    %swap3A_599 = tpu.vector_load %arg38[%swap3A_598] {strides = array<i32>} : memref<128xi32, #tpu.memory_space<vmem>>, vector<16xi32>,
    tpu.vector_store %arg38[%swap3A_598], %select_n3A_597 {strides = array<i32>} : memref<128xi32, #tpu.memory_space<vmem>>, vector<16xi32>,
    %get3A_600 = arith.constant 16 : index
    %get3A_601 = tpu.vector_load %arg6[%get3A_600] {strides = array<i32>} : memref<128xi32, #tpu.memory_space<vmem>>, vector<16xi32>,
    %sub3A_602 = vector.broadcast %mul3A_0 : i32 to vector<16xi32>
    %sub3A_603 = arith.subi %get3A_601, %sub3A_602 : vector<16xi32>
    %ge3A_604 = arith.constant 0 : i32
    %ge3A_605 = vector.broadcast %ge3A_604 : i32 to vector<16xi32>
    %ge3A_606 = arith.cmpi sge, %sub3A_603, %ge3A_605 : vector<16xi32>
    %lt3A_607 = arith.constant 502016 : i32
    %lt3A_608 = vector.broadcast %lt3A_607 : i32 to vector<16xi32>
    %lt3A_609 = arith.cmpi slt, %sub3A_603, %lt3A_608 : vector<16xi32>
    %and3A_610 = arith.andi %ge3A_606, %lt3A_609 : vector<16xi1>
    %jit3A_611 = arith.constant 502016 : i32
    %broadcast_in_dim3A_612 = vector.broadcast %jit3A_611 : i32 to vector<16xi32>
    %select_n3A_613 = arith.select %and3A_610, %sub3A_603, %broadcast_in_dim3A_612 : vector<16xi1>, vector<16xi32>
    %swap3A_614 = arith.constant 16 : index
    %swap3A_615 = tpu.vector_load %arg38[%swap3A_614] {strides = array<i32>} : memref<128xi32, #tpu.memory_space<vmem>>, vector<16xi32>,
    tpu.vector_store %arg38[%swap3A_614], %select_n3A_613 {strides = array<i32>} : memref<128xi32, #tpu.memory_space<vmem>>, vector<16xi32>,
    %get3A_616 = arith.constant 32 : index
    %get3A_617 = tpu.vector_load %arg6[%get3A_616] {strides = array<i32>} : memref<128xi32, #tpu.memory_space<vmem>>, vector<16xi32>,
    %sub3A_618 = vector.broadcast %mul3A_0 : i32 to vector<16xi32>
    %sub3A_619 = arith.subi %get3A_617, %sub3A_618 : vector<16xi32>
    %ge3A_620 = arith.constant 0 : i32
    %ge3A_621 = vector.broadcast %ge3A_620 : i32 to vector<16xi32>
    %ge3A_622 = arith.cmpi sge, %sub3A_619, %ge3A_621 : vector<16xi32>
    %lt3A_623 = arith.constant 502016 : i32
    %lt3A_624 = vector.broadcast %lt3A_623 : i32 to vector<16xi32>
    %lt3A_625 = arith.cmpi slt, %sub3A_619, %lt3A_624 : vector<16xi32>
    %and3A_626 = arith.andi %ge3A_622, %lt3A_625 : vector<16xi1>
    %jit3A_627 = arith.constant 502016 : i32
    %broadcast_in_dim3A_628 = vector.broadcast %jit3A_627 : i32 to vector<16xi32>
    %select_n3A_629 = arith.select %and3A_626, %sub3A_619, %broadcast_in_dim3A_628 : vector<16xi1>, vector<16xi32>
    %swap3A_630 = arith.constant 32 : index
    %swap3A_631 = tpu.vector_load %arg38[%swap3A_630] {strides = array<i32>} : memref<128xi32, #tpu.memory_space<vmem>>, vector<16xi32>,
    tpu.vector_store %arg38[%swap3A_630], %select_n3A_629 {strides = array<i32>} : memref<128xi32, #tpu.memory_space<vmem>>, vector<16xi32>,
    %get3A_632 = arith.constant 48 : index
    %get3A_633 = tpu.vector_load %arg6[%get3A_632] {strides = array<i32>} : memref<128xi32, #tpu.memory_space<vmem>>, vector<16xi32>,
    %sub3A_634 = vector.broadcast %mul3A_0 : i32 to vector<16xi32>
    %sub3A_635 = arith.subi %get3A_633, %sub3A_634 : vector<16xi32>
    %ge3A_636 = arith.constant 0 : i32
    %ge3A_637 = vector.broadcast %ge3A_636 : i32 to vector<16xi32>
    %ge3A_638 = arith.cmpi sge, %sub3A_635, %ge3A_637 : vector<16xi32>
    %lt3A_639 = arith.constant 502016 : i32
    %lt3A_640 = vector.broadcast %lt3A_639 : i32 to vector<16xi32>
    %lt3A_641 = arith.cmpi slt, %sub3A_635, %lt3A_640 : vector<16xi32>
    %and3A_642 = arith.andi %ge3A_638, %lt3A_641 : vector<16xi1>
    %jit3A_643 = arith.constant 502016 : i32
    %broadcast_in_dim3A_644 = vector.broadcast %jit3A_643 : i32 to vector<16xi32>
    %select_n3A_645 = arith.select %and3A_642, %sub3A_635, %broadcast_in_dim3A_644 : vector<16xi1>, vector<16xi32>
    %swap3A_646 = arith.constant 48 : index
    %swap3A_647 = tpu.vector_load %arg38[%swap3A_646] {strides = array<i32>} : memref<128xi32, #tpu.memory_space<vmem>>, vector<16xi32>,
    tpu.vector_store %arg38[%swap3A_646], %select_n3A_645 {strides = array<i32>} : memref<128xi32, #tpu.memory_space<vmem>>, vector<16xi32>,
    %get3A_648 = arith.constant 64 : index
    %get3A_649 = tpu.vector_load %arg6[%get3A_648] {strides = array<i32>} : memref<128xi32, #tpu.memory_space<vmem>>, vector<16xi32>,
    %sub3A_650 = vector.broadcast %mul3A_0 : i32 to vector<16xi32>
    %sub3A_651 = arith.subi %get3A_649, %sub3A_650 : vector<16xi32>
    %ge3A_652 = arith.constant 0 : i32
    %ge3A_653 = vector.broadcast %ge3A_652 : i32 to vector<16xi32>
    %ge3A_654 = arith.cmpi sge, %sub3A_651, %ge3A_653 : vector<16xi32>
    %lt3A_655 = arith.constant 502016 : i32
    %lt3A_656 = vector.broadcast %lt3A_655 : i32 to vector<16xi32>
    %lt3A_657 = arith.cmpi slt, %sub3A_651, %lt3A_656 : vector<16xi32>
    %and3A_658 = arith.andi %ge3A_654, %lt3A_657 : vector<16xi1>
    %jit3A_659 = arith.constant 502016 : i32
    %broadcast_in_dim3A_660 = vector.broadcast %jit3A_659 : i32 to vector<16xi32>
    %select_n3A_661 = arith.select %and3A_658, %sub3A_651, %broadcast_in_dim3A_660 : vector<16xi1>, vector<16xi32>
    %swap3A_662 = arith.constant 64 : index
    %swap3A_663 = tpu.vector_load %arg38[%swap3A_662] {strides = array<i32>} : memref<128xi32, #tpu.memory_space<vmem>>, vector<16xi32>,
    tpu.vector_store %arg38[%swap3A_662], %select_n3A_661 {strides = array<i32>} : memref<128xi32, #tpu.memory_space<vmem>>, vector<16xi32>,
    %get3A_664 = arith.constant 80 : index
    %get3A_665 = tpu.vector_load %arg6[%get3A_664] {strides = array<i32>} : memref<128xi32, #tpu.memory_space<vmem>>, vector<16xi32>,
    %sub3A_666 = vector.broadcast %mul3A_0 : i32 to vector<16xi32>
    %sub3A_667 = arith.subi %get3A_665, %sub3A_666 : vector<16xi32>
    %ge3A_668 = arith.constant 0 : i32
    %ge3A_669 = vector.broadcast %ge3A_668 : i32 to vector<16xi32>
    %ge3A_670 = arith.cmpi sge, %sub3A_667, %ge3A_669 : vector<16xi32>
    %lt3A_671 = arith.constant 502016 : i32
    %lt3A_672 = vector.broadcast %lt3A_671 : i32 to vector<16xi32>
    %lt3A_673 = arith.cmpi slt, %sub3A_667, %lt3A_672 : vector<16xi32>
    %and3A_674 = arith.andi %ge3A_670, %lt3A_673 : vector<16xi1>
    %jit3A_675 = arith.constant 502016 : i32
    %broadcast_in_dim3A_676 = vector.broadcast %jit3A_675 : i32 to vector<16xi32>
    %select_n3A_677 = arith.select %and3A_674, %sub3A_667, %broadcast_in_dim3A_676 : vector<16xi1>, vector<16xi32>
    %swap3A_678 = arith.constant 80 : index
    %swap3A_679 = tpu.vector_load %arg38[%swap3A_678] {strides = array<i32>} : memref<128xi32, #tpu.memory_space<vmem>>, vector<16xi32>,
    tpu.vector_store %arg38[%swap3A_678], %select_n3A_677 {strides = array<i32>} : memref<128xi32, #tpu.memory_space<vmem>>, vector<16xi32>,
    %get3A_680 = arith.constant 96 : index
    %get3A_681 = tpu.vector_load %arg6[%get3A_680] {strides = array<i32>} : memref<128xi32, #tpu.memory_space<vmem>>, vector<16xi32>,
    %sub3A_682 = vector.broadcast %mul3A_0 : i32 to vector<16xi32>
    %sub3A_683 = arith.subi %get3A_681, %sub3A_682 : vector<16xi32>
    %ge3A_684 = arith.constant 0 : i32
    %ge3A_685 = vector.broadcast %ge3A_684 : i32 to vector<16xi32>
    %ge3A_686 = arith.cmpi sge, %sub3A_683, %ge3A_685 : vector<16xi32>
    %lt3A_687 = arith.constant 502016 : i32
    %lt3A_688 = vector.broadcast %lt3A_687 : i32 to vector<16xi32>
    %lt3A_689 = arith.cmpi slt, %sub3A_683, %lt3A_688 : vector<16xi32>
    %and3A_690 = arith.andi %ge3A_686, %lt3A_689 : vector<16xi1>
    %jit3A_691 = arith.constant 502016 : i32
    %broadcast_in_dim3A_692 = vector.broadcast %jit3A_691 : i32 to vector<16xi32>
    %select_n3A_693 = arith.select %and3A_690, %sub3A_683, %broadcast_in_dim3A_692 : vector<16xi1>, vector<16xi32>
    %swap3A_694 = arith.constant 96 : index
    %swap3A_695 = tpu.vector_load %arg38[%swap3A_694] {strides = array<i32>} : memref<128xi32, #tpu.memory_space<vmem>>, vector<16xi32>,
    tpu.vector_store %arg38[%swap3A_694], %select_n3A_693 {strides = array<i32>} : memref<128xi32, #tpu.memory_space<vmem>>, vector<16xi32>,
    %get3A_696 = arith.constant 112 : index
    %get3A_697 = tpu.vector_load %arg6[%get3A_696] {strides = array<i32>} : memref<128xi32, #tpu.memory_space<vmem>>, vector<16xi32>,
    %sub3A_698 = vector.broadcast %mul3A_0 : i32 to vector<16xi32>
    %sub3A_699 = arith.subi %get3A_697, %sub3A_698 : vector<16xi32>
    %ge3A_700 = arith.constant 0 : i32
    %ge3A_701 = vector.broadcast %ge3A_700 : i32 to vector<16xi32>
    %ge3A_702 = arith.cmpi sge, %sub3A_699, %ge3A_701 : vector<16xi32>
    %lt3A_703 = arith.constant 502016 : i32
    %lt3A_704 = vector.broadcast %lt3A_703 : i32 to vector<16xi32>
    %lt3A_705 = arith.cmpi slt, %sub3A_699, %lt3A_704 : vector<16xi32>
    %and3A_706 = arith.andi %ge3A_702, %lt3A_705 : vector<16xi1>
    %jit3A_707 = arith.constant 502016 : i32
    %broadcast_in_dim3A_708 = vector.broadcast %jit3A_707 : i32 to vector<16xi32>
    %select_n3A_709 = arith.select %and3A_706, %sub3A_699, %broadcast_in_dim3A_708 : vector<16xi1>, vector<16xi32>
    %swap3A_710 = arith.constant 112 : index
    %swap3A_711 = tpu.vector_load %arg38[%swap3A_710] {strides = array<i32>} : memref<128xi32, #tpu.memory_space<vmem>>, vector<16xi32>,
    tpu.vector_store %arg38[%swap3A_710], %select_n3A_709 {strides = array<i32>} : memref<128xi32, #tpu.memory_space<vmem>>, vector<16xi32>,
    %get3A_712 = arith.constant 0 : index
    %get3A_713 = tpu.vector_load %arg7[%get3A_712] {strides = array<i32>} : memref<128xi32, #tpu.memory_space<vmem>>, vector<16xi32>,
    %sub3A_714 = vector.broadcast %mul3A_0 : i32 to vector<16xi32>
    %sub3A_715 = arith.subi %get3A_713, %sub3A_714 : vector<16xi32>
    %ge3A_716 = arith.constant 0 : i32
    %ge3A_717 = vector.broadcast %ge3A_716 : i32 to vector<16xi32>
    %ge3A_718 = arith.cmpi sge, %sub3A_715, %ge3A_717 : vector<16xi32>
    %lt3A_719 = arith.constant 502016 : i32
    %lt3A_720 = vector.broadcast %lt3A_719 : i32 to vector<16xi32>
    %lt3A_721 = arith.cmpi slt, %sub3A_715, %lt3A_720 : vector<16xi32>
    %and3A_722 = arith.andi %ge3A_718, %lt3A_721 : vector<16xi1>
    %jit3A_723 = arith.constant 502016 : i32
    %broadcast_in_dim3A_724 = vector.broadcast %jit3A_723 : i32 to vector<16xi32>
    %select_n3A_725 = arith.select %and3A_722, %sub3A_715, %broadcast_in_dim3A_724 : vector<16xi1>, vector<16xi32>
    %swap3A_726 = arith.constant 0 : index
    %swap3A_727 = tpu.vector_load %arg39[%swap3A_726] {strides = array<i32>} : memref<128xi32, #tpu.memory_space<vmem>>, vector<16xi32>,
    tpu.vector_store %arg39[%swap3A_726], %select_n3A_725 {strides = array<i32>} : memref<128xi32, #tpu.memory_space<vmem>>, vector<16xi32>,
    %get3A_728 = arith.constant 16 : index
    %get3A_729 = tpu.vector_load %arg7[%get3A_728] {strides = array<i32>} : memref<128xi32, #tpu.memory_space<vmem>>, vector<16xi32>,
    %sub3A_730 = vector.broadcast %mul3A_0 : i32 to vector<16xi32>
    %sub3A_731 = arith.subi %get3A_729, %sub3A_730 : vector<16xi32>
    %ge3A_732 = arith.constant 0 : i32
    %ge3A_733 = vector.broadcast %ge3A_732 : i32 to vector<16xi32>
    %ge3A_734 = arith.cmpi sge, %sub3A_731, %ge3A_733 : vector<16xi32>
    %lt3A_735 = arith.constant 502016 : i32
    %lt3A_736 = vector.broadcast %lt3A_735 : i32 to vector<16xi32>
    %lt3A_737 = arith.cmpi slt, %sub3A_731, %lt3A_736 : vector<16xi32>
    %and3A_738 = arith.andi %ge3A_734, %lt3A_737 : vector<16xi1>
    %jit3A_739 = arith.constant 502016 : i32
    %broadcast_in_dim3A_740 = vector.broadcast %jit3A_739 : i32 to vector<16xi32>
    %select_n3A_741 = arith.select %and3A_738, %sub3A_731, %broadcast_in_dim3A_740 : vector<16xi1>, vector<16xi32>
    %swap3A_742 = arith.constant 16 : index
    %swap3A_743 = tpu.vector_load %arg39[%swap3A_742] {strides = array<i32>} : memref<128xi32, #tpu.memory_space<vmem>>, vector<16xi32>,
    tpu.vector_store %arg39[%swap3A_742], %select_n3A_741 {strides = array<i32>} : memref<128xi32, #tpu.memory_space<vmem>>, vector<16xi32>,
    %get3A_744 = arith.constant 32 : index
    %get3A_745 = tpu.vector_load %arg7[%get3A_744] {strides = array<i32>} : memref<128xi32, #tpu.memory_space<vmem>>, vector<16xi32>,
    %sub3A_746 = vector.broadcast %mul3A_0 : i32 to vector<16xi32>
    %sub3A_747 = arith.subi %get3A_745, %sub3A_746 : vector<16xi32>
    %ge3A_748 = arith.constant 0 : i32
    %ge3A_749 = vector.broadcast %ge3A_748 : i32 to vector<16xi32>
    %ge3A_750 = arith.cmpi sge, %sub3A_747, %ge3A_749 : vector<16xi32>
    %lt3A_751 = arith.constant 502016 : i32
    %lt3A_752 = vector.broadcast %lt3A_751 : i32 to vector<16xi32>
    %lt3A_753 = arith.cmpi slt, %sub3A_747, %lt3A_752 : vector<16xi32>
    %and3A_754 = arith.andi %ge3A_750, %lt3A_753 : vector<16xi1>
    %jit3A_755 = arith.constant 502016 : i32
    %broadcast_in_dim3A_756 = vector.broadcast %jit3A_755 : i32 to vector<16xi32>
    %select_n3A_757 = arith.select %and3A_754, %sub3A_747, %broadcast_in_dim3A_756 : vector<16xi1>, vector<16xi32>
    %swap3A_758 = arith.constant 32 : index
    %swap3A_759 = tpu.vector_load %arg39[%swap3A_758] {strides = array<i32>} : memref<128xi32, #tpu.memory_space<vmem>>, vector<16xi32>,
    tpu.vector_store %arg39[%swap3A_758], %select_n3A_757 {strides = array<i32>} : memref<128xi32, #tpu.memory_space<vmem>>, vector<16xi32>,
    %get3A_760 = arith.constant 48 : index
    %get3A_761 = tpu.vector_load %arg7[%get3A_760] {strides = array<i32>} : memref<128xi32, #tpu.memory_space<vmem>>, vector<16xi32>,
    %sub3A_762 = vector.broadcast %mul3A_0 : i32 to vector<16xi32>
    %sub3A_763 = arith.subi %get3A_761, %sub3A_762 : vector<16xi32>
    %ge3A_764 = arith.constant 0 : i32
    %ge3A_765 = vector.broadcast %ge3A_764 : i32 to vector<16xi32>
    %ge3A_766 = arith.cmpi sge, %sub3A_763, %ge3A_765 : vector<16xi32>
    %lt3A_767 = arith.constant 502016 : i32
    %lt3A_768 = vector.broadcast %lt3A_767 : i32 to vector<16xi32>
    %lt3A_769 = arith.cmpi slt, %sub3A_763, %lt3A_768 : vector<16xi32>
    %and3A_770 = arith.andi %ge3A_766, %lt3A_769 : vector<16xi1>
    %jit3A_771 = arith.constant 502016 : i32
    %broadcast_in_dim3A_772 = vector.broadcast %jit3A_771 : i32 to vector<16xi32>
    %select_n3A_773 = arith.select %and3A_770, %sub3A_763, %broadcast_in_dim3A_772 : vector<16xi1>, vector<16xi32>
    %swap3A_774 = arith.constant 48 : index
    %swap3A_775 = tpu.vector_load %arg39[%swap3A_774] {strides = array<i32>} : memref<128xi32, #tpu.memory_space<vmem>>, vector<16xi32>,
    tpu.vector_store %arg39[%swap3A_774], %select_n3A_773 {strides = array<i32>} : memref<128xi32, #tpu.memory_space<vmem>>, vector<16xi32>,
    %get3A_776 = arith.constant 64 : index
    %get3A_777 = tpu.vector_load %arg7[%get3A_776] {strides = array<i32>} : memref<128xi32, #tpu.memory_space<vmem>>, vector<16xi32>,
    %sub3A_778 = vector.broadcast %mul3A_0 : i32 to vector<16xi32>
    %sub3A_779 = arith.subi %get3A_777, %sub3A_778 : vector<16xi32>
    %ge3A_780 = arith.constant 0 : i32
    %ge3A_781 = vector.broadcast %ge3A_780 : i32 to vector<16xi32>
    %ge3A_782 = arith.cmpi sge, %sub3A_779, %ge3A_781 : vector<16xi32>
    %lt3A_783 = arith.constant 502016 : i32
    %lt3A_784 = vector.broadcast %lt3A_783 : i32 to vector<16xi32>
    %lt3A_785 = arith.cmpi slt, %sub3A_779, %lt3A_784 : vector<16xi32>
    %and3A_786 = arith.andi %ge3A_782, %lt3A_785 : vector<16xi1>
    %jit3A_787 = arith.constant 502016 : i32
    %broadcast_in_dim3A_788 = vector.broadcast %jit3A_787 : i32 to vector<16xi32>
    %select_n3A_789 = arith.select %and3A_786, %sub3A_779, %broadcast_in_dim3A_788 : vector<16xi1>, vector<16xi32>
    %swap3A_790 = arith.constant 64 : index
    %swap3A_791 = tpu.vector_load %arg39[%swap3A_790] {strides = array<i32>} : memref<128xi32, #tpu.memory_space<vmem>>, vector<16xi32>,
    tpu.vector_store %arg39[%swap3A_790], %select_n3A_789 {strides = array<i32>} : memref<128xi32, #tpu.memory_space<vmem>>, vector<16xi32>,
    %get3A_792 = arith.constant 80 : index
    %get3A_793 = tpu.vector_load %arg7[%get3A_792] {strides = array<i32>} : memref<128xi32, #tpu.memory_space<vmem>>, vector<16xi32>,
    %sub3A_794 = vector.broadcast %mul3A_0 : i32 to vector<16xi32>
    %sub3A_795 = arith.subi %get3A_793, %sub3A_794 : vector<16xi32>
    %ge3A_796 = arith.constant 0 : i32
    %ge3A_797 = vector.broadcast %ge3A_796 : i32 to vector<16xi32>
    %ge3A_798 = arith.cmpi sge, %sub3A_795, %ge3A_797 : vector<16xi32>
    %lt3A_799 = arith.constant 502016 : i32
    %lt3A_800 = vector.broadcast %lt3A_799 : i32 to vector<16xi32>
    %lt3A_801 = arith.cmpi slt, %sub3A_795, %lt3A_800 : vector<16xi32>
    %and3A_802 = arith.andi %ge3A_798, %lt3A_801 : vector<16xi1>
    %jit3A_803 = arith.constant 502016 : i32
    %broadcast_in_dim3A_804 = vector.broadcast %jit3A_803 : i32 to vector<16xi32>
    %select_n3A_805 = arith.select %and3A_802, %sub3A_795, %broadcast_in_dim3A_804 : vector<16xi1>, vector<16xi32>
    %swap3A_806 = arith.constant 80 : index
    %swap3A_807 = tpu.vector_load %arg39[%swap3A_806] {strides = array<i32>} : memref<128xi32, #tpu.memory_space<vmem>>, vector<16xi32>,
    tpu.vector_store %arg39[%swap3A_806], %select_n3A_805 {strides = array<i32>} : memref<128xi32, #tpu.memory_space<vmem>>, vector<16xi32>,
    %get3A_808 = arith.constant 96 : index
    %get3A_809 = tpu.vector_load %arg7[%get3A_808] {strides = array<i32>} : memref<128xi32, #tpu.memory_space<vmem>>, vector<16xi32>,
    %sub3A_810 = vector.broadcast %mul3A_0 : i32 to vector<16xi32>
    %sub3A_811 = arith.subi %get3A_809, %sub3A_810 : vector<16xi32>
    %ge3A_812 = arith.constant 0 : i32
    %ge3A_813 = vector.broadcast %ge3A_812 : i32 to vector<16xi32>
    %ge3A_814 = arith.cmpi sge, %sub3A_811, %ge3A_813 : vector<16xi32>
    %lt3A_815 = arith.constant 502016 : i32
    %lt3A_816 = vector.broadcast %lt3A_815 : i32 to vector<16xi32>
    %lt3A_817 = arith.cmpi slt, %sub3A_811, %lt3A_816 : vector<16xi32>
    %and3A_818 = arith.andi %ge3A_814, %lt3A_817 : vector<16xi1>
    %jit3A_819 = arith.constant 502016 : i32
    %broadcast_in_dim3A_820 = vector.broadcast %jit3A_819 : i32 to vector<16xi32>
    %select_n3A_821 = arith.select %and3A_818, %sub3A_811, %broadcast_in_dim3A_820 : vector<16xi1>, vector<16xi32>
    %swap3A_822 = arith.constant 96 : index
    %swap3A_823 = tpu.vector_load %arg39[%swap3A_822] {strides = array<i32>} : memref<128xi32, #tpu.memory_space<vmem>>, vector<16xi32>,
    tpu.vector_store %arg39[%swap3A_822], %select_n3A_821 {strides = array<i32>} : memref<128xi32, #tpu.memory_space<vmem>>, vector<16xi32>,
    %get3A_824 = arith.constant 112 : index
    %get3A_825 = tpu.vector_load %arg7[%get3A_824] {strides = array<i32>} : memref<128xi32, #tpu.memory_space<vmem>>, vector<16xi32>,
    %sub3A_826 = vector.broadcast %mul3A_0 : i32 to vector<16xi32>
    %sub3A_827 = arith.subi %get3A_825, %sub3A_826 : vector<16xi32>
    %ge3A_828 = arith.constant 0 : i32
    %ge3A_829 = vector.broadcast %ge3A_828 : i32 to vector<16xi32>
    %ge3A_830 = arith.cmpi sge, %sub3A_827, %ge3A_829 : vector<16xi32>
    %lt3A_831 = arith.constant 502016 : i32
    %lt3A_832 = vector.broadcast %lt3A_831 : i32 to vector<16xi32>
    %lt3A_833 = arith.cmpi slt, %sub3A_827, %lt3A_832 : vector<16xi32>
    %and3A_834 = arith.andi %ge3A_830, %lt3A_833 : vector<16xi1>
    %jit3A_835 = arith.constant 502016 : i32
    %broadcast_in_dim3A_836 = vector.broadcast %jit3A_835 : i32 to vector<16xi32>
    %select_n3A_837 = arith.select %and3A_834, %sub3A_827, %broadcast_in_dim3A_836 : vector<16xi1>, vector<16xi32>
    %swap3A_838 = arith.constant 112 : index
    %swap3A_839 = tpu.vector_load %arg39[%swap3A_838] {strides = array<i32>} : memref<128xi32, #tpu.memory_space<vmem>>, vector<16xi32>,
    tpu.vector_store %arg39[%swap3A_838], %select_n3A_837 {strides = array<i32>} : memref<128xi32, #tpu.memory_space<vmem>>, vector<16xi32>,
    %get3A_840 = arith.constant 0 : index
    %get3A_841 = tpu.vector_load %arg8[%get3A_840] {strides = array<i32>} : memref<128xi32, #tpu.memory_space<vmem>>, vector<16xi32>,
    %sub3A_842 = vector.broadcast %mul3A_0 : i32 to vector<16xi32>
    %sub3A_843 = arith.subi %get3A_841, %sub3A_842 : vector<16xi32>
    %ge3A_844 = arith.constant 0 : i32
    %ge3A_845 = vector.broadcast %ge3A_844 : i32 to vector<16xi32>
    %ge3A_846 = arith.cmpi sge, %sub3A_843, %ge3A_845 : vector<16xi32>
    %lt3A_847 = arith.constant 502016 : i32
    %lt3A_848 = vector.broadcast %lt3A_847 : i32 to vector<16xi32>
    %lt3A_849 = arith.cmpi slt, %sub3A_843, %lt3A_848 : vector<16xi32>
    %and3A_850 = arith.andi %ge3A_846, %lt3A_849 : vector<16xi1>
    %jit3A_851 = arith.constant 502016 : i32
    %broadcast_in_dim3A_852 = vector.broadcast %jit3A_851 : i32 to vector<16xi32>
    %select_n3A_853 = arith.select %and3A_850, %sub3A_843, %broadcast_in_dim3A_852 : vector<16xi1>, vector<16xi32>
    %swap3A_854 = arith.constant 0 : index
    %swap3A_855 = tpu.vector_load %arg40[%swap3A_854] {strides = array<i32>} : memref<128xi32, #tpu.memory_space<vmem>>, vector<16xi32>,
    tpu.vector_store %arg40[%swap3A_854], %select_n3A_853 {strides = array<i32>} : memref<128xi32, #tpu.memory_space<vmem>>, vector<16xi32>,
    %get3A_856 = arith.constant 16 : index
    %get3A_857 = tpu.vector_load %arg8[%get3A_856] {strides = array<i32>} : memref<128xi32, #tpu.memory_space<vmem>>, vector<16xi32>,
    %sub3A_858 = vector.broadcast %mul3A_0 : i32 to vector<16xi32>
    %sub3A_859 = arith.subi %get3A_857, %sub3A_858 : vector<16xi32>
    %ge3A_860 = arith.constant 0 : i32
    %ge3A_861 = vector.broadcast %ge3A_860 : i32 to vector<16xi32>
    %ge3A_862 = arith.cmpi sge, %sub3A_859, %ge3A_861 : vector<16xi32>
    %lt3A_863 = arith.constant 502016 : i32
    %lt3A_864 = vector.broadcast %lt3A_863 : i32 to vector<16xi32>
    %lt3A_865 = arith.cmpi slt, %sub3A_859, %lt3A_864 : vector<16xi32>
    %and3A_866 = arith.andi %ge3A_862, %lt3A_865 : vector<16xi1>
    %jit3A_867 = arith.constant 502016 : i32
    %broadcast_in_dim3A_868 = vector.broadcast %jit3A_867 : i32 to vector<16xi32>
    %select_n3A_869 = arith.select %and3A_866, %sub3A_859, %broadcast_in_dim3A_868 : vector<16xi1>, vector<16xi32>
    %swap3A_870 = arith.constant 16 : index
    %swap3A_871 = tpu.vector_load %arg40[%swap3A_870] {strides = array<i32>} : memref<128xi32, #tpu.memory_space<vmem>>, vector<16xi32>,
    tpu.vector_store %arg40[%swap3A_870], %select_n3A_869 {strides = array<i32>} : memref<128xi32, #tpu.memory_space<vmem>>, vector<16xi32>,
    %get3A_872 = arith.constant 32 : index
    %get3A_873 = tpu.vector_load %arg8[%get3A_872] {strides = array<i32>} : memref<128xi32, #tpu.memory_space<vmem>>, vector<16xi32>,
    %sub3A_874 = vector.broadcast %mul3A_0 : i32 to vector<16xi32>
    %sub3A_875 = arith.subi %get3A_873, %sub3A_874 : vector<16xi32>
    %ge3A_876 = arith.constant 0 : i32
    %ge3A_877 = vector.broadcast %ge3A_876 : i32 to vector<16xi32>
    %ge3A_878 = arith.cmpi sge, %sub3A_875, %ge3A_877 : vector<16xi32>
    %lt3A_879 = arith.constant 502016 : i32
    %lt3A_880 = vector.broadcast %lt3A_879 : i32 to vector<16xi32>
    %lt3A_881 = arith.cmpi slt, %sub3A_875, %lt3A_880 : vector<16xi32>
    %and3A_882 = arith.andi %ge3A_878, %lt3A_881 : vector<16xi1>
    %jit3A_883 = arith.constant 502016 : i32
    %broadcast_in_dim3A_884 = vector.broadcast %jit3A_883 : i32 to vector<16xi32>
    %select_n3A_885 = arith.select %and3A_882, %sub3A_875, %broadcast_in_dim3A_884 : vector<16xi1>, vector<16xi32>
    %swap3A_886 = arith.constant 32 : index
    %swap3A_887 = tpu.vector_load %arg40[%swap3A_886] {strides = array<i32>} : memref<128xi32, #tpu.memory_space<vmem>>, vector<16xi32>,
    tpu.vector_store %arg40[%swap3A_886], %select_n3A_885 {strides = array<i32>} : memref<128xi32, #tpu.memory_space<vmem>>, vector<16xi32>,
    %get3A_888 = arith.constant 48 : index
    %get3A_889 = tpu.vector_load %arg8[%get3A_888] {strides = array<i32>} : memref<128xi32, #tpu.memory_space<vmem>>, vector<16xi32>,
    %sub3A_890 = vector.broadcast %mul3A_0 : i32 to vector<16xi32>
    %sub3A_891 = arith.subi %get3A_889, %sub3A_890 : vector<16xi32>
    %ge3A_892 = arith.constant 0 : i32
    %ge3A_893 = vector.broadcast %ge3A_892 : i32 to vector<16xi32>
    %ge3A_894 = arith.cmpi sge, %sub3A_891, %ge3A_893 : vector<16xi32>
    %lt3A_895 = arith.constant 502016 : i32
    %lt3A_896 = vector.broadcast %lt3A_895 : i32 to vector<16xi32>
    %lt3A_897 = arith.cmpi slt, %sub3A_891, %lt3A_896 : vector<16xi32>
    %and3A_898 = arith.andi %ge3A_894, %lt3A_897 : vector<16xi1>
    %jit3A_899 = arith.constant 502016 : i32
    %broadcast_in_dim3A_900 = vector.broadcast %jit3A_899 : i32 to vector<16xi32>
    %select_n3A_901 = arith.select %and3A_898, %sub3A_891, %broadcast_in_dim3A_900 : vector<16xi1>, vector<16xi32>
    %swap3A_902 = arith.constant 48 : index
    %swap3A_903 = tpu.vector_load %arg40[%swap3A_902] {strides = array<i32>} : memref<128xi32, #tpu.memory_space<vmem>>, vector<16xi32>,
    tpu.vector_store %arg40[%swap3A_902], %select_n3A_901 {strides = array<i32>} : memref<128xi32, #tpu.memory_space<vmem>>, vector<16xi32>,
    %get3A_904 = arith.constant 64 : index
    %get3A_905 = tpu.vector_load %arg8[%get3A_904] {strides = array<i32>} : memref<128xi32, #tpu.memory_space<vmem>>, vector<16xi32>,
    %sub3A_906 = vector.broadcast %mul3A_0 : i32 to vector<16xi32>
    %sub3A_907 = arith.subi %get3A_905, %sub3A_906 : vector<16xi32>
    %ge3A_908 = arith.constant 0 : i32
    %ge3A_909 = vector.broadcast %ge3A_908 : i32 to vector<16xi32>
    %ge3A_910 = arith.cmpi sge, %sub3A_907, %ge3A_909 : vector<16xi32>
    %lt3A_911 = arith.constant 502016 : i32
    %lt3A_912 = vector.broadcast %lt3A_911 : i32 to vector<16xi32>
    %lt3A_913 = arith.cmpi slt, %sub3A_907, %lt3A_912 : vector<16xi32>
    %and3A_914 = arith.andi %ge3A_910, %lt3A_913 : vector<16xi1>
    %jit3A_915 = arith.constant 502016 : i32
    %broadcast_in_dim3A_916 = vector.broadcast %jit3A_915 : i32 to vector<16xi32>
    %select_n3A_917 = arith.select %and3A_914, %sub3A_907, %broadcast_in_dim3A_916 : vector<16xi1>, vector<16xi32>
    %swap3A_918 = arith.constant 64 : index
    %swap3A_919 = tpu.vector_load %arg40[%swap3A_918] {strides = array<i32>} : memref<128xi32, #tpu.memory_space<vmem>>, vector<16xi32>,
    tpu.vector_store %arg40[%swap3A_918], %select_n3A_917 {strides = array<i32>} : memref<128xi32, #tpu.memory_space<vmem>>, vector<16xi32>,
    %get3A_920 = arith.constant 80 : index
    %get3A_921 = tpu.vector_load %arg8[%get3A_920] {strides = array<i32>} : memref<128xi32, #tpu.memory_space<vmem>>, vector<16xi32>,
    %sub3A_922 = vector.broadcast %mul3A_0 : i32 to vector<16xi32>
    %sub3A_923 = arith.subi %get3A_921, %sub3A_922 : vector<16xi32>
    %ge3A_924 = arith.constant 0 : i32
    %ge3A_925 = vector.broadcast %ge3A_924 : i32 to vector<16xi32>
    %ge3A_926 = arith.cmpi sge, %sub3A_923, %ge3A_925 : vector<16xi32>
    %lt3A_927 = arith.constant 502016 : i32
    %lt3A_928 = vector.broadcast %lt3A_927 : i32 to vector<16xi32>
    %lt3A_929 = arith.cmpi slt, %sub3A_923, %lt3A_928 : vector<16xi32>
    %and3A_930 = arith.andi %ge3A_926, %lt3A_929 : vector<16xi1>
    %jit3A_931 = arith.constant 502016 : i32
    %broadcast_in_dim3A_932 = vector.broadcast %jit3A_931 : i32 to vector<16xi32>
    %select_n3A_933 = arith.select %and3A_930, %sub3A_923, %broadcast_in_dim3A_932 : vector<16xi1>, vector<16xi32>
    %swap3A_934 = arith.constant 80 : index
    %swap3A_935 = tpu.vector_load %arg40[%swap3A_934] {strides = array<i32>} : memref<128xi32, #tpu.memory_space<vmem>>, vector<16xi32>,
    tpu.vector_store %arg40[%swap3A_934], %select_n3A_933 {strides = array<i32>} : memref<128xi32, #tpu.memory_space<vmem>>, vector<16xi32>,
    %get3A_936 = arith.constant 96 : index
    %get3A_937 = tpu.vector_load %arg8[%get3A_936] {strides = array<i32>} : memref<128xi32, #tpu.memory_space<vmem>>, vector<16xi32>,
    %sub3A_938 = vector.broadcast %mul3A_0 : i32 to vector<16xi32>
    %sub3A_939 = arith.subi %get3A_937, %sub3A_938 : vector<16xi32>
    %ge3A_940 = arith.constant 0 : i32
    %ge3A_941 = vector.broadcast %ge3A_940 : i32 to vector<16xi32>
    %ge3A_942 = arith.cmpi sge, %sub3A_939, %ge3A_941 : vector<16xi32>
    %lt3A_943 = arith.constant 502016 : i32
    %lt3A_944 = vector.broadcast %lt3A_943 : i32 to vector<16xi32>
    %lt3A_945 = arith.cmpi slt, %sub3A_939, %lt3A_944 : vector<16xi32>
    %and3A_946 = arith.andi %ge3A_942, %lt3A_945 : vector<16xi1>
    %jit3A_947 = arith.constant 502016 : i32
    %broadcast_in_dim3A_948 = vector.broadcast %jit3A_947 : i32 to vector<16xi32>
    %select_n3A_949 = arith.select %and3A_946, %sub3A_939, %broadcast_in_dim3A_948 : vector<16xi1>, vector<16xi32>
    %swap3A_950 = arith.constant 96 : index
    %swap3A_951 = tpu.vector_load %arg40[%swap3A_950] {strides = array<i32>} : memref<128xi32, #tpu.memory_space<vmem>>, vector<16xi32>,
    tpu.vector_store %arg40[%swap3A_950], %select_n3A_949 {strides = array<i32>} : memref<128xi32, #tpu.memory_space<vmem>>, vector<16xi32>,
    %get3A_952 = arith.constant 112 : index
    %get3A_953 = tpu.vector_load %arg8[%get3A_952] {strides = array<i32>} : memref<128xi32, #tpu.memory_space<vmem>>, vector<16xi32>,
    %sub3A_954 = vector.broadcast %mul3A_0 : i32 to vector<16xi32>
    %sub3A_955 = arith.subi %get3A_953, %sub3A_954 : vector<16xi32>
    %ge3A_956 = arith.constant 0 : i32
    %ge3A_957 = vector.broadcast %ge3A_956 : i32 to vector<16xi32>
    %ge3A_958 = arith.cmpi sge, %sub3A_955, %ge3A_957 : vector<16xi32>
    %lt3A_959 = arith.constant 502016 : i32
    %lt3A_960 = vector.broadcast %lt3A_959 : i32 to vector<16xi32>
    %lt3A_961 = arith.cmpi slt, %sub3A_955, %lt3A_960 : vector<16xi32>
    %and3A_962 = arith.andi %ge3A_958, %lt3A_961 : vector<16xi1>
    %jit3A_963 = arith.constant 502016 : i32
    %broadcast_in_dim3A_964 = vector.broadcast %jit3A_963 : i32 to vector<16xi32>
    %select_n3A_965 = arith.select %and3A_962, %sub3A_955, %broadcast_in_dim3A_964 : vector<16xi1>, vector<16xi32>
    %swap3A_966 = arith.constant 112 : index
    %swap3A_967 = tpu.vector_load %arg40[%swap3A_966] {strides = array<i32>} : memref<128xi32, #tpu.memory_space<vmem>>, vector<16xi32>,
    tpu.vector_store %arg40[%swap3A_966], %select_n3A_965 {strides = array<i32>} : memref<128xi32, #tpu.memory_space<vmem>>, vector<16xi32>,
    %get3A_968 = arith.constant 0 : index
    %get3A_969 = tpu.vector_load %arg9[%get3A_968] {strides = array<i32>} : memref<128xi32, #tpu.memory_space<vmem>>, vector<16xi32>,
    %sub3A_970 = vector.broadcast %mul3A_0 : i32 to vector<16xi32>
    %sub3A_971 = arith.subi %get3A_969, %sub3A_970 : vector<16xi32>
    %ge3A_972 = arith.constant 0 : i32
    %ge3A_973 = vector.broadcast %ge3A_972 : i32 to vector<16xi32>
    %ge3A_974 = arith.cmpi sge, %sub3A_971, %ge3A_973 : vector<16xi32>
    %lt3A_975 = arith.constant 502016 : i32
    %lt3A_976 = vector.broadcast %lt3A_975 : i32 to vector<16xi32>
    %lt3A_977 = arith.cmpi slt, %sub3A_971, %lt3A_976 : vector<16xi32>
    %and3A_978 = arith.andi %ge3A_974, %lt3A_977 : vector<16xi1>
    %jit3A_979 = arith.constant 502016 : i32
    %broadcast_in_dim3A_980 = vector.broadcast %jit3A_979 : i32 to vector<16xi32>
    %select_n3A_981 = arith.select %and3A_978, %sub3A_971, %broadcast_in_dim3A_980 : vector<16xi1>, vector<16xi32>
    %swap3A_982 = arith.constant 0 : index
    %swap3A_983 = tpu.vector_load %arg41[%swap3A_982] {strides = array<i32>} : memref<128xi32, #tpu.memory_space<vmem>>, vector<16xi32>,
    tpu.vector_store %arg41[%swap3A_982], %select_n3A_981 {strides = array<i32>} : memref<128xi32, #tpu.memory_space<vmem>>, vector<16xi32>,
    %get3A_984 = arith.constant 16 : index
    %get3A_985 = tpu.vector_load %arg9[%get3A_984] {strides = array<i32>} : memref<128xi32, #tpu.memory_space<vmem>>, vector<16xi32>,
    %sub3A_986 = vector.broadcast %mul3A_0 : i32 to vector<16xi32>
    %sub3A_987 = arith.subi %get3A_985, %sub3A_986 : vector<16xi32>
    %ge3A_988 = arith.constant 0 : i32
    %ge3A_989 = vector.broadcast %ge3A_988 : i32 to vector<16xi32>
    %ge3A_990 = arith.cmpi sge, %sub3A_987, %ge3A_989 : vector<16xi32>
    %lt3A_991 = arith.constant 502016 : i32
    %lt3A_992 = vector.broadcast %lt3A_991 : i32 to vector<16xi32>
    %lt3A_993 = arith.cmpi slt, %sub3A_987, %lt3A_992 : vector<16xi32>
    %and3A_994 = arith.andi %ge3A_990, %lt3A_993 : vector<16xi1>
    %jit3A_995 = arith.constant 502016 : i32
    %broadcast_in_dim3A_996 = vector.broadcast %jit3A_995 : i32 to vector<16xi32>
    %select_n3A_997 = arith.select %and3A_994, %sub3A_987, %broadcast_in_dim3A_996 : vector<16xi1>, vector<16xi32>
    %swap3A_998 = arith.constant 16 : index
    %swap3A_999 = tpu.vector_load %arg41[%swap3A_998] {strides = array<i32>} : memref<128xi32, #tpu.memory_space<vmem>>, vector<16xi32>,
    tpu.vector_store %arg41[%swap3A_998], %select_n3A_997 {strides = array<i32>} : memref<128xi32, #tpu.memory_space<vmem>>, vector<16xi32>,
    %get3A_1000 = arith.constant 32 : index
    %get3A_1001 = tpu.vector_load %arg9[%get3A_1000] {strides = array<i32>} : memref<128xi32, #tpu.memory_space<vmem>>, vector<16xi32>,
    %sub3A_1002 = vector.broadcast %mul3A_0 : i32 to vector<16xi32>
    %sub3A_1003 = arith.subi %get3A_1001, %sub3A_1002 : vector<16xi32>
    %ge3A_1004 = arith.constant 0 : i32
    %ge3A_1005 = vector.broadcast %ge3A_1004 : i32 to vector<16xi32>
    %ge3A_1006 = arith.cmpi sge, %sub3A_1003, %ge3A_1005 : vector<16xi32>
    %lt3A_1007 = arith.constant 502016 : i32
    %lt3A_1008 = vector.broadcast %lt3A_1007 : i32 to vector<16xi32>
    %lt3A_1009 = arith.cmpi slt, %sub3A_1003, %lt3A_1008 : vector<16xi32>
    %and3A_1010 = arith.andi %ge3A_1006, %lt3A_1009 : vector<16xi1>
    %jit3A_1011 = arith.constant 502016 : i32
    %broadcast_in_dim3A_1012 = vector.broadcast %jit3A_1011 : i32 to vector<16xi32>
    %select_n3A_1013 = arith.select %and3A_1010, %sub3A_1003, %broadcast_in_dim3A_1012 : vector<16xi1>, vector<16xi32>
    %swap3A_1014 = arith.constant 32 : index
    %swap3A_1015 = tpu.vector_load %arg41[%swap3A_1014] {strides = array<i32>} : memref<128xi32, #tpu.memory_space<vmem>>, vector<16xi32>,
    tpu.vector_store %arg41[%swap3A_1014], %select_n3A_1013 {strides = array<i32>} : memref<128xi32, #tpu.memory_space<vmem>>, vector<16xi32>,
    %get3A_1016 = arith.constant 48 : index
    %get3A_1017 = tpu.vector_load %arg9[%get3A_1016] {strides = array<i32>} : memref<128xi32, #tpu.memory_space<vmem>>, vector<16xi32>,
    %sub3A_1018 = vector.broadcast %mul3A_0 : i32 to vector<16xi32>
    %sub3A_1019 = arith.subi %get3A_1017, %sub3A_1018 : vector<16xi32>
    %ge3A_1020 = arith.constant 0 : i32
    %ge3A_1021 = vector.broadcast %ge3A_1020 : i32 to vector<16xi32>
    %ge3A_1022 = arith.cmpi sge, %sub3A_1019, %ge3A_1021 : vector<16xi32>
    %lt3A_1023 = arith.constant 502016 : i32
    %lt3A_1024 = vector.broadcast %lt3A_1023 : i32 to vector<16xi32>
    %lt3A_1025 = arith.cmpi slt, %sub3A_1019, %lt3A_1024 : vector<16xi32>
    %and3A_1026 = arith.andi %ge3A_1022, %lt3A_1025 : vector<16xi1>
    %jit3A_1027 = arith.constant 502016 : i32
    %broadcast_in_dim3A_1028 = vector.broadcast %jit3A_1027 : i32 to vector<16xi32>
    %select_n3A_1029 = arith.select %and3A_1026, %sub3A_1019, %broadcast_in_dim3A_1028 : vector<16xi1>, vector<16xi32>
    %swap3A_1030 = arith.constant 48 : index
    %swap3A_1031 = tpu.vector_load %arg41[%swap3A_1030] {strides = array<i32>} : memref<128xi32, #tpu.memory_space<vmem>>, vector<16xi32>,
    tpu.vector_store %arg41[%swap3A_1030], %select_n3A_1029 {strides = array<i32>} : memref<128xi32, #tpu.memory_space<vmem>>, vector<16xi32>,
    %get3A_1032 = arith.constant 64 : index
    %get3A_1033 = tpu.vector_load %arg9[%get3A_1032] {strides = array<i32>} : memref<128xi32, #tpu.memory_space<vmem>>, vector<16xi32>,
    %sub3A_1034 = vector.broadcast %mul3A_0 : i32 to vector<16xi32>
    %sub3A_1035 = arith.subi %get3A_1033, %sub3A_1034 : vector<16xi32>
    %ge3A_1036 = arith.constant 0 : i32
    %ge3A_1037 = vector.broadcast %ge3A_1036 : i32 to vector<16xi32>
    %ge3A_1038 = arith.cmpi sge, %sub3A_1035, %ge3A_1037 : vector<16xi32>
    %lt3A_1039 = arith.constant 502016 : i32
    %lt3A_1040 = vector.broadcast %lt3A_1039 : i32 to vector<16xi32>
    %lt3A_1041 = arith.cmpi slt, %sub3A_1035, %lt3A_1040 : vector<16xi32>
    %and3A_1042 = arith.andi %ge3A_1038, %lt3A_1041 : vector<16xi1>
    %jit3A_1043 = arith.constant 502016 : i32
    %broadcast_in_dim3A_1044 = vector.broadcast %jit3A_1043 : i32 to vector<16xi32>
    %select_n3A_1045 = arith.select %and3A_1042, %sub3A_1035, %broadcast_in_dim3A_1044 : vector<16xi1>, vector<16xi32>
    %swap3A_1046 = arith.constant 64 : index
    %swap3A_1047 = tpu.vector_load %arg41[%swap3A_1046] {strides = array<i32>} : memref<128xi32, #tpu.memory_space<vmem>>, vector<16xi32>,
    tpu.vector_store %arg41[%swap3A_1046], %select_n3A_1045 {strides = array<i32>} : memref<128xi32, #tpu.memory_space<vmem>>, vector<16xi32>,
    %get3A_1048 = arith.constant 80 : index
    %get3A_1049 = tpu.vector_load %arg9[%get3A_1048] {strides = array<i32>} : memref<128xi32, #tpu.memory_space<vmem>>, vector<16xi32>,
    %sub3A_1050 = vector.broadcast %mul3A_0 : i32 to vector<16xi32>
    %sub3A_1051 = arith.subi %get3A_1049, %sub3A_1050 : vector<16xi32>
    %ge3A_1052 = arith.constant 0 : i32
    %ge3A_1053 = vector.broadcast %ge3A_1052 : i32 to vector<16xi32>
    %ge3A_1054 = arith.cmpi sge, %sub3A_1051, %ge3A_1053 : vector<16xi32>
    %lt3A_1055 = arith.constant 502016 : i32
    %lt3A_1056 = vector.broadcast %lt3A_1055 : i32 to vector<16xi32>
    %lt3A_1057 = arith.cmpi slt, %sub3A_1051, %lt3A_1056 : vector<16xi32>
    %and3A_1058 = arith.andi %ge3A_1054, %lt3A_1057 : vector<16xi1>
    %jit3A_1059 = arith.constant 502016 : i32
    %broadcast_in_dim3A_1060 = vector.broadcast %jit3A_1059 : i32 to vector<16xi32>
    %select_n3A_1061 = arith.select %and3A_1058, %sub3A_1051, %broadcast_in_dim3A_1060 : vector<16xi1>, vector<16xi32>
    %swap3A_1062 = arith.constant 80 : index
    %swap3A_1063 = tpu.vector_load %arg41[%swap3A_1062] {strides = array<i32>} : memref<128xi32, #tpu.memory_space<vmem>>, vector<16xi32>,
    tpu.vector_store %arg41[%swap3A_1062], %select_n3A_1061 {strides = array<i32>} : memref<128xi32, #tpu.memory_space<vmem>>, vector<16xi32>,
    %get3A_1064 = arith.constant 96 : index
    %get3A_1065 = tpu.vector_load %arg9[%get3A_1064] {strides = array<i32>} : memref<128xi32, #tpu.memory_space<vmem>>, vector<16xi32>,
    %sub3A_1066 = vector.broadcast %mul3A_0 : i32 to vector<16xi32>
    %sub3A_1067 = arith.subi %get3A_1065, %sub3A_1066 : vector<16xi32>
    %ge3A_1068 = arith.constant 0 : i32
    %ge3A_1069 = vector.broadcast %ge3A_1068 : i32 to vector<16xi32>
    %ge3A_1070 = arith.cmpi sge, %sub3A_1067, %ge3A_1069 : vector<16xi32>
    %lt3A_1071 = arith.constant 502016 : i32
    %lt3A_1072 = vector.broadcast %lt3A_1071 : i32 to vector<16xi32>
    %lt3A_1073 = arith.cmpi slt, %sub3A_1067, %lt3A_1072 : vector<16xi32>
    %and3A_1074 = arith.andi %ge3A_1070, %lt3A_1073 : vector<16xi1>
    %jit3A_1075 = arith.constant 502016 : i32
    %broadcast_in_dim3A_1076 = vector.broadcast %jit3A_1075 : i32 to vector<16xi32>
    %select_n3A_1077 = arith.select %and3A_1074, %sub3A_1067, %broadcast_in_dim3A_1076 : vector<16xi1>, vector<16xi32>
    %swap3A_1078 = arith.constant 96 : index
    %swap3A_1079 = tpu.vector_load %arg41[%swap3A_1078] {strides = array<i32>} : memref<128xi32, #tpu.memory_space<vmem>>, vector<16xi32>,
    tpu.vector_store %arg41[%swap3A_1078], %select_n3A_1077 {strides = array<i32>} : memref<128xi32, #tpu.memory_space<vmem>>, vector<16xi32>,
    %get3A_1080 = arith.constant 112 : index
    %get3A_1081 = tpu.vector_load %arg9[%get3A_1080] {strides = array<i32>} : memref<128xi32, #tpu.memory_space<vmem>>, vector<16xi32>,
    %sub3A_1082 = vector.broadcast %mul3A_0 : i32 to vector<16xi32>
    %sub3A_1083 = arith.subi %get3A_1081, %sub3A_1082 : vector<16xi32>
    %ge3A_1084 = arith.constant 0 : i32
    %ge3A_1085 = vector.broadcast %ge3A_1084 : i32 to vector<16xi32>
    %ge3A_1086 = arith.cmpi sge, %sub3A_1083, %ge3A_1085 : vector<16xi32>
    %lt3A_1087 = arith.constant 502016 : i32
    %lt3A_1088 = vector.broadcast %lt3A_1087 : i32 to vector<16xi32>
    %lt3A_1089 = arith.cmpi slt, %sub3A_1083, %lt3A_1088 : vector<16xi32>
    %and3A_1090 = arith.andi %ge3A_1086, %lt3A_1089 : vector<16xi1>
    %jit3A_1091 = arith.constant 502016 : i32
    %broadcast_in_dim3A_1092 = vector.broadcast %jit3A_1091 : i32 to vector<16xi32>
    %select_n3A_1093 = arith.select %and3A_1090, %sub3A_1083, %broadcast_in_dim3A_1092 : vector<16xi1>, vector<16xi32>
    %swap3A_1094 = arith.constant 112 : index
    %swap3A_1095 = tpu.vector_load %arg41[%swap3A_1094] {strides = array<i32>} : memref<128xi32, #tpu.memory_space<vmem>>, vector<16xi32>,
    tpu.vector_store %arg41[%swap3A_1094], %select_n3A_1093 {strides = array<i32>} : memref<128xi32, #tpu.memory_space<vmem>>, vector<16xi32>,
    %get3A_1096 = arith.constant 0 : index
    %get3A_1097 = tpu.vector_load %arg10[%get3A_1096] {strides = array<i32>} : memref<128xi32, #tpu.memory_space<vmem>>, vector<16xi32>,
    %sub3A_1098 = vector.broadcast %mul3A_0 : i32 to vector<16xi32>
    %sub3A_1099 = arith.subi %get3A_1097, %sub3A_1098 : vector<16xi32>
    %ge3A_1100 = arith.constant 0 : i32
    %ge3A_1101 = vector.broadcast %ge3A_1100 : i32 to vector<16xi32>
    %ge3A_1102 = arith.cmpi sge, %sub3A_1099, %ge3A_1101 : vector<16xi32>
    %lt3A_1103 = arith.constant 502016 : i32
    %lt3A_1104 = vector.broadcast %lt3A_1103 : i32 to vector<16xi32>
    %lt3A_1105 = arith.cmpi slt, %sub3A_1099, %lt3A_1104 : vector<16xi32>
    %and3A_1106 = arith.andi %ge3A_1102, %lt3A_1105 : vector<16xi1>
    %jit3A_1107 = arith.constant 502016 : i32
    %broadcast_in_dim3A_1108 = vector.broadcast %jit3A_1107 : i32 to vector<16xi32>
    %select_n3A_1109 = arith.select %and3A_1106, %sub3A_1099, %broadcast_in_dim3A_1108 : vector<16xi1>, vector<16xi32>
    %swap3A_1110 = arith.constant 0 : index
    %swap3A_1111 = tpu.vector_load %arg42[%swap3A_1110] {strides = array<i32>} : memref<128xi32, #tpu.memory_space<vmem>>, vector<16xi32>,
    tpu.vector_store %arg42[%swap3A_1110], %select_n3A_1109 {strides = array<i32>} : memref<128xi32, #tpu.memory_space<vmem>>, vector<16xi32>,
    %get3A_1112 = arith.constant 16 : index
    %get3A_1113 = tpu.vector_load %arg10[%get3A_1112] {strides = array<i32>} : memref<128xi32, #tpu.memory_space<vmem>>, vector<16xi32>,
    %sub3A_1114 = vector.broadcast %mul3A_0 : i32 to vector<16xi32>
    %sub3A_1115 = arith.subi %get3A_1113, %sub3A_1114 : vector<16xi32>
    %ge3A_1116 = arith.constant 0 : i32
    %ge3A_1117 = vector.broadcast %ge3A_1116 : i32 to vector<16xi32>
    %ge3A_1118 = arith.cmpi sge, %sub3A_1115, %ge3A_1117 : vector<16xi32>
    %lt3A_1119 = arith.constant 502016 : i32
    %lt3A_1120 = vector.broadcast %lt3A_1119 : i32 to vector<16xi32>
    %lt3A_1121 = arith.cmpi slt, %sub3A_1115, %lt3A_1120 : vector<16xi32>
    %and3A_1122 = arith.andi %ge3A_1118, %lt3A_1121 : vector<16xi1>
    %jit3A_1123 = arith.constant 502016 : i32
    %broadcast_in_dim3A_1124 = vector.broadcast %jit3A_1123 : i32 to vector<16xi32>
    %select_n3A_1125 = arith.select %and3A_1122, %sub3A_1115, %broadcast_in_dim3A_1124 : vector<16xi1>, vector<16xi32>
    %swap3A_1126 = arith.constant 16 : index
    %swap3A_1127 = tpu.vector_load %arg42[%swap3A_1126] {strides = array<i32>} : memref<128xi32, #tpu.memory_space<vmem>>, vector<16xi32>,
    tpu.vector_store %arg42[%swap3A_1126], %select_n3A_1125 {strides = array<i32>} : memref<128xi32, #tpu.memory_space<vmem>>, vector<16xi32>,
    %get3A_1128 = arith.constant 32 : index
    %get3A_1129 = tpu.vector_load %arg10[%get3A_1128] {strides = array<i32>} : memref<128xi32, #tpu.memory_space<vmem>>, vector<16xi32>,
    %sub3A_1130 = vector.broadcast %mul3A_0 : i32 to vector<16xi32>
    %sub3A_1131 = arith.subi %get3A_1129, %sub3A_1130 : vector<16xi32>
    %ge3A_1132 = arith.constant 0 : i32
    %ge3A_1133 = vector.broadcast %ge3A_1132 : i32 to vector<16xi32>
    %ge3A_1134 = arith.cmpi sge, %sub3A_1131, %ge3A_1133 : vector<16xi32>
    %lt3A_1135 = arith.constant 502016 : i32
    %lt3A_1136 = vector.broadcast %lt3A_1135 : i32 to vector<16xi32>
    %lt3A_1137 = arith.cmpi slt, %sub3A_1131, %lt3A_1136 : vector<16xi32>
    %and3A_1138 = arith.andi %ge3A_1134, %lt3A_1137 : vector<16xi1>
    %jit3A_1139 = arith.constant 502016 : i32
    %broadcast_in_dim3A_1140 = vector.broadcast %jit3A_1139 : i32 to vector<16xi32>
    %select_n3A_1141 = arith.select %and3A_1138, %sub3A_1131, %broadcast_in_dim3A_1140 : vector<16xi1>, vector<16xi32>
    %swap3A_1142 = arith.constant 32 : index
    %swap3A_1143 = tpu.vector_load %arg42[%swap3A_1142] {strides = array<i32>} : memref<128xi32, #tpu.memory_space<vmem>>, vector<16xi32>,
    tpu.vector_store %arg42[%swap3A_1142], %select_n3A_1141 {strides = array<i32>} : memref<128xi32, #tpu.memory_space<vmem>>, vector<16xi32>,
    %get3A_1144 = arith.constant 48 : index
    %get3A_1145 = tpu.vector_load %arg10[%get3A_1144] {strides = array<i32>} : memref<128xi32, #tpu.memory_space<vmem>>, vector<16xi32>,
    %sub3A_1146 = vector.broadcast %mul3A_0 : i32 to vector<16xi32>
    %sub3A_1147 = arith.subi %get3A_1145, %sub3A_1146 : vector<16xi32>
    %ge3A_1148 = arith.constant 0 : i32
    %ge3A_1149 = vector.broadcast %ge3A_1148 : i32 to vector<16xi32>
    %ge3A_1150 = arith.cmpi sge, %sub3A_1147, %ge3A_1149 : vector<16xi32>
    %lt3A_1151 = arith.constant 502016 : i32
    %lt3A_1152 = vector.broadcast %lt3A_1151 : i32 to vector<16xi32>
    %lt3A_1153 = arith.cmpi slt, %sub3A_1147, %lt3A_1152 : vector<16xi32>
    %and3A_1154 = arith.andi %ge3A_1150, %lt3A_1153 : vector<16xi1>
    %jit3A_1155 = arith.constant 502016 : i32
    %broadcast_in_dim3A_1156 = vector.broadcast %jit3A_1155 : i32 to vector<16xi32>
    %select_n3A_1157 = arith.select %and3A_1154, %sub3A_1147, %broadcast_in_dim3A_1156 : vector<16xi1>, vector<16xi32>
    %swap3A_1158 = arith.constant 48 : index
    %swap3A_1159 = tpu.vector_load %arg42[%swap3A_1158] {strides = array<i32>} : memref<128xi32, #tpu.memory_space<vmem>>, vector<16xi32>,
    tpu.vector_store %arg42[%swap3A_1158], %select_n3A_1157 {strides = array<i32>} : memref<128xi32, #tpu.memory_space<vmem>>, vector<16xi32>,
    %get3A_1160 = arith.constant 64 : index
    %get3A_1161 = tpu.vector_load %arg10[%get3A_1160] {strides = array<i32>} : memref<128xi32, #tpu.memory_space<vmem>>, vector<16xi32>,
    %sub3A_1162 = vector.broadcast %mul3A_0 : i32 to vector<16xi32>
    %sub3A_1163 = arith.subi %get3A_1161, %sub3A_1162 : vector<16xi32>
    %ge3A_1164 = arith.constant 0 : i32
    %ge3A_1165 = vector.broadcast %ge3A_1164 : i32 to vector<16xi32>
    %ge3A_1166 = arith.cmpi sge, %sub3A_1163, %ge3A_1165 : vector<16xi32>
    %lt3A_1167 = arith.constant 502016 : i32
    %lt3A_1168 = vector.broadcast %lt3A_1167 : i32 to vector<16xi32>
    %lt3A_1169 = arith.cmpi slt, %sub3A_1163, %lt3A_1168 : vector<16xi32>
    %and3A_1170 = arith.andi %ge3A_1166, %lt3A_1169 : vector<16xi1>
    %jit3A_1171 = arith.constant 502016 : i32
    %broadcast_in_dim3A_1172 = vector.broadcast %jit3A_1171 : i32 to vector<16xi32>
    %select_n3A_1173 = arith.select %and3A_1170, %sub3A_1163, %broadcast_in_dim3A_1172 : vector<16xi1>, vector<16xi32>
    %swap3A_1174 = arith.constant 64 : index
    %swap3A_1175 = tpu.vector_load %arg42[%swap3A_1174] {strides = array<i32>} : memref<128xi32, #tpu.memory_space<vmem>>, vector<16xi32>,
    tpu.vector_store %arg42[%swap3A_1174], %select_n3A_1173 {strides = array<i32>} : memref<128xi32, #tpu.memory_space<vmem>>, vector<16xi32>,
    %get3A_1176 = arith.constant 80 : index
    %get3A_1177 = tpu.vector_load %arg10[%get3A_1176] {strides = array<i32>} : memref<128xi32, #tpu.memory_space<vmem>>, vector<16xi32>,
    %sub3A_1178 = vector.broadcast %mul3A_0 : i32 to vector<16xi32>
    %sub3A_1179 = arith.subi %get3A_1177, %sub3A_1178 : vector<16xi32>
    %ge3A_1180 = arith.constant 0 : i32
    %ge3A_1181 = vector.broadcast %ge3A_1180 : i32 to vector<16xi32>
    %ge3A_1182 = arith.cmpi sge, %sub3A_1179, %ge3A_1181 : vector<16xi32>
    %lt3A_1183 = arith.constant 502016 : i32
    %lt3A_1184 = vector.broadcast %lt3A_1183 : i32 to vector<16xi32>
    %lt3A_1185 = arith.cmpi slt, %sub3A_1179, %lt3A_1184 : vector<16xi32>
    %and3A_1186 = arith.andi %ge3A_1182, %lt3A_1185 : vector<16xi1>
    %jit3A_1187 = arith.constant 502016 : i32
    %broadcast_in_dim3A_1188 = vector.broadcast %jit3A_1187 : i32 to vector<16xi32>
    %select_n3A_1189 = arith.select %and3A_1186, %sub3A_1179, %broadcast_in_dim3A_1188 : vector<16xi1>, vector<16xi32>
    %swap3A_1190 = arith.constant 80 : index
    %swap3A_1191 = tpu.vector_load %arg42[%swap3A_1190] {strides = array<i32>} : memref<128xi32, #tpu.memory_space<vmem>>, vector<16xi32>,
    tpu.vector_store %arg42[%swap3A_1190], %select_n3A_1189 {strides = array<i32>} : memref<128xi32, #tpu.memory_space<vmem>>, vector<16xi32>,
    %get3A_1192 = arith.constant 96 : index
    %get3A_1193 = tpu.vector_load %arg10[%get3A_1192] {strides = array<i32>} : memref<128xi32, #tpu.memory_space<vmem>>, vector<16xi32>,
    %sub3A_1194 = vector.broadcast %mul3A_0 : i32 to vector<16xi32>
    %sub3A_1195 = arith.subi %get3A_1193, %sub3A_1194 : vector<16xi32>
    %ge3A_1196 = arith.constant 0 : i32
    %ge3A_1197 = vector.broadcast %ge3A_1196 : i32 to vector<16xi32>
    %ge3A_1198 = arith.cmpi sge, %sub3A_1195, %ge3A_1197 : vector<16xi32>
    %lt3A_1199 = arith.constant 502016 : i32
    %lt3A_1200 = vector.broadcast %lt3A_1199 : i32 to vector<16xi32>
    %lt3A_1201 = arith.cmpi slt, %sub3A_1195, %lt3A_1200 : vector<16xi32>
    %and3A_1202 = arith.andi %ge3A_1198, %lt3A_1201 : vector<16xi1>
    %jit3A_1203 = arith.constant 502016 : i32
    %broadcast_in_dim3A_1204 = vector.broadcast %jit3A_1203 : i32 to vector<16xi32>
    %select_n3A_1205 = arith.select %and3A_1202, %sub3A_1195, %broadcast_in_dim3A_1204 : vector<16xi1>, vector<16xi32>
    %swap3A_1206 = arith.constant 96 : index
    %swap3A_1207 = tpu.vector_load %arg42[%swap3A_1206] {strides = array<i32>} : memref<128xi32, #tpu.memory_space<vmem>>, vector<16xi32>,
    tpu.vector_store %arg42[%swap3A_1206], %select_n3A_1205 {strides = array<i32>} : memref<128xi32, #tpu.memory_space<vmem>>, vector<16xi32>,
    %get3A_1208 = arith.constant 112 : index
    %get3A_1209 = tpu.vector_load %arg10[%get3A_1208] {strides = array<i32>} : memref<128xi32, #tpu.memory_space<vmem>>, vector<16xi32>,
    %sub3A_1210 = vector.broadcast %mul3A_0 : i32 to vector<16xi32>
    %sub3A_1211 = arith.subi %get3A_1209, %sub3A_1210 : vector<16xi32>
    %ge3A_1212 = arith.constant 0 : i32
    %ge3A_1213 = vector.broadcast %ge3A_1212 : i32 to vector<16xi32>
    %ge3A_1214 = arith.cmpi sge, %sub3A_1211, %ge3A_1213 : vector<16xi32>
    %lt3A_1215 = arith.constant 502016 : i32
    %lt3A_1216 = vector.broadcast %lt3A_1215 : i32 to vector<16xi32>
    %lt3A_1217 = arith.cmpi slt, %sub3A_1211, %lt3A_1216 : vector<16xi32>
    %and3A_1218 = arith.andi %ge3A_1214, %lt3A_1217 : vector<16xi1>
    %jit3A_1219 = arith.constant 502016 : i32
    %broadcast_in_dim3A_1220 = vector.broadcast %jit3A_1219 : i32 to vector<16xi32>
    %select_n3A_1221 = arith.select %and3A_1218, %sub3A_1211, %broadcast_in_dim3A_1220 : vector<16xi1>, vector<16xi32>
    %swap3A_1222 = arith.constant 112 : index
    %swap3A_1223 = tpu.vector_load %arg42[%swap3A_1222] {strides = array<i32>} : memref<128xi32, #tpu.memory_space<vmem>>, vector<16xi32>,
    tpu.vector_store %arg42[%swap3A_1222], %select_n3A_1221 {strides = array<i32>} : memref<128xi32, #tpu.memory_space<vmem>>, vector<16xi32>,
    %get3A_1224 = arith.constant 0 : index
    %get3A_1225 = tpu.vector_load %arg11[%get3A_1224] {strides = array<i32>} : memref<128xi32, #tpu.memory_space<vmem>>, vector<16xi32>,
    %sub3A_1226 = vector.broadcast %mul3A_0 : i32 to vector<16xi32>
    %sub3A_1227 = arith.subi %get3A_1225, %sub3A_1226 : vector<16xi32>
    %ge3A_1228 = arith.constant 0 : i32
    %ge3A_1229 = vector.broadcast %ge3A_1228 : i32 to vector<16xi32>
    %ge3A_1230 = arith.cmpi sge, %sub3A_1227, %ge3A_1229 : vector<16xi32>
    %lt3A_1231 = arith.constant 502016 : i32
    %lt3A_1232 = vector.broadcast %lt3A_1231 : i32 to vector<16xi32>
    %lt3A_1233 = arith.cmpi slt, %sub3A_1227, %lt3A_1232 : vector<16xi32>
    %and3A_1234 = arith.andi %ge3A_1230, %lt3A_1233 : vector<16xi1>
    %jit3A_1235 = arith.constant 502016 : i32
    %broadcast_in_dim3A_1236 = vector.broadcast %jit3A_1235 : i32 to vector<16xi32>
    %select_n3A_1237 = arith.select %and3A_1234, %sub3A_1227, %broadcast_in_dim3A_1236 : vector<16xi1>, vector<16xi32>
    %swap3A_1238 = arith.constant 0 : index
    %swap3A_1239 = tpu.vector_load %arg43[%swap3A_1238] {strides = array<i32>} : memref<128xi32, #tpu.memory_space<vmem>>, vector<16xi32>,
    tpu.vector_store %arg43[%swap3A_1238], %select_n3A_1237 {strides = array<i32>} : memref<128xi32, #tpu.memory_space<vmem>>, vector<16xi32>,
    %get3A_1240 = arith.constant 16 : index
    %get3A_1241 = tpu.vector_load %arg11[%get3A_1240] {strides = array<i32>} : memref<128xi32, #tpu.memory_space<vmem>>, vector<16xi32>,
    %sub3A_1242 = vector.broadcast %mul3A_0 : i32 to vector<16xi32>
    %sub3A_1243 = arith.subi %get3A_1241, %sub3A_1242 : vector<16xi32>
    %ge3A_1244 = arith.constant 0 : i32
    %ge3A_1245 = vector.broadcast %ge3A_1244 : i32 to vector<16xi32>
    %ge3A_1246 = arith.cmpi sge, %sub3A_1243, %ge3A_1245 : vector<16xi32>
    %lt3A_1247 = arith.constant 502016 : i32
    %lt3A_1248 = vector.broadcast %lt3A_1247 : i32 to vector<16xi32>
    %lt3A_1249 = arith.cmpi slt, %sub3A_1243, %lt3A_1248 : vector<16xi32>
    %and3A_1250 = arith.andi %ge3A_1246, %lt3A_1249 : vector<16xi1>
    %jit3A_1251 = arith.constant 502016 : i32
    %broadcast_in_dim3A_1252 = vector.broadcast %jit3A_1251 : i32 to vector<16xi32>
    %select_n3A_1253 = arith.select %and3A_1250, %sub3A_1243, %broadcast_in_dim3A_1252 : vector<16xi1>, vector<16xi32>
    %swap3A_1254 = arith.constant 16 : index
    %swap3A_1255 = tpu.vector_load %arg43[%swap3A_1254] {strides = array<i32>} : memref<128xi32, #tpu.memory_space<vmem>>, vector<16xi32>,
    tpu.vector_store %arg43[%swap3A_1254], %select_n3A_1253 {strides = array<i32>} : memref<128xi32, #tpu.memory_space<vmem>>, vector<16xi32>,
    %get3A_1256 = arith.constant 32 : index
    %get3A_1257 = tpu.vector_load %arg11[%get3A_1256] {strides = array<i32>} : memref<128xi32, #tpu.memory_space<vmem>>, vector<16xi32>,
    %sub3A_1258 = vector.broadcast %mul3A_0 : i32 to vector<16xi32>
    %sub3A_1259 = arith.subi %get3A_1257, %sub3A_1258 : vector<16xi32>
    %ge3A_1260 = arith.constant 0 : i32
    %ge3A_1261 = vector.broadcast %ge3A_1260 : i32 to vector<16xi32>
    %ge3A_1262 = arith.cmpi sge, %sub3A_1259, %ge3A_1261 : vector<16xi32>
    %lt3A_1263 = arith.constant 502016 : i32
    %lt3A_1264 = vector.broadcast %lt3A_1263 : i32 to vector<16xi32>
    %lt3A_1265 = arith.cmpi slt, %sub3A_1259, %lt3A_1264 : vector<16xi32>
    %and3A_1266 = arith.andi %ge3A_1262, %lt3A_1265 : vector<16xi1>
    %jit3A_1267 = arith.constant 502016 : i32
    %broadcast_in_dim3A_1268 = vector.broadcast %jit3A_1267 : i32 to vector<16xi32>
    %select_n3A_1269 = arith.select %and3A_1266, %sub3A_1259, %broadcast_in_dim3A_1268 : vector<16xi1>, vector<16xi32>
    %swap3A_1270 = arith.constant 32 : index
    %swap3A_1271 = tpu.vector_load %arg43[%swap3A_1270] {strides = array<i32>} : memref<128xi32, #tpu.memory_space<vmem>>, vector<16xi32>,
    tpu.vector_store %arg43[%swap3A_1270], %select_n3A_1269 {strides = array<i32>} : memref<128xi32, #tpu.memory_space<vmem>>, vector<16xi32>,
    %get3A_1272 = arith.constant 48 : index
    %get3A_1273 = tpu.vector_load %arg11[%get3A_1272] {strides = array<i32>} : memref<128xi32, #tpu.memory_space<vmem>>, vector<16xi32>,
    %sub3A_1274 = vector.broadcast %mul3A_0 : i32 to vector<16xi32>
    %sub3A_1275 = arith.subi %get3A_1273, %sub3A_1274 : vector<16xi32>
    %ge3A_1276 = arith.constant 0 : i32
    %ge3A_1277 = vector.broadcast %ge3A_1276 : i32 to vector<16xi32>
    %ge3A_1278 = arith.cmpi sge, %sub3A_1275, %ge3A_1277 : vector<16xi32>
    %lt3A_1279 = arith.constant 502016 : i32
    %lt3A_1280 = vector.broadcast %lt3A_1279 : i32 to vector<16xi32>
    %lt3A_1281 = arith.cmpi slt, %sub3A_1275, %lt3A_1280 : vector<16xi32>
    %and3A_1282 = arith.andi %ge3A_1278, %lt3A_1281 : vector<16xi1>
    %jit3A_1283 = arith.constant 502016 : i32
    %broadcast_in_dim3A_1284 = vector.broadcast %jit3A_1283 : i32 to vector<16xi32>
    %select_n3A_1285 = arith.select %and3A_1282, %sub3A_1275, %broadcast_in_dim3A_1284 : vector<16xi1>, vector<16xi32>
    %swap3A_1286 = arith.constant 48 : index
    %swap3A_1287 = tpu.vector_load %arg43[%swap3A_1286] {strides = array<i32>} : memref<128xi32, #tpu.memory_space<vmem>>, vector<16xi32>,
    tpu.vector_store %arg43[%swap3A_1286], %select_n3A_1285 {strides = array<i32>} : memref<128xi32, #tpu.memory_space<vmem>>, vector<16xi32>,
    %get3A_1288 = arith.constant 64 : index
    %get3A_1289 = tpu.vector_load %arg11[%get3A_1288] {strides = array<i32>} : memref<128xi32, #tpu.memory_space<vmem>>, vector<16xi32>,
    %sub3A_1290 = vector.broadcast %mul3A_0 : i32 to vector<16xi32>
    %sub3A_1291 = arith.subi %get3A_1289, %sub3A_1290 : vector<16xi32>
    %ge3A_1292 = arith.constant 0 : i32
    %ge3A_1293 = vector.broadcast %ge3A_1292 : i32 to vector<16xi32>
    %ge3A_1294 = arith.cmpi sge, %sub3A_1291, %ge3A_1293 : vector<16xi32>
    %lt3A_1295 = arith.constant 502016 : i32
    %lt3A_1296 = vector.broadcast %lt3A_1295 : i32 to vector<16xi32>
    %lt3A_1297 = arith.cmpi slt, %sub3A_1291, %lt3A_1296 : vector<16xi32>
    %and3A_1298 = arith.andi %ge3A_1294, %lt3A_1297 : vector<16xi1>
    %jit3A_1299 = arith.constant 502016 : i32
    %broadcast_in_dim3A_1300 = vector.broadcast %jit3A_1299 : i32 to vector<16xi32>
    %select_n3A_1301 = arith.select %and3A_1298, %sub3A_1291, %broadcast_in_dim3A_1300 : vector<16xi1>, vector<16xi32>
    %swap3A_1302 = arith.constant 64 : index
    %swap3A_1303 = tpu.vector_load %arg43[%swap3A_1302] {strides = array<i32>} : memref<128xi32, #tpu.memory_space<vmem>>, vector<16xi32>,
    tpu.vector_store %arg43[%swap3A_1302], %select_n3A_1301 {strides = array<i32>} : memref<128xi32, #tpu.memory_space<vmem>>, vector<16xi32>,
    %get3A_1304 = arith.constant 80 : index
    %get3A_1305 = tpu.vector_load %arg11[%get3A_1304] {strides = array<i32>} : memref<128xi32, #tpu.memory_space<vmem>>, vector<16xi32>,
    %sub3A_1306 = vector.broadcast %mul3A_0 : i32 to vector<16xi32>
    %sub3A_1307 = arith.subi %get3A_1305, %sub3A_1306 : vector<16xi32>
    %ge3A_1308 = arith.constant 0 : i32
    %ge3A_1309 = vector.broadcast %ge3A_1308 : i32 to vector<16xi32>
    %ge3A_1310 = arith.cmpi sge, %sub3A_1307, %ge3A_1309 : vector<16xi32>
    %lt3A_1311 = arith.constant 502016 : i32
    %lt3A_1312 = vector.broadcast %lt3A_1311 : i32 to vector<16xi32>
    %lt3A_1313 = arith.cmpi slt, %sub3A_1307, %lt3A_1312 : vector<16xi32>
    %and3A_1314 = arith.andi %ge3A_1310, %lt3A_1313 : vector<16xi1>
    %jit3A_1315 = arith.constant 502016 : i32
    %broadcast_in_dim3A_1316 = vector.broadcast %jit3A_1315 : i32 to vector<16xi32>
    %select_n3A_1317 = arith.select %and3A_1314, %sub3A_1307, %broadcast_in_dim3A_1316 : vector<16xi1>, vector<16xi32>
    %swap3A_1318 = arith.constant 80 : index
    %swap3A_1319 = tpu.vector_load %arg43[%swap3A_1318] {strides = array<i32>} : memref<128xi32, #tpu.memory_space<vmem>>, vector<16xi32>,
    tpu.vector_store %arg43[%swap3A_1318], %select_n3A_1317 {strides = array<i32>} : memref<128xi32, #tpu.memory_space<vmem>>, vector<16xi32>,
    %get3A_1320 = arith.constant 96 : index
    %get3A_1321 = tpu.vector_load %arg11[%get3A_1320] {strides = array<i32>} : memref<128xi32, #tpu.memory_space<vmem>>, vector<16xi32>,
    %sub3A_1322 = vector.broadcast %mul3A_0 : i32 to vector<16xi32>
    %sub3A_1323 = arith.subi %get3A_1321, %sub3A_1322 : vector<16xi32>
    %ge3A_1324 = arith.constant 0 : i32
    %ge3A_1325 = vector.broadcast %ge3A_1324 : i32 to vector<16xi32>
    %ge3A_1326 = arith.cmpi sge, %sub3A_1323, %ge3A_1325 : vector<16xi32>
    %lt3A_1327 = arith.constant 502016 : i32
    %lt3A_1328 = vector.broadcast %lt3A_1327 : i32 to vector<16xi32>
    %lt3A_1329 = arith.cmpi slt, %sub3A_1323, %lt3A_1328 : vector<16xi32>
    %and3A_1330 = arith.andi %ge3A_1326, %lt3A_1329 : vector<16xi1>
    %jit3A_1331 = arith.constant 502016 : i32
    %broadcast_in_dim3A_1332 = vector.broadcast %jit3A_1331 : i32 to vector<16xi32>
    %select_n3A_1333 = arith.select %and3A_1330, %sub3A_1323, %broadcast_in_dim3A_1332 : vector<16xi1>, vector<16xi32>
    %swap3A_1334 = arith.constant 96 : index
    %swap3A_1335 = tpu.vector_load %arg43[%swap3A_1334] {strides = array<i32>} : memref<128xi32, #tpu.memory_space<vmem>>, vector<16xi32>,
    tpu.vector_store %arg43[%swap3A_1334], %select_n3A_1333 {strides = array<i32>} : memref<128xi32, #tpu.memory_space<vmem>>, vector<16xi32>,
    %get3A_1336 = arith.constant 112 : index
    %get3A_1337 = tpu.vector_load %arg11[%get3A_1336] {strides = array<i32>} : memref<128xi32, #tpu.memory_space<vmem>>, vector<16xi32>,
    %sub3A_1338 = vector.broadcast %mul3A_0 : i32 to vector<16xi32>
    %sub3A_1339 = arith.subi %get3A_1337, %sub3A_1338 : vector<16xi32>
    %ge3A_1340 = arith.constant 0 : i32
    %ge3A_1341 = vector.broadcast %ge3A_1340 : i32 to vector<16xi32>
    %ge3A_1342 = arith.cmpi sge, %sub3A_1339, %ge3A_1341 : vector<16xi32>
    %lt3A_1343 = arith.constant 502016 : i32
    %lt3A_1344 = vector.broadcast %lt3A_1343 : i32 to vector<16xi32>
    %lt3A_1345 = arith.cmpi slt, %sub3A_1339, %lt3A_1344 : vector<16xi32>
    %and3A_1346 = arith.andi %ge3A_1342, %lt3A_1345 : vector<16xi1>
    %jit3A_1347 = arith.constant 502016 : i32
    %broadcast_in_dim3A_1348 = vector.broadcast %jit3A_1347 : i32 to vector<16xi32>
    %select_n3A_1349 = arith.select %and3A_1346, %sub3A_1339, %broadcast_in_dim3A_1348 : vector<16xi1>, vector<16xi32>
    %swap3A_1350 = arith.constant 112 : index
    %swap3A_1351 = tpu.vector_load %arg43[%swap3A_1350] {strides = array<i32>} : memref<128xi32, #tpu.memory_space<vmem>>, vector<16xi32>,
    tpu.vector_store %arg43[%swap3A_1350], %select_n3A_1349 {strides = array<i32>} : memref<128xi32, #tpu.memory_space<vmem>>, vector<16xi32>,
    %get3A_1352 = arith.constant 0 : index
    %get3A_1353 = tpu.vector_load %arg12[%get3A_1352] {strides = array<i32>} : memref<128xi32, #tpu.memory_space<vmem>>, vector<16xi32>,
    %sub3A_1354 = vector.broadcast %mul3A_0 : i32 to vector<16xi32>
    %sub3A_1355 = arith.subi %get3A_1353, %sub3A_1354 : vector<16xi32>
    %ge3A_1356 = arith.constant 0 : i32
    %ge3A_1357 = vector.broadcast %ge3A_1356 : i32 to vector<16xi32>
    %ge3A_1358 = arith.cmpi sge, %sub3A_1355, %ge3A_1357 : vector<16xi32>
    %lt3A_1359 = arith.constant 502016 : i32
    %lt3A_1360 = vector.broadcast %lt3A_1359 : i32 to vector<16xi32>
    %lt3A_1361 = arith.cmpi slt, %sub3A_1355, %lt3A_1360 : vector<16xi32>
    %and3A_1362 = arith.andi %ge3A_1358, %lt3A_1361 : vector<16xi1>
    %jit3A_1363 = arith.constant 502016 : i32
    %broadcast_in_dim3A_1364 = vector.broadcast %jit3A_1363 : i32 to vector<16xi32>
    %select_n3A_1365 = arith.select %and3A_1362, %sub3A_1355, %broadcast_in_dim3A_1364 : vector<16xi1>, vector<16xi32>
    %swap3A_1366 = arith.constant 0 : index
    %swap3A_1367 = tpu.vector_load %arg44[%swap3A_1366] {strides = array<i32>} : memref<128xi32, #tpu.memory_space<vmem>>, vector<16xi32>,
    tpu.vector_store %arg44[%swap3A_1366], %select_n3A_1365 {strides = array<i32>} : memref<128xi32, #tpu.memory_space<vmem>>, vector<16xi32>,
    %get3A_1368 = arith.constant 16 : index
    %get3A_1369 = tpu.vector_load %arg12[%get3A_1368] {strides = array<i32>} : memref<128xi32, #tpu.memory_space<vmem>>, vector<16xi32>,
    %sub3A_1370 = vector.broadcast %mul3A_0 : i32 to vector<16xi32>
    %sub3A_1371 = arith.subi %get3A_1369, %sub3A_1370 : vector<16xi32>
    %ge3A_1372 = arith.constant 0 : i32
    %ge3A_1373 = vector.broadcast %ge3A_1372 : i32 to vector<16xi32>
    %ge3A_1374 = arith.cmpi sge, %sub3A_1371, %ge3A_1373 : vector<16xi32>
    %lt3A_1375 = arith.constant 502016 : i32
    %lt3A_1376 = vector.broadcast %lt3A_1375 : i32 to vector<16xi32>
    %lt3A_1377 = arith.cmpi slt, %sub3A_1371, %lt3A_1376 : vector<16xi32>
    %and3A_1378 = arith.andi %ge3A_1374, %lt3A_1377 : vector<16xi1>
    %jit3A_1379 = arith.constant 502016 : i32
    %broadcast_in_dim3A_1380 = vector.broadcast %jit3A_1379 : i32 to vector<16xi32>
    %select_n3A_1381 = arith.select %and3A_1378, %sub3A_1371, %broadcast_in_dim3A_1380 : vector<16xi1>, vector<16xi32>
    %swap3A_1382 = arith.constant 16 : index
    %swap3A_1383 = tpu.vector_load %arg44[%swap3A_1382] {strides = array<i32>} : memref<128xi32, #tpu.memory_space<vmem>>, vector<16xi32>,
    tpu.vector_store %arg44[%swap3A_1382], %select_n3A_1381 {strides = array<i32>} : memref<128xi32, #tpu.memory_space<vmem>>, vector<16xi32>,
    %get3A_1384 = arith.constant 32 : index
    %get3A_1385 = tpu.vector_load %arg12[%get3A_1384] {strides = array<i32>} : memref<128xi32, #tpu.memory_space<vmem>>, vector<16xi32>,
    %sub3A_1386 = vector.broadcast %mul3A_0 : i32 to vector<16xi32>
    %sub3A_1387 = arith.subi %get3A_1385, %sub3A_1386 : vector<16xi32>
    %ge3A_1388 = arith.constant 0 : i32
    %ge3A_1389 = vector.broadcast %ge3A_1388 : i32 to vector<16xi32>
    %ge3A_1390 = arith.cmpi sge, %sub3A_1387, %ge3A_1389 : vector<16xi32>
    %lt3A_1391 = arith.constant 502016 : i32
    %lt3A_1392 = vector.broadcast %lt3A_1391 : i32 to vector<16xi32>
    %lt3A_1393 = arith.cmpi slt, %sub3A_1387, %lt3A_1392 : vector<16xi32>
    %and3A_1394 = arith.andi %ge3A_1390, %lt3A_1393 : vector<16xi1>
    %jit3A_1395 = arith.constant 502016 : i32
    %broadcast_in_dim3A_1396 = vector.broadcast %jit3A_1395 : i32 to vector<16xi32>
    %select_n3A_1397 = arith.select %and3A_1394, %sub3A_1387, %broadcast_in_dim3A_1396 : vector<16xi1>, vector<16xi32>
    %swap3A_1398 = arith.constant 32 : index
    %swap3A_1399 = tpu.vector_load %arg44[%swap3A_1398] {strides = array<i32>} : memref<128xi32, #tpu.memory_space<vmem>>, vector<16xi32>,
    tpu.vector_store %arg44[%swap3A_1398], %select_n3A_1397 {strides = array<i32>} : memref<128xi32, #tpu.memory_space<vmem>>, vector<16xi32>,
    %get3A_1400 = arith.constant 48 : index
    %get3A_1401 = tpu.vector_load %arg12[%get3A_1400] {strides = array<i32>} : memref<128xi32, #tpu.memory_space<vmem>>, vector<16xi32>,
    %sub3A_1402 = vector.broadcast %mul3A_0 : i32 to vector<16xi32>
    %sub3A_1403 = arith.subi %get3A_1401, %sub3A_1402 : vector<16xi32>
    %ge3A_1404 = arith.constant 0 : i32
    %ge3A_1405 = vector.broadcast %ge3A_1404 : i32 to vector<16xi32>
    %ge3A_1406 = arith.cmpi sge, %sub3A_1403, %ge3A_1405 : vector<16xi32>
    %lt3A_1407 = arith.constant 502016 : i32
    %lt3A_1408 = vector.broadcast %lt3A_1407 : i32 to vector<16xi32>
    %lt3A_1409 = arith.cmpi slt, %sub3A_1403, %lt3A_1408 : vector<16xi32>
    %and3A_1410 = arith.andi %ge3A_1406, %lt3A_1409 : vector<16xi1>
    %jit3A_1411 = arith.constant 502016 : i32
    %broadcast_in_dim3A_1412 = vector.broadcast %jit3A_1411 : i32 to vector<16xi32>
    %select_n3A_1413 = arith.select %and3A_1410, %sub3A_1403, %broadcast_in_dim3A_1412 : vector<16xi1>, vector<16xi32>
    %swap3A_1414 = arith.constant 48 : index
    %swap3A_1415 = tpu.vector_load %arg44[%swap3A_1414] {strides = array<i32>} : memref<128xi32, #tpu.memory_space<vmem>>, vector<16xi32>,
    tpu.vector_store %arg44[%swap3A_1414], %select_n3A_1413 {strides = array<i32>} : memref<128xi32, #tpu.memory_space<vmem>>, vector<16xi32>,
    %get3A_1416 = arith.constant 64 : index
    %get3A_1417 = tpu.vector_load %arg12[%get3A_1416] {strides = array<i32>} : memref<128xi32, #tpu.memory_space<vmem>>, vector<16xi32>,
    %sub3A_1418 = vector.broadcast %mul3A_0 : i32 to vector<16xi32>
    %sub3A_1419 = arith.subi %get3A_1417, %sub3A_1418 : vector<16xi32>
    %ge3A_1420 = arith.constant 0 : i32
    %ge3A_1421 = vector.broadcast %ge3A_1420 : i32 to vector<16xi32>
    %ge3A_1422 = arith.cmpi sge, %sub3A_1419, %ge3A_1421 : vector<16xi32>
    %lt3A_1423 = arith.constant 502016 : i32
    %lt3A_1424 = vector.broadcast %lt3A_1423 : i32 to vector<16xi32>
    %lt3A_1425 = arith.cmpi slt, %sub3A_1419, %lt3A_1424 : vector<16xi32>
    %and3A_1426 = arith.andi %ge3A_1422, %lt3A_1425 : vector<16xi1>
    %jit3A_1427 = arith.constant 502016 : i32
    %broadcast_in_dim3A_1428 = vector.broadcast %jit3A_1427 : i32 to vector<16xi32>
    %select_n3A_1429 = arith.select %and3A_1426, %sub3A_1419, %broadcast_in_dim3A_1428 : vector<16xi1>, vector<16xi32>
    %swap3A_1430 = arith.constant 64 : index
    %swap3A_1431 = tpu.vector_load %arg44[%swap3A_1430] {strides = array<i32>} : memref<128xi32, #tpu.memory_space<vmem>>, vector<16xi32>,
    tpu.vector_store %arg44[%swap3A_1430], %select_n3A_1429 {strides = array<i32>} : memref<128xi32, #tpu.memory_space<vmem>>, vector<16xi32>,
    %get3A_1432 = arith.constant 80 : index
    %get3A_1433 = tpu.vector_load %arg12[%get3A_1432] {strides = array<i32>} : memref<128xi32, #tpu.memory_space<vmem>>, vector<16xi32>,
    %sub3A_1434 = vector.broadcast %mul3A_0 : i32 to vector<16xi32>
    %sub3A_1435 = arith.subi %get3A_1433, %sub3A_1434 : vector<16xi32>
    %ge3A_1436 = arith.constant 0 : i32
    %ge3A_1437 = vector.broadcast %ge3A_1436 : i32 to vector<16xi32>
    %ge3A_1438 = arith.cmpi sge, %sub3A_1435, %ge3A_1437 : vector<16xi32>
    %lt3A_1439 = arith.constant 502016 : i32
    %lt3A_1440 = vector.broadcast %lt3A_1439 : i32 to vector<16xi32>
    %lt3A_1441 = arith.cmpi slt, %sub3A_1435, %lt3A_1440 : vector<16xi32>
    %and3A_1442 = arith.andi %ge3A_1438, %lt3A_1441 : vector<16xi1>
    %jit3A_1443 = arith.constant 502016 : i32
    %broadcast_in_dim3A_1444 = vector.broadcast %jit3A_1443 : i32 to vector<16xi32>
    %select_n3A_1445 = arith.select %and3A_1442, %sub3A_1435, %broadcast_in_dim3A_1444 : vector<16xi1>, vector<16xi32>
    %swap3A_1446 = arith.constant 80 : index
    %swap3A_1447 = tpu.vector_load %arg44[%swap3A_1446] {strides = array<i32>} : memref<128xi32, #tpu.memory_space<vmem>>, vector<16xi32>,
    tpu.vector_store %arg44[%swap3A_1446], %select_n3A_1445 {strides = array<i32>} : memref<128xi32, #tpu.memory_space<vmem>>, vector<16xi32>,
    %get3A_1448 = arith.constant 96 : index
    %get3A_1449 = tpu.vector_load %arg12[%get3A_1448] {strides = array<i32>} : memref<128xi32, #tpu.memory_space<vmem>>, vector<16xi32>,
    %sub3A_1450 = vector.broadcast %mul3A_0 : i32 to vector<16xi32>
    %sub3A_1451 = arith.subi %get3A_1449, %sub3A_1450 : vector<16xi32>
    %ge3A_1452 = arith.constant 0 : i32
    %ge3A_1453 = vector.broadcast %ge3A_1452 : i32 to vector<16xi32>
    %ge3A_1454 = arith.cmpi sge, %sub3A_1451, %ge3A_1453 : vector<16xi32>
    %lt3A_1455 = arith.constant 502016 : i32
    %lt3A_1456 = vector.broadcast %lt3A_1455 : i32 to vector<16xi32>
    %lt3A_1457 = arith.cmpi slt, %sub3A_1451, %lt3A_1456 : vector<16xi32>
    %and3A_1458 = arith.andi %ge3A_1454, %lt3A_1457 : vector<16xi1>
    %jit3A_1459 = arith.constant 502016 : i32
    %broadcast_in_dim3A_1460 = vector.broadcast %jit3A_1459 : i32 to vector<16xi32>
    %select_n3A_1461 = arith.select %and3A_1458, %sub3A_1451, %broadcast_in_dim3A_1460 : vector<16xi1>, vector<16xi32>
    %swap3A_1462 = arith.constant 96 : index
    %swap3A_1463 = tpu.vector_load %arg44[%swap3A_1462] {strides = array<i32>} : memref<128xi32, #tpu.memory_space<vmem>>, vector<16xi32>,
    tpu.vector_store %arg44[%swap3A_1462], %select_n3A_1461 {strides = array<i32>} : memref<128xi32, #tpu.memory_space<vmem>>, vector<16xi32>,
    %get3A_1464 = arith.constant 112 : index
    %get3A_1465 = tpu.vector_load %arg12[%get3A_1464] {strides = array<i32>} : memref<128xi32, #tpu.memory_space<vmem>>, vector<16xi32>,
    %sub3A_1466 = vector.broadcast %mul3A_0 : i32 to vector<16xi32>
    %sub3A_1467 = arith.subi %get3A_1465, %sub3A_1466 : vector<16xi32>
    %ge3A_1468 = arith.constant 0 : i32
    %ge3A_1469 = vector.broadcast %ge3A_1468 : i32 to vector<16xi32>
    %ge3A_1470 = arith.cmpi sge, %sub3A_1467, %ge3A_1469 : vector<16xi32>
    %lt3A_1471 = arith.constant 502016 : i32
    %lt3A_1472 = vector.broadcast %lt3A_1471 : i32 to vector<16xi32>
    %lt3A_1473 = arith.cmpi slt, %sub3A_1467, %lt3A_1472 : vector<16xi32>
    %and3A_1474 = arith.andi %ge3A_1470, %lt3A_1473 : vector<16xi1>
    %jit3A_1475 = arith.constant 502016 : i32
    %broadcast_in_dim3A_1476 = vector.broadcast %jit3A_1475 : i32 to vector<16xi32>
    %select_n3A_1477 = arith.select %and3A_1474, %sub3A_1467, %broadcast_in_dim3A_1476 : vector<16xi1>, vector<16xi32>
    %swap3A_1478 = arith.constant 112 : index
    %swap3A_1479 = tpu.vector_load %arg44[%swap3A_1478] {strides = array<i32>} : memref<128xi32, #tpu.memory_space<vmem>>, vector<16xi32>,
    tpu.vector_store %arg44[%swap3A_1478], %select_n3A_1477 {strides = array<i32>} : memref<128xi32, #tpu.memory_space<vmem>>, vector<16xi32>,
    %get3A_1480 = arith.constant 0 : index
    %get3A_1481 = tpu.vector_load %arg13[%get3A_1480] {strides = array<i32>} : memref<128xi32, #tpu.memory_space<vmem>>, vector<16xi32>,
    %sub3A_1482 = vector.broadcast %mul3A_0 : i32 to vector<16xi32>
    %sub3A_1483 = arith.subi %get3A_1481, %sub3A_1482 : vector<16xi32>
    %ge3A_1484 = arith.constant 0 : i32
    %ge3A_1485 = vector.broadcast %ge3A_1484 : i32 to vector<16xi32>
    %ge3A_1486 = arith.cmpi sge, %sub3A_1483, %ge3A_1485 : vector<16xi32>
    %lt3A_1487 = arith.constant 502016 : i32
    %lt3A_1488 = vector.broadcast %lt3A_1487 : i32 to vector<16xi32>
    %lt3A_1489 = arith.cmpi slt, %sub3A_1483, %lt3A_1488 : vector<16xi32>
    %and3A_1490 = arith.andi %ge3A_1486, %lt3A_1489 : vector<16xi1>
    %jit3A_1491 = arith.constant 502016 : i32
    %broadcast_in_dim3A_1492 = vector.broadcast %jit3A_1491 : i32 to vector<16xi32>
    %select_n3A_1493 = arith.select %and3A_1490, %sub3A_1483, %broadcast_in_dim3A_1492 : vector<16xi1>, vector<16xi32>
    %swap3A_1494 = arith.constant 0 : index
    %swap3A_1495 = tpu.vector_load %arg45[%swap3A_1494] {strides = array<i32>} : memref<128xi32, #tpu.memory_space<vmem>>, vector<16xi32>,
    tpu.vector_store %arg45[%swap3A_1494], %select_n3A_1493 {strides = array<i32>} : memref<128xi32, #tpu.memory_space<vmem>>, vector<16xi32>,
    %get3A_1496 = arith.constant 16 : index
    %get3A_1497 = tpu.vector_load %arg13[%get3A_1496] {strides = array<i32>} : memref<128xi32, #tpu.memory_space<vmem>>, vector<16xi32>,
    %sub3A_1498 = vector.broadcast %mul3A_0 : i32 to vector<16xi32>
    %sub3A_1499 = arith.subi %get3A_1497, %sub3A_1498 : vector<16xi32>
    %ge3A_1500 = arith.constant 0 : i32
    %ge3A_1501 = vector.broadcast %ge3A_1500 : i32 to vector<16xi32>
    %ge3A_1502 = arith.cmpi sge, %sub3A_1499, %ge3A_1501 : vector<16xi32>
    %lt3A_1503 = arith.constant 502016 : i32
    %lt3A_1504 = vector.broadcast %lt3A_1503 : i32 to vector<16xi32>
    %lt3A_1505 = arith.cmpi slt, %sub3A_1499, %lt3A_1504 : vector<16xi32>
    %and3A_1506 = arith.andi %ge3A_1502, %lt3A_1505 : vector<16xi1>
    %jit3A_1507 = arith.constant 502016 : i32
    %broadcast_in_dim3A_1508 = vector.broadcast %jit3A_1507 : i32 to vector<16xi32>
    %select_n3A_1509 = arith.select %and3A_1506, %sub3A_1499, %broadcast_in_dim3A_1508 : vector<16xi1>, vector<16xi32>
    %swap3A_1510 = arith.constant 16 : index
    %swap3A_1511 = tpu.vector_load %arg45[%swap3A_1510] {strides = array<i32>} : memref<128xi32, #tpu.memory_space<vmem>>, vector<16xi32>,
    tpu.vector_store %arg45[%swap3A_1510], %select_n3A_1509 {strides = array<i32>} : memref<128xi32, #tpu.memory_space<vmem>>, vector<16xi32>,
    %get3A_1512 = arith.constant 32 : index
    %get3A_1513 = tpu.vector_load %arg13[%get3A_1512] {strides = array<i32>} : memref<128xi32, #tpu.memory_space<vmem>>, vector<16xi32>,
    %sub3A_1514 = vector.broadcast %mul3A_0 : i32 to vector<16xi32>
    %sub3A_1515 = arith.subi %get3A_1513, %sub3A_1514 : vector<16xi32>
    %ge3A_1516 = arith.constant 0 : i32
    %ge3A_1517 = vector.broadcast %ge3A_1516 : i32 to vector<16xi32>
    %ge3A_1518 = arith.cmpi sge, %sub3A_1515, %ge3A_1517 : vector<16xi32>
    %lt3A_1519 = arith.constant 502016 : i32
    %lt3A_1520 = vector.broadcast %lt3A_1519 : i32 to vector<16xi32>
    %lt3A_1521 = arith.cmpi slt, %sub3A_1515, %lt3A_1520 : vector<16xi32>
    %and3A_1522 = arith.andi %ge3A_1518, %lt3A_1521 : vector<16xi1>
    %jit3A_1523 = arith.constant 502016 : i32
    %broadcast_in_dim3A_1524 = vector.broadcast %jit3A_1523 : i32 to vector<16xi32>
    %select_n3A_1525 = arith.select %and3A_1522, %sub3A_1515, %broadcast_in_dim3A_1524 : vector<16xi1>, vector<16xi32>
    %swap3A_1526 = arith.constant 32 : index
    %swap3A_1527 = tpu.vector_load %arg45[%swap3A_1526] {strides = array<i32>} : memref<128xi32, #tpu.memory_space<vmem>>, vector<16xi32>,
    tpu.vector_store %arg45[%swap3A_1526], %select_n3A_1525 {strides = array<i32>} : memref<128xi32, #tpu.memory_space<vmem>>, vector<16xi32>,
    %get3A_1528 = arith.constant 48 : index
    %get3A_1529 = tpu.vector_load %arg13[%get3A_1528] {strides = array<i32>} : memref<128xi32, #tpu.memory_space<vmem>>, vector<16xi32>,
    %sub3A_1530 = vector.broadcast %mul3A_0 : i32 to vector<16xi32>
    %sub3A_1531 = arith.subi %get3A_1529, %sub3A_1530 : vector<16xi32>
    %ge3A_1532 = arith.constant 0 : i32
    %ge3A_1533 = vector.broadcast %ge3A_1532 : i32 to vector<16xi32>
    %ge3A_1534 = arith.cmpi sge, %sub3A_1531, %ge3A_1533 : vector<16xi32>
    %lt3A_1535 = arith.constant 502016 : i32
    %lt3A_1536 = vector.broadcast %lt3A_1535 : i32 to vector<16xi32>
    %lt3A_1537 = arith.cmpi slt, %sub3A_1531, %lt3A_1536 : vector<16xi32>
    %and3A_1538 = arith.andi %ge3A_1534, %lt3A_1537 : vector<16xi1>
    %jit3A_1539 = arith.constant 502016 : i32
    %broadcast_in_dim3A_1540 = vector.broadcast %jit3A_1539 : i32 to vector<16xi32>
    %select_n3A_1541 = arith.select %and3A_1538, %sub3A_1531, %broadcast_in_dim3A_1540 : vector<16xi1>, vector<16xi32>
    %swap3A_1542 = arith.constant 48 : index
    %swap3A_1543 = tpu.vector_load %arg45[%swap3A_1542] {strides = array<i32>} : memref<128xi32, #tpu.memory_space<vmem>>, vector<16xi32>,
    tpu.vector_store %arg45[%swap3A_1542], %select_n3A_1541 {strides = array<i32>} : memref<128xi32, #tpu.memory_space<vmem>>, vector<16xi32>,
    %get3A_1544 = arith.constant 64 : index
    %get3A_1545 = tpu.vector_load %arg13[%get3A_1544] {strides = array<i32>} : memref<128xi32, #tpu.memory_space<vmem>>, vector<16xi32>,
    %sub3A_1546 = vector.broadcast %mul3A_0 : i32 to vector<16xi32>
    %sub3A_1547 = arith.subi %get3A_1545, %sub3A_1546 : vector<16xi32>
    %ge3A_1548 = arith.constant 0 : i32
    %ge3A_1549 = vector.broadcast %ge3A_1548 : i32 to vector<16xi32>
    %ge3A_1550 = arith.cmpi sge, %sub3A_1547, %ge3A_1549 : vector<16xi32>
    %lt3A_1551 = arith.constant 502016 : i32
    %lt3A_1552 = vector.broadcast %lt3A_1551 : i32 to vector<16xi32>
    %lt3A_1553 = arith.cmpi slt, %sub3A_1547, %lt3A_1552 : vector<16xi32>
    %and3A_1554 = arith.andi %ge3A_1550, %lt3A_1553 : vector<16xi1>
    %jit3A_1555 = arith.constant 502016 : i32
    %broadcast_in_dim3A_1556 = vector.broadcast %jit3A_1555 : i32 to vector<16xi32>
    %select_n3A_1557 = arith.select %and3A_1554, %sub3A_1547, %broadcast_in_dim3A_1556 : vector<16xi1>, vector<16xi32>
    %swap3A_1558 = arith.constant 64 : index
    %swap3A_1559 = tpu.vector_load %arg45[%swap3A_1558] {strides = array<i32>} : memref<128xi32, #tpu.memory_space<vmem>>, vector<16xi32>,
    tpu.vector_store %arg45[%swap3A_1558], %select_n3A_1557 {strides = array<i32>} : memref<128xi32, #tpu.memory_space<vmem>>, vector<16xi32>,
    %get3A_1560 = arith.constant 80 : index
    %get3A_1561 = tpu.vector_load %arg13[%get3A_1560] {strides = array<i32>} : memref<128xi32, #tpu.memory_space<vmem>>, vector<16xi32>,
    %sub3A_1562 = vector.broadcast %mul3A_0 : i32 to vector<16xi32>
    %sub3A_1563 = arith.subi %get3A_1561, %sub3A_1562 : vector<16xi32>
    %ge3A_1564 = arith.constant 0 : i32
    %ge3A_1565 = vector.broadcast %ge3A_1564 : i32 to vector<16xi32>
    %ge3A_1566 = arith.cmpi sge, %sub3A_1563, %ge3A_1565 : vector<16xi32>
    %lt3A_1567 = arith.constant 502016 : i32
    %lt3A_1568 = vector.broadcast %lt3A_1567 : i32 to vector<16xi32>
    %lt3A_1569 = arith.cmpi slt, %sub3A_1563, %lt3A_1568 : vector<16xi32>
    %and3A_1570 = arith.andi %ge3A_1566, %lt3A_1569 : vector<16xi1>
    %jit3A_1571 = arith.constant 502016 : i32
    %broadcast_in_dim3A_1572 = vector.broadcast %jit3A_1571 : i32 to vector<16xi32>
    %select_n3A_1573 = arith.select %and3A_1570, %sub3A_1563, %broadcast_in_dim3A_1572 : vector<16xi1>, vector<16xi32>
    %swap3A_1574 = arith.constant 80 : index
    %swap3A_1575 = tpu.vector_load %arg45[%swap3A_1574] {strides = array<i32>} : memref<128xi32, #tpu.memory_space<vmem>>, vector<16xi32>,
    tpu.vector_store %arg45[%swap3A_1574], %select_n3A_1573 {strides = array<i32>} : memref<128xi32, #tpu.memory_space<vmem>>, vector<16xi32>,
    %get3A_1576 = arith.constant 96 : index
    %get3A_1577 = tpu.vector_load %arg13[%get3A_1576] {strides = array<i32>} : memref<128xi32, #tpu.memory_space<vmem>>, vector<16xi32>,
    %sub3A_1578 = vector.broadcast %mul3A_0 : i32 to vector<16xi32>
    %sub3A_1579 = arith.subi %get3A_1577, %sub3A_1578 : vector<16xi32>
    %ge3A_1580 = arith.constant 0 : i32
    %ge3A_1581 = vector.broadcast %ge3A_1580 : i32 to vector<16xi32>
    %ge3A_1582 = arith.cmpi sge, %sub3A_1579, %ge3A_1581 : vector<16xi32>
    %lt3A_1583 = arith.constant 502016 : i32
    %lt3A_1584 = vector.broadcast %lt3A_1583 : i32 to vector<16xi32>
    %lt3A_1585 = arith.cmpi slt, %sub3A_1579, %lt3A_1584 : vector<16xi32>
    %and3A_1586 = arith.andi %ge3A_1582, %lt3A_1585 : vector<16xi1>
    %jit3A_1587 = arith.constant 502016 : i32
    %broadcast_in_dim3A_1588 = vector.broadcast %jit3A_1587 : i32 to vector<16xi32>
    %select_n3A_1589 = arith.select %and3A_1586, %sub3A_1579, %broadcast_in_dim3A_1588 : vector<16xi1>, vector<16xi32>
    %swap3A_1590 = arith.constant 96 : index
    %swap3A_1591 = tpu.vector_load %arg45[%swap3A_1590] {strides = array<i32>} : memref<128xi32, #tpu.memory_space<vmem>>, vector<16xi32>,
    tpu.vector_store %arg45[%swap3A_1590], %select_n3A_1589 {strides = array<i32>} : memref<128xi32, #tpu.memory_space<vmem>>, vector<16xi32>,
    %get3A_1592 = arith.constant 112 : index
    %get3A_1593 = tpu.vector_load %arg13[%get3A_1592] {strides = array<i32>} : memref<128xi32, #tpu.memory_space<vmem>>, vector<16xi32>,
    %sub3A_1594 = vector.broadcast %mul3A_0 : i32 to vector<16xi32>
    %sub3A_1595 = arith.subi %get3A_1593, %sub3A_1594 : vector<16xi32>
    %ge3A_1596 = arith.constant 0 : i32
    %ge3A_1597 = vector.broadcast %ge3A_1596 : i32 to vector<16xi32>
    %ge3A_1598 = arith.cmpi sge, %sub3A_1595, %ge3A_1597 : vector<16xi32>
    %lt3A_1599 = arith.constant 502016 : i32
    %lt3A_1600 = vector.broadcast %lt3A_1599 : i32 to vector<16xi32>
    %lt3A_1601 = arith.cmpi slt, %sub3A_1595, %lt3A_1600 : vector<16xi32>
    %and3A_1602 = arith.andi %ge3A_1598, %lt3A_1601 : vector<16xi1>
    %jit3A_1603 = arith.constant 502016 : i32
    %broadcast_in_dim3A_1604 = vector.broadcast %jit3A_1603 : i32 to vector<16xi32>
    %select_n3A_1605 = arith.select %and3A_1602, %sub3A_1595, %broadcast_in_dim3A_1604 : vector<16xi1>, vector<16xi32>
    %swap3A_1606 = arith.constant 112 : index
    %swap3A_1607 = tpu.vector_load %arg45[%swap3A_1606] {strides = array<i32>} : memref<128xi32, #tpu.memory_space<vmem>>, vector<16xi32>,
    tpu.vector_store %arg45[%swap3A_1606], %select_n3A_1605 {strides = array<i32>} : memref<128xi32, #tpu.memory_space<vmem>>, vector<16xi32>,
    %get3A_1608 = arith.constant 0 : index
    %get3A_1609 = tpu.vector_load %arg14[%get3A_1608] {strides = array<i32>} : memref<128xi32, #tpu.memory_space<vmem>>, vector<16xi32>,
    %sub3A_1610 = vector.broadcast %mul3A_0 : i32 to vector<16xi32>
    %sub3A_1611 = arith.subi %get3A_1609, %sub3A_1610 : vector<16xi32>
    %ge3A_1612 = arith.constant 0 : i32
    %ge3A_1613 = vector.broadcast %ge3A_1612 : i32 to vector<16xi32>
    %ge3A_1614 = arith.cmpi sge, %sub3A_1611, %ge3A_1613 : vector<16xi32>
    %lt3A_1615 = arith.constant 502016 : i32
    %lt3A_1616 = vector.broadcast %lt3A_1615 : i32 to vector<16xi32>
    %lt3A_1617 = arith.cmpi slt, %sub3A_1611, %lt3A_1616 : vector<16xi32>
    %and3A_1618 = arith.andi %ge3A_1614, %lt3A_1617 : vector<16xi1>
    %jit3A_1619 = arith.constant 502016 : i32
    %broadcast_in_dim3A_1620 = vector.broadcast %jit3A_1619 : i32 to vector<16xi32>
    %select_n3A_1621 = arith.select %and3A_1618, %sub3A_1611, %broadcast_in_dim3A_1620 : vector<16xi1>, vector<16xi32>
    %swap3A_1622 = arith.constant 0 : index
    %swap3A_1623 = tpu.vector_load %arg46[%swap3A_1622] {strides = array<i32>} : memref<128xi32, #tpu.memory_space<vmem>>, vector<16xi32>,
    tpu.vector_store %arg46[%swap3A_1622], %select_n3A_1621 {strides = array<i32>} : memref<128xi32, #tpu.memory_space<vmem>>, vector<16xi32>,
    %get3A_1624 = arith.constant 16 : index
    %get3A_1625 = tpu.vector_load %arg14[%get3A_1624] {strides = array<i32>} : memref<128xi32, #tpu.memory_space<vmem>>, vector<16xi32>,
    %sub3A_1626 = vector.broadcast %mul3A_0 : i32 to vector<16xi32>
    %sub3A_1627 = arith.subi %get3A_1625, %sub3A_1626 : vector<16xi32>
    %ge3A_1628 = arith.constant 0 : i32
    %ge3A_1629 = vector.broadcast %ge3A_1628 : i32 to vector<16xi32>
    %ge3A_1630 = arith.cmpi sge, %sub3A_1627, %ge3A_1629 : vector<16xi32>
    %lt3A_1631 = arith.constant 502016 : i32
    %lt3A_1632 = vector.broadcast %lt3A_1631 : i32 to vector<16xi32>
    %lt3A_1633 = arith.cmpi slt, %sub3A_1627, %lt3A_1632 : vector<16xi32>
    %and3A_1634 = arith.andi %ge3A_1630, %lt3A_1633 : vector<16xi1>
    %jit3A_1635 = arith.constant 502016 : i32
    %broadcast_in_dim3A_1636 = vector.broadcast %jit3A_1635 : i32 to vector<16xi32>
    %select_n3A_1637 = arith.select %and3A_1634, %sub3A_1627, %broadcast_in_dim3A_1636 : vector<16xi1>, vector<16xi32>
    %swap3A_1638 = arith.constant 16 : index
    %swap3A_1639 = tpu.vector_load %arg46[%swap3A_1638] {strides = array<i32>} : memref<128xi32, #tpu.memory_space<vmem>>, vector<16xi32>,
    tpu.vector_store %arg46[%swap3A_1638], %select_n3A_1637 {strides = array<i32>} : memref<128xi32, #tpu.memory_space<vmem>>, vector<16xi32>,
    %get3A_1640 = arith.constant 32 : index
    %get3A_1641 = tpu.vector_load %arg14[%get3A_1640] {strides = array<i32>} : memref<128xi32, #tpu.memory_space<vmem>>, vector<16xi32>,
    %sub3A_1642 = vector.broadcast %mul3A_0 : i32 to vector<16xi32>
    %sub3A_1643 = arith.subi %get3A_1641, %sub3A_1642 : vector<16xi32>
    %ge3A_1644 = arith.constant 0 : i32
    %ge3A_1645 = vector.broadcast %ge3A_1644 : i32 to vector<16xi32>
    %ge3A_1646 = arith.cmpi sge, %sub3A_1643, %ge3A_1645 : vector<16xi32>
    %lt3A_1647 = arith.constant 502016 : i32
    %lt3A_1648 = vector.broadcast %lt3A_1647 : i32 to vector<16xi32>
    %lt3A_1649 = arith.cmpi slt, %sub3A_1643, %lt3A_1648 : vector<16xi32>
    %and3A_1650 = arith.andi %ge3A_1646, %lt3A_1649 : vector<16xi1>
    %jit3A_1651 = arith.constant 502016 : i32
    %broadcast_in_dim3A_1652 = vector.broadcast %jit3A_1651 : i32 to vector<16xi32>
    %select_n3A_1653 = arith.select %and3A_1650, %sub3A_1643, %broadcast_in_dim3A_1652 : vector<16xi1>, vector<16xi32>
    %swap3A_1654 = arith.constant 32 : index
    %swap3A_1655 = tpu.vector_load %arg46[%swap3A_1654] {strides = array<i32>} : memref<128xi32, #tpu.memory_space<vmem>>, vector<16xi32>,
    tpu.vector_store %arg46[%swap3A_1654], %select_n3A_1653 {strides = array<i32>} : memref<128xi32, #tpu.memory_space<vmem>>, vector<16xi32>,
    %get3A_1656 = arith.constant 48 : index
    %get3A_1657 = tpu.vector_load %arg14[%get3A_1656] {strides = array<i32>} : memref<128xi32, #tpu.memory_space<vmem>>, vector<16xi32>,
    %sub3A_1658 = vector.broadcast %mul3A_0 : i32 to vector<16xi32>
    %sub3A_1659 = arith.subi %get3A_1657, %sub3A_1658 : vector<16xi32>
    %ge3A_1660 = arith.constant 0 : i32
    %ge3A_1661 = vector.broadcast %ge3A_1660 : i32 to vector<16xi32>
    %ge3A_1662 = arith.cmpi sge, %sub3A_1659, %ge3A_1661 : vector<16xi32>
    %lt3A_1663 = arith.constant 502016 : i32
    %lt3A_1664 = vector.broadcast %lt3A_1663 : i32 to vector<16xi32>
    %lt3A_1665 = arith.cmpi slt, %sub3A_1659, %lt3A_1664 : vector<16xi32>
    %and3A_1666 = arith.andi %ge3A_1662, %lt3A_1665 : vector<16xi1>
    %jit3A_1667 = arith.constant 502016 : i32
    %broadcast_in_dim3A_1668 = vector.broadcast %jit3A_1667 : i32 to vector<16xi32>
    %select_n3A_1669 = arith.select %and3A_1666, %sub3A_1659, %broadcast_in_dim3A_1668 : vector<16xi1>, vector<16xi32>
    %swap3A_1670 = arith.constant 48 : index
    %swap3A_1671 = tpu.vector_load %arg46[%swap3A_1670] {strides = array<i32>} : memref<128xi32, #tpu.memory_space<vmem>>, vector<16xi32>,
    tpu.vector_store %arg46[%swap3A_1670], %select_n3A_1669 {strides = array<i32>} : memref<128xi32, #tpu.memory_space<vmem>>, vector<16xi32>,
    %get3A_1672 = arith.constant 64 : index
    %get3A_1673 = tpu.vector_load %arg14[%get3A_1672] {strides = array<i32>} : memref<128xi32, #tpu.memory_space<vmem>>, vector<16xi32>,
    %sub3A_1674 = vector.broadcast %mul3A_0 : i32 to vector<16xi32>
    %sub3A_1675 = arith.subi %get3A_1673, %sub3A_1674 : vector<16xi32>
    %ge3A_1676 = arith.constant 0 : i32
    %ge3A_1677 = vector.broadcast %ge3A_1676 : i32 to vector<16xi32>
    %ge3A_1678 = arith.cmpi sge, %sub3A_1675, %ge3A_1677 : vector<16xi32>
    %lt3A_1679 = arith.constant 502016 : i32
    %lt3A_1680 = vector.broadcast %lt3A_1679 : i32 to vector<16xi32>
    %lt3A_1681 = arith.cmpi slt, %sub3A_1675, %lt3A_1680 : vector<16xi32>
    %and3A_1682 = arith.andi %ge3A_1678, %lt3A_1681 : vector<16xi1>
    %jit3A_1683 = arith.constant 502016 : i32
    %broadcast_in_dim3A_1684 = vector.broadcast %jit3A_1683 : i32 to vector<16xi32>
    %select_n3A_1685 = arith.select %and3A_1682, %sub3A_1675, %broadcast_in_dim3A_1684 : vector<16xi1>, vector<16xi32>
    %swap3A_1686 = arith.constant 64 : index
    %swap3A_1687 = tpu.vector_load %arg46[%swap3A_1686] {strides = array<i32>} : memref<128xi32, #tpu.memory_space<vmem>>, vector<16xi32>,
    tpu.vector_store %arg46[%swap3A_1686], %select_n3A_1685 {strides = array<i32>} : memref<128xi32, #tpu.memory_space<vmem>>, vector<16xi32>,
    %get3A_1688 = arith.constant 80 : index
    %get3A_1689 = tpu.vector_load %arg14[%get3A_1688] {strides = array<i32>} : memref<128xi32, #tpu.memory_space<vmem>>, vector<16xi32>,
    %sub3A_1690 = vector.broadcast %mul3A_0 : i32 to vector<16xi32>
    %sub3A_1691 = arith.subi %get3A_1689, %sub3A_1690 : vector<16xi32>
    %ge3A_1692 = arith.constant 0 : i32
    %ge3A_1693 = vector.broadcast %ge3A_1692 : i32 to vector<16xi32>
    %ge3A_1694 = arith.cmpi sge, %sub3A_1691, %ge3A_1693 : vector<16xi32>
    %lt3A_1695 = arith.constant 502016 : i32
    %lt3A_1696 = vector.broadcast %lt3A_1695 : i32 to vector<16xi32>
    %lt3A_1697 = arith.cmpi slt, %sub3A_1691, %lt3A_1696 : vector<16xi32>
    %and3A_1698 = arith.andi %ge3A_1694, %lt3A_1697 : vector<16xi1>
    %jit3A_1699 = arith.constant 502016 : i32
    %broadcast_in_dim3A_1700 = vector.broadcast %jit3A_1699 : i32 to vector<16xi32>
    %select_n3A_1701 = arith.select %and3A_1698, %sub3A_1691, %broadcast_in_dim3A_1700 : vector<16xi1>, vector<16xi32>
    %swap3A_1702 = arith.constant 80 : index
    %swap3A_1703 = tpu.vector_load %arg46[%swap3A_1702] {strides = array<i32>} : memref<128xi32, #tpu.memory_space<vmem>>, vector<16xi32>,
    tpu.vector_store %arg46[%swap3A_1702], %select_n3A_1701 {strides = array<i32>} : memref<128xi32, #tpu.memory_space<vmem>>, vector<16xi32>,
    %get3A_1704 = arith.constant 96 : index
    %get3A_1705 = tpu.vector_load %arg14[%get3A_1704] {strides = array<i32>} : memref<128xi32, #tpu.memory_space<vmem>>, vector<16xi32>,
    %sub3A_1706 = vector.broadcast %mul3A_0 : i32 to vector<16xi32>
    %sub3A_1707 = arith.subi %get3A_1705, %sub3A_1706 : vector<16xi32>
    %ge3A_1708 = arith.constant 0 : i32
    %ge3A_1709 = vector.broadcast %ge3A_1708 : i32 to vector<16xi32>
    %ge3A_1710 = arith.cmpi sge, %sub3A_1707, %ge3A_1709 : vector<16xi32>
    %lt3A_1711 = arith.constant 502016 : i32
    %lt3A_1712 = vector.broadcast %lt3A_1711 : i32 to vector<16xi32>
    %lt3A_1713 = arith.cmpi slt, %sub3A_1707, %lt3A_1712 : vector<16xi32>
    %and3A_1714 = arith.andi %ge3A_1710, %lt3A_1713 : vector<16xi1>
    %jit3A_1715 = arith.constant 502016 : i32
    %broadcast_in_dim3A_1716 = vector.broadcast %jit3A_1715 : i32 to vector<16xi32>
    %select_n3A_1717 = arith.select %and3A_1714, %sub3A_1707, %broadcast_in_dim3A_1716 : vector<16xi1>, vector<16xi32>
    %swap3A_1718 = arith.constant 96 : index
    %swap3A_1719 = tpu.vector_load %arg46[%swap3A_1718] {strides = array<i32>} : memref<128xi32, #tpu.memory_space<vmem>>, vector<16xi32>,
    tpu.vector_store %arg46[%swap3A_1718], %select_n3A_1717 {strides = array<i32>} : memref<128xi32, #tpu.memory_space<vmem>>, vector<16xi32>,
    %get3A_1720 = arith.constant 112 : index
    %get3A_1721 = tpu.vector_load %arg14[%get3A_1720] {strides = array<i32>} : memref<128xi32, #tpu.memory_space<vmem>>, vector<16xi32>,
    %sub3A_1722 = vector.broadcast %mul3A_0 : i32 to vector<16xi32>
    %sub3A_1723 = arith.subi %get3A_1721, %sub3A_1722 : vector<16xi32>
    %ge3A_1724 = arith.constant 0 : i32
    %ge3A_1725 = vector.broadcast %ge3A_1724 : i32 to vector<16xi32>
    %ge3A_1726 = arith.cmpi sge, %sub3A_1723, %ge3A_1725 : vector<16xi32>
    %lt3A_1727 = arith.constant 502016 : i32
    %lt3A_1728 = vector.broadcast %lt3A_1727 : i32 to vector<16xi32>
    %lt3A_1729 = arith.cmpi slt, %sub3A_1723, %lt3A_1728 : vector<16xi32>
    %and3A_1730 = arith.andi %ge3A_1726, %lt3A_1729 : vector<16xi1>
    %jit3A_1731 = arith.constant 502016 : i32
    %broadcast_in_dim3A_1732 = vector.broadcast %jit3A_1731 : i32 to vector<16xi32>
    %select_n3A_1733 = arith.select %and3A_1730, %sub3A_1723, %broadcast_in_dim3A_1732 : vector<16xi1>, vector<16xi32>
    %swap3A_1734 = arith.constant 112 : index
    %swap3A_1735 = tpu.vector_load %arg46[%swap3A_1734] {strides = array<i32>} : memref<128xi32, #tpu.memory_space<vmem>>, vector<16xi32>,
    tpu.vector_store %arg46[%swap3A_1734], %select_n3A_1733 {strides = array<i32>} : memref<128xi32, #tpu.memory_space<vmem>>, vector<16xi32>,
    %get3A_1736 = arith.constant 0 : index
    %get3A_1737 = tpu.vector_load %arg15[%get3A_1736] {strides = array<i32>} : memref<128xi32, #tpu.memory_space<vmem>>, vector<16xi32>,
    %sub3A_1738 = vector.broadcast %mul3A_0 : i32 to vector<16xi32>
    %sub3A_1739 = arith.subi %get3A_1737, %sub3A_1738 : vector<16xi32>
    %ge3A_1740 = arith.constant 0 : i32
    %ge3A_1741 = vector.broadcast %ge3A_1740 : i32 to vector<16xi32>
    %ge3A_1742 = arith.cmpi sge, %sub3A_1739, %ge3A_1741 : vector<16xi32>
    %lt3A_1743 = arith.constant 502016 : i32
    %lt3A_1744 = vector.broadcast %lt3A_1743 : i32 to vector<16xi32>
    %lt3A_1745 = arith.cmpi slt, %sub3A_1739, %lt3A_1744 : vector<16xi32>
    %and3A_1746 = arith.andi %ge3A_1742, %lt3A_1745 : vector<16xi1>
    %jit3A_1747 = arith.constant 502016 : i32
    %broadcast_in_dim3A_1748 = vector.broadcast %jit3A_1747 : i32 to vector<16xi32>
    %select_n3A_1749 = arith.select %and3A_1746, %sub3A_1739, %broadcast_in_dim3A_1748 : vector<16xi1>, vector<16xi32>
    %swap3A_1750 = arith.constant 0 : index
    %swap3A_1751 = tpu.vector_load %arg47[%swap3A_1750] {strides = array<i32>} : memref<128xi32, #tpu.memory_space<vmem>>, vector<16xi32>,
    tpu.vector_store %arg47[%swap3A_1750], %select_n3A_1749 {strides = array<i32>} : memref<128xi32, #tpu.memory_space<vmem>>, vector<16xi32>,
    %get3A_1752 = arith.constant 16 : index
    %get3A_1753 = tpu.vector_load %arg15[%get3A_1752] {strides = array<i32>} : memref<128xi32, #tpu.memory_space<vmem>>, vector<16xi32>,
    %sub3A_1754 = vector.broadcast %mul3A_0 : i32 to vector<16xi32>
    %sub3A_1755 = arith.subi %get3A_1753, %sub3A_1754 : vector<16xi32>
    %ge3A_1756 = arith.constant 0 : i32
    %ge3A_1757 = vector.broadcast %ge3A_1756 : i32 to vector<16xi32>
    %ge3A_1758 = arith.cmpi sge, %sub3A_1755, %ge3A_1757 : vector<16xi32>
    %lt3A_1759 = arith.constant 502016 : i32
    %lt3A_1760 = vector.broadcast %lt3A_1759 : i32 to vector<16xi32>
    %lt3A_1761 = arith.cmpi slt, %sub3A_1755, %lt3A_1760 : vector<16xi32>
    %and3A_1762 = arith.andi %ge3A_1758, %lt3A_1761 : vector<16xi1>
    %jit3A_1763 = arith.constant 502016 : i32
    %broadcast_in_dim3A_1764 = vector.broadcast %jit3A_1763 : i32 to vector<16xi32>
    %select_n3A_1765 = arith.select %and3A_1762, %sub3A_1755, %broadcast_in_dim3A_1764 : vector<16xi1>, vector<16xi32>
    %swap3A_1766 = arith.constant 16 : index
    %swap3A_1767 = tpu.vector_load %arg47[%swap3A_1766] {strides = array<i32>} : memref<128xi32, #tpu.memory_space<vmem>>, vector<16xi32>,
    tpu.vector_store %arg47[%swap3A_1766], %select_n3A_1765 {strides = array<i32>} : memref<128xi32, #tpu.memory_space<vmem>>, vector<16xi32>,
    %get3A_1768 = arith.constant 32 : index
    %get3A_1769 = tpu.vector_load %arg15[%get3A_1768] {strides = array<i32>} : memref<128xi32, #tpu.memory_space<vmem>>, vector<16xi32>,
    %sub3A_1770 = vector.broadcast %mul3A_0 : i32 to vector<16xi32>
    %sub3A_1771 = arith.subi %get3A_1769, %sub3A_1770 : vector<16xi32>
    %ge3A_1772 = arith.constant 0 : i32
    %ge3A_1773 = vector.broadcast %ge3A_1772 : i32 to vector<16xi32>
    %ge3A_1774 = arith.cmpi sge, %sub3A_1771, %ge3A_1773 : vector<16xi32>
    %lt3A_1775 = arith.constant 502016 : i32
    %lt3A_1776 = vector.broadcast %lt3A_1775 : i32 to vector<16xi32>
    %lt3A_1777 = arith.cmpi slt, %sub3A_1771, %lt3A_1776 : vector<16xi32>
    %and3A_1778 = arith.andi %ge3A_1774, %lt3A_1777 : vector<16xi1>
    %jit3A_1779 = arith.constant 502016 : i32
    %broadcast_in_dim3A_1780 = vector.broadcast %jit3A_1779 : i32 to vector<16xi32>
    %select_n3A_1781 = arith.select %and3A_1778, %sub3A_1771, %broadcast_in_dim3A_1780 : vector<16xi1>, vector<16xi32>
    %swap3A_1782 = arith.constant 32 : index
    %swap3A_1783 = tpu.vector_load %arg47[%swap3A_1782] {strides = array<i32>} : memref<128xi32, #tpu.memory_space<vmem>>, vector<16xi32>,
    tpu.vector_store %arg47[%swap3A_1782], %select_n3A_1781 {strides = array<i32>} : memref<128xi32, #tpu.memory_space<vmem>>, vector<16xi32>,
    %get3A_1784 = arith.constant 48 : index
    %get3A_1785 = tpu.vector_load %arg15[%get3A_1784] {strides = array<i32>} : memref<128xi32, #tpu.memory_space<vmem>>, vector<16xi32>,
    %sub3A_1786 = vector.broadcast %mul3A_0 : i32 to vector<16xi32>
    %sub3A_1787 = arith.subi %get3A_1785, %sub3A_1786 : vector<16xi32>
    %ge3A_1788 = arith.constant 0 : i32
    %ge3A_1789 = vector.broadcast %ge3A_1788 : i32 to vector<16xi32>
    %ge3A_1790 = arith.cmpi sge, %sub3A_1787, %ge3A_1789 : vector<16xi32>
    %lt3A_1791 = arith.constant 502016 : i32
    %lt3A_1792 = vector.broadcast %lt3A_1791 : i32 to vector<16xi32>
    %lt3A_1793 = arith.cmpi slt, %sub3A_1787, %lt3A_1792 : vector<16xi32>
    %and3A_1794 = arith.andi %ge3A_1790, %lt3A_1793 : vector<16xi1>
    %jit3A_1795 = arith.constant 502016 : i32
    %broadcast_in_dim3A_1796 = vector.broadcast %jit3A_1795 : i32 to vector<16xi32>
    %select_n3A_1797 = arith.select %and3A_1794, %sub3A_1787, %broadcast_in_dim3A_1796 : vector<16xi1>, vector<16xi32>
    %swap3A_1798 = arith.constant 48 : index
    %swap3A_1799 = tpu.vector_load %arg47[%swap3A_1798] {strides = array<i32>} : memref<128xi32, #tpu.memory_space<vmem>>, vector<16xi32>,
    tpu.vector_store %arg47[%swap3A_1798], %select_n3A_1797 {strides = array<i32>} : memref<128xi32, #tpu.memory_space<vmem>>, vector<16xi32>,
    %get3A_1800 = arith.constant 64 : index
    %get3A_1801 = tpu.vector_load %arg15[%get3A_1800] {strides = array<i32>} : memref<128xi32, #tpu.memory_space<vmem>>, vector<16xi32>,
    %sub3A_1802 = vector.broadcast %mul3A_0 : i32 to vector<16xi32>
    %sub3A_1803 = arith.subi %get3A_1801, %sub3A_1802 : vector<16xi32>
    %ge3A_1804 = arith.constant 0 : i32
    %ge3A_1805 = vector.broadcast %ge3A_1804 : i32 to vector<16xi32>
    %ge3A_1806 = arith.cmpi sge, %sub3A_1803, %ge3A_1805 : vector<16xi32>
    %lt3A_1807 = arith.constant 502016 : i32
    %lt3A_1808 = vector.broadcast %lt3A_1807 : i32 to vector<16xi32>
    %lt3A_1809 = arith.cmpi slt, %sub3A_1803, %lt3A_1808 : vector<16xi32>
    %and3A_1810 = arith.andi %ge3A_1806, %lt3A_1809 : vector<16xi1>
    %jit3A_1811 = arith.constant 502016 : i32
    %broadcast_in_dim3A_1812 = vector.broadcast %jit3A_1811 : i32 to vector<16xi32>
    %select_n3A_1813 = arith.select %and3A_1810, %sub3A_1803, %broadcast_in_dim3A_1812 : vector<16xi1>, vector<16xi32>
    %swap3A_1814 = arith.constant 64 : index
    %swap3A_1815 = tpu.vector_load %arg47[%swap3A_1814] {strides = array<i32>} : memref<128xi32, #tpu.memory_space<vmem>>, vector<16xi32>,
    tpu.vector_store %arg47[%swap3A_1814], %select_n3A_1813 {strides = array<i32>} : memref<128xi32, #tpu.memory_space<vmem>>, vector<16xi32>,
    %get3A_1816 = arith.constant 80 : index
    %get3A_1817 = tpu.vector_load %arg15[%get3A_1816] {strides = array<i32>} : memref<128xi32, #tpu.memory_space<vmem>>, vector<16xi32>,
    %sub3A_1818 = vector.broadcast %mul3A_0 : i32 to vector<16xi32>
    %sub3A_1819 = arith.subi %get3A_1817, %sub3A_1818 : vector<16xi32>
    %ge3A_1820 = arith.constant 0 : i32
    %ge3A_1821 = vector.broadcast %ge3A_1820 : i32 to vector<16xi32>
    %ge3A_1822 = arith.cmpi sge, %sub3A_1819, %ge3A_1821 : vector<16xi32>
    %lt3A_1823 = arith.constant 502016 : i32
    %lt3A_1824 = vector.broadcast %lt3A_1823 : i32 to vector<16xi32>
    %lt3A_1825 = arith.cmpi slt, %sub3A_1819, %lt3A_1824 : vector<16xi32>
    %and3A_1826 = arith.andi %ge3A_1822, %lt3A_1825 : vector<16xi1>
    %jit3A_1827 = arith.constant 502016 : i32
    %broadcast_in_dim3A_1828 = vector.broadcast %jit3A_1827 : i32 to vector<16xi32>
    %select_n3A_1829 = arith.select %and3A_1826, %sub3A_1819, %broadcast_in_dim3A_1828 : vector<16xi1>, vector<16xi32>
    %swap3A_1830 = arith.constant 80 : index
    %swap3A_1831 = tpu.vector_load %arg47[%swap3A_1830] {strides = array<i32>} : memref<128xi32, #tpu.memory_space<vmem>>, vector<16xi32>,
    tpu.vector_store %arg47[%swap3A_1830], %select_n3A_1829 {strides = array<i32>} : memref<128xi32, #tpu.memory_space<vmem>>, vector<16xi32>,
    %get3A_1832 = arith.constant 96 : index
    %get3A_1833 = tpu.vector_load %arg15[%get3A_1832] {strides = array<i32>} : memref<128xi32, #tpu.memory_space<vmem>>, vector<16xi32>,
    %sub3A_1834 = vector.broadcast %mul3A_0 : i32 to vector<16xi32>
    %sub3A_1835 = arith.subi %get3A_1833, %sub3A_1834 : vector<16xi32>
    %ge3A_1836 = arith.constant 0 : i32
    %ge3A_1837 = vector.broadcast %ge3A_1836 : i32 to vector<16xi32>
    %ge3A_1838 = arith.cmpi sge, %sub3A_1835, %ge3A_1837 : vector<16xi32>
    %lt3A_1839 = arith.constant 502016 : i32
    %lt3A_1840 = vector.broadcast %lt3A_1839 : i32 to vector<16xi32>
    %lt3A_1841 = arith.cmpi slt, %sub3A_1835, %lt3A_1840 : vector<16xi32>
    %and3A_1842 = arith.andi %ge3A_1838, %lt3A_1841 : vector<16xi1>
    %jit3A_1843 = arith.constant 502016 : i32
    %broadcast_in_dim3A_1844 = vector.broadcast %jit3A_1843 : i32 to vector<16xi32>
    %select_n3A_1845 = arith.select %and3A_1842, %sub3A_1835, %broadcast_in_dim3A_1844 : vector<16xi1>, vector<16xi32>
    %swap3A_1846 = arith.constant 96 : index
    %swap3A_1847 = tpu.vector_load %arg47[%swap3A_1846] {strides = array<i32>} : memref<128xi32, #tpu.memory_space<vmem>>, vector<16xi32>,
    tpu.vector_store %arg47[%swap3A_1846], %select_n3A_1845 {strides = array<i32>} : memref<128xi32, #tpu.memory_space<vmem>>, vector<16xi32>,
    %get3A_1848 = arith.constant 112 : index
    %get3A_1849 = tpu.vector_load %arg15[%get3A_1848] {strides = array<i32>} : memref<128xi32, #tpu.memory_space<vmem>>, vector<16xi32>,
    %sub3A_1850 = vector.broadcast %mul3A_0 : i32 to vector<16xi32>
    %sub3A_1851 = arith.subi %get3A_1849, %sub3A_1850 : vector<16xi32>
    %ge3A_1852 = arith.constant 0 : i32
    %ge3A_1853 = vector.broadcast %ge3A_1852 : i32 to vector<16xi32>
    %ge3A_1854 = arith.cmpi sge, %sub3A_1851, %ge3A_1853 : vector<16xi32>
    %lt3A_1855 = arith.constant 502016 : i32
    %lt3A_1856 = vector.broadcast %lt3A_1855 : i32 to vector<16xi32>
    %lt3A_1857 = arith.cmpi slt, %sub3A_1851, %lt3A_1856 : vector<16xi32>
    %and3A_1858 = arith.andi %ge3A_1854, %lt3A_1857 : vector<16xi1>
    %jit3A_1859 = arith.constant 502016 : i32
    %broadcast_in_dim3A_1860 = vector.broadcast %jit3A_1859 : i32 to vector<16xi32>
    %select_n3A_1861 = arith.select %and3A_1858, %sub3A_1851, %broadcast_in_dim3A_1860 : vector<16xi1>, vector<16xi32>
    %swap3A_1862 = arith.constant 112 : index
    %swap3A_1863 = tpu.vector_load %arg47[%swap3A_1862] {strides = array<i32>} : memref<128xi32, #tpu.memory_space<vmem>>, vector<16xi32>,
    tpu.vector_store %arg47[%swap3A_1862], %select_n3A_1861 {strides = array<i32>} : memref<128xi32, #tpu.memory_space<vmem>>, vector<16xi32>,
    %get3A_1864 = arith.constant 0 : index
    %get3A_1865 = tpu.vector_load %arg16[%get3A_1864] {strides = array<i32>} : memref<128xi32, #tpu.memory_space<vmem>>, vector<16xi32>,
    %sub3A_1866 = vector.broadcast %mul3A_0 : i32 to vector<16xi32>
    %sub3A_1867 = arith.subi %get3A_1865, %sub3A_1866 : vector<16xi32>
    %ge3A_1868 = arith.constant 0 : i32
    %ge3A_1869 = vector.broadcast %ge3A_1868 : i32 to vector<16xi32>
    %ge3A_1870 = arith.cmpi sge, %sub3A_1867, %ge3A_1869 : vector<16xi32>
    %lt3A_1871 = arith.constant 502016 : i32
    %lt3A_1872 = vector.broadcast %lt3A_1871 : i32 to vector<16xi32>
    %lt3A_1873 = arith.cmpi slt, %sub3A_1867, %lt3A_1872 : vector<16xi32>
    %and3A_1874 = arith.andi %ge3A_1870, %lt3A_1873 : vector<16xi1>
    %jit3A_1875 = arith.constant 502016 : i32
    %broadcast_in_dim3A_1876 = vector.broadcast %jit3A_1875 : i32 to vector<16xi32>
    %select_n3A_1877 = arith.select %and3A_1874, %sub3A_1867, %broadcast_in_dim3A_1876 : vector<16xi1>, vector<16xi32>
    %swap3A_1878 = arith.constant 0 : index
    %swap3A_1879 = tpu.vector_load %arg48[%swap3A_1878] {strides = array<i32>} : memref<128xi32, #tpu.memory_space<vmem>>, vector<16xi32>,
    tpu.vector_store %arg48[%swap3A_1878], %select_n3A_1877 {strides = array<i32>} : memref<128xi32, #tpu.memory_space<vmem>>, vector<16xi32>,
    %get3A_1880 = arith.constant 16 : index
    %get3A_1881 = tpu.vector_load %arg16[%get3A_1880] {strides = array<i32>} : memref<128xi32, #tpu.memory_space<vmem>>, vector<16xi32>,
    %sub3A_1882 = vector.broadcast %mul3A_0 : i32 to vector<16xi32>
    %sub3A_1883 = arith.subi %get3A_1881, %sub3A_1882 : vector<16xi32>
    %ge3A_1884 = arith.constant 0 : i32
    %ge3A_1885 = vector.broadcast %ge3A_1884 : i32 to vector<16xi32>
    %ge3A_1886 = arith.cmpi sge, %sub3A_1883, %ge3A_1885 : vector<16xi32>
    %lt3A_1887 = arith.constant 502016 : i32
    %lt3A_1888 = vector.broadcast %lt3A_1887 : i32 to vector<16xi32>
    %lt3A_1889 = arith.cmpi slt, %sub3A_1883, %lt3A_1888 : vector<16xi32>
    %and3A_1890 = arith.andi %ge3A_1886, %lt3A_1889 : vector<16xi1>
    %jit3A_1891 = arith.constant 502016 : i32
    %broadcast_in_dim3A_1892 = vector.broadcast %jit3A_1891 : i32 to vector<16xi32>
    %select_n3A_1893 = arith.select %and3A_1890, %sub3A_1883, %broadcast_in_dim3A_1892 : vector<16xi1>, vector<16xi32>
    %swap3A_1894 = arith.constant 16 : index
    %swap3A_1895 = tpu.vector_load %arg48[%swap3A_1894] {strides = array<i32>} : memref<128xi32, #tpu.memory_space<vmem>>, vector<16xi32>,
    tpu.vector_store %arg48[%swap3A_1894], %select_n3A_1893 {strides = array<i32>} : memref<128xi32, #tpu.memory_space<vmem>>, vector<16xi32>,
    %get3A_1896 = arith.constant 32 : index
    %get3A_1897 = tpu.vector_load %arg16[%get3A_1896] {strides = array<i32>} : memref<128xi32, #tpu.memory_space<vmem>>, vector<16xi32>,
    %sub3A_1898 = vector.broadcast %mul3A_0 : i32 to vector<16xi32>
    %sub3A_1899 = arith.subi %get3A_1897, %sub3A_1898 : vector<16xi32>
    %ge3A_1900 = arith.constant 0 : i32
    %ge3A_1901 = vector.broadcast %ge3A_1900 : i32 to vector<16xi32>
    %ge3A_1902 = arith.cmpi sge, %sub3A_1899, %ge3A_1901 : vector<16xi32>
    %lt3A_1903 = arith.constant 502016 : i32
    %lt3A_1904 = vector.broadcast %lt3A_1903 : i32 to vector<16xi32>
    %lt3A_1905 = arith.cmpi slt, %sub3A_1899, %lt3A_1904 : vector<16xi32>
    %and3A_1906 = arith.andi %ge3A_1902, %lt3A_1905 : vector<16xi1>
    %jit3A_1907 = arith.constant 502016 : i32
    %broadcast_in_dim3A_1908 = vector.broadcast %jit3A_1907 : i32 to vector<16xi32>
    %select_n3A_1909 = arith.select %and3A_1906, %sub3A_1899, %broadcast_in_dim3A_1908 : vector<16xi1>, vector<16xi32>
    %swap3A_1910 = arith.constant 32 : index
    %swap3A_1911 = tpu.vector_load %arg48[%swap3A_1910] {strides = array<i32>} : memref<128xi32, #tpu.memory_space<vmem>>, vector<16xi32>,
    tpu.vector_store %arg48[%swap3A_1910], %select_n3A_1909 {strides = array<i32>} : memref<128xi32, #tpu.memory_space<vmem>>, vector<16xi32>,
    %get3A_1912 = arith.constant 48 : index
    %get3A_1913 = tpu.vector_load %arg16[%get3A_1912] {strides = array<i32>} : memref<128xi32, #tpu.memory_space<vmem>>, vector<16xi32>,
    %sub3A_1914 = vector.broadcast %mul3A_0 : i32 to vector<16xi32>
    %sub3A_1915 = arith.subi %get3A_1913, %sub3A_1914 : vector<16xi32>
    %ge3A_1916 = arith.constant 0 : i32
    %ge3A_1917 = vector.broadcast %ge3A_1916 : i32 to vector<16xi32>
    %ge3A_1918 = arith.cmpi sge, %sub3A_1915, %ge3A_1917 : vector<16xi32>
    %lt3A_1919 = arith.constant 502016 : i32
    %lt3A_1920 = vector.broadcast %lt3A_1919 : i32 to vector<16xi32>
    %lt3A_1921 = arith.cmpi slt, %sub3A_1915, %lt3A_1920 : vector<16xi32>
    %and3A_1922 = arith.andi %ge3A_1918, %lt3A_1921 : vector<16xi1>
    %jit3A_1923 = arith.constant 502016 : i32
    %broadcast_in_dim3A_1924 = vector.broadcast %jit3A_1923 : i32 to vector<16xi32>
    %select_n3A_1925 = arith.select %and3A_1922, %sub3A_1915, %broadcast_in_dim3A_1924 : vector<16xi1>, vector<16xi32>
    %swap3A_1926 = arith.constant 48 : index
    %swap3A_1927 = tpu.vector_load %arg48[%swap3A_1926] {strides = array<i32>} : memref<128xi32, #tpu.memory_space<vmem>>, vector<16xi32>,
    tpu.vector_store %arg48[%swap3A_1926], %select_n3A_1925 {strides = array<i32>} : memref<128xi32, #tpu.memory_space<vmem>>, vector<16xi32>,
    %get3A_1928 = arith.constant 64 : index
    %get3A_1929 = tpu.vector_load %arg16[%get3A_1928] {strides = array<i32>} : memref<128xi32, #tpu.memory_space<vmem>>, vector<16xi32>,
    %sub3A_1930 = vector.broadcast %mul3A_0 : i32 to vector<16xi32>
    %sub3A_1931 = arith.subi %get3A_1929, %sub3A_1930 : vector<16xi32>
    %ge3A_1932 = arith.constant 0 : i32
    %ge3A_1933 = vector.broadcast %ge3A_1932 : i32 to vector<16xi32>
    %ge3A_1934 = arith.cmpi sge, %sub3A_1931, %ge3A_1933 : vector<16xi32>
    %lt3A_1935 = arith.constant 502016 : i32
    %lt3A_1936 = vector.broadcast %lt3A_1935 : i32 to vector<16xi32>
    %lt3A_1937 = arith.cmpi slt, %sub3A_1931, %lt3A_1936 : vector<16xi32>
    %and3A_1938 = arith.andi %ge3A_1934, %lt3A_1937 : vector<16xi1>
    %jit3A_1939 = arith.constant 502016 : i32
    %broadcast_in_dim3A_1940 = vector.broadcast %jit3A_1939 : i32 to vector<16xi32>
    %select_n3A_1941 = arith.select %and3A_1938, %sub3A_1931, %broadcast_in_dim3A_1940 : vector<16xi1>, vector<16xi32>
    %swap3A_1942 = arith.constant 64 : index
    %swap3A_1943 = tpu.vector_load %arg48[%swap3A_1942] {strides = array<i32>} : memref<128xi32, #tpu.memory_space<vmem>>, vector<16xi32>,
    tpu.vector_store %arg48[%swap3A_1942], %select_n3A_1941 {strides = array<i32>} : memref<128xi32, #tpu.memory_space<vmem>>, vector<16xi32>,
    %get3A_1944 = arith.constant 80 : index
    %get3A_1945 = tpu.vector_load %arg16[%get3A_1944] {strides = array<i32>} : memref<128xi32, #tpu.memory_space<vmem>>, vector<16xi32>,
    %sub3A_1946 = vector.broadcast %mul3A_0 : i32 to vector<16xi32>
    %sub3A_1947 = arith.subi %get3A_1945, %sub3A_1946 : vector<16xi32>
    %ge3A_1948 = arith.constant 0 : i32
    %ge3A_1949 = vector.broadcast %ge3A_1948 : i32 to vector<16xi32>
    %ge3A_1950 = arith.cmpi sge, %sub3A_1947, %ge3A_1949 : vector<16xi32>
    %lt3A_1951 = arith.constant 502016 : i32
    %lt3A_1952 = vector.broadcast %lt3A_1951 : i32 to vector<16xi32>
    %lt3A_1953 = arith.cmpi slt, %sub3A_1947, %lt3A_1952 : vector<16xi32>
    %and3A_1954 = arith.andi %ge3A_1950, %lt3A_1953 : vector<16xi1>
    %jit3A_1955 = arith.constant 502016 : i32
    %broadcast_in_dim3A_1956 = vector.broadcast %jit3A_1955 : i32 to vector<16xi32>
    %select_n3A_1957 = arith.select %and3A_1954, %sub3A_1947, %broadcast_in_dim3A_1956 : vector<16xi1>, vector<16xi32>
    %swap3A_1958 = arith.constant 80 : index
    %swap3A_1959 = tpu.vector_load %arg48[%swap3A_1958] {strides = array<i32>} : memref<128xi32, #tpu.memory_space<vmem>>, vector<16xi32>,
    tpu.vector_store %arg48[%swap3A_1958], %select_n3A_1957 {strides = array<i32>} : memref<128xi32, #tpu.memory_space<vmem>>, vector<16xi32>,
    %get3A_1960 = arith.constant 96 : index
    %get3A_1961 = tpu.vector_load %arg16[%get3A_1960] {strides = array<i32>} : memref<128xi32, #tpu.memory_space<vmem>>, vector<16xi32>,
    %sub3A_1962 = vector.broadcast %mul3A_0 : i32 to vector<16xi32>
    %sub3A_1963 = arith.subi %get3A_1961, %sub3A_1962 : vector<16xi32>
    %ge3A_1964 = arith.constant 0 : i32
    %ge3A_1965 = vector.broadcast %ge3A_1964 : i32 to vector<16xi32>
    %ge3A_1966 = arith.cmpi sge, %sub3A_1963, %ge3A_1965 : vector<16xi32>
    %lt3A_1967 = arith.constant 502016 : i32
    %lt3A_1968 = vector.broadcast %lt3A_1967 : i32 to vector<16xi32>
    %lt3A_1969 = arith.cmpi slt, %sub3A_1963, %lt3A_1968 : vector<16xi32>
    %and3A_1970 = arith.andi %ge3A_1966, %lt3A_1969 : vector<16xi1>
    %jit3A_1971 = arith.constant 502016 : i32
    %broadcast_in_dim3A_1972 = vector.broadcast %jit3A_1971 : i32 to vector<16xi32>
    %select_n3A_1973 = arith.select %and3A_1970, %sub3A_1963, %broadcast_in_dim3A_1972 : vector<16xi1>, vector<16xi32>
    %swap3A_1974 = arith.constant 96 : index
    %swap3A_1975 = tpu.vector_load %arg48[%swap3A_1974] {strides = array<i32>} : memref<128xi32, #tpu.memory_space<vmem>>, vector<16xi32>,
    tpu.vector_store %arg48[%swap3A_1974], %select_n3A_1973 {strides = array<i32>} : memref<128xi32, #tpu.memory_space<vmem>>, vector<16xi32>,
    %get3A_1976 = arith.constant 112 : index
    %get3A_1977 = tpu.vector_load %arg16[%get3A_1976] {strides = array<i32>} : memref<128xi32, #tpu.memory_space<vmem>>, vector<16xi32>,
    %sub3A_1978 = vector.broadcast %mul3A_0 : i32 to vector<16xi32>
    %sub3A_1979 = arith.subi %get3A_1977, %sub3A_1978 : vector<16xi32>
    %ge3A_1980 = arith.constant 0 : i32
    %ge3A_1981 = vector.broadcast %ge3A_1980 : i32 to vector<16xi32>
    %ge3A_1982 = arith.cmpi sge, %sub3A_1979, %ge3A_1981 : vector<16xi32>
    %lt3A_1983 = arith.constant 502016 : i32
    %lt3A_1984 = vector.broadcast %lt3A_1983 : i32 to vector<16xi32>
    %lt3A_1985 = arith.cmpi slt, %sub3A_1979, %lt3A_1984 : vector<16xi32>
    %and3A_1986 = arith.andi %ge3A_1982, %lt3A_1985 : vector<16xi1>
    %jit3A_1987 = arith.constant 502016 : i32
    %broadcast_in_dim3A_1988 = vector.broadcast %jit3A_1987 : i32 to vector<16xi32>
    %select_n3A_1989 = arith.select %and3A_1986, %sub3A_1979, %broadcast_in_dim3A_1988 : vector<16xi1>, vector<16xi32>
    %swap3A_1990 = arith.constant 112 : index
    %swap3A_1991 = tpu.vector_load %arg48[%swap3A_1990] {strides = array<i32>} : memref<128xi32, #tpu.memory_space<vmem>>, vector<16xi32>,
    tpu.vector_store %arg48[%swap3A_1990], %select_n3A_1989 {strides = array<i32>} : memref<128xi32, #tpu.memory_space<vmem>>, vector<16xi32>,
    %get3A_1992 = arith.constant 0 : index
    %get3A_1993 = tpu.vector_load %arg17[%get3A_1992] {strides = array<i32>} : memref<128xi32, #tpu.memory_space<vmem>>, vector<16xi32>,
    %sub3A_1994 = vector.broadcast %mul3A_0 : i32 to vector<16xi32>
    %sub3A_1995 = arith.subi %get3A_1993, %sub3A_1994 : vector<16xi32>
    %ge3A_1996 = arith.constant 0 : i32
    %ge3A_1997 = vector.broadcast %ge3A_1996 : i32 to vector<16xi32>
    %ge3A_1998 = arith.cmpi sge, %sub3A_1995, %ge3A_1997 : vector<16xi32>
    %lt3A_1999 = arith.constant 502016 : i32
    %lt3A_2000 = vector.broadcast %lt3A_1999 : i32 to vector<16xi32>
    %lt3A_2001 = arith.cmpi slt, %sub3A_1995, %lt3A_2000 : vector<16xi32>
    %and3A_2002 = arith.andi %ge3A_1998, %lt3A_2001 : vector<16xi1>
    %jit3A_2003 = arith.constant 502016 : i32
    %broadcast_in_dim3A_2004 = vector.broadcast %jit3A_2003 : i32 to vector<16xi32>
    %select_n3A_2005 = arith.select %and3A_2002, %sub3A_1995, %broadcast_in_dim3A_2004 : vector<16xi1>, vector<16xi32>
    %swap3A_2006 = arith.constant 0 : index
    %swap3A_2007 = tpu.vector_load %arg49[%swap3A_2006] {strides = array<i32>} : memref<128xi32, #tpu.memory_space<vmem>>, vector<16xi32>,
    tpu.vector_store %arg49[%swap3A_2006], %select_n3A_2005 {strides = array<i32>} : memref<128xi32, #tpu.memory_space<vmem>>, vector<16xi32>,
    %get3A_2008 = arith.constant 16 : index
    %get3A_2009 = tpu.vector_load %arg17[%get3A_2008] {strides = array<i32>} : memref<128xi32, #tpu.memory_space<vmem>>, vector<16xi32>,
    %sub3A_2010 = vector.broadcast %mul3A_0 : i32 to vector<16xi32>
    %sub3A_2011 = arith.subi %get3A_2009, %sub3A_2010 : vector<16xi32>
    %ge3A_2012 = arith.constant 0 : i32
    %ge3A_2013 = vector.broadcast %ge3A_2012 : i32 to vector<16xi32>
    %ge3A_2014 = arith.cmpi sge, %sub3A_2011, %ge3A_2013 : vector<16xi32>
    %lt3A_2015 = arith.constant 502016 : i32
    %lt3A_2016 = vector.broadcast %lt3A_2015 : i32 to vector<16xi32>
    %lt3A_2017 = arith.cmpi slt, %sub3A_2011, %lt3A_2016 : vector<16xi32>
    %and3A_2018 = arith.andi %ge3A_2014, %lt3A_2017 : vector<16xi1>
    %jit3A_2019 = arith.constant 502016 : i32
    %broadcast_in_dim3A_2020 = vector.broadcast %jit3A_2019 : i32 to vector<16xi32>
    %select_n3A_2021 = arith.select %and3A_2018, %sub3A_2011, %broadcast_in_dim3A_2020 : vector<16xi1>, vector<16xi32>
    %swap3A_2022 = arith.constant 16 : index
    %swap3A_2023 = tpu.vector_load %arg49[%swap3A_2022] {strides = array<i32>} : memref<128xi32, #tpu.memory_space<vmem>>, vector<16xi32>,
    tpu.vector_store %arg49[%swap3A_2022], %select_n3A_2021 {strides = array<i32>} : memref<128xi32, #tpu.memory_space<vmem>>, vector<16xi32>,
    %get3A_2024 = arith.constant 32 : index
    %get3A_2025 = tpu.vector_load %arg17[%get3A_2024] {strides = array<i32>} : memref<128xi32, #tpu.memory_space<vmem>>, vector<16xi32>,
    %sub3A_2026 = vector.broadcast %mul3A_0 : i32 to vector<16xi32>
    %sub3A_2027 = arith.subi %get3A_2025, %sub3A_2026 : vector<16xi32>
    %ge3A_2028 = arith.constant 0 : i32
    %ge3A_2029 = vector.broadcast %ge3A_2028 : i32 to vector<16xi32>
    %ge3A_2030 = arith.cmpi sge, %sub3A_2027, %ge3A_2029 : vector<16xi32>
    %lt3A_2031 = arith.constant 502016 : i32
    %lt3A_2032 = vector.broadcast %lt3A_2031 : i32 to vector<16xi32>
    %lt3A_2033 = arith.cmpi slt, %sub3A_2027, %lt3A_2032 : vector<16xi32>
    %and3A_2034 = arith.andi %ge3A_2030, %lt3A_2033 : vector<16xi1>
    %jit3A_2035 = arith.constant 502016 : i32
    %broadcast_in_dim3A_2036 = vector.broadcast %jit3A_2035 : i32 to vector<16xi32>
    %select_n3A_2037 = arith.select %and3A_2034, %sub3A_2027, %broadcast_in_dim3A_2036 : vector<16xi1>, vector<16xi32>
    %swap3A_2038 = arith.constant 32 : index
    %swap3A_2039 = tpu.vector_load %arg49[%swap3A_2038] {strides = array<i32>} : memref<128xi32, #tpu.memory_space<vmem>>, vector<16xi32>,
    tpu.vector_store %arg49[%swap3A_2038], %select_n3A_2037 {strides = array<i32>} : memref<128xi32, #tpu.memory_space<vmem>>, vector<16xi32>,
    %get3A_2040 = arith.constant 48 : index
    %get3A_2041 = tpu.vector_load %arg17[%get3A_2040] {strides = array<i32>} : memref<128xi32, #tpu.memory_space<vmem>>, vector<16xi32>,
    %sub3A_2042 = vector.broadcast %mul3A_0 : i32 to vector<16xi32>
    %sub3A_2043 = arith.subi %get3A_2041, %sub3A_2042 : vector<16xi32>
    %ge3A_2044 = arith.constant 0 : i32
    %ge3A_2045 = vector.broadcast %ge3A_2044 : i32 to vector<16xi32>
    %ge3A_2046 = arith.cmpi sge, %sub3A_2043, %ge3A_2045 : vector<16xi32>
    %lt3A_2047 = arith.constant 502016 : i32
    %lt3A_2048 = vector.broadcast %lt3A_2047 : i32 to vector<16xi32>
    %lt3A_2049 = arith.cmpi slt, %sub3A_2043, %lt3A_2048 : vector<16xi32>
    %and3A_2050 = arith.andi %ge3A_2046, %lt3A_2049 : vector<16xi1>
    %jit3A_2051 = arith.constant 502016 : i32
    %broadcast_in_dim3A_2052 = vector.broadcast %jit3A_2051 : i32 to vector<16xi32>
    %select_n3A_2053 = arith.select %and3A_2050, %sub3A_2043, %broadcast_in_dim3A_2052 : vector<16xi1>, vector<16xi32>
    %swap3A_2054 = arith.constant 48 : index
    %swap3A_2055 = tpu.vector_load %arg49[%swap3A_2054] {strides = array<i32>} : memref<128xi32, #tpu.memory_space<vmem>>, vector<16xi32>,
    tpu.vector_store %arg49[%swap3A_2054], %select_n3A_2053 {strides = array<i32>} : memref<128xi32, #tpu.memory_space<vmem>>, vector<16xi32>,
    %get3A_2056 = arith.constant 64 : index
    %get3A_2057 = tpu.vector_load %arg17[%get3A_2056] {strides = array<i32>} : memref<128xi32, #tpu.memory_space<vmem>>, vector<16xi32>,
    %sub3A_2058 = vector.broadcast %mul3A_0 : i32 to vector<16xi32>
    %sub3A_2059 = arith.subi %get3A_2057, %sub3A_2058 : vector<16xi32>
    %ge3A_2060 = arith.constant 0 : i32
    %ge3A_2061 = vector.broadcast %ge3A_2060 : i32 to vector<16xi32>
    %ge3A_2062 = arith.cmpi sge, %sub3A_2059, %ge3A_2061 : vector<16xi32>
    %lt3A_2063 = arith.constant 502016 : i32
    %lt3A_2064 = vector.broadcast %lt3A_2063 : i32 to vector<16xi32>
    %lt3A_2065 = arith.cmpi slt, %sub3A_2059, %lt3A_2064 : vector<16xi32>
    %and3A_2066 = arith.andi %ge3A_2062, %lt3A_2065 : vector<16xi1>
    %jit3A_2067 = arith.constant 502016 : i32
    %broadcast_in_dim3A_2068 = vector.broadcast %jit3A_2067 : i32 to vector<16xi32>
    %select_n3A_2069 = arith.select %and3A_2066, %sub3A_2059, %broadcast_in_dim3A_2068 : vector<16xi1>, vector<16xi32>
    %swap3A_2070 = arith.constant 64 : index
    %swap3A_2071 = tpu.vector_load %arg49[%swap3A_2070] {strides = array<i32>} : memref<128xi32, #tpu.memory_space<vmem>>, vector<16xi32>,
    tpu.vector_store %arg49[%swap3A_2070], %select_n3A_2069 {strides = array<i32>} : memref<128xi32, #tpu.memory_space<vmem>>, vector<16xi32>,
    %get3A_2072 = arith.constant 80 : index
    %get3A_2073 = tpu.vector_load %arg17[%get3A_2072] {strides = array<i32>} : memref<128xi32, #tpu.memory_space<vmem>>, vector<16xi32>,
    %sub3A_2074 = vector.broadcast %mul3A_0 : i32 to vector<16xi32>
    %sub3A_2075 = arith.subi %get3A_2073, %sub3A_2074 : vector<16xi32>
    %ge3A_2076 = arith.constant 0 : i32
    %ge3A_2077 = vector.broadcast %ge3A_2076 : i32 to vector<16xi32>
    %ge3A_2078 = arith.cmpi sge, %sub3A_2075, %ge3A_2077 : vector<16xi32>
    %lt3A_2079 = arith.constant 502016 : i32
    %lt3A_2080 = vector.broadcast %lt3A_2079 : i32 to vector<16xi32>
    %lt3A_2081 = arith.cmpi slt, %sub3A_2075, %lt3A_2080 : vector<16xi32>
    %and3A_2082 = arith.andi %ge3A_2078, %lt3A_2081 : vector<16xi1>
    %jit3A_2083 = arith.constant 502016 : i32
    %broadcast_in_dim3A_2084 = vector.broadcast %jit3A_2083 : i32 to vector<16xi32>
    %select_n3A_2085 = arith.select %and3A_2082, %sub3A_2075, %broadcast_in_dim3A_2084 : vector<16xi1>, vector<16xi32>
    %swap3A_2086 = arith.constant 80 : index
    %swap3A_2087 = tpu.vector_load %arg49[%swap3A_2086] {strides = array<i32>} : memref<128xi32, #tpu.memory_space<vmem>>, vector<16xi32>,
    tpu.vector_store %arg49[%swap3A_2086], %select_n3A_2085 {strides = array<i32>} : memref<128xi32, #tpu.memory_space<vmem>>, vector<16xi32>,
    %get3A_2088 = arith.constant 96 : index
    %get3A_2089 = tpu.vector_load %arg17[%get3A_2088] {strides = array<i32>} : memref<128xi32, #tpu.memory_space<vmem>>, vector<16xi32>,
    %sub3A_2090 = vector.broadcast %mul3A_0 : i32 to vector<16xi32>
    %sub3A_2091 = arith.subi %get3A_2089, %sub3A_2090 : vector<16xi32>
    %ge3A_2092 = arith.constant 0 : i32
    %ge3A_2093 = vector.broadcast %ge3A_2092 : i32 to vector<16xi32>
    %ge3A_2094 = arith.cmpi sge, %sub3A_2091, %ge3A_2093 : vector<16xi32>
    %lt3A_2095 = arith.constant 502016 : i32
    %lt3A_2096 = vector.broadcast %lt3A_2095 : i32 to vector<16xi32>
    %lt3A_2097 = arith.cmpi slt, %sub3A_2091, %lt3A_2096 : vector<16xi32>
    %and3A_2098 = arith.andi %ge3A_2094, %lt3A_2097 : vector<16xi1>
    %jit3A_2099 = arith.constant 502016 : i32
    %broadcast_in_dim3A_2100 = vector.broadcast %jit3A_2099 : i32 to vector<16xi32>
    %select_n3A_2101 = arith.select %and3A_2098, %sub3A_2091, %broadcast_in_dim3A_2100 : vector<16xi1>, vector<16xi32>
    %swap3A_2102 = arith.constant 96 : index
    %swap3A_2103 = tpu.vector_load %arg49[%swap3A_2102] {strides = array<i32>} : memref<128xi32, #tpu.memory_space<vmem>>, vector<16xi32>,
    tpu.vector_store %arg49[%swap3A_2102], %select_n3A_2101 {strides = array<i32>} : memref<128xi32, #tpu.memory_space<vmem>>, vector<16xi32>,
    %get3A_2104 = arith.constant 112 : index
    %get3A_2105 = tpu.vector_load %arg17[%get3A_2104] {strides = array<i32>} : memref<128xi32, #tpu.memory_space<vmem>>, vector<16xi32>,
    %sub3A_2106 = vector.broadcast %mul3A_0 : i32 to vector<16xi32>
    %sub3A_2107 = arith.subi %get3A_2105, %sub3A_2106 : vector<16xi32>
    %ge3A_2108 = arith.constant 0 : i32
    %ge3A_2109 = vector.broadcast %ge3A_2108 : i32 to vector<16xi32>
    %ge3A_2110 = arith.cmpi sge, %sub3A_2107, %ge3A_2109 : vector<16xi32>
    %lt3A_2111 = arith.constant 502016 : i32
    %lt3A_2112 = vector.broadcast %lt3A_2111 : i32 to vector<16xi32>
    %lt3A_2113 = arith.cmpi slt, %sub3A_2107, %lt3A_2112 : vector<16xi32>
    %and3A_2114 = arith.andi %ge3A_2110, %lt3A_2113 : vector<16xi1>
    %jit3A_2115 = arith.constant 502016 : i32
    %broadcast_in_dim3A_2116 = vector.broadcast %jit3A_2115 : i32 to vector<16xi32>
    %select_n3A_2117 = arith.select %and3A_2114, %sub3A_2107, %broadcast_in_dim3A_2116 : vector<16xi1>, vector<16xi32>
    %swap3A_2118 = arith.constant 112 : index
    %swap3A_2119 = tpu.vector_load %arg49[%swap3A_2118] {strides = array<i32>} : memref<128xi32, #tpu.memory_space<vmem>>, vector<16xi32>,
    tpu.vector_store %arg49[%swap3A_2118], %select_n3A_2117 {strides = array<i32>} : memref<128xi32, #tpu.memory_space<vmem>>, vector<16xi32>,
    %get3A_2120 = arith.constant 0 : index
    %get3A_2121 = tpu.vector_load %arg18[%get3A_2120] {strides = array<i32>} : memref<128xi32, #tpu.memory_space<vmem>>, vector<16xi32>,
    %sub3A_2122 = vector.broadcast %mul3A_0 : i32 to vector<16xi32>
    %sub3A_2123 = arith.subi %get3A_2121, %sub3A_2122 : vector<16xi32>
    %ge3A_2124 = arith.constant 0 : i32
    %ge3A_2125 = vector.broadcast %ge3A_2124 : i32 to vector<16xi32>
    %ge3A_2126 = arith.cmpi sge, %sub3A_2123, %ge3A_2125 : vector<16xi32>
    %lt3A_2127 = arith.constant 502016 : i32
    %lt3A_2128 = vector.broadcast %lt3A_2127 : i32 to vector<16xi32>
    %lt3A_2129 = arith.cmpi slt, %sub3A_2123, %lt3A_2128 : vector<16xi32>
    %and3A_2130 = arith.andi %ge3A_2126, %lt3A_2129 : vector<16xi1>
    %jit3A_2131 = arith.constant 502016 : i32
    %broadcast_in_dim3A_2132 = vector.broadcast %jit3A_2131 : i32 to vector<16xi32>
    %select_n3A_2133 = arith.select %and3A_2130, %sub3A_2123, %broadcast_in_dim3A_2132 : vector<16xi1>, vector<16xi32>
    %swap3A_2134 = arith.constant 0 : index
    %swap3A_2135 = tpu.vector_load %arg50[%swap3A_2134] {strides = array<i32>} : memref<128xi32, #tpu.memory_space<vmem>>, vector<16xi32>,
    tpu.vector_store %arg50[%swap3A_2134], %select_n3A_2133 {strides = array<i32>} : memref<128xi32, #tpu.memory_space<vmem>>, vector<16xi32>,
    %get3A_2136 = arith.constant 16 : index
    %get3A_2137 = tpu.vector_load %arg18[%get3A_2136] {strides = array<i32>} : memref<128xi32, #tpu.memory_space<vmem>>, vector<16xi32>,
    %sub3A_2138 = vector.broadcast %mul3A_0 : i32 to vector<16xi32>
    %sub3A_2139 = arith.subi %get3A_2137, %sub3A_2138 : vector<16xi32>
    %ge3A_2140 = arith.constant 0 : i32
    %ge3A_2141 = vector.broadcast %ge3A_2140 : i32 to vector<16xi32>
    %ge3A_2142 = arith.cmpi sge, %sub3A_2139, %ge3A_2141 : vector<16xi32>
    %lt3A_2143 = arith.constant 502016 : i32
    %lt3A_2144 = vector.broadcast %lt3A_2143 : i32 to vector<16xi32>
    %lt3A_2145 = arith.cmpi slt, %sub3A_2139, %lt3A_2144 : vector<16xi32>
    %and3A_2146 = arith.andi %ge3A_2142, %lt3A_2145 : vector<16xi1>
    %jit3A_2147 = arith.constant 502016 : i32
    %broadcast_in_dim3A_2148 = vector.broadcast %jit3A_2147 : i32 to vector<16xi32>
    %select_n3A_2149 = arith.select %and3A_2146, %sub3A_2139, %broadcast_in_dim3A_2148 : vector<16xi1>, vector<16xi32>
    %swap3A_2150 = arith.constant 16 : index
    %swap3A_2151 = tpu.vector_load %arg50[%swap3A_2150] {strides = array<i32>} : memref<128xi32, #tpu.memory_space<vmem>>, vector<16xi32>,
    tpu.vector_store %arg50[%swap3A_2150], %select_n3A_2149 {strides = array<i32>} : memref<128xi32, #tpu.memory_space<vmem>>, vector<16xi32>,
    %get3A_2152 = arith.constant 32 : index
    %get3A_2153 = tpu.vector_load %arg18[%get3A_2152] {strides = array<i32>} : memref<128xi32, #tpu.memory_space<vmem>>, vector<16xi32>,
    %sub3A_2154 = vector.broadcast %mul3A_0 : i32 to vector<16xi32>
    %sub3A_2155 = arith.subi %get3A_2153, %sub3A_2154 : vector<16xi32>
    %ge3A_2156 = arith.constant 0 : i32
    %ge3A_2157 = vector.broadcast %ge3A_2156 : i32 to vector<16xi32>
    %ge3A_2158 = arith.cmpi sge, %sub3A_2155, %ge3A_2157 : vector<16xi32>
    %lt3A_2159 = arith.constant 502016 : i32
    %lt3A_2160 = vector.broadcast %lt3A_2159 : i32 to vector<16xi32>
    %lt3A_2161 = arith.cmpi slt, %sub3A_2155, %lt3A_2160 : vector<16xi32>
    %and3A_2162 = arith.andi %ge3A_2158, %lt3A_2161 : vector<16xi1>
    %jit3A_2163 = arith.constant 502016 : i32
    %broadcast_in_dim3A_2164 = vector.broadcast %jit3A_2163 : i32 to vector<16xi32>
    %select_n3A_2165 = arith.select %and3A_2162, %sub3A_2155, %broadcast_in_dim3A_2164 : vector<16xi1>, vector<16xi32>
    %swap3A_2166 = arith.constant 32 : index
    %swap3A_2167 = tpu.vector_load %arg50[%swap3A_2166] {strides = array<i32>} : memref<128xi32, #tpu.memory_space<vmem>>, vector<16xi32>,
    tpu.vector_store %arg50[%swap3A_2166], %select_n3A_2165 {strides = array<i32>} : memref<128xi32, #tpu.memory_space<vmem>>, vector<16xi32>,
    %get3A_2168 = arith.constant 48 : index
    %get3A_2169 = tpu.vector_load %arg18[%get3A_2168] {strides = array<i32>} : memref<128xi32, #tpu.memory_space<vmem>>, vector<16xi32>,
    %sub3A_2170 = vector.broadcast %mul3A_0 : i32 to vector<16xi32>
    %sub3A_2171 = arith.subi %get3A_2169, %sub3A_2170 : vector<16xi32>
    %ge3A_2172 = arith.constant 0 : i32
    %ge3A_2173 = vector.broadcast %ge3A_2172 : i32 to vector<16xi32>
    %ge3A_2174 = arith.cmpi sge, %sub3A_2171, %ge3A_2173 : vector<16xi32>
    %lt3A_2175 = arith.constant 502016 : i32
    %lt3A_2176 = vector.broadcast %lt3A_2175 : i32 to vector<16xi32>
    %lt3A_2177 = arith.cmpi slt, %sub3A_2171, %lt3A_2176 : vector<16xi32>
    %and3A_2178 = arith.andi %ge3A_2174, %lt3A_2177 : vector<16xi1>
    %jit3A_2179 = arith.constant 502016 : i32
    %broadcast_in_dim3A_2180 = vector.broadcast %jit3A_2179 : i32 to vector<16xi32>
    %select_n3A_2181 = arith.select %and3A_2178, %sub3A_2171, %broadcast_in_dim3A_2180 : vector<16xi1>, vector<16xi32>
    %swap3A_2182 = arith.constant 48 : index
    %swap3A_2183 = tpu.vector_load %arg50[%swap3A_2182] {strides = array<i32>} : memref<128xi32, #tpu.memory_space<vmem>>, vector<16xi32>,
    tpu.vector_store %arg50[%swap3A_2182], %select_n3A_2181 {strides = array<i32>} : memref<128xi32, #tpu.memory_space<vmem>>, vector<16xi32>,
    %get3A_2184 = arith.constant 64 : index
    %get3A_2185 = tpu.vector_load %arg18[%get3A_2184] {strides = array<i32>} : memref<128xi32, #tpu.memory_space<vmem>>, vector<16xi32>,
    %sub3A_2186 = vector.broadcast %mul3A_0 : i32 to vector<16xi32>
    %sub3A_2187 = arith.subi %get3A_2185, %sub3A_2186 : vector<16xi32>
    %ge3A_2188 = arith.constant 0 : i32
    %ge3A_2189 = vector.broadcast %ge3A_2188 : i32 to vector<16xi32>
    %ge3A_2190 = arith.cmpi sge, %sub3A_2187, %ge3A_2189 : vector<16xi32>
    %lt3A_2191 = arith.constant 502016 : i32
    %lt3A_2192 = vector.broadcast %lt3A_2191 : i32 to vector<16xi32>
    %lt3A_2193 = arith.cmpi slt, %sub3A_2187, %lt3A_2192 : vector<16xi32>
    %and3A_2194 = arith.andi %ge3A_2190, %lt3A_2193 : vector<16xi1>
    %jit3A_2195 = arith.constant 502016 : i32
    %broadcast_in_dim3A_2196 = vector.broadcast %jit3A_2195 : i32 to vector<16xi32>
    %select_n3A_2197 = arith.select %and3A_2194, %sub3A_2187, %broadcast_in_dim3A_2196 : vector<16xi1>, vector<16xi32>
    %swap3A_2198 = arith.constant 64 : index
    %swap3A_2199 = tpu.vector_load %arg50[%swap3A_2198] {strides = array<i32>} : memref<128xi32, #tpu.memory_space<vmem>>, vector<16xi32>,
    tpu.vector_store %arg50[%swap3A_2198], %select_n3A_2197 {strides = array<i32>} : memref<128xi32, #tpu.memory_space<vmem>>, vector<16xi32>,
    %get3A_2200 = arith.constant 80 : index
    %get3A_2201 = tpu.vector_load %arg18[%get3A_2200] {strides = array<i32>} : memref<128xi32, #tpu.memory_space<vmem>>, vector<16xi32>,
    %sub3A_2202 = vector.broadcast %mul3A_0 : i32 to vector<16xi32>
    %sub3A_2203 = arith.subi %get3A_2201, %sub3A_2202 : vector<16xi32>
    %ge3A_2204 = arith.constant 0 : i32
    %ge3A_2205 = vector.broadcast %ge3A_2204 : i32 to vector<16xi32>
    %ge3A_2206 = arith.cmpi sge, %sub3A_2203, %ge3A_2205 : vector<16xi32>
    %lt3A_2207 = arith.constant 502016 : i32
    %lt3A_2208 = vector.broadcast %lt3A_2207 : i32 to vector<16xi32>
    %lt3A_2209 = arith.cmpi slt, %sub3A_2203, %lt3A_2208 : vector<16xi32>
    %and3A_2210 = arith.andi %ge3A_2206, %lt3A_2209 : vector<16xi1>
    %jit3A_2211 = arith.constant 502016 : i32
    %broadcast_in_dim3A_2212 = vector.broadcast %jit3A_2211 : i32 to vector<16xi32>
    %select_n3A_2213 = arith.select %and3A_2210, %sub3A_2203, %broadcast_in_dim3A_2212 : vector<16xi1>, vector<16xi32>
    %swap3A_2214 = arith.constant 80 : index
    %swap3A_2215 = tpu.vector_load %arg50[%swap3A_2214] {strides = array<i32>} : memref<128xi32, #tpu.memory_space<vmem>>, vector<16xi32>,
    tpu.vector_store %arg50[%swap3A_2214], %select_n3A_2213 {strides = array<i32>} : memref<128xi32, #tpu.memory_space<vmem>>, vector<16xi32>,
    %get3A_2216 = arith.constant 96 : index
    %get3A_2217 = tpu.vector_load %arg18[%get3A_2216] {strides = array<i32>} : memref<128xi32, #tpu.memory_space<vmem>>, vector<16xi32>,
    %sub3A_2218 = vector.broadcast %mul3A_0 : i32 to vector<16xi32>
    %sub3A_2219 = arith.subi %get3A_2217, %sub3A_2218 : vector<16xi32>
    %ge3A_2220 = arith.constant 0 : i32
    %ge3A_2221 = vector.broadcast %ge3A_2220 : i32 to vector<16xi32>
    %ge3A_2222 = arith.cmpi sge, %sub3A_2219, %ge3A_2221 : vector<16xi32>
    %lt3A_2223 = arith.constant 502016 : i32
    %lt3A_2224 = vector.broadcast %lt3A_2223 : i32 to vector<16xi32>
    %lt3A_2225 = arith.cmpi slt, %sub3A_2219, %lt3A_2224 : vector<16xi32>
    %and3A_2226 = arith.andi %ge3A_2222, %lt3A_2225 : vector<16xi1>
    %jit3A_2227 = arith.constant 502016 : i32
    %broadcast_in_dim3A_2228 = vector.broadcast %jit3A_2227 : i32 to vector<16xi32>
    %select_n3A_2229 = arith.select %and3A_2226, %sub3A_2219, %broadcast_in_dim3A_2228 : vector<16xi1>, vector<16xi32>
    %swap3A_2230 = arith.constant 96 : index
    %swap3A_2231 = tpu.vector_load %arg50[%swap3A_2230] {strides = array<i32>} : memref<128xi32, #tpu.memory_space<vmem>>, vector<16xi32>,
    tpu.vector_store %arg50[%swap3A_2230], %select_n3A_2229 {strides = array<i32>} : memref<128xi32, #tpu.memory_space<vmem>>, vector<16xi32>,
    %get3A_2232 = arith.constant 112 : index
    %get3A_2233 = tpu.vector_load %arg18[%get3A_2232] {strides = array<i32>} : memref<128xi32, #tpu.memory_space<vmem>>, vector<16xi32>,
    %sub3A_2234 = vector.broadcast %mul3A_0 : i32 to vector<16xi32>
    %sub3A_2235 = arith.subi %get3A_2233, %sub3A_2234 : vector<16xi32>
    %ge3A_2236 = arith.constant 0 : i32
    %ge3A_2237 = vector.broadcast %ge3A_2236 : i32 to vector<16xi32>
    %ge3A_2238 = arith.cmpi sge, %sub3A_2235, %ge3A_2237 : vector<16xi32>
    %lt3A_2239 = arith.constant 502016 : i32
    %lt3A_2240 = vector.broadcast %lt3A_2239 : i32 to vector<16xi32>
    %lt3A_2241 = arith.cmpi slt, %sub3A_2235, %lt3A_2240 : vector<16xi32>
    %and3A_2242 = arith.andi %ge3A_2238, %lt3A_2241 : vector<16xi1>
    %jit3A_2243 = arith.constant 502016 : i32
    %broadcast_in_dim3A_2244 = vector.broadcast %jit3A_2243 : i32 to vector<16xi32>
    %select_n3A_2245 = arith.select %and3A_2242, %sub3A_2235, %broadcast_in_dim3A_2244 : vector<16xi1>, vector<16xi32>
    %swap3A_2246 = arith.constant 112 : index
    %swap3A_2247 = tpu.vector_load %arg50[%swap3A_2246] {strides = array<i32>} : memref<128xi32, #tpu.memory_space<vmem>>, vector<16xi32>,
    tpu.vector_store %arg50[%swap3A_2246], %select_n3A_2245 {strides = array<i32>} : memref<128xi32, #tpu.memory_space<vmem>>, vector<16xi32>,
    %get3A_2248 = arith.constant 0 : index
    %get3A_2249 = tpu.vector_load %arg19[%get3A_2248] {strides = array<i32>} : memref<128xi32, #tpu.memory_space<vmem>>, vector<16xi32>,
    %sub3A_2250 = vector.broadcast %mul3A_0 : i32 to vector<16xi32>
    %sub3A_2251 = arith.subi %get3A_2249, %sub3A_2250 : vector<16xi32>
    %ge3A_2252 = arith.constant 0 : i32
    %ge3A_2253 = vector.broadcast %ge3A_2252 : i32 to vector<16xi32>
    %ge3A_2254 = arith.cmpi sge, %sub3A_2251, %ge3A_2253 : vector<16xi32>
    %lt3A_2255 = arith.constant 502016 : i32
    %lt3A_2256 = vector.broadcast %lt3A_2255 : i32 to vector<16xi32>
    %lt3A_2257 = arith.cmpi slt, %sub3A_2251, %lt3A_2256 : vector<16xi32>
    %and3A_2258 = arith.andi %ge3A_2254, %lt3A_2257 : vector<16xi1>
    %jit3A_2259 = arith.constant 502016 : i32
    %broadcast_in_dim3A_2260 = vector.broadcast %jit3A_2259 : i32 to vector<16xi32>
    %select_n3A_2261 = arith.select %and3A_2258, %sub3A_2251, %broadcast_in_dim3A_2260 : vector<16xi1>, vector<16xi32>
    %swap3A_2262 = arith.constant 0 : index
    %swap3A_2263 = tpu.vector_load %arg51[%swap3A_2262] {strides = array<i32>} : memref<128xi32, #tpu.memory_space<vmem>>, vector<16xi32>,
    tpu.vector_store %arg51[%swap3A_2262], %select_n3A_2261 {strides = array<i32>} : memref<128xi32, #tpu.memory_space<vmem>>, vector<16xi32>,
    %get3A_2264 = arith.constant 16 : index
    %get3A_2265 = tpu.vector_load %arg19[%get3A_2264] {strides = array<i32>} : memref<128xi32, #tpu.memory_space<vmem>>, vector<16xi32>,
    %sub3A_2266 = vector.broadcast %mul3A_0 : i32 to vector<16xi32>
    %sub3A_2267 = arith.subi %get3A_2265, %sub3A_2266 : vector<16xi32>
    %ge3A_2268 = arith.constant 0 : i32
    %ge3A_2269 = vector.broadcast %ge3A_2268 : i32 to vector<16xi32>
    %ge3A_2270 = arith.cmpi sge, %sub3A_2267, %ge3A_2269 : vector<16xi32>
    %lt3A_2271 = arith.constant 502016 : i32
    %lt3A_2272 = vector.broadcast %lt3A_2271 : i32 to vector<16xi32>
    %lt3A_2273 = arith.cmpi slt, %sub3A_2267, %lt3A_2272 : vector<16xi32>
    %and3A_2274 = arith.andi %ge3A_2270, %lt3A_2273 : vector<16xi1>
    %jit3A_2275 = arith.constant 502016 : i32
    %broadcast_in_dim3A_2276 = vector.broadcast %jit3A_2275 : i32 to vector<16xi32>
    %select_n3A_2277 = arith.select %and3A_2274, %sub3A_2267, %broadcast_in_dim3A_2276 : vector<16xi1>, vector<16xi32>
    %swap3A_2278 = arith.constant 16 : index
    %swap3A_2279 = tpu.vector_load %arg51[%swap3A_2278] {strides = array<i32>} : memref<128xi32, #tpu.memory_space<vmem>>, vector<16xi32>,
    tpu.vector_store %arg51[%swap3A_2278], %select_n3A_2277 {strides = array<i32>} : memref<128xi32, #tpu.memory_space<vmem>>, vector<16xi32>,
    %get3A_2280 = arith.constant 32 : index
    %get3A_2281 = tpu.vector_load %arg19[%get3A_2280] {strides = array<i32>} : memref<128xi32, #tpu.memory_space<vmem>>, vector<16xi32>,
    %sub3A_2282 = vector.broadcast %mul3A_0 : i32 to vector<16xi32>
    %sub3A_2283 = arith.subi %get3A_2281, %sub3A_2282 : vector<16xi32>
    %ge3A_2284 = arith.constant 0 : i32
    %ge3A_2285 = vector.broadcast %ge3A_2284 : i32 to vector<16xi32>
    %ge3A_2286 = arith.cmpi sge, %sub3A_2283, %ge3A_2285 : vector<16xi32>
    %lt3A_2287 = arith.constant 502016 : i32
    %lt3A_2288 = vector.broadcast %lt3A_2287 : i32 to vector<16xi32>
    %lt3A_2289 = arith.cmpi slt, %sub3A_2283, %lt3A_2288 : vector<16xi32>
    %and3A_2290 = arith.andi %ge3A_2286, %lt3A_2289 : vector<16xi1>
    %jit3A_2291 = arith.constant 502016 : i32
    %broadcast_in_dim3A_2292 = vector.broadcast %jit3A_2291 : i32 to vector<16xi32>
    %select_n3A_2293 = arith.select %and3A_2290, %sub3A_2283, %broadcast_in_dim3A_2292 : vector<16xi1>, vector<16xi32>
    %swap3A_2294 = arith.constant 32 : index
    %swap3A_2295 = tpu.vector_load %arg51[%swap3A_2294] {strides = array<i32>} : memref<128xi32, #tpu.memory_space<vmem>>, vector<16xi32>,
    tpu.vector_store %arg51[%swap3A_2294], %select_n3A_2293 {strides = array<i32>} : memref<128xi32, #tpu.memory_space<vmem>>, vector<16xi32>,
    %get3A_2296 = arith.constant 48 : index
    %get3A_2297 = tpu.vector_load %arg19[%get3A_2296] {strides = array<i32>} : memref<128xi32, #tpu.memory_space<vmem>>, vector<16xi32>,
    %sub3A_2298 = vector.broadcast %mul3A_0 : i32 to vector<16xi32>
    %sub3A_2299 = arith.subi %get3A_2297, %sub3A_2298 : vector<16xi32>
    %ge3A_2300 = arith.constant 0 : i32
    %ge3A_2301 = vector.broadcast %ge3A_2300 : i32 to vector<16xi32>
    %ge3A_2302 = arith.cmpi sge, %sub3A_2299, %ge3A_2301 : vector<16xi32>
    %lt3A_2303 = arith.constant 502016 : i32
    %lt3A_2304 = vector.broadcast %lt3A_2303 : i32 to vector<16xi32>
    %lt3A_2305 = arith.cmpi slt, %sub3A_2299, %lt3A_2304 : vector<16xi32>
    %and3A_2306 = arith.andi %ge3A_2302, %lt3A_2305 : vector<16xi1>
    %jit3A_2307 = arith.constant 502016 : i32
    %broadcast_in_dim3A_2308 = vector.broadcast %jit3A_2307 : i32 to vector<16xi32>
    %select_n3A_2309 = arith.select %and3A_2306, %sub3A_2299, %broadcast_in_dim3A_2308 : vector<16xi1>, vector<16xi32>
    %swap3A_2310 = arith.constant 48 : index
    %swap3A_2311 = tpu.vector_load %arg51[%swap3A_2310] {strides = array<i32>} : memref<128xi32, #tpu.memory_space<vmem>>, vector<16xi32>,
    tpu.vector_store %arg51[%swap3A_2310], %select_n3A_2309 {strides = array<i32>} : memref<128xi32, #tpu.memory_space<vmem>>, vector<16xi32>,
    %get3A_2312 = arith.constant 64 : index
    %get3A_2313 = tpu.vector_load %arg19[%get3A_2312] {strides = array<i32>} : memref<128xi32, #tpu.memory_space<vmem>>, vector<16xi32>,
    %sub3A_2314 = vector.broadcast %mul3A_0 : i32 to vector<16xi32>
    %sub3A_2315 = arith.subi %get3A_2313, %sub3A_2314 : vector<16xi32>
    %ge3A_2316 = arith.constant 0 : i32
    %ge3A_2317 = vector.broadcast %ge3A_2316 : i32 to vector<16xi32>
    %ge3A_2318 = arith.cmpi sge, %sub3A_2315, %ge3A_2317 : vector<16xi32>
    %lt3A_2319 = arith.constant 502016 : i32
    %lt3A_2320 = vector.broadcast %lt3A_2319 : i32 to vector<16xi32>
    %lt3A_2321 = arith.cmpi slt, %sub3A_2315, %lt3A_2320 : vector<16xi32>
    %and3A_2322 = arith.andi %ge3A_2318, %lt3A_2321 : vector<16xi1>
    %jit3A_2323 = arith.constant 502016 : i32
    %broadcast_in_dim3A_2324 = vector.broadcast %jit3A_2323 : i32 to vector<16xi32>
    %select_n3A_2325 = arith.select %and3A_2322, %sub3A_2315, %broadcast_in_dim3A_2324 : vector<16xi1>, vector<16xi32>
    %swap3A_2326 = arith.constant 64 : index
    %swap3A_2327 = tpu.vector_load %arg51[%swap3A_2326] {strides = array<i32>} : memref<128xi32, #tpu.memory_space<vmem>>, vector<16xi32>,
    tpu.vector_store %arg51[%swap3A_2326], %select_n3A_2325 {strides = array<i32>} : memref<128xi32, #tpu.memory_space<vmem>>, vector<16xi32>,
    %get3A_2328 = arith.constant 80 : index
    %get3A_2329 = tpu.vector_load %arg19[%get3A_2328] {strides = array<i32>} : memref<128xi32, #tpu.memory_space<vmem>>, vector<16xi32>,
    %sub3A_2330 = vector.broadcast %mul3A_0 : i32 to vector<16xi32>
    %sub3A_2331 = arith.subi %get3A_2329, %sub3A_2330 : vector<16xi32>
    %ge3A_2332 = arith.constant 0 : i32
    %ge3A_2333 = vector.broadcast %ge3A_2332 : i32 to vector<16xi32>
    %ge3A_2334 = arith.cmpi sge, %sub3A_2331, %ge3A_2333 : vector<16xi32>
    %lt3A_2335 = arith.constant 502016 : i32
    %lt3A_2336 = vector.broadcast %lt3A_2335 : i32 to vector<16xi32>
    %lt3A_2337 = arith.cmpi slt, %sub3A_2331, %lt3A_2336 : vector<16xi32>
    %and3A_2338 = arith.andi %ge3A_2334, %lt3A_2337 : vector<16xi1>
    %jit3A_2339 = arith.constant 502016 : i32
    %broadcast_in_dim3A_2340 = vector.broadcast %jit3A_2339 : i32 to vector<16xi32>
    %select_n3A_2341 = arith.select %and3A_2338, %sub3A_2331, %broadcast_in_dim3A_2340 : vector<16xi1>, vector<16xi32>
    %swap3A_2342 = arith.constant 80 : index
    %swap3A_2343 = tpu.vector_load %arg51[%swap3A_2342] {strides = array<i32>} : memref<128xi32, #tpu.memory_space<vmem>>, vector<16xi32>,
    tpu.vector_store %arg51[%swap3A_2342], %select_n3A_2341 {strides = array<i32>} : memref<128xi32, #tpu.memory_space<vmem>>, vector<16xi32>,
    %get3A_2344 = arith.constant 96 : index
    %get3A_2345 = tpu.vector_load %arg19[%get3A_2344] {strides = array<i32>} : memref<128xi32, #tpu.memory_space<vmem>>, vector<16xi32>,
    %sub3A_2346 = vector.broadcast %mul3A_0 : i32 to vector<16xi32>
    %sub3A_2347 = arith.subi %get3A_2345, %sub3A_2346 : vector<16xi32>
    %ge3A_2348 = arith.constant 0 : i32
    %ge3A_2349 = vector.broadcast %ge3A_2348 : i32 to vector<16xi32>
    %ge3A_2350 = arith.cmpi sge, %sub3A_2347, %ge3A_2349 : vector<16xi32>
    %lt3A_2351 = arith.constant 502016 : i32
    %lt3A_2352 = vector.broadcast %lt3A_2351 : i32 to vector<16xi32>
    %lt3A_2353 = arith.cmpi slt, %sub3A_2347, %lt3A_2352 : vector<16xi32>
    %and3A_2354 = arith.andi %ge3A_2350, %lt3A_2353 : vector<16xi1>
    %jit3A_2355 = arith.constant 502016 : i32
    %broadcast_in_dim3A_2356 = vector.broadcast %jit3A_2355 : i32 to vector<16xi32>
    %select_n3A_2357 = arith.select %and3A_2354, %sub3A_2347, %broadcast_in_dim3A_2356 : vector<16xi1>, vector<16xi32>
    %swap3A_2358 = arith.constant 96 : index
    %swap3A_2359 = tpu.vector_load %arg51[%swap3A_2358] {strides = array<i32>} : memref<128xi32, #tpu.memory_space<vmem>>, vector<16xi32>,
    tpu.vector_store %arg51[%swap3A_2358], %select_n3A_2357 {strides = array<i32>} : memref<128xi32, #tpu.memory_space<vmem>>, vector<16xi32>,
    %get3A_2360 = arith.constant 112 : index
    %get3A_2361 = tpu.vector_load %arg19[%get3A_2360] {strides = array<i32>} : memref<128xi32, #tpu.memory_space<vmem>>, vector<16xi32>,
    %sub3A_2362 = vector.broadcast %mul3A_0 : i32 to vector<16xi32>
    %sub3A_2363 = arith.subi %get3A_2361, %sub3A_2362 : vector<16xi32>
    %ge3A_2364 = arith.constant 0 : i32
    %ge3A_2365 = vector.broadcast %ge3A_2364 : i32 to vector<16xi32>
    %ge3A_2366 = arith.cmpi sge, %sub3A_2363, %ge3A_2365 : vector<16xi32>
    %lt3A_2367 = arith.constant 502016 : i32
    %lt3A_2368 = vector.broadcast %lt3A_2367 : i32 to vector<16xi32>
    %lt3A_2369 = arith.cmpi slt, %sub3A_2363, %lt3A_2368 : vector<16xi32>
    %and3A_2370 = arith.andi %ge3A_2366, %lt3A_2369 : vector<16xi1>
    %jit3A_2371 = arith.constant 502016 : i32
    %broadcast_in_dim3A_2372 = vector.broadcast %jit3A_2371 : i32 to vector<16xi32>
    %select_n3A_2373 = arith.select %and3A_2370, %sub3A_2363, %broadcast_in_dim3A_2372 : vector<16xi1>, vector<16xi32>
    %swap3A_2374 = arith.constant 112 : index
    %swap3A_2375 = tpu.vector_load %arg51[%swap3A_2374] {strides = array<i32>} : memref<128xi32, #tpu.memory_space<vmem>>, vector<16xi32>,
    tpu.vector_store %arg51[%swap3A_2374], %select_n3A_2373 {strides = array<i32>} : memref<128xi32, #tpu.memory_space<vmem>>, vector<16xi32>,
    %get3A_2376 = arith.constant 0 : index
    %get3A_2377 = tpu.vector_load %arg20[%get3A_2376] {strides = array<i32>} : memref<128xi32, #tpu.memory_space<vmem>>, vector<16xi32>,
    %sub3A_2378 = vector.broadcast %mul3A_0 : i32 to vector<16xi32>
    %sub3A_2379 = arith.subi %get3A_2377, %sub3A_2378 : vector<16xi32>
    %ge3A_2380 = arith.constant 0 : i32
    %ge3A_2381 = vector.broadcast %ge3A_2380 : i32 to vector<16xi32>
    %ge3A_2382 = arith.cmpi sge, %sub3A_2379, %ge3A_2381 : vector<16xi32>
    %lt3A_2383 = arith.constant 502016 : i32
    %lt3A_2384 = vector.broadcast %lt3A_2383 : i32 to vector<16xi32>
    %lt3A_2385 = arith.cmpi slt, %sub3A_2379, %lt3A_2384 : vector<16xi32>
    %and3A_2386 = arith.andi %ge3A_2382, %lt3A_2385 : vector<16xi1>
    %jit3A_2387 = arith.constant 502016 : i32
    %broadcast_in_dim3A_2388 = vector.broadcast %jit3A_2387 : i32 to vector<16xi32>
    %select_n3A_2389 = arith.select %and3A_2386, %sub3A_2379, %broadcast_in_dim3A_2388 : vector<16xi1>, vector<16xi32>
    %swap3A_2390 = arith.constant 0 : index
    %swap3A_2391 = tpu.vector_load %arg52[%swap3A_2390] {strides = array<i32>} : memref<128xi32, #tpu.memory_space<vmem>>, vector<16xi32>,
    tpu.vector_store %arg52[%swap3A_2390], %select_n3A_2389 {strides = array<i32>} : memref<128xi32, #tpu.memory_space<vmem>>, vector<16xi32>,
    %get3A_2392 = arith.constant 16 : index
    %get3A_2393 = tpu.vector_load %arg20[%get3A_2392] {strides = array<i32>} : memref<128xi32, #tpu.memory_space<vmem>>, vector<16xi32>,
    %sub3A_2394 = vector.broadcast %mul3A_0 : i32 to vector<16xi32>
    %sub3A_2395 = arith.subi %get3A_2393, %sub3A_2394 : vector<16xi32>
    %ge3A_2396 = arith.constant 0 : i32
    %ge3A_2397 = vector.broadcast %ge3A_2396 : i32 to vector<16xi32>
    %ge3A_2398 = arith.cmpi sge, %sub3A_2395, %ge3A_2397 : vector<16xi32>
    %lt3A_2399 = arith.constant 502016 : i32
    %lt3A_2400 = vector.broadcast %lt3A_2399 : i32 to vector<16xi32>
    %lt3A_2401 = arith.cmpi slt, %sub3A_2395, %lt3A_2400 : vector<16xi32>
    %and3A_2402 = arith.andi %ge3A_2398, %lt3A_2401 : vector<16xi1>
    %jit3A_2403 = arith.constant 502016 : i32
    %broadcast_in_dim3A_2404 = vector.broadcast %jit3A_2403 : i32 to vector<16xi32>
    %select_n3A_2405 = arith.select %and3A_2402, %sub3A_2395, %broadcast_in_dim3A_2404 : vector<16xi1>, vector<16xi32>
    %swap3A_2406 = arith.constant 16 : index
    %swap3A_2407 = tpu.vector_load %arg52[%swap3A_2406] {strides = array<i32>} : memref<128xi32, #tpu.memory_space<vmem>>, vector<16xi32>,
    tpu.vector_store %arg52[%swap3A_2406], %select_n3A_2405 {strides = array<i32>} : memref<128xi32, #tpu.memory_space<vmem>>, vector<16xi32>,
    %get3A_2408 = arith.constant 32 : index
    %get3A_2409 = tpu.vector_load %arg20[%get3A_2408] {strides = array<i32>} : memref<128xi32, #tpu.memory_space<vmem>>, vector<16xi32>,
    %sub3A_2410 = vector.broadcast %mul3A_0 : i32 to vector<16xi32>
    %sub3A_2411 = arith.subi %get3A_2409, %sub3A_2410 : vector<16xi32>
    %ge3A_2412 = arith.constant 0 : i32
    %ge3A_2413 = vector.broadcast %ge3A_2412 : i32 to vector<16xi32>
    %ge3A_2414 = arith.cmpi sge, %sub3A_2411, %ge3A_2413 : vector<16xi32>
    %lt3A_2415 = arith.constant 502016 : i32
    %lt3A_2416 = vector.broadcast %lt3A_2415 : i32 to vector<16xi32>
    %lt3A_2417 = arith.cmpi slt, %sub3A_2411, %lt3A_2416 : vector<16xi32>
    %and3A_2418 = arith.andi %ge3A_2414, %lt3A_2417 : vector<16xi1>
    %jit3A_2419 = arith.constant 502016 : i32
    %broadcast_in_dim3A_2420 = vector.broadcast %jit3A_2419 : i32 to vector<16xi32>
    %select_n3A_2421 = arith.select %and3A_2418, %sub3A_2411, %broadcast_in_dim3A_2420 : vector<16xi1>, vector<16xi32>
    %swap3A_2422 = arith.constant 32 : index
    %swap3A_2423 = tpu.vector_load %arg52[%swap3A_2422] {strides = array<i32>} : memref<128xi32, #tpu.memory_space<vmem>>, vector<16xi32>,
    tpu.vector_store %arg52[%swap3A_2422], %select_n3A_2421 {strides = array<i32>} : memref<128xi32, #tpu.memory_space<vmem>>, vector<16xi32>,
    %get3A_2424 = arith.constant 48 : index
    %get3A_2425 = tpu.vector_load %arg20[%get3A_2424] {strides = array<i32>} : memref<128xi32, #tpu.memory_space<vmem>>, vector<16xi32>,
    %sub3A_2426 = vector.broadcast %mul3A_0 : i32 to vector<16xi32>
    %sub3A_2427 = arith.subi %get3A_2425, %sub3A_2426 : vector<16xi32>
    %ge3A_2428 = arith.constant 0 : i32
    %ge3A_2429 = vector.broadcast %ge3A_2428 : i32 to vector<16xi32>
    %ge3A_2430 = arith.cmpi sge, %sub3A_2427, %ge3A_2429 : vector<16xi32>
    %lt3A_2431 = arith.constant 502016 : i32
    %lt3A_2432 = vector.broadcast %lt3A_2431 : i32 to vector<16xi32>
    %lt3A_2433 = arith.cmpi slt, %sub3A_2427, %lt3A_2432 : vector<16xi32>
    %and3A_2434 = arith.andi %ge3A_2430, %lt3A_2433 : vector<16xi1>
    %jit3A_2435 = arith.constant 502016 : i32
    %broadcast_in_dim3A_2436 = vector.broadcast %jit3A_2435 : i32 to vector<16xi32>
    %select_n3A_2437 = arith.select %and3A_2434, %sub3A_2427, %broadcast_in_dim3A_2436 : vector<16xi1>, vector<16xi32>
    %swap3A_2438 = arith.constant 48 : index
    %swap3A_2439 = tpu.vector_load %arg52[%swap3A_2438] {strides = array<i32>} : memref<128xi32, #tpu.memory_space<vmem>>, vector<16xi32>,
    tpu.vector_store %arg52[%swap3A_2438], %select_n3A_2437 {strides = array<i32>} : memref<128xi32, #tpu.memory_space<vmem>>, vector<16xi32>,
    %get3A_2440 = arith.constant 64 : index
    %get3A_2441 = tpu.vector_load %arg20[%get3A_2440] {strides = array<i32>} : memref<128xi32, #tpu.memory_space<vmem>>, vector<16xi32>,
    %sub3A_2442 = vector.broadcast %mul3A_0 : i32 to vector<16xi32>
    %sub3A_2443 = arith.subi %get3A_2441, %sub3A_2442 : vector<16xi32>
    %ge3A_2444 = arith.constant 0 : i32
    %ge3A_2445 = vector.broadcast %ge3A_2444 : i32 to vector<16xi32>
    %ge3A_2446 = arith.cmpi sge, %sub3A_2443, %ge3A_2445 : vector<16xi32>
    %lt3A_2447 = arith.constant 502016 : i32
    %lt3A_2448 = vector.broadcast %lt3A_2447 : i32 to vector<16xi32>
    %lt3A_2449 = arith.cmpi slt, %sub3A_2443, %lt3A_2448 : vector<16xi32>
    %and3A_2450 = arith.andi %ge3A_2446, %lt3A_2449 : vector<16xi1>
    %jit3A_2451 = arith.constant 502016 : i32
    %broadcast_in_dim3A_2452 = vector.broadcast %jit3A_2451 : i32 to vector<16xi32>
    %select_n3A_2453 = arith.select %and3A_2450, %sub3A_2443, %broadcast_in_dim3A_2452 : vector<16xi1>, vector<16xi32>
    %swap3A_2454 = arith.constant 64 : index
    %swap3A_2455 = tpu.vector_load %arg52[%swap3A_2454] {strides = array<i32>} : memref<128xi32, #tpu.memory_space<vmem>>, vector<16xi32>,
    tpu.vector_store %arg52[%swap3A_2454], %select_n3A_2453 {strides = array<i32>} : memref<128xi32, #tpu.memory_space<vmem>>, vector<16xi32>,
    %get3A_2456 = arith.constant 80 : index
    %get3A_2457 = tpu.vector_load %arg20[%get3A_2456] {strides = array<i32>} : memref<128xi32, #tpu.memory_space<vmem>>, vector<16xi32>,
    %sub3A_2458 = vector.broadcast %mul3A_0 : i32 to vector<16xi32>
    %sub3A_2459 = arith.subi %get3A_2457, %sub3A_2458 : vector<16xi32>
    %ge3A_2460 = arith.constant 0 : i32
    %ge3A_2461 = vector.broadcast %ge3A_2460 : i32 to vector<16xi32>
    %ge3A_2462 = arith.cmpi sge, %sub3A_2459, %ge3A_2461 : vector<16xi32>
    %lt3A_2463 = arith.constant 502016 : i32
    %lt3A_2464 = vector.broadcast %lt3A_2463 : i32 to vector<16xi32>
    %lt3A_2465 = arith.cmpi slt, %sub3A_2459, %lt3A_2464 : vector<16xi32>
    %and3A_2466 = arith.andi %ge3A_2462, %lt3A_2465 : vector<16xi1>
    %jit3A_2467 = arith.constant 502016 : i32
    %broadcast_in_dim3A_2468 = vector.broadcast %jit3A_2467 : i32 to vector<16xi32>
    %select_n3A_2469 = arith.select %and3A_2466, %sub3A_2459, %broadcast_in_dim3A_2468 : vector<16xi1>, vector<16xi32>
    %swap3A_2470 = arith.constant 80 : index
    %swap3A_2471 = tpu.vector_load %arg52[%swap3A_2470] {strides = array<i32>} : memref<128xi32, #tpu.memory_space<vmem>>, vector<16xi32>,
    tpu.vector_store %arg52[%swap3A_2470], %select_n3A_2469 {strides = array<i32>} : memref<128xi32, #tpu.memory_space<vmem>>, vector<16xi32>,
    %get3A_2472 = arith.constant 96 : index
    %get3A_2473 = tpu.vector_load %arg20[%get3A_2472] {strides = array<i32>} : memref<128xi32, #tpu.memory_space<vmem>>, vector<16xi32>,
    %sub3A_2474 = vector.broadcast %mul3A_0 : i32 to vector<16xi32>
    %sub3A_2475 = arith.subi %get3A_2473, %sub3A_2474 : vector<16xi32>
    %ge3A_2476 = arith.constant 0 : i32
    %ge3A_2477 = vector.broadcast %ge3A_2476 : i32 to vector<16xi32>
    %ge3A_2478 = arith.cmpi sge, %sub3A_2475, %ge3A_2477 : vector<16xi32>
    %lt3A_2479 = arith.constant 502016 : i32
    %lt3A_2480 = vector.broadcast %lt3A_2479 : i32 to vector<16xi32>
    %lt3A_2481 = arith.cmpi slt, %sub3A_2475, %lt3A_2480 : vector<16xi32>
    %and3A_2482 = arith.andi %ge3A_2478, %lt3A_2481 : vector<16xi1>
    %jit3A_2483 = arith.constant 502016 : i32
    %broadcast_in_dim3A_2484 = vector.broadcast %jit3A_2483 : i32 to vector<16xi32>
    %select_n3A_2485 = arith.select %and3A_2482, %sub3A_2475, %broadcast_in_dim3A_2484 : vector<16xi1>, vector<16xi32>
    %swap3A_2486 = arith.constant 96 : index
    %swap3A_2487 = tpu.vector_load %arg52[%swap3A_2486] {strides = array<i32>} : memref<128xi32, #tpu.memory_space<vmem>>, vector<16xi32>,
    tpu.vector_store %arg52[%swap3A_2486], %select_n3A_2485 {strides = array<i32>} : memref<128xi32, #tpu.memory_space<vmem>>, vector<16xi32>,
    %get3A_2488 = arith.constant 112 : index
    %get3A_2489 = tpu.vector_load %arg20[%get3A_2488] {strides = array<i32>} : memref<128xi32, #tpu.memory_space<vmem>>, vector<16xi32>,
    %sub3A_2490 = vector.broadcast %mul3A_0 : i32 to vector<16xi32>
    %sub3A_2491 = arith.subi %get3A_2489, %sub3A_2490 : vector<16xi32>
    %ge3A_2492 = arith.constant 0 : i32
    %ge3A_2493 = vector.broadcast %ge3A_2492 : i32 to vector<16xi32>
    %ge3A_2494 = arith.cmpi sge, %sub3A_2491, %ge3A_2493 : vector<16xi32>
    %lt3A_2495 = arith.constant 502016 : i32
    %lt3A_2496 = vector.broadcast %lt3A_2495 : i32 to vector<16xi32>
    %lt3A_2497 = arith.cmpi slt, %sub3A_2491, %lt3A_2496 : vector<16xi32>
    %and3A_2498 = arith.andi %ge3A_2494, %lt3A_2497 : vector<16xi1>
    %jit3A_2499 = arith.constant 502016 : i32
    %broadcast_in_dim3A_2500 = vector.broadcast %jit3A_2499 : i32 to vector<16xi32>
    %select_n3A_2501 = arith.select %and3A_2498, %sub3A_2491, %broadcast_in_dim3A_2500 : vector<16xi1>, vector<16xi32>
    %swap3A_2502 = arith.constant 112 : index
    %swap3A_2503 = tpu.vector_load %arg52[%swap3A_2502] {strides = array<i32>} : memref<128xi32, #tpu.memory_space<vmem>>, vector<16xi32>,
    tpu.vector_store %arg52[%swap3A_2502], %select_n3A_2501 {strides = array<i32>} : memref<128xi32, #tpu.memory_space<vmem>>, vector<16xi32>,
    %barrier3A = arith.constant 0 : index
    tpu.barrier barrier_id(%barrier3A)
    %dma_start3A_2504 = arith.constant 0 : i32
    %dma_start3A_2505 = tpu.memref_slice %arg54[%dma_start3A_2504] : memref<502032xf32, #tpu.memory_space<vmem_shared>> -> memref<502032xf32, #tpu.memory_space<vmem_shared>>
    tpu.enqueue_indirect_dma source(%arg21 : memref<128xf32, #tpu.memory_space<vmem>>) target(%dma_start3A_2505 : memref<502032xf32, #tpu.memory_space<vmem_shared>>) offsets(%arg37 : memref<128xi32, #tpu.memory_space<vmem>>) semaphore(%arg55 : memref<!tpu.dma_semaphore, #tpu.memory_space<semaphore_mem>>)
    %dma_start3A_2506 = arith.constant 0 : i32
    %dma_start3A_2507 = tpu.memref_slice %arg54[%dma_start3A_2506] : memref<502032xf32, #tpu.memory_space<vmem_shared>> -> memref<502032xf32, #tpu.memory_space<vmem_shared>>
    tpu.enqueue_indirect_dma source(%arg22 : memref<128xf32, #tpu.memory_space<vmem>>) target(%dma_start3A_2507 : memref<502032xf32, #tpu.memory_space<vmem_shared>>) offsets(%arg38 : memref<128xi32, #tpu.memory_space<vmem>>) semaphore(%arg55 : memref<!tpu.dma_semaphore, #tpu.memory_space<semaphore_mem>>)
    %dma_start3A_2508 = arith.constant 0 : i32
    %dma_start3A_2509 = tpu.memref_slice %arg54[%dma_start3A_2508] : memref<502032xf32, #tpu.memory_space<vmem_shared>> -> memref<502032xf32, #tpu.memory_space<vmem_shared>>
    tpu.enqueue_indirect_dma source(%arg23 : memref<128xf32, #tpu.memory_space<vmem>>) target(%dma_start3A_2509 : memref<502032xf32, #tpu.memory_space<vmem_shared>>) offsets(%arg39 : memref<128xi32, #tpu.memory_space<vmem>>) semaphore(%arg55 : memref<!tpu.dma_semaphore, #tpu.memory_space<semaphore_mem>>)
    %dma_start3A_2510 = arith.constant 0 : i32
    %dma_start3A_2511 = tpu.memref_slice %arg54[%dma_start3A_2510] : memref<502032xf32, #tpu.memory_space<vmem_shared>> -> memref<502032xf32, #tpu.memory_space<vmem_shared>>
    tpu.enqueue_indirect_dma source(%arg24 : memref<128xf32, #tpu.memory_space<vmem>>) target(%dma_start3A_2511 : memref<502032xf32, #tpu.memory_space<vmem_shared>>) offsets(%arg40 : memref<128xi32, #tpu.memory_space<vmem>>) semaphore(%arg55 : memref<!tpu.dma_semaphore, #tpu.memory_space<semaphore_mem>>)
    %dma_start3A_2512 = arith.constant 0 : i32
    %dma_start3A_2513 = tpu.memref_slice %arg54[%dma_start3A_2512] : memref<502032xf32, #tpu.memory_space<vmem_shared>> -> memref<502032xf32, #tpu.memory_space<vmem_shared>>
    tpu.enqueue_indirect_dma source(%arg25 : memref<128xf32, #tpu.memory_space<vmem>>) target(%dma_start3A_2513 : memref<502032xf32, #tpu.memory_space<vmem_shared>>) offsets(%arg41 : memref<128xi32, #tpu.memory_space<vmem>>) semaphore(%arg55 : memref<!tpu.dma_semaphore, #tpu.memory_space<semaphore_mem>>)
    %dma_start3A_2514 = arith.constant 0 : i32
    %dma_start3A_2515 = tpu.memref_slice %arg54[%dma_start3A_2514] : memref<502032xf32, #tpu.memory_space<vmem_shared>> -> memref<502032xf32, #tpu.memory_space<vmem_shared>>
    tpu.enqueue_indirect_dma source(%arg26 : memref<128xf32, #tpu.memory_space<vmem>>) target(%dma_start3A_2515 : memref<502032xf32, #tpu.memory_space<vmem_shared>>) offsets(%arg42 : memref<128xi32, #tpu.memory_space<vmem>>) semaphore(%arg55 : memref<!tpu.dma_semaphore, #tpu.memory_space<semaphore_mem>>)
    %dma_start3A_2516 = arith.constant 0 : i32
    %dma_start3A_2517 = tpu.memref_slice %arg54[%dma_start3A_2516] : memref<502032xf32, #tpu.memory_space<vmem_shared>> -> memref<502032xf32, #tpu.memory_space<vmem_shared>>
    tpu.enqueue_indirect_dma source(%arg27 : memref<128xf32, #tpu.memory_space<vmem>>) target(%dma_start3A_2517 : memref<502032xf32, #tpu.memory_space<vmem_shared>>) offsets(%arg43 : memref<128xi32, #tpu.memory_space<vmem>>) semaphore(%arg55 : memref<!tpu.dma_semaphore, #tpu.memory_space<semaphore_mem>>)
    %dma_start3A_2518 = arith.constant 0 : i32
    %dma_start3A_2519 = tpu.memref_slice %arg54[%dma_start3A_2518] : memref<502032xf32, #tpu.memory_space<vmem_shared>> -> memref<502032xf32, #tpu.memory_space<vmem_shared>>
    tpu.enqueue_indirect_dma source(%arg28 : memref<128xf32, #tpu.memory_space<vmem>>) target(%dma_start3A_2519 : memref<502032xf32, #tpu.memory_space<vmem_shared>>) offsets(%arg44 : memref<128xi32, #tpu.memory_space<vmem>>) semaphore(%arg55 : memref<!tpu.dma_semaphore, #tpu.memory_space<semaphore_mem>>)
    %dma_start3A_2520 = arith.constant 0 : i32
    %dma_start3A_2521 = tpu.memref_slice %arg54[%dma_start3A_2520] : memref<502032xf32, #tpu.memory_space<vmem_shared>> -> memref<502032xf32, #tpu.memory_space<vmem_shared>>
    tpu.enqueue_indirect_dma source(%arg29 : memref<128xf32, #tpu.memory_space<vmem>>) target(%dma_start3A_2521 : memref<502032xf32, #tpu.memory_space<vmem_shared>>) offsets(%arg45 : memref<128xi32, #tpu.memory_space<vmem>>) semaphore(%arg55 : memref<!tpu.dma_semaphore, #tpu.memory_space<semaphore_mem>>)
    %dma_start3A_2522 = arith.constant 0 : i32
    %dma_start3A_2523 = tpu.memref_slice %arg54[%dma_start3A_2522] : memref<502032xf32, #tpu.memory_space<vmem_shared>> -> memref<502032xf32, #tpu.memory_space<vmem_shared>>
    tpu.enqueue_indirect_dma source(%arg30 : memref<128xf32, #tpu.memory_space<vmem>>) target(%dma_start3A_2523 : memref<502032xf32, #tpu.memory_space<vmem_shared>>) offsets(%arg46 : memref<128xi32, #tpu.memory_space<vmem>>) semaphore(%arg55 : memref<!tpu.dma_semaphore, #tpu.memory_space<semaphore_mem>>)
    %dma_start3A_2524 = arith.constant 0 : i32
    %dma_start3A_2525 = tpu.memref_slice %arg54[%dma_start3A_2524] : memref<502032xf32, #tpu.memory_space<vmem_shared>> -> memref<502032xf32, #tpu.memory_space<vmem_shared>>
    tpu.enqueue_indirect_dma source(%arg31 : memref<128xf32, #tpu.memory_space<vmem>>) target(%dma_start3A_2525 : memref<502032xf32, #tpu.memory_space<vmem_shared>>) offsets(%arg47 : memref<128xi32, #tpu.memory_space<vmem>>) semaphore(%arg55 : memref<!tpu.dma_semaphore, #tpu.memory_space<semaphore_mem>>)
    %dma_start3A_2526 = arith.constant 0 : i32
    %dma_start3A_2527 = tpu.memref_slice %arg54[%dma_start3A_2526] : memref<502032xf32, #tpu.memory_space<vmem_shared>> -> memref<502032xf32, #tpu.memory_space<vmem_shared>>
    tpu.enqueue_indirect_dma source(%arg32 : memref<128xf32, #tpu.memory_space<vmem>>) target(%dma_start3A_2527 : memref<502032xf32, #tpu.memory_space<vmem_shared>>) offsets(%arg48 : memref<128xi32, #tpu.memory_space<vmem>>) semaphore(%arg55 : memref<!tpu.dma_semaphore, #tpu.memory_space<semaphore_mem>>)
    %dma_start3A_2528 = arith.constant 0 : i32
    %dma_start3A_2529 = tpu.memref_slice %arg54[%dma_start3A_2528] : memref<502032xf32, #tpu.memory_space<vmem_shared>> -> memref<502032xf32, #tpu.memory_space<vmem_shared>>
    tpu.enqueue_indirect_dma source(%arg33 : memref<128xf32, #tpu.memory_space<vmem>>) target(%dma_start3A_2529 : memref<502032xf32, #tpu.memory_space<vmem_shared>>) offsets(%arg49 : memref<128xi32, #tpu.memory_space<vmem>>) semaphore(%arg55 : memref<!tpu.dma_semaphore, #tpu.memory_space<semaphore_mem>>)
    %dma_start3A_2530 = arith.constant 0 : i32
    %dma_start3A_2531 = tpu.memref_slice %arg54[%dma_start3A_2530] : memref<502032xf32, #tpu.memory_space<vmem_shared>> -> memref<502032xf32, #tpu.memory_space<vmem_shared>>
    tpu.enqueue_indirect_dma source(%arg34 : memref<128xf32, #tpu.memory_space<vmem>>) target(%dma_start3A_2531 : memref<502032xf32, #tpu.memory_space<vmem_shared>>) offsets(%arg50 : memref<128xi32, #tpu.memory_space<vmem>>) semaphore(%arg55 : memref<!tpu.dma_semaphore, #tpu.memory_space<semaphore_mem>>)
    %dma_start3A_2532 = arith.constant 0 : i32
    %dma_start3A_2533 = tpu.memref_slice %arg54[%dma_start3A_2532] : memref<502032xf32, #tpu.memory_space<vmem_shared>> -> memref<502032xf32, #tpu.memory_space<vmem_shared>>
    tpu.enqueue_indirect_dma source(%arg35 : memref<128xf32, #tpu.memory_space<vmem>>) target(%dma_start3A_2533 : memref<502032xf32, #tpu.memory_space<vmem_shared>>) offsets(%arg51 : memref<128xi32, #tpu.memory_space<vmem>>) semaphore(%arg55 : memref<!tpu.dma_semaphore, #tpu.memory_space<semaphore_mem>>)
    %dma_start3A_2534 = arith.constant 0 : i32
    %dma_start3A_2535 = tpu.memref_slice %arg54[%dma_start3A_2534] : memref<502032xf32, #tpu.memory_space<vmem_shared>> -> memref<502032xf32, #tpu.memory_space<vmem_shared>>
    tpu.enqueue_indirect_dma source(%arg36 : memref<128xf32, #tpu.memory_space<vmem>>) target(%dma_start3A_2535 : memref<502032xf32, #tpu.memory_space<vmem_shared>>) offsets(%arg52 : memref<128xi32, #tpu.memory_space<vmem>>) semaphore(%arg55 : memref<!tpu.dma_semaphore, #tpu.memory_space<semaphore_mem>>)
    %dma_wait3A_2536 = arith.constant 0 : i32
    %dma_wait3A_2537 = tpu.memref_slice %arg54[%dma_wait3A_2536] : memref<502032xf32, #tpu.memory_space<vmem_shared>> -> memref<502032xf32, #tpu.memory_space<vmem_shared>>
    tpu.wait_indirect_dma semaphore(%arg55 : memref<!tpu.dma_semaphore, #tpu.memory_space<semaphore_mem>>) src(%arg21 : memref<128xf32, #tpu.memory_space<vmem>>) dst(%dma_wait3A_2537 : memref<502032xf32, #tpu.memory_space<vmem_shared>>)
    %dma_wait3A_2538 = arith.constant 0 : i32
    %dma_wait3A_2539 = tpu.memref_slice %arg54[%dma_wait3A_2538] : memref<502032xf32, #tpu.memory_space<vmem_shared>> -> memref<502032xf32, #tpu.memory_space<vmem_shared>>
    tpu.wait_indirect_dma semaphore(%arg55 : memref<!tpu.dma_semaphore, #tpu.memory_space<semaphore_mem>>) src(%arg22 : memref<128xf32, #tpu.memory_space<vmem>>) dst(%dma_wait3A_2539 : memref<502032xf32, #tpu.memory_space<vmem_shared>>)
    %dma_wait3A_2540 = arith.constant 0 : i32
    %dma_wait3A_2541 = tpu.memref_slice %arg54[%dma_wait3A_2540] : memref<502032xf32, #tpu.memory_space<vmem_shared>> -> memref<502032xf32, #tpu.memory_space<vmem_shared>>
    tpu.wait_indirect_dma semaphore(%arg55 : memref<!tpu.dma_semaphore, #tpu.memory_space<semaphore_mem>>) src(%arg23 : memref<128xf32, #tpu.memory_space<vmem>>) dst(%dma_wait3A_2541 : memref<502032xf32, #tpu.memory_space<vmem_shared>>)
    %dma_wait3A_2542 = arith.constant 0 : i32
    %dma_wait3A_2543 = tpu.memref_slice %arg54[%dma_wait3A_2542] : memref<502032xf32, #tpu.memory_space<vmem_shared>> -> memref<502032xf32, #tpu.memory_space<vmem_shared>>
    tpu.wait_indirect_dma semaphore(%arg55 : memref<!tpu.dma_semaphore, #tpu.memory_space<semaphore_mem>>) src(%arg24 : memref<128xf32, #tpu.memory_space<vmem>>) dst(%dma_wait3A_2543 : memref<502032xf32, #tpu.memory_space<vmem_shared>>)
    %dma_wait3A_2544 = arith.constant 0 : i32
    %dma_wait3A_2545 = tpu.memref_slice %arg54[%dma_wait3A_2544] : memref<502032xf32, #tpu.memory_space<vmem_shared>> -> memref<502032xf32, #tpu.memory_space<vmem_shared>>
    tpu.wait_indirect_dma semaphore(%arg55 : memref<!tpu.dma_semaphore, #tpu.memory_space<semaphore_mem>>) src(%arg25 : memref<128xf32, #tpu.memory_space<vmem>>) dst(%dma_wait3A_2545 : memref<502032xf32, #tpu.memory_space<vmem_shared>>)
    %dma_wait3A_2546 = arith.constant 0 : i32
    %dma_wait3A_2547 = tpu.memref_slice %arg54[%dma_wait3A_2546] : memref<502032xf32, #tpu.memory_space<vmem_shared>> -> memref<502032xf32, #tpu.memory_space<vmem_shared>>
    tpu.wait_indirect_dma semaphore(%arg55 : memref<!tpu.dma_semaphore, #tpu.memory_space<semaphore_mem>>) src(%arg26 : memref<128xf32, #tpu.memory_space<vmem>>) dst(%dma_wait3A_2547 : memref<502032xf32, #tpu.memory_space<vmem_shared>>)
    %dma_wait3A_2548 = arith.constant 0 : i32
    %dma_wait3A_2549 = tpu.memref_slice %arg54[%dma_wait3A_2548] : memref<502032xf32, #tpu.memory_space<vmem_shared>> -> memref<502032xf32, #tpu.memory_space<vmem_shared>>
    tpu.wait_indirect_dma semaphore(%arg55 : memref<!tpu.dma_semaphore, #tpu.memory_space<semaphore_mem>>) src(%arg27 : memref<128xf32, #tpu.memory_space<vmem>>) dst(%dma_wait3A_2549 : memref<502032xf32, #tpu.memory_space<vmem_shared>>)
    %dma_wait3A_2550 = arith.constant 0 : i32
    %dma_wait3A_2551 = tpu.memref_slice %arg54[%dma_wait3A_2550] : memref<502032xf32, #tpu.memory_space<vmem_shared>> -> memref<502032xf32, #tpu.memory_space<vmem_shared>>
    tpu.wait_indirect_dma semaphore(%arg55 : memref<!tpu.dma_semaphore, #tpu.memory_space<semaphore_mem>>) src(%arg28 : memref<128xf32, #tpu.memory_space<vmem>>) dst(%dma_wait3A_2551 : memref<502032xf32, #tpu.memory_space<vmem_shared>>)
    %dma_wait3A_2552 = arith.constant 0 : i32
    %dma_wait3A_2553 = tpu.memref_slice %arg54[%dma_wait3A_2552] : memref<502032xf32, #tpu.memory_space<vmem_shared>> -> memref<502032xf32, #tpu.memory_space<vmem_shared>>
    tpu.wait_indirect_dma semaphore(%arg55 : memref<!tpu.dma_semaphore, #tpu.memory_space<semaphore_mem>>) src(%arg29 : memref<128xf32, #tpu.memory_space<vmem>>) dst(%dma_wait3A_2553 : memref<502032xf32, #tpu.memory_space<vmem_shared>>)
    %dma_wait3A_2554 = arith.constant 0 : i32
    %dma_wait3A_2555 = tpu.memref_slice %arg54[%dma_wait3A_2554] : memref<502032xf32, #tpu.memory_space<vmem_shared>> -> memref<502032xf32, #tpu.memory_space<vmem_shared>>
    tpu.wait_indirect_dma semaphore(%arg55 : memref<!tpu.dma_semaphore, #tpu.memory_space<semaphore_mem>>) src(%arg30 : memref<128xf32, #tpu.memory_space<vmem>>) dst(%dma_wait3A_2555 : memref<502032xf32, #tpu.memory_space<vmem_shared>>)
    %dma_wait3A_2556 = arith.constant 0 : i32
    %dma_wait3A_2557 = tpu.memref_slice %arg54[%dma_wait3A_2556] : memref<502032xf32, #tpu.memory_space<vmem_shared>> -> memref<502032xf32, #tpu.memory_space<vmem_shared>>
    tpu.wait_indirect_dma semaphore(%arg55 : memref<!tpu.dma_semaphore, #tpu.memory_space<semaphore_mem>>) src(%arg31 : memref<128xf32, #tpu.memory_space<vmem>>) dst(%dma_wait3A_2557 : memref<502032xf32, #tpu.memory_space<vmem_shared>>)
    %dma_wait3A_2558 = arith.constant 0 : i32
    %dma_wait3A_2559 = tpu.memref_slice %arg54[%dma_wait3A_2558] : memref<502032xf32, #tpu.memory_space<vmem_shared>> -> memref<502032xf32, #tpu.memory_space<vmem_shared>>
    tpu.wait_indirect_dma semaphore(%arg55 : memref<!tpu.dma_semaphore, #tpu.memory_space<semaphore_mem>>) src(%arg32 : memref<128xf32, #tpu.memory_space<vmem>>) dst(%dma_wait3A_2559 : memref<502032xf32, #tpu.memory_space<vmem_shared>>)
    %dma_wait3A_2560 = arith.constant 0 : i32
    %dma_wait3A_2561 = tpu.memref_slice %arg54[%dma_wait3A_2560] : memref<502032xf32, #tpu.memory_space<vmem_shared>> -> memref<502032xf32, #tpu.memory_space<vmem_shared>>
    tpu.wait_indirect_dma semaphore(%arg55 : memref<!tpu.dma_semaphore, #tpu.memory_space<semaphore_mem>>) src(%arg33 : memref<128xf32, #tpu.memory_space<vmem>>) dst(%dma_wait3A_2561 : memref<502032xf32, #tpu.memory_space<vmem_shared>>)
    %dma_wait3A_2562 = arith.constant 0 : i32
    %dma_wait3A_2563 = tpu.memref_slice %arg54[%dma_wait3A_2562] : memref<502032xf32, #tpu.memory_space<vmem_shared>> -> memref<502032xf32, #tpu.memory_space<vmem_shared>>
    tpu.wait_indirect_dma semaphore(%arg55 : memref<!tpu.dma_semaphore, #tpu.memory_space<semaphore_mem>>) src(%arg34 : memref<128xf32, #tpu.memory_space<vmem>>) dst(%dma_wait3A_2563 : memref<502032xf32, #tpu.memory_space<vmem_shared>>)
    %dma_wait3A_2564 = arith.constant 0 : i32
    %dma_wait3A_2565 = tpu.memref_slice %arg54[%dma_wait3A_2564] : memref<502032xf32, #tpu.memory_space<vmem_shared>> -> memref<502032xf32, #tpu.memory_space<vmem_shared>>
    tpu.wait_indirect_dma semaphore(%arg55 : memref<!tpu.dma_semaphore, #tpu.memory_space<semaphore_mem>>) src(%arg35 : memref<128xf32, #tpu.memory_space<vmem>>) dst(%dma_wait3A_2565 : memref<502032xf32, #tpu.memory_space<vmem_shared>>)
    %dma_wait3A_2566 = arith.constant 0 : i32
    %dma_wait3A_2567 = tpu.memref_slice %arg54[%dma_wait3A_2566] : memref<502032xf32, #tpu.memory_space<vmem_shared>> -> memref<502032xf32, #tpu.memory_space<vmem_shared>>
    tpu.wait_indirect_dma semaphore(%arg55 : memref<!tpu.dma_semaphore, #tpu.memory_space<semaphore_mem>>) src(%arg36 : memref<128xf32, #tpu.memory_space<vmem>>) dst(%dma_wait3A_2567 : memref<502032xf32, #tpu.memory_space<vmem_shared>>)
    %barrier3A_2568 = arith.constant 0 : index
    tpu.barrier barrier_id(%barrier3A_2568)
    %scan3A_2569 = arith.constant 0 : i32
    %scan3A_2570 = arith.constant 0 : i32
    %scan3A_2571 = arith.constant 490 : i32
    %scan3A_2572 = arith.addi %scan3A_2570, %scan3A_2571 : i32
    %scan3A_2573 = arith.constant 1 : i32
    scf.for %scan3A_2596 = %scan3A_2570 to %scan3A_2572 step %scan3A_2573  : i32 {
      %broadcast_in_dim3A_2597 = arith.constant 0.000000e+00 : f32
      %broadcast_in_dim3A_2598 = vector.broadcast %broadcast_in_dim3A_2597 : f32 to vector<16xf32>
      %mul3A_2599 = arith.constant 16 : i32
      %mul3A_2600 = arith.muli %scan3A_2596, %mul3A_2599 : i32
      %swap3A_2601 = arith.index_cast %mul3A_2600 : i32 to index
      %swap3A_2602 = tpu.vector_load %arg53[%swap3A_2601] {strides = array<i32>} : memref<7840xf32, #tpu.memory_space<vmem>>, vector<16xf32>,
      tpu.vector_store %arg53[%swap3A_2601], %broadcast_in_dim3A_2598 {strides = array<i32>} : memref<7840xf32, #tpu.memory_space<vmem>>, vector<16xf32>,
    }
    %scan3A_2574 = arith.constant 490 : i32
    %add3A_2575 = arith.addi %mul3A_0, %mul3A_263 : i32
    %add3A_2576 = arith.constant 0 : i32
    %add3A_2577 = arith.addi %mul3A_263, %add3A_2576 : i32
    "tpu.region"() ({
      %run_scoped3A = tpu.sem_alloc : memref<!tpu.dma_semaphore, #tpu.memory_space<semaphore_mem>>
      %dma_start3A_2596 = tpu.memref_slice %arg54[%add3A_2577] : memref<502032xf32, #tpu.memory_space<vmem_shared>> -> memref<7840xf32, #tpu.memory_space<vmem_shared>>
      %dma_start3A_2597 = tpu.memref_slice %arg54[%add3A_2577] : memref<502032xf32, #tpu.memory_space<vmem_shared>> -> memref<7840xf32, #tpu.memory_space<vmem_shared>>
      tpu.enqueue_dma source(%dma_start3A_2597 : memref<7840xf32, #tpu.memory_space<vmem_shared>>) target(%arg53 : memref<7840xf32, #tpu.memory_space<vmem>>) target_semaphore(%run_scoped3A : memref<!tpu.dma_semaphore, #tpu.memory_space<semaphore_mem>>)
      %dma_wait3A_2598 = tpu.memref_slice %arg54[%add3A_2577] : memref<502032xf32, #tpu.memory_space<vmem_shared>> -> memref<7840xf32, #tpu.memory_space<vmem_shared>>
      %dma_wait3A_2599 = tpu.memref_slice %arg54[%add3A_2577] : memref<502032xf32, #tpu.memory_space<vmem_shared>> -> memref<7840xf32, #tpu.memory_space<vmem_shared>>
      tpu.wait_dma2 semaphore(%run_scoped3A : memref<!tpu.dma_semaphore, #tpu.memory_space<semaphore_mem>>) src(%dma_wait3A_2599 : memref<7840xf32, #tpu.memory_space<vmem_shared>>) dst(%arg53 : memref<7840xf32, #tpu.memory_space<vmem>>)
      tpu.yield
    }) : () -> ()
    %add3A_2578 = arith.constant 0 : i32
    %add3A_2579 = arith.addi %add3A_2575, %add3A_2578 : i32
    "tpu.region"() ({
      %run_scoped3A = tpu.sem_alloc : memref<!tpu.dma_semaphore, #tpu.memory_space<semaphore_mem>>
      %dma_start3A_2596 = tpu.memref_slice %arg4[%add3A_2579] : memref<1004032xf32, #tpu.memory_space<hbm>> -> memref<7840xf32, #tpu.memory_space<hbm>>
      %dma_start3A_2597 = tpu.memref_slice %arg4[%add3A_2579] : memref<1004032xf32, #tpu.memory_space<hbm>> -> memref<7840xf32, #tpu.memory_space<hbm>>
      tpu.enqueue_dma source(%arg53 : memref<7840xf32, #tpu.memory_space<vmem>>) target(%dma_start3A_2597 : memref<7840xf32, #tpu.memory_space<hbm>>) target_semaphore(%run_scoped3A : memref<!tpu.dma_semaphore, #tpu.memory_space<semaphore_mem>>)
      %dma_wait3A_2598 = tpu.memref_slice %arg4[%add3A_2579] : memref<1004032xf32, #tpu.memory_space<hbm>> -> memref<7840xf32, #tpu.memory_space<hbm>>
      %dma_wait3A_2599 = tpu.memref_slice %arg4[%add3A_2579] : memref<1004032xf32, #tpu.memory_space<hbm>> -> memref<7840xf32, #tpu.memory_space<hbm>>
      tpu.wait_dma2 semaphore(%run_scoped3A : memref<!tpu.dma_semaphore, #tpu.memory_space<semaphore_mem>>) src(%arg53 : memref<7840xf32, #tpu.memory_space<vmem>>) dst(%dma_wait3A_2599 : memref<7840xf32, #tpu.memory_space<hbm>>)
      tpu.yield
    }) : () -> ()
    %add3A_2580 = arith.constant 7840 : i32
    %add3A_2581 = arith.addi %mul3A_263, %add3A_2580 : i32
    "tpu.region"() ({
      %run_scoped3A = tpu.sem_alloc : memref<!tpu.dma_semaphore, #tpu.memory_space<semaphore_mem>>
      %dma_start3A_2596 = tpu.memref_slice %arg54[%add3A_2581] : memref<502032xf32, #tpu.memory_space<vmem_shared>> -> memref<7840xf32, #tpu.memory_space<vmem_shared>>
      %dma_start3A_2597 = tpu.memref_slice %arg54[%add3A_2581] : memref<502032xf32, #tpu.memory_space<vmem_shared>> -> memref<7840xf32, #tpu.memory_space<vmem_shared>>
      tpu.enqueue_dma source(%dma_start3A_2597 : memref<7840xf32, #tpu.memory_space<vmem_shared>>) target(%arg53 : memref<7840xf32, #tpu.memory_space<vmem>>) target_semaphore(%run_scoped3A : memref<!tpu.dma_semaphore, #tpu.memory_space<semaphore_mem>>)
      %dma_wait3A_2598 = tpu.memref_slice %arg54[%add3A_2581] : memref<502032xf32, #tpu.memory_space<vmem_shared>> -> memref<7840xf32, #tpu.memory_space<vmem_shared>>
      %dma_wait3A_2599 = tpu.memref_slice %arg54[%add3A_2581] : memref<502032xf32, #tpu.memory_space<vmem_shared>> -> memref<7840xf32, #tpu.memory_space<vmem_shared>>
      tpu.wait_dma2 semaphore(%run_scoped3A : memref<!tpu.dma_semaphore, #tpu.memory_space<semaphore_mem>>) src(%dma_wait3A_2599 : memref<7840xf32, #tpu.memory_space<vmem_shared>>) dst(%arg53 : memref<7840xf32, #tpu.memory_space<vmem>>)
      tpu.yield
    }) : () -> ()
    %add3A_2582 = arith.constant 7840 : i32
    %add3A_2583 = arith.addi %add3A_2575, %add3A_2582 : i32
    "tpu.region"() ({
      %run_scoped3A = tpu.sem_alloc : memref<!tpu.dma_semaphore, #tpu.memory_space<semaphore_mem>>
      %dma_start3A_2596 = tpu.memref_slice %arg4[%add3A_2583] : memref<1004032xf32, #tpu.memory_space<hbm>> -> memref<7840xf32, #tpu.memory_space<hbm>>
      %dma_start3A_2597 = tpu.memref_slice %arg4[%add3A_2583] : memref<1004032xf32, #tpu.memory_space<hbm>> -> memref<7840xf32, #tpu.memory_space<hbm>>
      tpu.enqueue_dma source(%arg53 : memref<7840xf32, #tpu.memory_space<vmem>>) target(%dma_start3A_2597 : memref<7840xf32, #tpu.memory_space<hbm>>) target_semaphore(%run_scoped3A : memref<!tpu.dma_semaphore, #tpu.memory_space<semaphore_mem>>)
      %dma_wait3A_2598 = tpu.memref_slice %arg4[%add3A_2583] : memref<1004032xf32, #tpu.memory_space<hbm>> -> memref<7840xf32, #tpu.memory_space<hbm>>
      %dma_wait3A_2599 = tpu.memref_slice %arg4[%add3A_2583] : memref<1004032xf32, #tpu.memory_space<hbm>> -> memref<7840xf32, #tpu.memory_space<hbm>>
      tpu.wait_dma2 semaphore(%run_scoped3A : memref<!tpu.dma_semaphore, #tpu.memory_space<semaphore_mem>>) src(%arg53 : memref<7840xf32, #tpu.memory_space<vmem>>) dst(%dma_wait3A_2599 : memref<7840xf32, #tpu.memory_space<hbm>>)
      tpu.yield
    }) : () -> ()
    %add3A_2584 = arith.constant 15680 : i32
    %add3A_2585 = arith.addi %mul3A_263, %add3A_2584 : i32
    "tpu.region"() ({
      %run_scoped3A = tpu.sem_alloc : memref<!tpu.dma_semaphore, #tpu.memory_space<semaphore_mem>>
      %dma_start3A_2596 = tpu.memref_slice %arg54[%add3A_2585] : memref<502032xf32, #tpu.memory_space<vmem_shared>> -> memref<7840xf32, #tpu.memory_space<vmem_shared>>
      %dma_start3A_2597 = tpu.memref_slice %arg54[%add3A_2585] : memref<502032xf32, #tpu.memory_space<vmem_shared>> -> memref<7840xf32, #tpu.memory_space<vmem_shared>>
      tpu.enqueue_dma source(%dma_start3A_2597 : memref<7840xf32, #tpu.memory_space<vmem_shared>>) target(%arg53 : memref<7840xf32, #tpu.memory_space<vmem>>) target_semaphore(%run_scoped3A : memref<!tpu.dma_semaphore, #tpu.memory_space<semaphore_mem>>)
      %dma_wait3A_2598 = tpu.memref_slice %arg54[%add3A_2585] : memref<502032xf32, #tpu.memory_space<vmem_shared>> -> memref<7840xf32, #tpu.memory_space<vmem_shared>>
      %dma_wait3A_2599 = tpu.memref_slice %arg54[%add3A_2585] : memref<502032xf32, #tpu.memory_space<vmem_shared>> -> memref<7840xf32, #tpu.memory_space<vmem_shared>>
      tpu.wait_dma2 semaphore(%run_scoped3A : memref<!tpu.dma_semaphore, #tpu.memory_space<semaphore_mem>>) src(%dma_wait3A_2599 : memref<7840xf32, #tpu.memory_space<vmem_shared>>) dst(%arg53 : memref<7840xf32, #tpu.memory_space<vmem>>)
      tpu.yield
    }) : () -> ()
    %add3A_2586 = arith.constant 15680 : i32
    %add3A_2587 = arith.addi %add3A_2575, %add3A_2586 : i32
    "tpu.region"() ({
      %run_scoped3A = tpu.sem_alloc : memref<!tpu.dma_semaphore, #tpu.memory_space<semaphore_mem>>
      %dma_start3A_2596 = tpu.memref_slice %arg4[%add3A_2587] : memref<1004032xf32, #tpu.memory_space<hbm>> -> memref<7840xf32, #tpu.memory_space<hbm>>
      %dma_start3A_2597 = tpu.memref_slice %arg4[%add3A_2587] : memref<1004032xf32, #tpu.memory_space<hbm>> -> memref<7840xf32, #tpu.memory_space<hbm>>
      tpu.enqueue_dma source(%arg53 : memref<7840xf32, #tpu.memory_space<vmem>>) target(%dma_start3A_2597 : memref<7840xf32, #tpu.memory_space<hbm>>) target_semaphore(%run_scoped3A : memref<!tpu.dma_semaphore, #tpu.memory_space<semaphore_mem>>)
      %dma_wait3A_2598 = tpu.memref_slice %arg4[%add3A_2587] : memref<1004032xf32, #tpu.memory_space<hbm>> -> memref<7840xf32, #tpu.memory_space<hbm>>
      %dma_wait3A_2599 = tpu.memref_slice %arg4[%add3A_2587] : memref<1004032xf32, #tpu.memory_space<hbm>> -> memref<7840xf32, #tpu.memory_space<hbm>>
      tpu.wait_dma2 semaphore(%run_scoped3A : memref<!tpu.dma_semaphore, #tpu.memory_space<semaphore_mem>>) src(%arg53 : memref<7840xf32, #tpu.memory_space<vmem>>) dst(%dma_wait3A_2599 : memref<7840xf32, #tpu.memory_space<hbm>>)
      tpu.yield
    }) : () -> ()
    %add3A_2588 = arith.constant 23520 : i32
    %add3A_2589 = arith.addi %mul3A_263, %add3A_2588 : i32
    "tpu.region"() ({
      %run_scoped3A = tpu.sem_alloc : memref<!tpu.dma_semaphore, #tpu.memory_space<semaphore_mem>>
      %dma_start3A_2596 = tpu.memref_slice %arg54[%add3A_2589] : memref<502032xf32, #tpu.memory_space<vmem_shared>> -> memref<7840xf32, #tpu.memory_space<vmem_shared>>
      %dma_start3A_2597 = tpu.memref_slice %arg54[%add3A_2589] : memref<502032xf32, #tpu.memory_space<vmem_shared>> -> memref<7840xf32, #tpu.memory_space<vmem_shared>>
      tpu.enqueue_dma source(%dma_start3A_2597 : memref<7840xf32, #tpu.memory_space<vmem_shared>>) target(%arg53 : memref<7840xf32, #tpu.memory_space<vmem>>) target_semaphore(%run_scoped3A : memref<!tpu.dma_semaphore, #tpu.memory_space<semaphore_mem>>)
      %dma_wait3A_2598 = tpu.memref_slice %arg54[%add3A_2589] : memref<502032xf32, #tpu.memory_space<vmem_shared>> -> memref<7840xf32, #tpu.memory_space<vmem_shared>>
      %dma_wait3A_2599 = tpu.memref_slice %arg54[%add3A_2589] : memref<502032xf32, #tpu.memory_space<vmem_shared>> -> memref<7840xf32, #tpu.memory_space<vmem_shared>>
      tpu.wait_dma2 semaphore(%run_scoped3A : memref<!tpu.dma_semaphore, #tpu.memory_space<semaphore_mem>>) src(%dma_wait3A_2599 : memref<7840xf32, #tpu.memory_space<vmem_shared>>) dst(%arg53 : memref<7840xf32, #tpu.memory_space<vmem>>)
      tpu.yield
    }) : () -> ()
    %add3A_2590 = arith.constant 23520 : i32
    %add3A_2591 = arith.addi %add3A_2575, %add3A_2590 : i32
    "tpu.region"() ({
      %run_scoped3A = tpu.sem_alloc : memref<!tpu.dma_semaphore, #tpu.memory_space<semaphore_mem>>
      %dma_start3A_2596 = tpu.memref_slice %arg4[%add3A_2591] : memref<1004032xf32, #tpu.memory_space<hbm>> -> memref<7840xf32, #tpu.memory_space<hbm>>
      %dma_start3A_2597 = tpu.memref_slice %arg4[%add3A_2591] : memref<1004032xf32, #tpu.memory_space<hbm>> -> memref<7840xf32, #tpu.memory_space<hbm>>
      tpu.enqueue_dma source(%arg53 : memref<7840xf32, #tpu.memory_space<vmem>>) target(%dma_start3A_2597 : memref<7840xf32, #tpu.memory_space<hbm>>) target_semaphore(%run_scoped3A : memref<!tpu.dma_semaphore, #tpu.memory_space<semaphore_mem>>)
      %dma_wait3A_2598 = tpu.memref_slice %arg4[%add3A_2591] : memref<1004032xf32, #tpu.memory_space<hbm>> -> memref<7840xf32, #tpu.memory_space<hbm>>
      %dma_wait3A_2599 = tpu.memref_slice %arg4[%add3A_2591] : memref<1004032xf32, #tpu.memory_space<hbm>> -> memref<7840xf32, #tpu.memory_space<hbm>>
      tpu.wait_dma2 semaphore(%run_scoped3A : memref<!tpu.dma_semaphore, #tpu.memory_space<semaphore_mem>>) src(%arg53 : memref<7840xf32, #tpu.memory_space<vmem>>) dst(%dma_wait3A_2599 : memref<7840xf32, #tpu.memory_space<hbm>>)
      tpu.yield
    }) : () -> ()
    %add3A_2592 = arith.constant 31360 : i32
    %add3A_2593 = arith.addi %mul3A_263, %add3A_2592 : i32
    "tpu.region"() ({
      %run_scoped3A = tpu.sem_alloc : memref<!tpu.dma_semaphore, #tpu.memory_space<semaphore_mem>>
      %dma_start3A_2596 = arith.constant 0 : i32
      %dma_start3A_2597 = tpu.memref_slice %arg53[%dma_start3A_2596] : memref<7840xf32, #tpu.memory_space<vmem>> -> memref<16xf32, #tpu.memory_space<vmem>>
      %dma_start3A_2598 = tpu.memref_slice %arg54[%add3A_2593] : memref<502032xf32, #tpu.memory_space<vmem_shared>> -> memref<16xf32, #tpu.memory_space<vmem_shared>>
      %dma_start3A_2599 = arith.constant 0 : i32
      %dma_start3A_2600 = tpu.memref_slice %arg53[%dma_start3A_2599] : memref<7840xf32, #tpu.memory_space<vmem>> -> memref<16xf32, #tpu.memory_space<vmem>>
      %dma_start3A_2601 = tpu.memref_slice %arg54[%add3A_2593] : memref<502032xf32, #tpu.memory_space<vmem_shared>> -> memref<16xf32, #tpu.memory_space<vmem_shared>>
      tpu.enqueue_dma source(%dma_start3A_2601 : memref<16xf32, #tpu.memory_space<vmem_shared>>) target(%dma_start3A_2600 : memref<16xf32, #tpu.memory_space<vmem>>) target_semaphore(%run_scoped3A : memref<!tpu.dma_semaphore, #tpu.memory_space<semaphore_mem>>)
      %dma_wait3A_2602 = arith.constant 0 : i32
      %dma_wait3A_2603 = tpu.memref_slice %arg53[%dma_wait3A_2602] : memref<7840xf32, #tpu.memory_space<vmem>> -> memref<16xf32, #tpu.memory_space<vmem>>
      %dma_wait3A_2604 = tpu.memref_slice %arg54[%add3A_2593] : memref<502032xf32, #tpu.memory_space<vmem_shared>> -> memref<16xf32, #tpu.memory_space<vmem_shared>>
      %dma_wait3A_2605 = arith.constant 0 : i32
      %dma_wait3A_2606 = tpu.memref_slice %arg53[%dma_wait3A_2605] : memref<7840xf32, #tpu.memory_space<vmem>> -> memref<16xf32, #tpu.memory_space<vmem>>
      %dma_wait3A_2607 = tpu.memref_slice %arg54[%add3A_2593] : memref<502032xf32, #tpu.memory_space<vmem_shared>> -> memref<16xf32, #tpu.memory_space<vmem_shared>>
      tpu.wait_dma2 semaphore(%run_scoped3A : memref<!tpu.dma_semaphore, #tpu.memory_space<semaphore_mem>>) src(%dma_wait3A_2607 : memref<16xf32, #tpu.memory_space<vmem_shared>>) dst(%dma_wait3A_2606 : memref<16xf32, #tpu.memory_space<vmem>>)
      tpu.yield
    }) : () -> ()
    %add3A_2594 = arith.constant 31360 : i32
    %add3A_2595 = arith.addi %add3A_2575, %add3A_2594 : i32
    "tpu.region"() ({
      %run_scoped3A = tpu.sem_alloc : memref<!tpu.dma_semaphore, #tpu.memory_space<semaphore_mem>>
      %dma_start3A_2596 = arith.constant 0 : i32
      %dma_start3A_2597 = tpu.memref_slice %arg53[%dma_start3A_2596] : memref<7840xf32, #tpu.memory_space<vmem>> -> memref<16xf32, #tpu.memory_space<vmem>>
      %dma_start3A_2598 = tpu.memref_slice %arg4[%add3A_2595] : memref<1004032xf32, #tpu.memory_space<hbm>> -> memref<16xf32, #tpu.memory_space<hbm>>
      %dma_start3A_2599 = tpu.memref_slice %arg4[%add3A_2595] : memref<1004032xf32, #tpu.memory_space<hbm>> -> memref<16xf32, #tpu.memory_space<hbm>>
      %dma_start3A_2600 = arith.constant 0 : i32
      %dma_start3A_2601 = tpu.memref_slice %arg53[%dma_start3A_2600] : memref<7840xf32, #tpu.memory_space<vmem>> -> memref<16xf32, #tpu.memory_space<vmem>>
      tpu.enqueue_dma source(%dma_start3A_2601 : memref<16xf32, #tpu.memory_space<vmem>>) target(%dma_start3A_2599 : memref<16xf32, #tpu.memory_space<hbm>>) target_semaphore(%run_scoped3A : memref<!tpu.dma_semaphore, #tpu.memory_space<semaphore_mem>>)
      %dma_wait3A_2602 = arith.constant 0 : i32
      %dma_wait3A_2603 = tpu.memref_slice %arg53[%dma_wait3A_2602] : memref<7840xf32, #tpu.memory_space<vmem>> -> memref<16xf32, #tpu.memory_space<vmem>>
      %dma_wait3A_2604 = tpu.memref_slice %arg4[%add3A_2595] : memref<1004032xf32, #tpu.memory_space<hbm>> -> memref<16xf32, #tpu.memory_space<hbm>>
      %dma_wait3A_2605 = tpu.memref_slice %arg4[%add3A_2595] : memref<1004032xf32, #tpu.memory_space<hbm>> -> memref<16xf32, #tpu.memory_space<hbm>>
      %dma_wait3A_2606 = arith.constant 0 : i32
      %dma_wait3A_2607 = tpu.memref_slice %arg53[%dma_wait3A_2606] : memref<7840xf32, #tpu.memory_space<vmem>> -> memref<16xf32, #tpu.memory_space<vmem>>
      tpu.wait_dma2 semaphore(%run_scoped3A : memref<!tpu.dma_semaphore, #tpu.memory_space<semaphore_mem>>) src(%dma_wait3A_2607 : memref<16xf32, #tpu.memory_space<vmem>>) dst(%dma_wait3A_2605 : memref<16xf32, #tpu.memory_space<hbm>>)
      tpu.yield
    }) : () -> ()
    return
  }
}

module attributes {stable_mosaic.version = 14 : i64} {
  func.func @_field_body(%arg0: i32, %arg1: memref<256x128xi32, #tpu.memory_space<vmem>>, %arg2: memref<256x8xf32, #tpu.memory_space<smem>>, %arg3: memref<256x128xf32, #tpu.memory_space<vmem>>) attributes {dimension_semantics = [#tpu.dimension_semantics<arbitrary>], iteration_bounds = array<i64: 1>, scalar_prefetch = 0 : i64, scratch_operands = 0 : i64, tpu.core_type = #tpu.core_type<tc>, window_params = [{transform_indices = @transform_0, window_bounds = array<i64: 256, 128>}, {transform_indices = @transform_1, window_bounds = array<i64: 256, 8>}, {transform_indices = @transform_2, window_bounds = array<i64: 256, 128>}]} {
    %get3A = arith.constant 0 : index
    %get3A_0 = arith.constant 0 : index
    %get3A_1 = vector.load %arg1[%get3A, %get3A_0] : memref<256x128xi32, #tpu.memory_space<vmem>>, vector<256x128xi32>
    %jit3A = arith.constant 2004 : i32
    %div3A = vector.broadcast %jit3A : i32 to vector<256x128xi32>
    %div3A_2 = arith.divsi %get3A_1, %div3A : vector<256x128xi32>
    %sign3A = arith.constant 0 : i32
    %sign3A_3 = vector.broadcast %sign3A : i32 to vector<256x128xi32>
    %sign3A_4 = arith.cmpi sgt, %get3A_1, %sign3A_3 : vector<256x128xi32>
    %sign3A_5 = arith.extui %sign3A_4 : vector<256x128xi1> to vector<256x128xi32>
    %sign3A_6 = arith.constant 0 : i32
    %sign3A_7 = vector.broadcast %sign3A_6 : i32 to vector<256x128xi32>
    %sign3A_8 = arith.cmpi slt, %get3A_1, %sign3A_7 : vector<256x128xi32>
    %sign3A_9 = arith.extui %sign3A_8 : vector<256x128xi1> to vector<256x128xi32>
    %sign3A_10 = arith.subi %sign3A_5, %sign3A_9 : vector<256x128xi32>
    %sign3A_11 = arith.constant 0 : i32
    %sign3A_12 = arith.cmpi sgt, %jit3A, %sign3A_11 : i32
    %sign3A_13 = arith.extui %sign3A_12 : i1 to i32
    %sign3A_14 = arith.constant 0 : i32
    %sign3A_15 = arith.cmpi slt, %jit3A, %sign3A_14 : i32
    %sign3A_16 = arith.extui %sign3A_15 : i1 to i32
    %sign3A_17 = arith.subi %sign3A_13, %sign3A_16 : i32
    %ne3A = vector.broadcast %sign3A_17 : i32 to vector<256x128xi32>
    %ne3A_18 = arith.cmpi ne, %sign3A_10, %ne3A : vector<256x128xi32>
    %rem3A = vector.broadcast %jit3A : i32 to vector<256x128xi32>
    %rem3A_19 = arith.remsi %get3A_1, %rem3A : vector<256x128xi32>
    %ne3A_20 = arith.constant 0 : i32
    %ne3A_21 = vector.broadcast %ne3A_20 : i32 to vector<256x128xi32>
    %ne3A_22 = arith.cmpi ne, %rem3A_19, %ne3A_21 : vector<256x128xi32>
    %and3A = arith.andi %ne3A_18, %ne3A_22 : vector<256x128xi1>
    %sub3A = arith.constant 1 : i32
    %sub3A_23 = vector.broadcast %sub3A : i32 to vector<256x128xi32>
    %sub3A_24 = arith.subi %div3A_2, %sub3A_23 : vector<256x128xi32>
    %select_n3A = arith.select %and3A, %sub3A_24, %div3A_2 : vector<256x128xi1>, vector<256x128xi32>
    %mul3A = arith.constant 2004 : i32
    %mul3A_25 = vector.broadcast %mul3A : i32 to vector<256x128xi32>
    %mul3A_26 = arith.muli %select_n3A, %mul3A_25 : vector<256x128xi32>
    %sub3A_27 = arith.subi %get3A_1, %mul3A_26 : vector<256x128xi32>
    %jit3A_28 = arith.constant 4 : i32
    %div3A_29 = vector.broadcast %jit3A_28 : i32 to vector<256x128xi32>
    %div3A_30 = arith.divsi %sub3A_27, %div3A_29 : vector<256x128xi32>
    %sign3A_31 = arith.constant 0 : i32
    %sign3A_32 = vector.broadcast %sign3A_31 : i32 to vector<256x128xi32>
    %sign3A_33 = arith.cmpi sgt, %sub3A_27, %sign3A_32 : vector<256x128xi32>
    %sign3A_34 = arith.extui %sign3A_33 : vector<256x128xi1> to vector<256x128xi32>
    %sign3A_35 = arith.constant 0 : i32
    %sign3A_36 = vector.broadcast %sign3A_35 : i32 to vector<256x128xi32>
    %sign3A_37 = arith.cmpi slt, %sub3A_27, %sign3A_36 : vector<256x128xi32>
    %sign3A_38 = arith.extui %sign3A_37 : vector<256x128xi1> to vector<256x128xi32>
    %sign3A_39 = arith.subi %sign3A_34, %sign3A_38 : vector<256x128xi32>
    %sign3A_40 = arith.constant 0 : i32
    %sign3A_41 = arith.cmpi sgt, %jit3A_28, %sign3A_40 : i32
    %sign3A_42 = arith.extui %sign3A_41 : i1 to i32
    %sign3A_43 = arith.constant 0 : i32
    %sign3A_44 = arith.cmpi slt, %jit3A_28, %sign3A_43 : i32
    %sign3A_45 = arith.extui %sign3A_44 : i1 to i32
    %sign3A_46 = arith.subi %sign3A_42, %sign3A_45 : i32
    %ne3A_47 = vector.broadcast %sign3A_46 : i32 to vector<256x128xi32>
    %ne3A_48 = arith.cmpi ne, %sign3A_39, %ne3A_47 : vector<256x128xi32>
    %rem3A_49 = vector.broadcast %jit3A_28 : i32 to vector<256x128xi32>
    %rem3A_50 = arith.remsi %sub3A_27, %rem3A_49 : vector<256x128xi32>
    %ne3A_51 = arith.constant 0 : i32
    %ne3A_52 = vector.broadcast %ne3A_51 : i32 to vector<256x128xi32>
    %ne3A_53 = arith.cmpi ne, %rem3A_50, %ne3A_52 : vector<256x128xi32>
    %and3A_54 = arith.andi %ne3A_48, %ne3A_53 : vector<256x128xi1>
    %sub3A_55 = arith.constant 1 : i32
    %sub3A_56 = vector.broadcast %sub3A_55 : i32 to vector<256x128xi32>
    %sub3A_57 = arith.subi %div3A_30, %sub3A_56 : vector<256x128xi32>
    %select_n3A_58 = arith.select %and3A_54, %sub3A_57, %div3A_30 : vector<256x128xi1>, vector<256x128xi32>
    %mul3A_59 = arith.constant 4 : i32
    %mul3A_60 = vector.broadcast %mul3A_59 : i32 to vector<256x128xi32>
    %mul3A_61 = arith.muli %select_n3A_58, %mul3A_60 : vector<256x128xi32>
    %sub3A_62 = arith.subi %sub3A_27, %mul3A_61 : vector<256x128xi32>
    %jit3A_63 = arith.constant 2 : i32
    %div3A_64 = vector.broadcast %jit3A_63 : i32 to vector<256x128xi32>
    %div3A_65 = arith.divsi %sub3A_62, %div3A_64 : vector<256x128xi32>
    %sign3A_66 = arith.constant 0 : i32
    %sign3A_67 = vector.broadcast %sign3A_66 : i32 to vector<256x128xi32>
    %sign3A_68 = arith.cmpi sgt, %sub3A_62, %sign3A_67 : vector<256x128xi32>
    %sign3A_69 = arith.extui %sign3A_68 : vector<256x128xi1> to vector<256x128xi32>
    %sign3A_70 = arith.constant 0 : i32
    %sign3A_71 = vector.broadcast %sign3A_70 : i32 to vector<256x128xi32>
    %sign3A_72 = arith.cmpi slt, %sub3A_62, %sign3A_71 : vector<256x128xi32>
    %sign3A_73 = arith.extui %sign3A_72 : vector<256x128xi1> to vector<256x128xi32>
    %sign3A_74 = arith.subi %sign3A_69, %sign3A_73 : vector<256x128xi32>
    %sign3A_75 = arith.constant 0 : i32
    %sign3A_76 = arith.cmpi sgt, %jit3A_63, %sign3A_75 : i32
    %sign3A_77 = arith.extui %sign3A_76 : i1 to i32
    %sign3A_78 = arith.constant 0 : i32
    %sign3A_79 = arith.cmpi slt, %jit3A_63, %sign3A_78 : i32
    %sign3A_80 = arith.extui %sign3A_79 : i1 to i32
    %sign3A_81 = arith.subi %sign3A_77, %sign3A_80 : i32
    %ne3A_82 = vector.broadcast %sign3A_81 : i32 to vector<256x128xi32>
    %ne3A_83 = arith.cmpi ne, %sign3A_74, %ne3A_82 : vector<256x128xi32>
    %rem3A_84 = vector.broadcast %jit3A_63 : i32 to vector<256x128xi32>
    %rem3A_85 = arith.remsi %sub3A_62, %rem3A_84 : vector<256x128xi32>
    %ne3A_86 = arith.constant 0 : i32
    %ne3A_87 = vector.broadcast %ne3A_86 : i32 to vector<256x128xi32>
    %ne3A_88 = arith.cmpi ne, %rem3A_85, %ne3A_87 : vector<256x128xi32>
    %and3A_89 = arith.andi %ne3A_83, %ne3A_88 : vector<256x128xi1>
    %sub3A_90 = arith.constant 1 : i32
    %sub3A_91 = vector.broadcast %sub3A_90 : i32 to vector<256x128xi32>
    %sub3A_92 = arith.subi %div3A_65, %sub3A_91 : vector<256x128xi32>
    %select_n3A_93 = arith.select %and3A_89, %sub3A_92, %div3A_65 : vector<256x128xi1>, vector<256x128xi32>
    %mul3A_94 = arith.constant 2 : i32
    %mul3A_95 = vector.broadcast %mul3A_94 : i32 to vector<256x128xi32>
    %mul3A_96 = arith.muli %select_n3A_93, %mul3A_95 : vector<256x128xi32>
    %sub3A_97 = arith.subi %sub3A_62, %mul3A_96 : vector<256x128xi32>
    %convert_element_type3A = arith.sitofp %select_n3A : vector<256x128xi32> to vector<256x128xf32>
    %sub3A_98 = arith.constant 2.500000e+02 : f32
    %sub3A_99 = vector.broadcast %sub3A_98 : f32 to vector<256x128xf32>
    %sub3A_100 = arith.subf %convert_element_type3A, %sub3A_99 : vector<256x128xf32>
    %convert_element_type3A_101 = arith.sitofp %select_n3A_58 : vector<256x128xi32> to vector<256x128xf32>
    %sub3A_102 = arith.constant 2.500000e+02 : f32
    %sub3A_103 = vector.broadcast %sub3A_102 : f32 to vector<256x128xf32>
    %sub3A_104 = arith.subf %convert_element_type3A_101, %sub3A_103 : vector<256x128xf32>
    %gt3A = arith.constant 0 : i32
    %gt3A_105 = vector.broadcast %gt3A : i32 to vector<256x128xi32>
    %gt3A_106 = arith.cmpi sgt, %select_n3A_93, %gt3A_105 : vector<256x128xi32>
    %gt3A_107 = arith.constant 0 : i32
    %gt3A_108 = vector.broadcast %gt3A_107 : i32 to vector<256x128xi32>
    %gt3A_109 = arith.cmpi sgt, %sub3A_97, %gt3A_108 : vector<256x128xi32>
    %convert_element_type3A_110 = arith.sitofp %sub3A_97 : vector<256x128xi32> to vector<256x128xf32>
    %broadcast_in_dim3A = arith.constant 0.000000e+00 : f32
    %broadcast_in_dim3A_111 = vector.broadcast %broadcast_in_dim3A : f32 to vector<256x128xf32>
    %scan3A = arith.constant 0 : i32
    %scan3A_112 = arith.constant 128 : i32
    %scan3A_113 = arith.addi %scan3A, %scan3A_112 : i32
    %scan3A_114 = arith.constant 1 : i32
    %scan3A_115:2 = scf.for %scan3A_120 = %scan3A to %scan3A_113 step %scan3A_114 iter_args(%scan3A_121 = %broadcast_in_dim3A_111, %scan3A_122 = %broadcast_in_dim3A_111) -> (vector<256x128xf32>, vector<256x128xf32>)  : i32 {
      %mul3A_123 = arith.constant 2 : i32
      %mul3A_124 = arith.muli %mul3A_123, %scan3A_120 : i32
      %get3A_125 = arith.index_cast %mul3A_124 : i32 to index
      %get3A_126 = arith.constant 0 : index
      %get3A_127 = memref.load %arg2[%get3A_125, %get3A_126] : memref<256x8xf32, #tpu.memory_space<smem>>
      %get3A_128 = arith.index_cast %mul3A_124 : i32 to index
      %get3A_129 = arith.constant 1 : index
      %get3A_130 = memref.load %arg2[%get3A_128, %get3A_129] : memref<256x8xf32, #tpu.memory_space<smem>>
      %get3A_131 = arith.index_cast %mul3A_124 : i32 to index
      %get3A_132 = arith.constant 2 : index
      %get3A_133 = memref.load %arg2[%get3A_131, %get3A_132] : memref<256x8xf32, #tpu.memory_space<smem>>
      %sub3A_134 = vector.broadcast %get3A_127 : f32 to vector<256x128xf32>
      %sub3A_135 = arith.subf %sub3A_100, %sub3A_134 : vector<256x128xf32>
      %sub3A_136 = vector.broadcast %get3A_130 : f32 to vector<256x128xf32>
      %sub3A_137 = arith.subf %sub3A_104, %sub3A_136 : vector<256x128xf32>
      %mul3A_138 = arith.mulf %sub3A_135, %sub3A_135 : vector<256x128xf32>
      %mul3A_139 = arith.mulf %sub3A_137, %sub3A_137 : vector<256x128xf32>
      %add3A_140 = arith.addf %mul3A_138, %mul3A_139 : vector<256x128xf32>
      %sqrt3A = math.sqrt %add3A_140 : vector<256x128xf32>
      %add3A_141 = arith.constant 1.000000e+00 : f32
      %add3A_142 = vector.broadcast %add3A_141 : f32 to vector<256x128xf32>
      %add3A_143 = arith.addf %sqrt3A, %add3A_142 : vector<256x128xf32>
      %div3A_144 = vector.broadcast %get3A_133 : f32 to vector<256x128xf32>
      %div3A_145 = arith.divf %div3A_144, %add3A_143 : vector<256x128xf32>
      %add3A_146 = arith.addf %scan3A_121, %div3A_145 : vector<256x128xf32>
      %get3A_147 = arith.index_cast %mul3A_124 : i32 to index
      %get3A_148 = arith.constant 6 : index
      %get3A_149 = memref.load %arg2[%get3A_147, %get3A_148] : memref<256x8xf32, #tpu.memory_space<smem>>
      %get3A_150 = arith.index_cast %mul3A_124 : i32 to index
      %get3A_151 = arith.constant 5 : index
      %get3A_152 = memref.load %arg2[%get3A_150, %get3A_151] : memref<256x8xf32, #tpu.memory_space<smem>>
      %broadcast_in_dim3A_153 = vector.broadcast %get3A_149 : f32 to vector<256x128xf32>
      %broadcast_in_dim3A_154 = vector.broadcast %get3A_152 : f32 to vector<256x128xf32>
      %select_n3A_155 = arith.select %gt3A_109, %broadcast_in_dim3A_153, %broadcast_in_dim3A_154 : vector<256x128xi1>, vector<256x128xf32>
      %get3A_156 = arith.index_cast %mul3A_124 : i32 to index
      %get3A_157 = arith.constant 4 : index
      %get3A_158 = memref.load %arg2[%get3A_156, %get3A_157] : memref<256x8xf32, #tpu.memory_space<smem>>
      %get3A_159 = arith.index_cast %mul3A_124 : i32 to index
      %get3A_160 = arith.constant 3 : index
      %get3A_161 = memref.load %arg2[%get3A_159, %get3A_160] : memref<256x8xf32, #tpu.memory_space<smem>>
      %broadcast_in_dim3A_162 = vector.broadcast %get3A_158 : f32 to vector<256x128xf32>
      %broadcast_in_dim3A_163 = vector.broadcast %get3A_161 : f32 to vector<256x128xf32>
      %select_n3A_164 = arith.select %gt3A_109, %broadcast_in_dim3A_162, %broadcast_in_dim3A_163 : vector<256x128xi1>, vector<256x128xf32>
      %select_n3A_165 = arith.select %gt3A_106, %select_n3A_155, %select_n3A_164 : vector<256x128xi1>, vector<256x128xf32>
      %lt3A = arith.cmpf olt, %add3A_140, %select_n3A_165 : vector<256x128xf32>
      %jit3A_166 = arith.constant 1.000000e+06 : f32
      %jit3A_167 = arith.constant 0.000000e+00 : f32
      %broadcast_in_dim3A_168 = vector.broadcast %jit3A_166 : f32 to vector<256x128xf32>
      %broadcast_in_dim3A_169 = vector.broadcast %jit3A_167 : f32 to vector<256x128xf32>
      %select_n3A_170 = arith.select %lt3A, %broadcast_in_dim3A_168, %broadcast_in_dim3A_169 : vector<256x128xi1>, vector<256x128xf32>
      %add3A_171 = arith.addf %scan3A_122, %select_n3A_170 : vector<256x128xf32>
      %mul3A_172 = arith.constant 2 : i32
      %mul3A_173 = arith.muli %mul3A_172, %scan3A_120 : i32
      %add3A_174 = arith.constant 1 : i32
      %add3A_175 = arith.addi %mul3A_173, %add3A_174 : i32
      %get3A_176 = arith.index_cast %add3A_175 : i32 to index
      %get3A_177 = arith.constant 0 : index
      %get3A_178 = memref.load %arg2[%get3A_176, %get3A_177] : memref<256x8xf32, #tpu.memory_space<smem>>
      %get3A_179 = arith.index_cast %add3A_175 : i32 to index
      %get3A_180 = arith.constant 1 : index
      %get3A_181 = memref.load %arg2[%get3A_179, %get3A_180] : memref<256x8xf32, #tpu.memory_space<smem>>
      %get3A_182 = arith.index_cast %add3A_175 : i32 to index
      %get3A_183 = arith.constant 2 : index
      %get3A_184 = memref.load %arg2[%get3A_182, %get3A_183] : memref<256x8xf32, #tpu.memory_space<smem>>
      %sub3A_185 = vector.broadcast %get3A_178 : f32 to vector<256x128xf32>
      %sub3A_186 = arith.subf %sub3A_100, %sub3A_185 : vector<256x128xf32>
      %sub3A_187 = vector.broadcast %get3A_181 : f32 to vector<256x128xf32>
      %sub3A_188 = arith.subf %sub3A_104, %sub3A_187 : vector<256x128xf32>
      %mul3A_189 = arith.mulf %sub3A_186, %sub3A_186 : vector<256x128xf32>
      %mul3A_190 = arith.mulf %sub3A_188, %sub3A_188 : vector<256x128xf32>
      %add3A_191 = arith.addf %mul3A_189, %mul3A_190 : vector<256x128xf32>
      %sqrt3A_192 = math.sqrt %add3A_191 : vector<256x128xf32>
      %add3A_193 = arith.constant 1.000000e+00 : f32
      %add3A_194 = vector.broadcast %add3A_193 : f32 to vector<256x128xf32>
      %add3A_195 = arith.addf %sqrt3A_192, %add3A_194 : vector<256x128xf32>
      %div3A_196 = vector.broadcast %get3A_184 : f32 to vector<256x128xf32>
      %div3A_197 = arith.divf %div3A_196, %add3A_195 : vector<256x128xf32>
      %add3A_198 = arith.addf %add3A_146, %div3A_197 : vector<256x128xf32>
      %get3A_199 = arith.index_cast %add3A_175 : i32 to index
      %get3A_200 = arith.constant 6 : index
      %get3A_201 = memref.load %arg2[%get3A_199, %get3A_200] : memref<256x8xf32, #tpu.memory_space<smem>>
      %get3A_202 = arith.index_cast %add3A_175 : i32 to index
      %get3A_203 = arith.constant 5 : index
      %get3A_204 = memref.load %arg2[%get3A_202, %get3A_203] : memref<256x8xf32, #tpu.memory_space<smem>>
      %broadcast_in_dim3A_205 = vector.broadcast %get3A_201 : f32 to vector<256x128xf32>
      %broadcast_in_dim3A_206 = vector.broadcast %get3A_204 : f32 to vector<256x128xf32>
      %select_n3A_207 = arith.select %gt3A_109, %broadcast_in_dim3A_205, %broadcast_in_dim3A_206 : vector<256x128xi1>, vector<256x128xf32>
      %get3A_208 = arith.index_cast %add3A_175 : i32 to index
      %get3A_209 = arith.constant 4 : index
      %get3A_210 = memref.load %arg2[%get3A_208, %get3A_209] : memref<256x8xf32, #tpu.memory_space<smem>>
      %get3A_211 = arith.index_cast %add3A_175 : i32 to index
      %get3A_212 = arith.constant 3 : index
      %get3A_213 = memref.load %arg2[%get3A_211, %get3A_212] : memref<256x8xf32, #tpu.memory_space<smem>>
      %broadcast_in_dim3A_214 = vector.broadcast %get3A_210 : f32 to vector<256x128xf32>
      %broadcast_in_dim3A_215 = vector.broadcast %get3A_213 : f32 to vector<256x128xf32>
      %select_n3A_216 = arith.select %gt3A_109, %broadcast_in_dim3A_214, %broadcast_in_dim3A_215 : vector<256x128xi1>, vector<256x128xf32>
      %select_n3A_217 = arith.select %gt3A_106, %select_n3A_207, %select_n3A_216 : vector<256x128xi1>, vector<256x128xf32>
      %lt3A_218 = arith.cmpf olt, %add3A_191, %select_n3A_217 : vector<256x128xf32>
      %jit3A_219 = arith.constant 1.000000e+06 : f32
      %jit3A_220 = arith.constant 0.000000e+00 : f32
      %broadcast_in_dim3A_221 = vector.broadcast %jit3A_219 : f32 to vector<256x128xf32>
      %broadcast_in_dim3A_222 = vector.broadcast %jit3A_220 : f32 to vector<256x128xf32>
      %select_n3A_223 = arith.select %lt3A_218, %broadcast_in_dim3A_221, %broadcast_in_dim3A_222 : vector<256x128xi1>, vector<256x128xf32>
      %add3A_224 = arith.addf %add3A_171, %select_n3A_223 : vector<256x128xf32>
      scf.yield %add3A_198, %add3A_224 : vector<256x128xf32>, vector<256x128xf32>
    }
    %scan3A_116 = arith.constant 128 : i32
    %mul3A_117 = arith.mulf %convert_element_type3A_110, %scan3A_115#0 : vector<256x128xf32>
    %add3A = arith.addf %scan3A_115#1, %mul3A_117 : vector<256x128xf32>
    %swap3A = arith.constant 0 : index
    %swap3A_118 = arith.constant 0 : index
    %swap3A_119 = vector.load %arg3[%swap3A, %swap3A_118] : memref<256x128xf32, #tpu.memory_space<vmem>>, vector<256x128xf32>
    tpu.vector_store %arg3[%swap3A, %swap3A_118], %add3A {strides = array<i32>} : memref<256x128xf32, #tpu.memory_space<vmem>>, vector<256x128xf32>,
    return
  }
  func.func @transform_0(%arg0: i32) -> (i32, i32) {
    %c0_i32 = arith.constant 0 : i32
    %c0_i32_0 = arith.constant 0 : i32
    return %arg0, %c0_i32 : i32, i32
  }
  func.func @transform_1(%arg0: i32) -> (i32, i32) {
    %c0_i32 = arith.constant 0 : i32
    %c0_i32_0 = arith.constant 0 : i32
    %c0_i32_1 = arith.constant 0 : i32
    return %c0_i32, %c0_i32_0 : i32, i32
  }
  func.func @transform_2(%arg0: i32) -> (i32, i32) {
    %c0_i32 = arith.constant 0 : i32
    %c0_i32_0 = arith.constant 0 : i32
    return %arg0, %c0_i32 : i32, i32
  }
}

</mosaic_0001>

<sc_bundles>
// kernel: kernel.4.cloned.1.call-start
scs
__scs_entry_jumppad:
0x0: {  	(pc) =	sbr.rel $0x88, $3  }
0x1: {  	(tag) =	ssettag $0x0;
	lr =	simm.s32 $0x1  }
0x2: {  	[smem:$0x3F9F] =	sst lr;
	_ =	strace $0xD0000000  }
0x3: {  	_ = 	snop  }
0x4: {  	_ = 	snop  }
0x5: {  	_ = 	snop  }
0x6: {  	_ = 	snop  }
0x7: {  	_ = 	snop  }
__scs_overlays_trampoline_lowered:
0x8: {  	[smem:$0x3FAE] =	sst s0  }
0x9: {  	[smem:$0x3FAF] =	sst s1  }
0xa: {  	[smem:$0x3FB0] =	sst s2  }
0xb: {  	[smem:$0x3FB1] =	sst s3  }
0xc: {  	[smem:$0x3FB2] =	sst s4  }
0xd: {  	[smem:$0x3FB3] =	sst s5  }
0xe: {  	[smem:$0x3FB4] =	sst s6  }
0xf: {  	[smem:$0x3FB5] =	sst s7  }
0x10: {  	[smem:$0x3FB6] =	sst s8  }
0x11: {  	[smem:$0x3FB7] =	sst s9;
	s0 =	simm.s32 @!p0 $0x0  }
0x12: {  	s1 =	sld [smem:$0x3F9D];
	s0 =	simm.s32 @p0 $0x1  }
0x13: {  	[smem:$0x3FB8] =	sst s0;
	s0 =	simm.s32 @!p1 $0x0  }
0x14: {  	s2 =	sld [smem:$0x3F9C];
	s0 =	simm.s32 @p1 $0x1  }
0x15: {  	[smem:$0x3FB9] =	sst s0;
	s0 =	simm.s32 @!p2 $0x0  }
0x16: {  	s3 =	sld [smem:$0x3FDB];
	s0 =	simm.s32 @p2 $0x1  }
0x17: {  	s4 =	simm.s32 $0x1BF5;
	[smem:$0x3FBB] =	sst s0  }
0x18: {  	s0 =	sld [smem:$0x3F9E];
	_ =	swait.ge [sflag:s4], $0x0  }
0x19: {  	s7 =	sld [smem:$0x3F9F]  }
0x1a: {  	s8 =	sadd.s32 $0xFFFFE003, lr  }
0x1b: {  	s9 =	sadd.s32 $0xFFFFFEF7, lr;
	s5 =	simm.s32 $0xFFFFFFFF;
	p2 =	slt.u32 s8, $0xFFFFF086  }
0x1c: {  	p1 =	slt.u32 s9, $0xF7A;
	s5 =	simm.s32 @!p2 $0x0  }
0x1d: {  	s5 =	simm.s32 @p1 $0x1;
	p0 =	seq.s32 s7, s2  }
0x1e: {  	s7 =	smul.u32 @!p0 $0xF7A, s2;
	p2 =	seq.s32 @!p0 s5, $0x0  }
0x1f: {  	s9 =	smul.u32 $0xF7A, s1;
	s8 =	simm.s32 @!p0 $0x1BF5;
	p2 =	por !p2, p0  }
0x20: {  	[sflag:s8] =	ssyncset.s32 @!p0 $0xFFFFF086;
	s6 =	sadd.s32 @!p0 s3, s7;
	s7 =	simm.s32 @!p0 $0x108  }
0x21: {  	s3 =	sadd.s32 s3, s9;
	s6 =	sadd.s32 @!p0 $0x88, s6;
	s7 =	simm.s32 @p2 $0x1082  }
0x22: {  	[simem:s7], [sflag:s8] =	dma.local @!p0 [hbm:s6], $0xF7A  }
0x23: {  	s9 =	sor.u32 $0xD0000000, s2;
	s6 =	simm.s32 $0x108;
	_ =	swait.ge @!p0 [sflag:s8], $0x0  }
0x24: {  	s3 =	sadd.s32 $0x88, s3;
	s6 =	simm.s32 @!p1 $0x1082;
	[sflag:s4] =	ssyncset.s32 $0xFFFFF086  }
0x25: {  	[simem:s6], [sflag:s4] =	dma.local [hbm:s3], $0xF7A  }
0x26: {  	[smem:$0x3F9F] =	sst s1;
	(tag) =	ssettag s2;
	_ =	strace s9  }
0x27: {  	s1 =	sld [smem:$0x3FAF]  }
0x28: {  	s2 =	sld [smem:$0x3FB0]  }
0x29: {  	s4 =	sld [smem:$0x3FB2]  }
0x2a: {  	p0 =	seq.s32 s5, $0x0;
	s5 =	sld [smem:$0x3FB3]  }
0x2b: {  	s6 =	sld [smem:$0x3FB4]  }
0x2c: {  	s7 =	sld [smem:$0x3FB5]  }
0x2d: {  	s3 =	simm.s32 $0x108;
	s8 =	sld [smem:$0x3FB6]  }
0x2e: {  	s3 =	simm.s32 @!p0 $0x1082;
	s9 =	sld [smem:$0x3FB7]  }
0x2f: {  	lr =	sadd.s32 s0, s3;
	s0 =	sld [smem:$0x3FAE]  }
0x30: {  	s3 =	sld [smem:$0x3FB1]  }
0x31: {  	[smem:$0x3FBA] =	sst s10  }
0x32: {  	s10 =	sld [smem:$0x3FB8];
	_ =	sdelay $0x3  }
0x33: {  	p0 =	seq.s32 s10, $0x1;
	s10 =	sld [smem:$0x3FBA];
	_ =	sdelay $0x3  }
0x34: {  	[smem:$0x3FBA] =	sst s10  }
0x35: {  	s10 =	sld [smem:$0x3FB9];
	_ =	sdelay $0x3  }
0x36: {  	p1 =	seq.s32 s10, $0x1;
	s10 =	sld [smem:$0x3FBA];
	_ =	sdelay $0x3  }
0x37: {  	[smem:$0x3FBA] =	sst s10  }
0x38: {  	s10 =	sld [smem:$0x3FBB]  }
0x39: {  	_ = 	snop;
	(pc) =	sbr.ind lr, $3  }
0x3a: {  	_ = 	snop  }
0x3b: {  	_ = 	snop  }
0x3c: {  	p2 =	seq.s32 s10, $0x1;
	s10 =	sld [smem:$0x3FBA]  }
0x3d: {  	_ =	shalt  }
0x3e: {  	_ =	shalt  }
0x3f: {  	_ =	shalt  }
0x40: {  	_ =	shalt  }
0x41: {  	_ =	shalt  }
0x42: {  	_ =	shalt  }
0x43: {  	_ =	shalt  }
0x44: {  	_ =	shalt  }
0x45: {  	_ =	shalt  }
0x46: {  	_ =	shalt  }
0x47: {  	_ =	shalt  }
0x48: {  	_ =	shalt  }
0x49: {  	_ =	shalt  }
0x4a: {  	_ =	shalt  }
0x4b: {  	_ =	shalt  }
0x4c: {  	_ =	shalt  }
0x4d: {  	_ =	shalt  }
0x4e: {  	_ =	shalt  }
0x4f: {  	_ =	shalt  }
0x50: {  	_ =	shalt  }
0x51: {  	_ =	shalt  }
0x52: {  	_ =	shalt  }
0x53: {  	_ =	shalt  }
0x54: {  	_ =	shalt  }
0x55: {  	_ =	shalt  }
0x56: {  	_ =	shalt  }
0x57: {  	_ =	shalt  }
0x58: {  	_ =	shalt  }
0x59: {  	_ =	shalt  }
0x5a: {  	_ =	shalt  }
0x5b: {  	_ =	shalt  }
0x5c: {  	_ =	shalt  }
0x5d: {  	_ =	shalt  }
0x5e: {  	_ =	shalt  }
0x5f: {  	_ =	shalt  }
0x60: {  	_ =	shalt  }
0x61: {  	_ =	shalt  }
0x62: {  	_ =	shalt  }
0x63: {  	_ =	shalt  }
0x64: {  	_ =	shalt  }
0x65: {  	_ =	shalt  }
0x66: {  	_ =	shalt  }
0x67: {  	_ =	shalt  }
0x68: {  	_ =	shalt  }
0x69: {  	_ =	shalt  }
0x6a: {  	_ =	shalt  }
0x6b: {  	_ =	shalt  }
0x6c: {  	_ =	shalt  }
0x6d: {  	_ =	shalt  }
0x6e: {  	_ =	shalt  }
0x6f: {  	_ =	shalt  }
0x70: {  	_ =	shalt  }
0x71: {  	_ =	shalt  }
0x72: {  	_ =	shalt  }
0x73: {  	_ =	shalt  }
0x74: {  	_ =	shalt  }
0x75: {  	_ =	shalt  }
0x76: {  	_ =	shalt  }
0x77: {  	_ =	shalt  }
0x78: {  	_ =	shalt  }
0x79: {  	_ =	shalt  }
0x7a: {  	_ =	shalt  }
0x7b: {  	_ =	shalt  }
0x7c: {  	_ =	shalt  }
0x7d: {  	_ =	shalt  }
0x7e: {  	_ =	shalt  }
0x7f: {  	_ =	shalt  }
0x80: {  	_ =	shalt  }
0x81: {  	_ =	shalt  }
0x82: {  	_ =	shalt  }
0x83: {  	_ =	shalt  }
0x84: {  	_ =	shalt  }
0x85: {  	_ =	shalt  }
0x86: {  	_ =	shalt  }
0x87: {  	_ =	shalt  }
.Lfunc_end0:
.L_simem_size_0:
called_computation_lowered:
.L_overlay_start_0:
0x88: {  	s2 =	sld [smem:$0x3FD9]  }
0x89: {  	s3 =	sld [smem:$0x3FFE];
	_ =	sdelay $0x1  }
0x8a: {  	s1 =	srdreg.scid  }
0x8b: {  	s0 =	sand.u32 $0x1, s1  }
0x8c: {  	s17 =	sshll.u32 s0, $0xA;
	s2 =	sadd.s32 s3, s2  }
0x8d: {  	s2 =	sadd.s32 s2, s17  }
0x8e: {  	[smem:$0x3FC6] =	sst s2  }
0x8f: {  	_ = 	snop  }
0x90: {  	s2 =	sld [smem:$0x3FC8]  }
0x91: {  	s18 =	sld [smem:$0x3FD0];
	(tm) =	ssettm $0x1  }
0x92: {  	s4 =	sld [smem:$0x3FFB];
	_ =	sdelay $0x3  }
0x93: {  	_ =	strace s4  }
0x94: {  	s4 =	sld [smem:$0x3FFC];
	_ =	sdelay $0x3  }
0x95: {  	_ =	strace s4  }
0x96: {  	s4 =	sld [smem:$0x3FFD];
	_ =	sdelay $0x3  }
0x97: {  	_ =	strace s4  }
0x98: {  	_ =	strace $0x8FFFFFFF  }
0x99: {  	s19 =	sld [smem:$0x3FDB];
	_ =	sdelay $0x1  }
0x9a: {  	s5 =	simm.s32 $_scs_section_size  }
0x9b: {  	s6 =	simm.s32 $_size__tile_overlayer_lowered;
	s7 =	simm.s32 $_tile_overlayer_lowered  }
0x9c: {  	s22 =	simm.s32 $0x1BFF;
	s21 =	sshll.u32 s7, $0x1;
	s4 =	sadd.s32 s5, s19  }
0x9d: {  	s8 =	simm.s32 $0x0;
	s20 =	sshll.u32 s6, $0x1;
	s6 =	sadd.s32 s21, s4  }
0x9e: {  	[timem:s8], [sflag:s22] =	dma.local [hbm:s6], s20  }
0x9f: {  	_ =	swait.ge [sflag:s22], s20  }
0xa0: {  	s5 =	ssub.s32 $0x0, s20;
	[sflag:s22] =	ssyncset.done $0x0  }
0xa1: {  	[sflag:s22] =	ssyncadd.s32 s5;
	_ =	sdelay $0x1  }
0xa2: {  	s23 =	simm.s32 $0x1B8B  }
0xa3: {  	_ =	swait.ge [sflag:s23], $0x1  }
0xa4: {  	[sflag:s23] =	ssyncset.done $0x0  }
0xa5: {  	s25 =	simm.s32 $0x1B8E;
	s24 =	sld [smem:$0x3FFE];
	[sflag:s23] =	ssyncadd.s32 $0xFFFFFFFF  }
0xa6: {  	s26 =	simm.s32 $execute0_lowered;
	[smem:$0x3FD2] =	sst s25  }
0xa7: {  	s6 =	sshll.u32 s26, $0x1;
	_ =	strace $0x80000046;
	[dreg:$0x1] =	wrdreg $0xFFFFFFFF  }
0xa8: {  	s28 =	simm.s32 $_size_execute0_lowered;
	s4 =	sadd.s32 s4, s6;
	[dreg:$0x0] =	wrdreg $0x0  }
0xa9: {  	s6 =	sshll.u32 s28, $0x1;
	[dreg:$0x2] =	wrdreg s4  }
0xaa: {  	[dreg:$0x3] =	wrdreg s6  }
0xab: {  	[dreg:$0x4] =	wrdreg $0xC0  }
0xac: {  	_ =	task [dreg:s8], $0x5FFFF  }
0xad: {  	[dreg:$0x1] =	wrdreg $0xFFFFFFFF  }
0xae: {  	[dreg:$0x0] =	wrdreg $0x60  }
0xaf: {  	[dreg:$0x2] =	wrdreg s24  }
0xb0: {  	[dreg:$0x3] =	wrdreg s2  }
0xb1: {  	[dreg:$0x4] =	wrdreg s18  }
0xb2: {  	[dreg:$0x5] =	wrdreg $0x37000  }
0xb3: {  	[dreg:$0x6] =	wrdreg $0x9  }
0xb4: {  	_ =	task.clear_ibuf [dreg:s8], $0x7FFFF;
	_ =	strace $0x90000046  }
0xb5: {  	s29 =	simm.s32 $0x9;
	_ =	strace $0x80000048  }
0xb6: {  	_ =	swait.ge [sflag:s29], $0x1  }
0xb7: {  	[sflag:s29] =	ssyncadd.s32 $0xFFFFFFFF  }
0xb8: {  	_ =	strace $0x90000048  }
0xb9: {  	_ =	sfence  }
0xba: {  	s30 =	sld [smem:$0x0];
	_ =	sdelay $0x2  }
0xbb: {  	s31 =	sshll.u32 s1, $0xD;
	s1 =	sshrl.u32 s1, $0x2  }
0xbc: {  	s3 =	sand.u32 $0x4000, s31;
	s1 =	sadd.s32 s1, s30  }
0xbd: {  	s0 =	sor.u32 s3, s0;
	s1 =	sshll.u32 s1, $0x11  }
0xbe: {  	s0 =	sor.u32 s1, s0  }
0xbf: {  	s0 =	sadd.s32 $0x8F2B, s0  }
0xc0: {  	[sflag:s0] =	ssyncadd.remote.s32 $0x1  }
0xc1: {  	_ =	sfence.sel $0xFFFF  }
0xc2: {  	[dreg:$0x0] =	wrdreg $0xFFFFFFFF;
	(pc) =	sbr.abs _section_cstart, $3  }
0xc3: {  	[dreg:$0x1] =	wrdreg $0xFFFFFFFF  }
0xc4: {  	_ =	task.clear_ibuf [dreg:s8], $0x2FFFF;
	_ =	strace $0x9FFFFFFF  }
0xc5: {  	(tm) =	ssettm $0x7FFFFFFF  }
tec
execute0_lowered:
.L_overlay_start_1:
0x0: {  	(tag) =	ssettag $0x1  }
0x1: {  	s0 =	srdreg.scid  }
0x2: {  	s2 =	rddreg [dreg:$0x0];
	s0 =	sand.u32 $0x1, s0  }
0x3: {  	s3 =	rddreg [dreg:$0x1];
	s4 =	ssub.s32 $0x2, s0  }
0x4: {  	s1 =	simm.s32 $0x0;
	s21 =	stileid.u32;
	s5 =	sshrl.u32 s4, $0x1  }
0x5: {  	[smem:$0x7FF] =	sst s1;
	s4 =	ssub.s32 s4, s5;
	s5 =	sshll.u32 s21, $0x8  }
0x6: {  	s13 =	smul.u32 $0x7A900, s0;
	s25 =	sadd.s32 s3, s5;
	s0 =	sor.u32 $0x10, s5  }
0x7: {  	s26 =	sor.u32 $0x20, s5;
	[dreg:$0x5] =	wrdreg s25;
	s6 =	sadd.s32 s3, s0  }
0x8: {  	s7 =	sor.u32 $0x30, s5;
	s8 =	sadd.s32 s3, s26;
	[dreg:$0x6] =	wrdreg s6  }
0x9: {  	s10 =	sor.u32 $0x60, s5;
	s18 =	sadd.s32 s3, s7;
	[dreg:$0x7] =	wrdreg s8  }
0xa: {  	s14 =	sor.u32 $0x90, s5;
	s19 =	sadd.s32 s3, s10;
	[dreg:$0x8] =	wrdreg s18  }
0xb: {  	s17 =	sor.u32 $0xC0, s5;
	s20 =	sadd.s32 s3, s14;
	[dreg:$0xb] =	wrdreg s19  }
0xc: {  	s2 =	sadd.s32 $0xA00, s2;
	s22 =	sadd.s32 s3, s17;
	[dreg:$0xe] =	wrdreg s20  }
0xd: {  	s25 =	sadd.s32 s2, s5;
	[dreg:$0x11] =	wrdreg s22  }
0xe: {  	s0 =	sadd.s32 s2, s0;
	[dreg:$0x15] =	wrdreg s25  }
0xf: {  	s26 =	sadd.s32 s2, s26;
	s8 =	sor.u32 $0x40, s5;
	[dreg:$0x16] =	wrdreg s0  }
0x10: {  	s23 =	sor.u32 $0xD0, s5;
	[dreg:$0x17] =	wrdreg s26;
	s9 =	sadd.s32 s3, s8  }
0x11: {  	s19 =	sadd.s32 s3, s23;
	[dreg:$0x9] =	wrdreg s9;
	s9 =	sor.u32 $0x50, s5  }
0x12: {  	s24 =	sor.u32 $0xE0, s5;
	[dreg:$0x12] =	wrdreg s19;
	s11 =	sadd.s32 s3, s9  }
0x13: {  	s22 =	sadd.s32 s3, s24;
	[dreg:$0xa] =	wrdreg s11;
	s11 =	sor.u32 $0x70, s5  }
0x14: {  	[dreg:$0x13] =	wrdreg s22;
	s12 =	sadd.s32 s3, s11  }
0x15: {  	s6 =	sadd.s32 s2, s9;
	[dreg:$0xc] =	wrdreg s12;
	s12 =	sor.u32 $0x80, s5  }
0x16: {  	[dreg:$0x1a] =	wrdreg s6;
	s15 =	sadd.s32 s3, s12  }
0x17: {  	s9 =	sadd.s32 s2, s12;
	[dreg:$0xd] =	wrdreg s15;
	s15 =	sor.u32 $0xA0, s5  }
0x18: {  	[dreg:$0x1d] =	wrdreg s9;
	s16 =	sadd.s32 s3, s15  }
0x19: {  	s20 =	sor.u32 $0xF0, s5;
	[dreg:$0xf] =	wrdreg s16  }
0x1a: {  	s16 =	sor.u32 $0xB0, s5;
	s5 =	sadd.s32 s2, s8;
	s8 =	sadd.s32 s2, s11  }
0x1b: {  	s11 =	sadd.s32 s2, s15;
	s15 =	sadd.s32 s2, s17;
	s17 =	rddreg [dreg:$0x2]  }
0x1c: {  	[dreg:$0x19] =	wrdreg s5  }
0x1d: {  	[dreg:$0x1c] =	wrdreg s8  }
0x1e: {  	[dreg:$0x1f] =	wrdreg s11  }
0x1f: {  	s18 =	sadd.s32 s3, s16;
	[smem:$0x7F5] =	sst s15  }
0x20: {  	s3 =	sadd.s32 s3, s20;
	[dreg:$0x10] =	wrdreg s18  }
0x21: {  	s28 =	simm.s32 $0xD00;
	s12 =	sadd.s32 s2, s16;
	[dreg:$0x14] =	wrdreg s3  }
0x22: {  	s29 =	simm.s32 $0xD80;
	s16 =	sadd.s32 s2, s23;
	[smem:$0x7F4] =	sst s12  }
0x23: {  	s30 =	simm.s32 $0xE00;
	s3 =	sadd.s32 s2, s7;
	[smem:$0x7F6] =	sst s16  }
0x24: {  	s31 =	simm.s32 $0xE80;
	s7 =	sadd.s32 s2, s10;
	[dreg:$0x18] =	wrdreg s3  }
0x25: {  	s0 =	simm.s32 $0xF00;
	s10 =	sadd.s32 s2, s14;
	[dreg:$0x1b] =	wrdreg s7  }
0x26: {  	s22 =	smax.u32 s4, $0x1;
	s18 =	sadd.s32 s2, s24;
	[dreg:$0x1e] =	wrdreg s10  }
0x27: {  	s4 =	simm.s32 $0x1800;
	s14 =	smul.u32 $0x7A90, s21;
	[smem:$0x7F7] =	sst s18  }
0x28: {  	s2 =	sadd.s32 s2, s20;
	s16 =	simm.s32 $0x80;
	s3 =	rddreg [dreg:$0x3]  }
0x29: {  	s20 =	simm.s32 $0x980;
	s12 =	simm.s32 $0x1;
	[smem:$0x7F8] =	sst s2  }
0x2a: {  	s18 =	simm.s32 $0x880;
	s2 =	simm.s32 $0xF80;
	s7 =	simm.s32 $0x2  }
0x2b: {  	s19 =	sadd.s32 s14, s13;
	_ =	strace $0x80000047;
	s6 =	sadd.s32 s14, s3  }
0x2c: {  	[smem:$0x7F9] =	sst s22;
	s22 =	simm.s32 $0xA80;
	s21 =	sshrl.u32 s19, $0x3  }
0x2d: {  	v0 =	vmov s13;
	s13 =	simm.s32 $0x0;
	s8 =	sadd.s32 $0x1EA0, s6;
	s5 =	sadd.s32 s17, s21  }
0x2e: {  	s9 =	sadd.s32 $0x3D40, s6;
	s10 =	sadd.s32 $0x5BE0, s6;
	s23 =	sadd.s32 $0x3D4, s5  }
0x2f: {  	s11 =	sadd.s32 $0x7A80, s6;
	s24 =	sadd.s32 $0x7A8, s5;
	[smem:$0x7FA] =	sst s23  }
0x30: {  	s19 =	simm.s32 $0x900;
	s25 =	sadd.s32 $0xB7C, s5;
	[smem:$0x7FB] =	sst s24  }
0x31: {  	s17 =	simm.s32 $0x800;
	s26 =	sadd.s32 $0xF50, s5;
	[smem:$0x7FC] =	sst s25  }
0x32: {  	s21 =	simm.s32 $0xA00;
	[smem:$0x7FD] =	sst s26;
	s23 =	simm.s32 $0xB00  }
0x33: {  	v1 =	vimm.f32 $0.0e+00;
	s24 =	simm.s32 $0xB80;
	s25 =	simm.s32 $0xC00;
	s26 =	simm.s32 $0xC80  }
.LBB2_1:
0x34: {  	s14 =	rddreg [dreg:$0x5]  }
0x35: {  	[tilespmem:s1], [sflag:$0x1] =	stream.linear.gather [hbm4b:s14+s1], $0x80, $0x38;
	[tilespmem:$0xB198] =	vst v63  }
0x36: {  	s15 =	rddreg [dreg:$0x6]  }
0x37: {  	[tilespmem:s16], [sflag:$0x1] =	stream.linear.gather [hbm4b:s15+s1], $0x80, $0x38;
	[tilespmem:$0xB198] =	vst v63  }
0x38: {  	s14 =	rddreg [dreg:$0x7];
	s15 =	simm.s32 $0x100  }
0x39: {  	[tilespmem:s15], [sflag:$0x1] =	stream.linear.gather [hbm4b:s14+s1], $0x80, $0x38;
	[tilespmem:$0xB198] =	vst v63  }
0x3a: {  	s14 =	rddreg [dreg:$0x8];
	s15 =	simm.s32 $0x180  }
0x3b: {  	[tilespmem:s15], [sflag:$0x1] =	stream.linear.gather [hbm4b:s14+s1], $0x80, $0x38;
	[tilespmem:$0xB198] =	vst v63  }
0x3c: {  	s14 =	rddreg [dreg:$0x9];
	s15 =	simm.s32 $0x200  }
0x3d: {  	[tilespmem:s15], [sflag:$0x1] =	stream.linear.gather [hbm4b:s14+s1], $0x80, $0x38;
	[tilespmem:$0xB198] =	vst v63  }
0x3e: {  	s14 =	rddreg [dreg:$0xa];
	s15 =	simm.s32 $0x280  }
0x3f: {  	[tilespmem:s15], [sflag:$0x1] =	stream.linear.gather [hbm4b:s14+s1], $0x80, $0x38;
	[tilespmem:$0xB198] =	vst v63  }
0x40: {  	s14 =	rddreg [dreg:$0xb];
	s15 =	simm.s32 $0x300  }
0x41: {  	[tilespmem:s15], [sflag:$0x1] =	stream.linear.gather [hbm4b:s14+s1], $0x80, $0x38;
	[tilespmem:$0xB198] =	vst v63  }
0x42: {  	s14 =	rddreg [dreg:$0xc];
	s15 =	simm.s32 $0x380  }
0x43: {  	[tilespmem:s15], [sflag:$0x1] =	stream.linear.gather [hbm4b:s14+s1], $0x80, $0x38;
	[tilespmem:$0xB198] =	vst v63  }
0x44: {  	s14 =	rddreg [dreg:$0xd];
	s15 =	simm.s32 $0x400  }
0x45: {  	[tilespmem:s15], [sflag:$0x1] =	stream.linear.gather [hbm4b:s14+s1], $0x80, $0x38;
	[tilespmem:$0xB198] =	vst v63  }
0x46: {  	s14 =	rddreg [dreg:$0xe];
	s15 =	simm.s32 $0x480  }
0x47: {  	[tilespmem:s15], [sflag:$0x1] =	stream.linear.gather [hbm4b:s14+s1], $0x80, $0x38;
	[tilespmem:$0xB198] =	vst v63  }
0x48: {  	s14 =	rddreg [dreg:$0xf];
	s15 =	simm.s32 $0x500  }
0x49: {  	[tilespmem:s15], [sflag:$0x1] =	stream.linear.gather [hbm4b:s14+s1], $0x80, $0x38;
	[tilespmem:$0xB198] =	vst v63  }
0x4a: {  	s14 =	rddreg [dreg:$0x10];
	s15 =	simm.s32 $0x580  }
0x4b: {  	[tilespmem:s15], [sflag:$0x1] =	stream.linear.gather [hbm4b:s14+s1], $0x80, $0x38;
	[tilespmem:$0xB198] =	vst v63  }
0x4c: {  	s14 =	rddreg [dreg:$0x11];
	s15 =	simm.s32 $0x600  }
0x4d: {  	[tilespmem:s15], [sflag:$0x1] =	stream.linear.gather [hbm4b:s14+s1], $0x80, $0x38;
	[tilespmem:$0xB198] =	vst v63  }
0x4e: {  	s14 =	rddreg [dreg:$0x12];
	s15 =	simm.s32 $0x680  }
0x4f: {  	[tilespmem:s15], [sflag:$0x1] =	stream.linear.gather [hbm4b:s14+s1], $0x80, $0x38;
	[tilespmem:$0xB198] =	vst v63  }
0x50: {  	s14 =	rddreg [dreg:$0x13];
	s15 =	simm.s32 $0x700  }
0x51: {  	[tilespmem:s15], [sflag:$0x1] =	stream.linear.gather [hbm4b:s14+s1], $0x80, $0x38;
	[tilespmem:$0xB198] =	vst v63  }
0x52: {  	s14 =	rddreg [dreg:$0x14];
	s15 =	simm.s32 $0x780  }
0x53: {  	[tilespmem:s15], [sflag:$0x1] =	stream.linear.gather [hbm4b:s14+s1], $0x80, $0x38;
	[tilespmem:$0xB198] =	vst v63  }
0x54: {  	s15 =	rddreg [dreg:$0x15]  }
0x55: {  	[tilespmem:s17], [sflag:$0x1] =	stream.linear.gather [hbm4b:s15+s1], $0x80, $0x38;
	[tilespmem:$0xB198] =	vst v63  }
0x56: {  	s15 =	rddreg [dreg:$0x16]  }
0x57: {  	[tilespmem:s18], [sflag:$0x1] =	stream.linear.gather [hbm4b:s15+s1], $0x80, $0x38;
	[tilespmem:$0xB198] =	vst v63  }
0x58: {  	s15 =	rddreg [dreg:$0x17]  }
0x59: {  	[tilespmem:s19], [sflag:$0x1] =	stream.linear.gather [hbm4b:s15+s1], $0x80, $0x38;
	[tilespmem:$0xB198] =	vst v63  }
0x5a: {  	s15 =	rddreg [dreg:$0x18]  }
0x5b: {  	[tilespmem:s20], [sflag:$0x1] =	stream.linear.gather [hbm4b:s15+s1], $0x80, $0x38;
	[tilespmem:$0xB198] =	vst v63  }
0x5c: {  	s15 =	rddreg [dreg:$0x19]  }
0x5d: {  	[tilespmem:s21], [sflag:$0x1] =	stream.linear.gather [hbm4b:s15+s1], $0x80, $0x38;
	[tilespmem:$0xB198] =	vst v63  }
0x5e: {  	s15 =	rddreg [dreg:$0x1a]  }
0x5f: {  	[tilespmem:s22], [sflag:$0x1] =	stream.linear.gather [hbm4b:s15+s1], $0x80, $0x38;
	[tilespmem:$0xB198] =	vst v63  }
0x60: {  	s15 =	rddreg [dreg:$0x1b]  }
0x61: {  	[tilespmem:s23], [sflag:$0x1] =	stream.linear.gather [hbm4b:s15+s1], $0x80, $0x38;
	[tilespmem:$0xB198] =	vst v63  }
0x62: {  	s15 =	rddreg [dreg:$0x1c]  }
0x63: {  	[tilespmem:s24], [sflag:$0x1] =	stream.linear.gather [hbm4b:s15+s1], $0x80, $0x38;
	[tilespmem:$0xB198] =	vst v63  }
0x64: {  	s15 =	rddreg [dreg:$0x1d]  }
0x65: {  	[tilespmem:s25], [sflag:$0x1] =	stream.linear.gather [hbm4b:s15+s1], $0x80, $0x38;
	[tilespmem:$0xB198] =	vst v63  }
0x66: {  	s15 =	rddreg [dreg:$0x1e]  }
0x67: {  	[tilespmem:s26], [sflag:$0x1] =	stream.linear.gather [hbm4b:s15+s1], $0x80, $0x38;
	[tilespmem:$0xB198] =	vst v63  }
0x68: {  	s15 =	rddreg [dreg:$0x1f]  }
0x69: {  	[tilespmem:s28], [sflag:$0x1] =	stream.linear.gather [hbm4b:s15+s1], $0x80, $0x38;
	[tilespmem:$0xB198] =	vst v63  }
0x6a: {  	s15 =	sld [smem:$0x7F4];
	_ =	sdelay $0x2  }
0x6b: {  	[tilespmem:s29], [sflag:$0x1] =	stream.linear.gather [hbm4b:s15+s1], $0x80, $0x38;
	[tilespmem:$0xB198] =	vst v63  }
0x6c: {  	s15 =	sld [smem:$0x7F5];
	_ =	sdelay $0x2  }
0x6d: {  	[tilespmem:s30], [sflag:$0x1] =	stream.linear.gather [hbm4b:s15+s1], $0x80, $0x38;
	[tilespmem:$0xB198] =	vst v63  }
0x6e: {  	s15 =	sld [smem:$0x7F6];
	_ =	sdelay $0x2  }
0x6f: {  	[tilespmem:s31], [sflag:$0x1] =	stream.linear.gather [hbm4b:s15+s1], $0x80, $0x38;
	[tilespmem:$0xB198] =	vst v63  }
0x70: {  	s15 =	sld [smem:$0x7F7];
	_ =	sdelay $0x2  }
0x71: {  	[tilespmem:s0], [sflag:$0x1] =	stream.linear.gather [hbm4b:s15+s1], $0x80, $0x38;
	[tilespmem:$0xB198] =	vst v63  }
0x72: {  	s15 =	sld [smem:$0x7F8];
	_ =	sdelay $0x2  }
0x73: {  	[tilespmem:s2], [sflag:$0x1] =	stream.linear.gather [hbm4b:s15+s1], $0x80, $0x38;
	[tilespmem:$0xB198] =	vst v63  }
0x74: {  	s14 =	simm.s32 $0x40;
	s15 =	simm.s32 $0x0  }
.LBB2_2:
0x75: {  	p0 =	sne.s32 s14, $0x7A40;
	[tilespmem:s15+$0x1800] =	vst v1;
	s15 =	smov.u32 s14;
	s14 =	sadd.s32 $0x40, s14  }
.Ltmp0:
0x76: {  	(pc) =	sbr.rel @p0 .LBB2_2-.Ltmp0, $2  }
0x77: {  	_ =	sdelay $0x2  }
0x78: {  	s15 =	sshra.s32 s15, $0x2  }
0x79: {  	[tilespmem:s15+$0x1800] =	vst v1  }
0x7a: {  	[spmem:s6] =	stream.linear.scatter [tilespmem:s4], [sflag:$0x2], $0x1EA0, $0x38;
	[tilespmem:$0xB198] =	vst v63  }
0x7b: {  	_ =	swait.ge [sflag:s7], $0x1EA0  }
0x7c: {  	[sflag:s7] =	ssyncset.done $0x0  }
0x7d: {  	[sflag:s7] =	ssyncadd.s32 $0xFFFFE160  }
0x7e: {  	[spmem:s8] =	stream.linear.scatter [tilespmem:s4], [sflag:$0x2], $0x1EA0, $0x38;
	[tilespmem:$0xB198] =	vst v63  }
0x7f: {  	_ =	swait.ge [sflag:s7], $0x1EA0  }
0x80: {  	[sflag:s7] =	ssyncset.done $0x0  }
0x81: {  	[sflag:s7] =	ssyncadd.s32 $0xFFFFE160  }
0x82: {  	[spmem:s9] =	stream.linear.scatter [tilespmem:s4], [sflag:$0x2], $0x1EA0, $0x38;
	[tilespmem:$0xB198] =	vst v63  }
0x83: {  	_ =	swait.ge [sflag:s7], $0x1EA0  }
0x84: {  	[sflag:s7] =	ssyncset.done $0x0  }
0x85: {  	[sflag:s7] =	ssyncadd.s32 $0xFFFFE160  }
0x86: {  	[spmem:s10] =	stream.linear.scatter [tilespmem:s4], [sflag:$0x2], $0x1EA0, $0x38;
	[tilespmem:$0xB198] =	vst v63  }
0x87: {  	_ =	swait.ge [sflag:s7], $0x1EA0  }
0x88: {  	[sflag:s7] =	ssyncset.done $0x0  }
0x89: {  	[sflag:s7] =	ssyncadd.s32 $0xFFFFE160  }
0x8a: {  	[spmem:s11] =	stream.linear.scatter [tilespmem:s4], [sflag:$0x2], $0x10, $0x38;
	[tilespmem:$0xB198] =	vst v63  }
0x8b: {  	_ =	swait.ge [sflag:s7], $0x10  }
0x8c: {  	[sflag:s7] =	ssyncset.done $0x0  }
0x8d: {  	[sflag:s7] =	ssyncadd.s32 $0xFFFFFFF0  }
0x8e: {  	_ =	swait.ge [sflag:s12], $0x80  }
0x8f: {  	[sflag:s12] =	ssyncset.done $0x0  }
0x90: {  	[sflag:s12] =	ssyncadd.s32 $0xFFFFFF80  }
0x91: {  	_ =	swait.ge [sflag:s12], $0x80  }
0x92: {  	[sflag:s12] =	ssyncset.done $0x0  }
0x93: {  	[sflag:s12] =	ssyncadd.s32 $0xFFFFFF80  }
0x94: {  	_ =	swait.ge [sflag:s12], $0x80  }
0x95: {  	[sflag:s12] =	ssyncset.done $0x0  }
0x96: {  	[sflag:s12] =	ssyncadd.s32 $0xFFFFFF80  }
0x97: {  	_ =	swait.ge [sflag:s12], $0x80  }
0x98: {  	[sflag:s12] =	ssyncset.done $0x0  }
0x99: {  	[sflag:s12] =	ssyncadd.s32 $0xFFFFFF80  }
0x9a: {  	_ =	swait.ge [sflag:s12], $0x80  }
0x9b: {  	[sflag:s12] =	ssyncset.done $0x0  }
0x9c: {  	[sflag:s12] =	ssyncadd.s32 $0xFFFFFF80  }
0x9d: {  	_ =	swait.ge [sflag:s12], $0x80  }
0x9e: {  	[sflag:s12] =	ssyncset.done $0x0  }
0x9f: {  	[sflag:s12] =	ssyncadd.s32 $0xFFFFFF80  }
0xa0: {  	_ =	swait.ge [sflag:s12], $0x80  }
0xa1: {  	[sflag:s12] =	ssyncset.done $0x0  }
0xa2: {  	[sflag:s12] =	ssyncadd.s32 $0xFFFFFF80  }
0xa3: {  	_ =	swait.ge [sflag:s12], $0x80  }
0xa4: {  	[sflag:s12] =	ssyncset.done $0x0  }
0xa5: {  	[sflag:s12] =	ssyncadd.s32 $0xFFFFFF80  }
0xa6: {  	_ =	swait.ge [sflag:s12], $0x80  }
0xa7: {  	[sflag:s12] =	ssyncset.done $0x0  }
0xa8: {  	[sflag:s12] =	ssyncadd.s32 $0xFFFFFF80  }
0xa9: {  	_ =	swait.ge [sflag:s12], $0x80  }
0xaa: {  	[sflag:s12] =	ssyncset.done $0x0  }
0xab: {  	[sflag:s12] =	ssyncadd.s32 $0xFFFFFF80  }
0xac: {  	_ =	swait.ge [sflag:s12], $0x80  }
0xad: {  	[sflag:s12] =	ssyncset.done $0x0  }
0xae: {  	[sflag:s12] =	ssyncadd.s32 $0xFFFFFF80  }
0xaf: {  	_ =	swait.ge [sflag:s12], $0x80  }
0xb0: {  	[sflag:s12] =	ssyncset.done $0x0  }
0xb1: {  	[sflag:s12] =	ssyncadd.s32 $0xFFFFFF80  }
0xb2: {  	_ =	swait.ge [sflag:s12], $0x80  }
0xb3: {  	[sflag:s12] =	ssyncset.done $0x0  }
0xb4: {  	[sflag:s12] =	ssyncadd.s32 $0xFFFFFF80  }
0xb5: {  	_ =	swait.ge [sflag:s12], $0x80  }
0xb6: {  	[sflag:s12] =	ssyncset.done $0x0  }
0xb7: {  	[sflag:s12] =	ssyncadd.s32 $0xFFFFFF80  }
0xb8: {  	_ =	swait.ge [sflag:s12], $0x80  }
0xb9: {  	[sflag:s12] =	ssyncset.done $0x0  }
0xba: {  	[sflag:s12] =	ssyncadd.s32 $0xFFFFFF80  }
0xbb: {  	_ =	swait.ge [sflag:s12], $0x80  }
0xbc: {  	[sflag:s12] =	ssyncset.done $0x0  }
0xbd: {  	[sflag:s12] =	ssyncadd.s32 $0xFFFFFF80  }
0xbe: {  	_ =	swait.ge [sflag:s12], $0x80  }
0xbf: {  	[sflag:s12] =	ssyncset.done $0x0  }
0xc0: {  	[sflag:s12] =	ssyncadd.s32 $0xFFFFFF80  }
0xc1: {  	_ =	swait.ge [sflag:s12], $0x80  }
0xc2: {  	[sflag:s12] =	ssyncset.done $0x0  }
0xc3: {  	[sflag:s12] =	ssyncadd.s32 $0xFFFFFF80  }
0xc4: {  	_ =	swait.ge [sflag:s12], $0x80  }
0xc5: {  	[sflag:s12] =	ssyncset.done $0x0  }
0xc6: {  	[sflag:s12] =	ssyncadd.s32 $0xFFFFFF80  }
0xc7: {  	_ =	swait.ge [sflag:s12], $0x80  }
0xc8: {  	[sflag:s12] =	ssyncset.done $0x0  }
0xc9: {  	[sflag:s12] =	ssyncadd.s32 $0xFFFFFF80  }
0xca: {  	_ =	swait.ge [sflag:s12], $0x80  }
0xcb: {  	[sflag:s12] =	ssyncset.done $0x0  }
0xcc: {  	[sflag:s12] =	ssyncadd.s32 $0xFFFFFF80  }
0xcd: {  	_ =	swait.ge [sflag:s12], $0x80  }
0xce: {  	[sflag:s12] =	ssyncset.done $0x0  }
0xcf: {  	[sflag:s12] =	ssyncadd.s32 $0xFFFFFF80  }
0xd0: {  	_ =	swait.ge [sflag:s12], $0x80  }
0xd1: {  	[sflag:s12] =	ssyncset.done $0x0  }
0xd2: {  	[sflag:s12] =	ssyncadd.s32 $0xFFFFFF80  }
0xd3: {  	_ =	swait.ge [sflag:s12], $0x80  }
0xd4: {  	[sflag:s12] =	ssyncset.done $0x0  }
0xd5: {  	[sflag:s12] =	ssyncadd.s32 $0xFFFFFF80  }
0xd6: {  	_ =	swait.ge [sflag:s12], $0x80  }
0xd7: {  	[sflag:s12] =	ssyncset.done $0x0  }
0xd8: {  	[sflag:s12] =	ssyncadd.s32 $0xFFFFFF80  }
0xd9: {  	_ =	swait.ge [sflag:s12], $0x80  }
0xda: {  	[sflag:s12] =	ssyncset.done $0x0  }
0xdb: {  	[sflag:s12] =	ssyncadd.s32 $0xFFFFFF80  }
0xdc: {  	_ =	swait.ge [sflag:s12], $0x80  }
0xdd: {  	[sflag:s12] =	ssyncset.done $0x0  }
0xde: {  	[sflag:s12] =	ssyncadd.s32 $0xFFFFFF80  }
0xdf: {  	_ =	swait.ge [sflag:s12], $0x80  }
0xe0: {  	[sflag:s12] =	ssyncset.done $0x0  }
0xe1: {  	[sflag:s12] =	ssyncadd.s32 $0xFFFFFF80  }
0xe2: {  	_ =	swait.ge [sflag:s12], $0x80  }
0xe3: {  	[sflag:s12] =	ssyncset.done $0x0  }
0xe4: {  	[sflag:s12] =	ssyncadd.s32 $0xFFFFFF80  }
0xe5: {  	_ =	swait.ge [sflag:s12], $0x80  }
0xe6: {  	[sflag:s12] =	ssyncset.done $0x0  }
0xe7: {  	[sflag:s12] =	ssyncadd.s32 $0xFFFFFF80  }
0xe8: {  	_ =	swait.ge [sflag:s12], $0x80  }
0xe9: {  	[sflag:s12] =	ssyncset.done $0x0  }
0xea: {  	[sflag:s12] =	ssyncadd.s32 $0xFFFFFF80  }
0xeb: {  	_ =	swait.ge [sflag:s12], $0x80  }
0xec: {  	[sflag:s12] =	ssyncset.done $0x0  }
0xed: {  	[sflag:s12] =	ssyncadd.s32 $0xFFFFFF80  }
0xee: {  	v2 =	vld [tilespmem:$0x0]  }
0xef: {  	v3 =	vld [tilespmem:$0x10]  }
0xf0: {  	v4 =	vld [tilespmem:$0x20]  }
0xf1: {  	v5 =	vld [tilespmem:$0x30]  }
0xf2: {  	v6 =	vld [tilespmem:$0x40]  }
0xf3: {  	v7 =	vld [tilespmem:$0x50];
	v2 =	vsub.s32 v2, v0  }
0xf4: {  	v8 =	vld [tilespmem:$0x60];
	v3 =	vsub.s32 v3, v0;
	v2 =	vmin.u32 v2, $0x7A900  }
0xf5: {  	v47 =	vld [tilespmem:$0x70];
	[tilespmem:$0x1000] =	vst v2;
	v2 =	vmin.u32 v3, $0x7A900;
	v3 =	vsub.s32 v4, v0  }
0xf6: {  	v48 =	vld [tilespmem:$0x80];
	[tilespmem:$0x1010] =	vst v2;
	v2 =	vmin.u32 v3, $0x7A900;
	v3 =	vsub.s32 v5, v0  }
0xf7: {  	v49 =	vld [tilespmem:$0x90];
	[tilespmem:$0x1020] =	vst v2;
	v2 =	vmin.u32 v3, $0x7A900;
	v3 =	vsub.s32 v6, v0  }
0xf8: {  	v50 =	vld [tilespmem:$0xA0];
	[tilespmem:$0x1030] =	vst v2;
	v2 =	vmin.u32 v3, $0x7A900;
	v3 =	vsub.s32 v7, v0  }
0xf9: {  	v51 =	vld [tilespmem:$0xB0];
	[tilespmem:$0x1040] =	vst v2;
	v2 =	vmin.u32 v3, $0x7A900;
	v3 =	vsub.s32 v8, v0  }
0xfa: {  	v52 =	vld [tilespmem:$0xC0];
	[tilespmem:$0x1050] =	vst v2;
	v2 =	vmin.u32 v3, $0x7A900;
	v3 =	vsub.s32 v47, v0  }
0xfb: {  	v53 =	vld [tilespmem:$0xD0];
	[tilespmem:$0x1060] =	vst v2;
	v2 =	vmin.u32 v3, $0x7A900;
	v3 =	vsub.s32 v48, v0  }
0xfc: {  	v54 =	vld [tilespmem:$0xE0];
	[tilespmem:$0x1070] =	vst v2;
	v2 =	vmin.u32 v3, $0x7A900;
	v3 =	vsub.s32 v49, v0  }
0xfd: {  	v55 =	vld [tilespmem:$0xF0];
	[tilespmem:$0x1080] =	vst v2;
	v2 =	vmin.u32 v3, $0x7A900;
	v3 =	vsub.s32 v50, v0  }
0xfe: {  	v56 =	vld [tilespmem:$0x100];
	[tilespmem:$0x1090] =	vst v2;
	v2 =	vmin.u32 v3, $0x7A900;
	v3 =	vsub.s32 v51, v0  }
0xff: {  	v57 =	vld [tilespmem:$0x110];
	[tilespmem:$0x10A0] =	vst v2;
	v2 =	vmin.u32 v3, $0x7A900;
	v3 =	vsub.s32 v52, v0  }
0x100: {  	v58 =	vld [tilespmem:$0x120];
	[tilespmem:$0x10B0] =	vst v2;
	v2 =	vmin.u32 v3, $0x7A900;
	v3 =	vsub.s32 v53, v0  }
0x101: {  	v59 =	vld [tilespmem:$0x130];
	[tilespmem:$0x10C0] =	vst v2;
	v2 =	vmin.u32 v3, $0x7A900;
	v3 =	vsub.s32 v54, v0  }
0x102: {  	v60 =	vld [tilespmem:$0x140];
	[tilespmem:$0x10D0] =	vst v2;
	v2 =	vmin.u32 v3, $0x7A900;
	v3 =	vsub.s32 v55, v0  }
0x103: {  	v61 =	vld [tilespmem:$0x150];
	[tilespmem:$0x10E0] =	vst v2;
	v2 =	vmin.u32 v3, $0x7A900;
	v3 =	vsub.s32 v56, v0  }
0x104: {  	v62 =	vld [tilespmem:$0x160];
	[tilespmem:$0x10F0] =	vst v2;
	v2 =	vmin.u32 v3, $0x7A900;
	v3 =	vsub.s32 v57, v0  }
0x105: {  	v63 =	vld [tilespmem:$0x170];
	[tilespmem:$0x1100] =	vst v2;
	v2 =	vmin.u32 v3, $0x7A900;
	v3 =	vsub.s32 v58, v0  }
0x106: {  	v12 =	vld [tilespmem:$0x180];
	[tilespmem:$0x1110] =	vst v2;
	v2 =	vmin.u32 v3, $0x7A900;
	v3 =	vsub.s32 v59, v0  }
0x107: {  	v13 =	vld [tilespmem:$0x190];
	[tilespmem:$0x1120] =	vst v2;
	v2 =	vmin.u32 v3, $0x7A900;
	v3 =	vsub.s32 v60, v0  }
0x108: {  	v14 =	vld [tilespmem:$0x1A0];
	[tilespmem:$0x1130] =	vst v2;
	v2 =	vmin.u32 v3, $0x7A900;
	v3 =	vsub.s32 v61, v0  }
0x109: {  	v15 =	vld [tilespmem:$0x1B0];
	[tilespmem:$0x1140] =	vst v2;
	v2 =	vmin.u32 v3, $0x7A900;
	v3 =	vsub.s32 v62, v0  }
0x10a: {  	v16 =	vld [tilespmem:$0x1C0];
	[tilespmem:$0x1150] =	vst v2;
	v2 =	vmin.u32 v3, $0x7A900;
	v3 =	vsub.s32 v63, v0  }
0x10b: {  	v17 =	vld [tilespmem:$0x1D0];
	[tilespmem:$0x1160] =	vst v2;
	v2 =	vmin.u32 v3, $0x7A900;
	v3 =	vsub.s32 v12, v0  }
0x10c: {  	v18 =	vld [tilespmem:$0x1E0];
	[tilespmem:$0x1170] =	vst v2;
	v2 =	vmin.u32 v3, $0x7A900;
	v3 =	vsub.s32 v13, v0  }
0x10d: {  	v19 =	vld [tilespmem:$0x1F0];
	[tilespmem:$0x1180] =	vst v2;
	v2 =	vmin.u32 v3, $0x7A900;
	v3 =	vsub.s32 v14, v0  }
0x10e: {  	v20 =	vld [tilespmem:$0x200];
	[tilespmem:$0x1190] =	vst v2;
	v2 =	vmin.u32 v3, $0x7A900;
	v3 =	vsub.s32 v15, v0  }
0x10f: {  	v21 =	vld [tilespmem:$0x210];
	[tilespmem:$0x11A0] =	vst v2;
	v2 =	vmin.u32 v3, $0x7A900;
	v3 =	vsub.s32 v16, v0  }
0x110: {  	v22 =	vld [tilespmem:$0x220];
	[tilespmem:$0x11B0] =	vst v2;
	v2 =	vmin.u32 v3, $0x7A900;
	v3 =	vsub.s32 v17, v0  }
0x111: {  	v23 =	vld [tilespmem:$0x230];
	[tilespmem:$0x11C0] =	vst v2;
	v2 =	vmin.u32 v3, $0x7A900;
	v3 =	vsub.s32 v18, v0  }
0x112: {  	v24 =	vld [tilespmem:$0x240];
	[tilespmem:$0x11D0] =	vst v2;
	v2 =	vmin.u32 v3, $0x7A900;
	v3 =	vsub.s32 v19, v0  }
0x113: {  	v25 =	vld [tilespmem:$0x250];
	[tilespmem:$0x11E0] =	vst v2;
	v2 =	vmin.u32 v3, $0x7A900;
	v3 =	vsub.s32 v20, v0  }
0x114: {  	v26 =	vld [tilespmem:$0x260];
	[tilespmem:$0x11F0] =	vst v2;
	v2 =	vmin.u32 v3, $0x7A900;
	v3 =	vsub.s32 v21, v0  }
0x115: {  	v27 =	vld [tilespmem:$0x270];
	[tilespmem:$0x1200] =	vst v2;
	v2 =	vmin.u32 v3, $0x7A900;
	v3 =	vsub.s32 v22, v0  }
0x116: {  	v28 =	vld [tilespmem:$0x280];
	[tilespmem:$0x1210] =	vst v2;
	v2 =	vmin.u32 v3, $0x7A900;
	v3 =	vsub.s32 v23, v0  }
0x117: {  	v29 =	vld [tilespmem:$0x290];
	[tilespmem:$0x1220] =	vst v2;
	v2 =	vmin.u32 v3, $0x7A900;
	v3 =	vsub.s32 v24, v0  }
0x118: {  	v30 =	vld [tilespmem:$0x2A0];
	[tilespmem:$0x1230] =	vst v2;
	v2 =	vmin.u32 v3, $0x7A900;
	v3 =	vsub.s32 v25, v0  }
0x119: {  	v31 =	vld [tilespmem:$0x2B0];
	[tilespmem:$0x1240] =	vst v2;
	v2 =	vmin.u32 v3, $0x7A900;
	v3 =	vsub.s32 v26, v0  }
0x11a: {  	v32 =	vld [tilespmem:$0x2C0];
	[tilespmem:$0x1250] =	vst v2;
	v2 =	vmin.u32 v3, $0x7A900;
	v3 =	vsub.s32 v27, v0  }
0x11b: {  	v33 =	vld [tilespmem:$0x2D0];
	[tilespmem:$0x1260] =	vst v2;
	v2 =	vmin.u32 v3, $0x7A900;
	v3 =	vsub.s32 v28, v0  }
0x11c: {  	v34 =	vld [tilespmem:$0x2E0];
	[tilespmem:$0x1270] =	vst v2;
	v2 =	vmin.u32 v3, $0x7A900;
	v3 =	vsub.s32 v29, v0  }
0x11d: {  	v35 =	vld [tilespmem:$0x2F0];
	[tilespmem:$0x1280] =	vst v2;
	v2 =	vmin.u32 v3, $0x7A900;
	v3 =	vsub.s32 v30, v0  }
0x11e: {  	v36 =	vld [tilespmem:$0x300];
	[tilespmem:$0x1290] =	vst v2;
	v2 =	vmin.u32 v3, $0x7A900;
	v3 =	vsub.s32 v31, v0  }
0x11f: {  	v37 =	vld [tilespmem:$0x310];
	[tilespmem:$0x12A0] =	vst v2;
	v2 =	vmin.u32 v3, $0x7A900;
	v3 =	vsub.s32 v32, v0  }
0x120: {  	v38 =	vld [tilespmem:$0x320];
	[tilespmem:$0x12B0] =	vst v2;
	v2 =	vmin.u32 v3, $0x7A900;
	v3 =	vsub.s32 v33, v0  }
0x121: {  	v39 =	vld [tilespmem:$0x330];
	[tilespmem:$0x12C0] =	vst v2;
	v2 =	vmin.u32 v3, $0x7A900;
	v3 =	vsub.s32 v34, v0  }
0x122: {  	v40 =	vld [tilespmem:$0x340];
	[tilespmem:$0x12D0] =	vst v2;
	v2 =	vmin.u32 v3, $0x7A900;
	v3 =	vsub.s32 v35, v0  }
0x123: {  	v41 =	vld [tilespmem:$0x350];
	[tilespmem:$0x12E0] =	vst v2;
	v2 =	vmin.u32 v3, $0x7A900;
	v3 =	vsub.s32 v36, v0  }
0x124: {  	v42 =	vld [tilespmem:$0x360];
	[tilespmem:$0x12F0] =	vst v2;
	v2 =	vmin.u32 v3, $0x7A900;
	v3 =	vsub.s32 v37, v0  }
0x125: {  	v43 =	vld [tilespmem:$0x370];
	[tilespmem:$0x1300] =	vst v2;
	v2 =	vmin.u32 v3, $0x7A900;
	v3 =	vsub.s32 v38, v0  }
0x126: {  	v44 =	vld [tilespmem:$0x380];
	[tilespmem:$0x1310] =	vst v2;
	v2 =	vmin.u32 v3, $0x7A900;
	v3 =	vsub.s32 v39, v0  }
0x127: {  	v45 =	vld [tilespmem:$0x390];
	[tilespmem:$0x1320] =	vst v2;
	v2 =	vmin.u32 v3, $0x7A900;
	v3 =	vsub.s32 v40, v0  }
0x128: {  	v46 =	vld [tilespmem:$0x3A0];
	[tilespmem:$0x1330] =	vst v2;
	v2 =	vmin.u32 v3, $0x7A900;
	v3 =	vsub.s32 v41, v0  }
0x129: {  	v47 =	vld [tilespmem:$0x3B0];
	[tilespmem:$0x1340] =	vst v2;
	v2 =	vmin.u32 v3, $0x7A900;
	v3 =	vsub.s32 v42, v0  }
0x12a: {  	v48 =	vld [tilespmem:$0x3C0];
	[tilespmem:$0x1350] =	vst v2;
	v2 =	vmin.u32 v3, $0x7A900;
	v3 =	vsub.s32 v43, v0  }
0x12b: {  	v49 =	vld [tilespmem:$0x3D0];
	[tilespmem:$0x1360] =	vst v2;
	v2 =	vmin.u32 v3, $0x7A900;
	v3 =	vsub.s32 v44, v0  }
0x12c: {  	v50 =	vld [tilespmem:$0x3E0];
	[tilespmem:$0x1370] =	vst v2;
	v2 =	vmin.u32 v3, $0x7A900;
	v3 =	vsub.s32 v45, v0  }
0x12d: {  	v51 =	vld [tilespmem:$0x3F0];
	[tilespmem:$0x1380] =	vst v2;
	v2 =	vmin.u32 v3, $0x7A900;
	v3 =	vsub.s32 v46, v0  }
0x12e: {  	v52 =	vld [tilespmem:$0x400];
	[tilespmem:$0x1390] =	vst v2;
	v2 =	vmin.u32 v3, $0x7A900;
	v3 =	vsub.s32 v47, v0  }
0x12f: {  	v53 =	vld [tilespmem:$0x410];
	[tilespmem:$0x13A0] =	vst v2;
	v2 =	vmin.u32 v3, $0x7A900;
	v3 =	vsub.s32 v48, v0  }
0x130: {  	v54 =	vld [tilespmem:$0x420];
	[tilespmem:$0x13B0] =	vst v2;
	v2 =	vmin.u32 v3, $0x7A900;
	v3 =	vsub.s32 v49, v0  }
0x131: {  	v55 =	vld [tilespmem:$0x430];
	[tilespmem:$0x13C0] =	vst v2;
	v2 =	vmin.u32 v3, $0x7A900;
	v3 =	vsub.s32 v50, v0  }
0x132: {  	v56 =	vld [tilespmem:$0x440];
	[tilespmem:$0x13D0] =	vst v2;
	v2 =	vmin.u32 v3, $0x7A900;
	v3 =	vsub.s32 v51, v0  }
0x133: {  	v57 =	vld [tilespmem:$0x450];
	[tilespmem:$0x13E0] =	vst v2;
	v2 =	vmin.u32 v3, $0x7A900;
	v3 =	vsub.s32 v52, v0  }
0x134: {  	v58 =	vld [tilespmem:$0x460];
	[tilespmem:$0x13F0] =	vst v2;
	v2 =	vmin.u32 v3, $0x7A900;
	v3 =	vsub.s32 v53, v0  }
0x135: {  	v59 =	vld [tilespmem:$0x470];
	[tilespmem:$0x1400] =	vst v2;
	v2 =	vmin.u32 v3, $0x7A900;
	v3 =	vsub.s32 v54, v0  }
0x136: {  	v60 =	vld [tilespmem:$0x480];
	[tilespmem:$0x1410] =	vst v2;
	v2 =	vmin.u32 v3, $0x7A900;
	v3 =	vsub.s32 v55, v0  }
0x137: {  	v61 =	vld [tilespmem:$0x490];
	[tilespmem:$0x1420] =	vst v2;
	v2 =	vmin.u32 v3, $0x7A900;
	v3 =	vsub.s32 v56, v0  }
0x138: {  	v62 =	vld [tilespmem:$0x4A0];
	[tilespmem:$0x1430] =	vst v2;
	v2 =	vmin.u32 v3, $0x7A900;
	v3 =	vsub.s32 v57, v0  }
0x139: {  	v63 =	vld [tilespmem:$0x4B0];
	[tilespmem:$0x1440] =	vst v2;
	v2 =	vmin.u32 v3, $0x7A900;
	v3 =	vsub.s32 v58, v0  }
0x13a: {  	v12 =	vld [tilespmem:$0x4C0];
	[tilespmem:$0x1450] =	vst v2;
	v2 =	vmin.u32 v3, $0x7A900;
	v3 =	vsub.s32 v59, v0  }
0x13b: {  	v13 =	vld [tilespmem:$0x4D0];
	[tilespmem:$0x1460] =	vst v2;
	v2 =	vmin.u32 v3, $0x7A900;
	v3 =	vsub.s32 v60, v0  }
0x13c: {  	v14 =	vld [tilespmem:$0x4E0];
	[tilespmem:$0x1470] =	vst v2;
	v2 =	vmin.u32 v3, $0x7A900;
	v3 =	vsub.s32 v61, v0  }
0x13d: {  	v15 =	vld [tilespmem:$0x4F0];
	[tilespmem:$0x1480] =	vst v2;
	v2 =	vmin.u32 v3, $0x7A900;
	v3 =	vsub.s32 v62, v0  }
0x13e: {  	v16 =	vld [tilespmem:$0x500];
	[tilespmem:$0x1490] =	vst v2;
	v2 =	vmin.u32 v3, $0x7A900;
	v3 =	vsub.s32 v63, v0  }
0x13f: {  	v17 =	vld [tilespmem:$0x510];
	[tilespmem:$0x14A0] =	vst v2;
	v2 =	vmin.u32 v3, $0x7A900;
	v3 =	vsub.s32 v12, v0  }
0x140: {  	v18 =	vld [tilespmem:$0x520];
	[tilespmem:$0x14B0] =	vst v2;
	v2 =	vmin.u32 v3, $0x7A900;
	v3 =	vsub.s32 v13, v0  }
0x141: {  	v19 =	vld [tilespmem:$0x530];
	[tilespmem:$0x14C0] =	vst v2;
	v2 =	vmin.u32 v3, $0x7A900;
	v3 =	vsub.s32 v14, v0  }
0x142: {  	v20 =	vld [tilespmem:$0x540];
	[tilespmem:$0x14D0] =	vst v2;
	v2 =	vmin.u32 v3, $0x7A900;
	v3 =	vsub.s32 v15, v0  }
0x143: {  	v21 =	vld [tilespmem:$0x550];
	[tilespmem:$0x14E0] =	vst v2;
	v2 =	vmin.u32 v3, $0x7A900;
	v3 =	vsub.s32 v16, v0  }
0x144: {  	v22 =	vld [tilespmem:$0x560];
	[tilespmem:$0x14F0] =	vst v2;
	v2 =	vmin.u32 v3, $0x7A900;
	v3 =	vsub.s32 v17, v0  }
0x145: {  	v23 =	vld [tilespmem:$0x570];
	[tilespmem:$0x1500] =	vst v2;
	v2 =	vmin.u32 v3, $0x7A900;
	v3 =	vsub.s32 v18, v0  }
0x146: {  	v24 =	vld [tilespmem:$0x580];
	[tilespmem:$0x1510] =	vst v2;
	v2 =	vmin.u32 v3, $0x7A900;
	v3 =	vsub.s32 v19, v0  }
0x147: {  	v25 =	vld [tilespmem:$0x590];
	[tilespmem:$0x1520] =	vst v2;
	v2 =	vmin.u32 v3, $0x7A900;
	v3 =	vsub.s32 v20, v0  }
0x148: {  	v26 =	vld [tilespmem:$0x5A0];
	[tilespmem:$0x1530] =	vst v2;
	v2 =	vmin.u32 v3, $0x7A900;
	v3 =	vsub.s32 v21, v0  }
0x149: {  	v27 =	vld [tilespmem:$0x5B0];
	[tilespmem:$0x1540] =	vst v2;
	v2 =	vmin.u32 v3, $0x7A900;
	v3 =	vsub.s32 v22, v0  }
0x14a: {  	v28 =	vld [tilespmem:$0x5C0];
	[tilespmem:$0x1550] =	vst v2;
	v2 =	vmin.u32 v3, $0x7A900;
	v3 =	vsub.s32 v23, v0  }
0x14b: {  	v29 =	vld [tilespmem:$0x5D0];
	[tilespmem:$0x1560] =	vst v2;
	v2 =	vmin.u32 v3, $0x7A900;
	v3 =	vsub.s32 v24, v0  }
0x14c: {  	v30 =	vld [tilespmem:$0x5E0];
	[tilespmem:$0x1570] =	vst v2;
	v2 =	vmin.u32 v3, $0x7A900;
	v3 =	vsub.s32 v25, v0  }
0x14d: {  	v31 =	vld [tilespmem:$0x5F0];
	[tilespmem:$0x1580] =	vst v2;
	v2 =	vmin.u32 v3, $0x7A900;
	v3 =	vsub.s32 v26, v0  }
0x14e: {  	v32 =	vld [tilespmem:$0x600];
	[tilespmem:$0x1590] =	vst v2;
	v2 =	vmin.u32 v3, $0x7A900;
	v3 =	vsub.s32 v27, v0  }
0x14f: {  	v33 =	vld [tilespmem:$0x610];
	[tilespmem:$0x15A0] =	vst v2;
	v2 =	vmin.u32 v3, $0x7A900;
	v3 =	vsub.s32 v28, v0  }
0x150: {  	v34 =	vld [tilespmem:$0x620];
	[tilespmem:$0x15B0] =	vst v2;
	v2 =	vmin.u32 v3, $0x7A900;
	v3 =	vsub.s32 v29, v0  }
0x151: {  	v35 =	vld [tilespmem:$0x630];
	[tilespmem:$0x15C0] =	vst v2;
	v2 =	vmin.u32 v3, $0x7A900;
	v3 =	vsub.s32 v30, v0  }
0x152: {  	v36 =	vld [tilespmem:$0x640];
	[tilespmem:$0x15D0] =	vst v2;
	v2 =	vmin.u32 v3, $0x7A900;
	v3 =	vsub.s32 v31, v0  }
0x153: {  	v37 =	vld [tilespmem:$0x650];
	[tilespmem:$0x15E0] =	vst v2;
	v2 =	vmin.u32 v3, $0x7A900;
	v3 =	vsub.s32 v32, v0  }
0x154: {  	v38 =	vld [tilespmem:$0x660];
	[tilespmem:$0x15F0] =	vst v2;
	v2 =	vmin.u32 v3, $0x7A900;
	v3 =	vsub.s32 v33, v0  }
0x155: {  	v39 =	vld [tilespmem:$0x670];
	[tilespmem:$0x1600] =	vst v2;
	v2 =	vmin.u32 v3, $0x7A900;
	v3 =	vsub.s32 v34, v0  }
0x156: {  	v40 =	vld [tilespmem:$0x680];
	[tilespmem:$0x1610] =	vst v2;
	v2 =	vmin.u32 v3, $0x7A900;
	v3 =	vsub.s32 v35, v0  }
0x157: {  	v41 =	vld [tilespmem:$0x690];
	[tilespmem:$0x1620] =	vst v2;
	v2 =	vmin.u32 v3, $0x7A900;
	v3 =	vsub.s32 v36, v0  }
0x158: {  	v42 =	vld [tilespmem:$0x6A0];
	[tilespmem:$0x1630] =	vst v2;
	v2 =	vmin.u32 v3, $0x7A900;
	v3 =	vsub.s32 v37, v0  }
0x159: {  	v43 =	vld [tilespmem:$0x6B0];
	[tilespmem:$0x1640] =	vst v2;
	v2 =	vmin.u32 v3, $0x7A900;
	v3 =	vsub.s32 v38, v0  }
0x15a: {  	v44 =	vld [tilespmem:$0x6C0];
	[tilespmem:$0x1650] =	vst v2;
	v2 =	vmin.u32 v3, $0x7A900;
	v3 =	vsub.s32 v39, v0  }
0x15b: {  	v45 =	vld [tilespmem:$0x6D0];
	[tilespmem:$0x1660] =	vst v2;
	v2 =	vmin.u32 v3, $0x7A900;
	v3 =	vsub.s32 v40, v0  }
0x15c: {  	v46 =	vld [tilespmem:$0x6E0];
	[tilespmem:$0x1670] =	vst v2;
	v2 =	vmin.u32 v3, $0x7A900;
	v3 =	vsub.s32 v41, v0  }
0x15d: {  	v47 =	vld [tilespmem:$0x6F0];
	[tilespmem:$0x1680] =	vst v2;
	v2 =	vmin.u32 v3, $0x7A900;
	v3 =	vsub.s32 v42, v0  }
0x15e: {  	v48 =	vld [tilespmem:$0x700];
	[tilespmem:$0x1690] =	vst v2;
	v2 =	vmin.u32 v3, $0x7A900;
	v3 =	vsub.s32 v43, v0  }
0x15f: {  	v49 =	vld [tilespmem:$0x710];
	[tilespmem:$0x16A0] =	vst v2;
	v2 =	vmin.u32 v3, $0x7A900;
	v3 =	vsub.s32 v44, v0  }
0x160: {  	v50 =	vld [tilespmem:$0x720];
	[tilespmem:$0x16B0] =	vst v2;
	v2 =	vmin.u32 v3, $0x7A900;
	v3 =	vsub.s32 v45, v0  }
0x161: {  	v51 =	vld [tilespmem:$0x730];
	[tilespmem:$0x16C0] =	vst v2;
	v2 =	vmin.u32 v3, $0x7A900;
	v3 =	vsub.s32 v46, v0  }
0x162: {  	v52 =	vld [tilespmem:$0x740];
	[tilespmem:$0x16D0] =	vst v2;
	v2 =	vmin.u32 v3, $0x7A900;
	v3 =	vsub.s32 v47, v0  }
0x163: {  	v53 =	vld [tilespmem:$0x750];
	[tilespmem:$0x16E0] =	vst v2;
	v2 =	vmin.u32 v3, $0x7A900;
	v3 =	vsub.s32 v48, v0  }
0x164: {  	v54 =	vld [tilespmem:$0x760];
	[tilespmem:$0x16F0] =	vst v2;
	v2 =	vmin.u32 v3, $0x7A900;
	v3 =	vsub.s32 v49, v0  }
0x165: {  	v55 =	vld [tilespmem:$0x770];
	[tilespmem:$0x1700] =	vst v2;
	v2 =	vmin.u32 v3, $0x7A900;
	v3 =	vsub.s32 v50, v0  }
0x166: {  	v56 =	vld [tilespmem:$0x780];
	[tilespmem:$0x1710] =	vst v2;
	v2 =	vmin.u32 v3, $0x7A900;
	v3 =	vsub.s32 v51, v0  }
0x167: {  	v57 =	vld [tilespmem:$0x790];
	[tilespmem:$0x1720] =	vst v2;
	v2 =	vmin.u32 v3, $0x7A900;
	v3 =	vsub.s32 v52, v0  }
0x168: {  	v58 =	vld [tilespmem:$0x7A0];
	[tilespmem:$0x1730] =	vst v2;
	v2 =	vmin.u32 v3, $0x7A900;
	v3 =	vsub.s32 v53, v0  }
0x169: {  	v59 =	vld [tilespmem:$0x7B0];
	[tilespmem:$0x1740] =	vst v2;
	v2 =	vmin.u32 v3, $0x7A900;
	v3 =	vsub.s32 v54, v0  }
0x16a: {  	v60 =	vld [tilespmem:$0x7C0];
	[tilespmem:$0x1750] =	vst v2;
	v2 =	vmin.u32 v3, $0x7A900;
	v3 =	vsub.s32 v55, v0  }
0x16b: {  	v61 =	vld [tilespmem:$0x7D0];
	[tilespmem:$0x1760] =	vst v2;
	v2 =	vmin.u32 v3, $0x7A900;
	v3 =	vsub.s32 v56, v0  }
0x16c: {  	v62 =	vld [tilespmem:$0x7E0];
	[tilespmem:$0x1770] =	vst v2;
	v2 =	vmin.u32 v3, $0x7A900;
	v3 =	vsub.s32 v57, v0  }
0x16d: {  	v63 =	vld [tilespmem:$0x7F0];
	[tilespmem:$0x1780] =	vst v2;
	v2 =	vmin.u32 v3, $0x7A900;
	v3 =	vsub.s32 v58, v0  }
0x16e: {  	[tilespmem:$0x1790] =	vst v2;
	v2 =	vmin.u32 v3, $0x7A900;
	v3 =	vsub.s32 v59, v0  }
0x16f: {  	[tilespmem:$0x17A0] =	vst v2;
	v2 =	vmin.u32 v3, $0x7A900;
	v3 =	vsub.s32 v60, v0  }
0x170: {  	[tilespmem:$0x17B0] =	vst v2;
	v2 =	vmin.u32 v3, $0x7A900;
	v3 =	vsub.s32 v61, v0  }
0x171: {  	[tilespmem:$0x17C0] =	vst v2;
	v2 =	vmin.u32 v3, $0x7A900;
	v3 =	vsub.s32 v62, v0  }
0x172: {  	[tilespmem:$0x17D0] =	vst v2;
	v2 =	vmin.u32 v3, $0x7A900;
	v3 =	vsub.s32 v63, v0  }
0x173: {  	[tilespmem:$0x17E0] =	vst v2;
	v2 =	vmin.u32 v3, $0x7A900  }
0x174: {  	[tilespmem:$0x17F0] =	vst v2  }
0x175: {  	s14 =	simm.s32 $0x1000;
	[bflag:$0x0] =	sbarrier.arrive $0xFFFF  }
0x176: {  	[spmem:s3] =	stream.indirect.scatter [tilespmem:s17], [sflag:$0x1], $0x1, s14, s16, $0xb8;
	[tilespmem:$0xB198] =	vst v63  }
0x177: {  	s15 =	simm.s32 $0x1080  }
0x178: {  	[spmem:s3] =	stream.indirect.scatter [tilespmem:s18], [sflag:$0x1], $0x1, s15, s16, $0xb8;
	[tilespmem:$0xB198] =	vst v63  }
0x179: {  	s15 =	simm.s32 $0x1100  }
0x17a: {  	[spmem:s3] =	stream.indirect.scatter [tilespmem:s19], [sflag:$0x1], $0x1, s15, s16, $0xb8;
	[tilespmem:$0xB198] =	vst v63  }
0x17b: {  	s15 =	simm.s32 $0x1180  }
0x17c: {  	[spmem:s3] =	stream.indirect.scatter [tilespmem:s20], [sflag:$0x1], $0x1, s15, s16, $0xb8;
	[tilespmem:$0xB198] =	vst v63  }
0x17d: {  	s15 =	simm.s32 $0x1200  }
0x17e: {  	[spmem:s3] =	stream.indirect.scatter [tilespmem:s21], [sflag:$0x1], $0x1, s15, s16, $0xb8;
	[tilespmem:$0xB198] =	vst v63  }
0x17f: {  	s15 =	simm.s32 $0x1280  }
0x180: {  	[spmem:s3] =	stream.indirect.scatter [tilespmem:s22], [sflag:$0x1], $0x1, s15, s16, $0xb8;
	[tilespmem:$0xB198] =	vst v63  }
0x181: {  	s15 =	simm.s32 $0x1300  }
0x182: {  	[spmem:s3] =	stream.indirect.scatter [tilespmem:s23], [sflag:$0x1], $0x1, s15, s16, $0xb8;
	[tilespmem:$0xB198] =	vst v63  }
0x183: {  	s15 =	simm.s32 $0x1380  }
0x184: {  	[spmem:s3] =	stream.indirect.scatter [tilespmem:s24], [sflag:$0x1], $0x1, s15, s16, $0xb8;
	[tilespmem:$0xB198] =	vst v63  }
0x185: {  	s15 =	simm.s32 $0x1400  }
0x186: {  	[spmem:s3] =	stream.indirect.scatter [tilespmem:s25], [sflag:$0x1], $0x1, s15, s16, $0xb8;
	[tilespmem:$0xB198] =	vst v63  }
0x187: {  	s15 =	simm.s32 $0x1480  }
0x188: {  	[spmem:s3] =	stream.indirect.scatter [tilespmem:s26], [sflag:$0x1], $0x1, s15, s16, $0xb8;
	[tilespmem:$0xB198] =	vst v63  }
0x189: {  	s15 =	simm.s32 $0x1500  }
0x18a: {  	[spmem:s3] =	stream.indirect.scatter [tilespmem:s28], [sflag:$0x1], $0x1, s15, s16, $0xb8;
	[tilespmem:$0xB198] =	vst v63  }
0x18b: {  	s15 =	simm.s32 $0x1580  }
0x18c: {  	[spmem:s3] =	stream.indirect.scatter [tilespmem:s29], [sflag:$0x1], $0x1, s15, s16, $0xb8;
	[tilespmem:$0xB198] =	vst v63  }
0x18d: {  	s15 =	simm.s32 $0x1600  }
0x18e: {  	[spmem:s3] =	stream.indirect.scatter [tilespmem:s30], [sflag:$0x1], $0x1, s15, s16, $0xb8;
	[tilespmem:$0xB198] =	vst v63  }
0x18f: {  	s15 =	simm.s32 $0x1680  }
0x190: {  	[spmem:s3] =	stream.indirect.scatter [tilespmem:s31], [sflag:$0x1], $0x1, s15, s16, $0xb8;
	[tilespmem:$0xB198] =	vst v63  }
0x191: {  	s15 =	simm.s32 $0x1700  }
0x192: {  	[spmem:s3] =	stream.indirect.scatter [tilespmem:s0], [sflag:$0x1], $0x1, s15, s16, $0xb8;
	[tilespmem:$0xB198] =	vst v63  }
0x193: {  	s15 =	simm.s32 $0x1780  }
0x194: {  	[spmem:s3] =	stream.indirect.scatter [tilespmem:s2], [sflag:$0x1], $0x1, s15, s16, $0xb8;
	[tilespmem:$0xB198] =	vst v63  }
0x195: {  	_ =	swait.ge [sflag:s12], $0x80  }
0x196: {  	[sflag:s12] =	ssyncset.done $0x0  }
0x197: {  	[sflag:s12] =	ssyncadd.s32 $0xFFFFFF80  }
0x198: {  	_ =	swait.ge [sflag:s12], $0x80  }
0x199: {  	[sflag:s12] =	ssyncset.done $0x0  }
0x19a: {  	[sflag:s12] =	ssyncadd.s32 $0xFFFFFF80  }
0x19b: {  	_ =	swait.ge [sflag:s12], $0x80  }
0x19c: {  	[sflag:s12] =	ssyncset.done $0x0  }
0x19d: {  	[sflag:s12] =	ssyncadd.s32 $0xFFFFFF80  }
0x19e: {  	_ =	swait.ge [sflag:s12], $0x80  }
0x19f: {  	[sflag:s12] =	ssyncset.done $0x0  }
0x1a0: {  	[sflag:s12] =	ssyncadd.s32 $0xFFFFFF80  }
0x1a1: {  	_ =	swait.ge [sflag:s12], $0x80  }
0x1a2: {  	[sflag:s12] =	ssyncset.done $0x0  }
0x1a3: {  	[sflag:s12] =	ssyncadd.s32 $0xFFFFFF80  }
0x1a4: {  	_ =	swait.ge [sflag:s12], $0x80  }
0x1a5: {  	[sflag:s12] =	ssyncset.done $0x0  }
0x1a6: {  	[sflag:s12] =	ssyncadd.s32 $0xFFFFFF80  }
0x1a7: {  	_ =	swait.ge [sflag:s12], $0x80  }
0x1a8: {  	[sflag:s12] =	ssyncset.done $0x0  }
0x1a9: {  	[sflag:s12] =	ssyncadd.s32 $0xFFFFFF80  }
0x1aa: {  	_ =	swait.ge [sflag:s12], $0x80  }
0x1ab: {  	[sflag:s12] =	ssyncset.done $0x0  }
0x1ac: {  	[sflag:s12] =	ssyncadd.s32 $0xFFFFFF80  }
0x1ad: {  	_ =	swait.ge [sflag:s12], $0x80  }
0x1ae: {  	[sflag:s12] =	ssyncset.done $0x0  }
0x1af: {  	[sflag:s12] =	ssyncadd.s32 $0xFFFFFF80  }
0x1b0: {  	_ =	swait.ge [sflag:s12], $0x80  }
0x1b1: {  	[sflag:s12] =	ssyncset.done $0x0  }
0x1b2: {  	[sflag:s12] =	ssyncadd.s32 $0xFFFFFF80  }
0x1b3: {  	_ =	swait.ge [sflag:s12], $0x80  }
0x1b4: {  	[sflag:s12] =	ssyncset.done $0x0  }
0x1b5: {  	[sflag:s12] =	ssyncadd.s32 $0xFFFFFF80  }
0x1b6: {  	_ =	swait.ge [sflag:s12], $0x80  }
0x1b7: {  	[sflag:s12] =	ssyncset.done $0x0  }
0x1b8: {  	[sflag:s12] =	ssyncadd.s32 $0xFFFFFF80  }
0x1b9: {  	_ =	swait.ge [sflag:s12], $0x80  }
0x1ba: {  	[sflag:s12] =	ssyncset.done $0x0  }
0x1bb: {  	[sflag:s12] =	ssyncadd.s32 $0xFFFFFF80  }
0x1bc: {  	_ =	swait.ge [sflag:s12], $0x80  }
0x1bd: {  	[sflag:s12] =	ssyncset.done $0x0  }
0x1be: {  	[sflag:s12] =	ssyncadd.s32 $0xFFFFFF80  }
0x1bf: {  	_ =	swait.ge [sflag:s12], $0x80  }
0x1c0: {  	[sflag:s12] =	ssyncset.done $0x0  }
0x1c1: {  	[sflag:s12] =	ssyncadd.s32 $0xFFFFFF80  }
0x1c2: {  	_ =	swait.ge [sflag:s12], $0x80  }
0x1c3: {  	[sflag:s12] =	ssyncset.done $0x0  }
0x1c4: {  	[sflag:s12] =	ssyncadd.s32 $0xFFFFFF80  }
0x1c5: {  	s14 =	simm.s32 $0x40;
	s15 =	simm.s32 $0x0;
	[bflag:$0x0] =	sbarrier.arrive $0xFFFF  }
.LBB2_4:
0x1c6: {  	p0 =	sne.s32 s14, $0x7A40;
	[tilespmem:s15+$0x1800] =	vst v1;
	s15 =	smov.u32 s14;
	s14 =	sadd.s32 $0x40, s14  }
.Ltmp1:
0x1c7: {  	(pc) =	sbr.rel @p0 .LBB2_4-.Ltmp1, $2  }
0x1c8: {  	_ =	sdelay $0x2  }
0x1c9: {  	s15 =	sshra.s32 s15, $0x2  }
0x1ca: {  	[tilespmem:s15+$0x1800] =	vst v1  }
0x1cb: {  	[tilespmem:s4], [sflag:$0x2] =	stream.linear.gather [spmem:s6], $0x1EA0, $0x38;
	[tilespmem:$0xB198] =	vst v63  }
0x1cc: {  	_ =	swait.ge [sflag:s7], $0x1EA0  }
0x1cd: {  	[sflag:s7] =	ssyncset.done $0x0  }
0x1ce: {  	[sflag:s7] =	ssyncadd.s32 $0xFFFFE160  }
0x1cf: {  	[hbm4b:s5+s1] =	stream.linear.scatter [tilespmem:s4], [sflag:$0x2], $0x1EA0, $0x38;
	[tilespmem:$0xB198] =	vst v63  }
0x1d0: {  	_ =	swait.ge [sflag:s7], $0x1EA0  }
0x1d1: {  	[sflag:s7] =	ssyncset.done $0x0  }
0x1d2: {  	[sflag:s7] =	ssyncadd.s32 $0xFFFFE160  }
0x1d3: {  	[tilespmem:s4], [sflag:$0x2] =	stream.linear.gather [spmem:s8], $0x1EA0, $0x38;
	[tilespmem:$0xB198] =	vst v63  }
0x1d4: {  	_ =	swait.ge [sflag:s7], $0x1EA0  }
0x1d5: {  	s14 =	sld [smem:$0x7FA]  }
0x1d6: {  	[sflag:s7] =	ssyncset.done $0x0  }
0x1d7: {  	[sflag:s7] =	ssyncadd.s32 $0xFFFFE160  }
0x1d8: {  	[hbm4b:s14+s1] =	stream.linear.scatter [tilespmem:s4], [sflag:$0x2], $0x1EA0, $0x38;
	[tilespmem:$0xB198] =	vst v63  }
0x1d9: {  	_ =	swait.ge [sflag:s7], $0x1EA0  }
0x1da: {  	[sflag:s7] =	ssyncset.done $0x0  }
0x1db: {  	[sflag:s7] =	ssyncadd.s32 $0xFFFFE160  }
0x1dc: {  	[tilespmem:s4], [sflag:$0x2] =	stream.linear.gather [spmem:s9], $0x1EA0, $0x38;
	[tilespmem:$0xB198] =	vst v63  }
0x1dd: {  	_ =	swait.ge [sflag:s7], $0x1EA0  }
0x1de: {  	s15 =	sld [smem:$0x7FB]  }
0x1df: {  	[sflag:s7] =	ssyncset.done $0x0  }
0x1e0: {  	[sflag:s7] =	ssyncadd.s32 $0xFFFFE160  }
0x1e1: {  	[hbm4b:s15+s1] =	stream.linear.scatter [tilespmem:s4], [sflag:$0x2], $0x1EA0, $0x38;
	[tilespmem:$0xB198] =	vst v63  }
0x1e2: {  	_ =	swait.ge [sflag:s7], $0x1EA0  }
0x1e3: {  	[sflag:s7] =	ssyncset.done $0x0  }
0x1e4: {  	[sflag:s7] =	ssyncadd.s32 $0xFFFFE160  }
0x1e5: {  	[tilespmem:s4], [sflag:$0x2] =	stream.linear.gather [spmem:s10], $0x1EA0, $0x38;
	[tilespmem:$0xB198] =	vst v63  }
0x1e6: {  	_ =	swait.ge [sflag:s7], $0x1EA0  }
0x1e7: {  	s15 =	sld [smem:$0x7FC]  }
0x1e8: {  	[sflag:s7] =	ssyncset.done $0x0  }
0x1e9: {  	[sflag:s7] =	ssyncadd.s32 $0xFFFFE160  }
0x1ea: {  	[hbm4b:s15+s1] =	stream.linear.scatter [tilespmem:s4], [sflag:$0x2], $0x1EA0, $0x38;
	[tilespmem:$0xB198] =	vst v63  }
0x1eb: {  	_ =	swait.ge [sflag:s7], $0x1EA0  }
0x1ec: {  	[sflag:s7] =	ssyncset.done $0x0  }
0x1ed: {  	[sflag:s7] =	ssyncadd.s32 $0xFFFFE160  }
0x1ee: {  	[tilespmem:s4], [sflag:$0x2] =	stream.linear.gather [spmem:s11], $0x10, $0x38;
	[tilespmem:$0xB198] =	vst v63  }
0x1ef: {  	_ =	swait.ge [sflag:s7], $0x10  }
0x1f0: {  	s15 =	sld [smem:$0x7FD]  }
0x1f1: {  	[sflag:s7] =	ssyncset.done $0x0  }
0x1f2: {  	[sflag:s7] =	ssyncadd.s32 $0xFFFFFFF0  }
0x1f3: {  	[hbm4b:s15+s1] =	stream.linear.scatter [tilespmem:s4], [sflag:$0x2], $0x10, $0x38;
	[tilespmem:$0xB198] =	vst v63  }
0x1f4: {  	_ =	swait.ge [sflag:s7], $0x10  }
0x1f5: {  	s15 =	sld [smem:$0x7F9];
	_ =	sdelay $0x1  }
0x1f6: {  	s13 =	sadd.s32 $0x1, s13  }
0x1f7: {  	p0 =	sne.s32 s13, s15  }
.Ltmp2:
0x1f8: {  	_ = 	snop;
	(pc) =	sbr.rel @p0 .LBB2_1-.Ltmp2, $3  }
0x1f9: {  	_ =	sdelay $0x1  }
0x1fa: {  	[sflag:s7] =	ssyncset.done $0x0  }
0x1fb: {  	[sflag:s7] =	ssyncadd.s32 $0xFFFFFFF0  }
0x1fc: {  	_ =	sfence.sel $0x180000  }
0x1fd: {  	[bflag:$0x0] =	sbarrier.arrive $0xFFFF  }
0x1fe: {  	_ =	strace $0x90000047  }
0x1ff: {  	s0 =	stileid.u32;
	[bflag:$0x2] =	sbarrier.arrive $0xFFFF  }
0x200: {  	p0 =	sne.s32 s0, $0x0;
	s0 =	rddreg [dreg:$0x4]  }
0x201: {  	s0 =	sadd.s32 @!p0 $0x100000, s0  }
0x202: {  	[sflag:s0] =	ssyncadd.tile.s32 @!p0 $0x1;
	_ =	shalt  }
.Lfunc_end2:
_tile_overlayer_lowered:
.L_overlay_start_2:
0x203: {  	(tag) =	ssettag $0x2  }
0x204: {  	s0 =	rddreg [dreg:$0x0];
	s2 =	stileid.u32  }
0x205: {  	s1 =	rddreg [dreg:$0x1];
	p0 =	sne.s32 s2, $0x0  }
0x206: {  	s3 =	rddreg [dreg:$0x2];
	[bflag:$0x3] =	sbarrier.arrive $0xFFFF;
	s2 =	simm.s32 @!p0 $0x1C02  }
0x207: {  	[timem:s3], [sflag:s2] =	dma.local @!p0 [hbm:s0], s1  }
0x208: {  	s0 =	simm.s32 @!p0 $0x2  }
0x209: {  	_ =	swait.ge @!p0 [sflag:s0], s1  }
0x20a: {  	s1 =	ssub.s32 @!p0 $0x0, s1;
	[sflag:s0] =	ssyncset.done @!p0 $0x0  }
0x20b: {  	[sflag:s0] =	ssyncadd.s32 @!p0 s1  }
0x20c: {  	[bflag:$0x3] =	sbarrier.arrive $0xFFFF  }
0x20d: {  	_ =	shalt  }

</sc_bundles>
